<compile_context>
chip_gen: v7x
topology: tpu7x:2x2x1
jax: 0.10.2.dev20260603
libtpu: 0.0.44.dev20260713+nightly
codegen_flags: <defaults>
</compile_context>

<pallas_src>
import functools

import jax
import jax.numpy as jnp
from jax import lax
from jax.experimental import pallas as pl
from jax.experimental.pallas import tpu as pltpu
from jax.experimental.pallas import tpu_sc as plsc

_N = 10000
_E = 320000
_B = 4
_K = 2910
_S = 16384
_WN = 100
_R = 1000


def _make_seg(F, feat_split, gather=True):
  mesh = plsc.VectorSubcoreMesh(core_axis_name="c", subcore_axis_name="s")
  nworker = 16 if feat_split else 32
  nw = _E // (nworker * _WN)
  oneD = F == 1
  out_t = (2, _N) if oneD else (2, _N, F)
  buf_t = (_WN,) if oneD else (_WN, F)

  @functools.partial(
      pl.kernel,
      out_type=jax.ShapeDtypeStruct(out_t, jnp.float32),
      mesh=mesh,
      compiler_params=pltpu.CompilerParams(use_tc_tiling_on_sc=False),
      scratch_types=[
          pltpu.VMEM_SHARED((_N,) if oneD else (_N, F), jnp.float32),
          pltpu.VMEM((nw, _WN), jnp.int32),
          pltpu.VMEM((nw, _WN), jnp.int32),
          pltpu.VMEM(buf_t, jnp.float32),
          pltpu.VMEM(buf_t, jnp.float32),
          pltpu.VMEM(buf_t, jnp.float32),
          pltpu.VMEM(buf_t, jnp.float32),
          pltpu.SemaphoreType.DMA,
          pltpu.SemaphoreType.DMA,
          pltpu.SemaphoreType.DMA,
          pltpu.SemaphoreType.DMA,
          pltpu.SemaphoreType.DMA,
          pltpu.SemaphoreType.DMA,
          pltpu.SemaphoreType.DMA,
          pltpu.SemaphoreType.DMA,
      ],
  )
  def seg(u_hbm, row_hbm, col_hbm, zero_hbm, out_hbm,
          acc, rows, cols, b0, b1, b2, b3,
          g0, g1, g2, g3, s0, s1, s2, s3):
    c = lax.axis_index("c")
    s = lax.axis_index("s")
    tab = u_hbm.at[c] if feat_split else u_hbm
    if feat_split:
      pltpu.sync_copy(row_hbm.at[s], rows)
      pltpu.sync_copy(col_hbm.at[s], cols)
    else:
      pltpu.sync_copy(row_hbm.at[s, pl.ds(c * nw, nw)], rows)
      pltpu.sync_copy(col_hbm.at[s, pl.ds(c * nw, nw)], cols)

    @pl.when(s < 15)
    def _():
      pltpu.sync_copy(zero_hbm.at[pl.ds(s * 632, 632)],
                      acc.at[pl.ds(s * 632, 632)])

    @pl.when(s == 15)
    def _():
      pltpu.sync_copy(zero_hbm.at[pl.ds(9480, 520)],
                      acc.at[pl.ds(9480, 520)])

    bufs = (b0, b1, b2, b3)
    gsems = (g0, g1, g2, g3)
    ssems = (s0, s1, s2, s3)
    if gather:
      pltpu.async_copy(tab.at[rows.at[0]], b0, g0)
      pltpu.async_copy(tab.at[rows.at[1]], b1, g1)
    else:
      for _b in bufs:
        pltpu.sync_copy(tab.at[pl.ds(0, _WN)], _b)
    plsc.subcore_barrier()

    def body(j, carry):
      for b in range(4):
        w = j * 4 + b
        if gather:
          pltpu.make_async_copy(tab.at[rows.at[w]], bufs[b], gsems[b]).wait()
        pltpu.async_copy(bufs[b], acc.at[cols.at[w]], ssems[b], add=True)
        nb = (b + 2) % 4

        @pl.when(w >= 2)
        def _():
          pltpu.make_async_copy(tab.at[pl.ds(0, _WN)], bufs[nb],
                                ssems[nb]).wait()

        if gather:
          @pl.when(w + 2 < nw)
          def _():
            pltpu.async_copy(tab.at[rows.at[w + 2]], bufs[nb], gsems[nb])
      return carry

    lax.fori_loop(0, nw // 4, body, 0)
    pltpu.make_async_copy(tab.at[pl.ds(0, _WN)], b0, ssems[(nw - 2) % 4]).wait()
    pltpu.make_async_copy(tab.at[pl.ds(0, _WN)], b1, ssems[(nw - 1) % 4]).wait()
    plsc.subcore_barrier()

    @pl.when(s < 15)
    def _():
      pltpu.sync_copy(acc.at[pl.ds(s * 632, 632)],
                      out_hbm.at[c].at[pl.ds(s * 632, 632)])

    @pl.when(s == 15)
    def _():
      pltpu.sync_copy(acc.at[pl.ds(9480, 520)],
                      out_hbm.at[c].at[pl.ds(9480, 520)])

  return seg


_HALF = pl.BlockSpec((1, _R, 64), lambda i: (0, i, 0))
_HALF2 = pl.BlockSpec((1, _R, 64), lambda i: (1, i, 0))


def _split_store(o_ref, u):
  o_ref[0, :, :] = u[:, :64]
  o_ref[1, :, :] = u[:, 64:]


def _dense1(x, w1t, b1, dega, degb):
  def body(x_ref, w_ref, b_ref, da_ref, db_ref, u_ref, dis_ref):
    deg = da_ref[...] + db_ref[...] + 1.0
    dis = lax.rsqrt(deg)
    t = jnp.tanh(jnp.dot(x_ref[...], w_ref[...],
                         preferred_element_type=jnp.float32) + b_ref[...])
    _split_store(u_ref, dis * t)
    dis_ref[...] = jnp.broadcast_to(dis, (_R, 8))

  return pl.pallas_call(
      body,
      grid=(_N // _R,),
      in_specs=[
          pl.BlockSpec((_R, 128), lambda i: (i, 0)),
          pl.BlockSpec((128, 128), lambda i: (0, 0)),
          pl.BlockSpec((1, 128), lambda i: (0, 0)),
          pl.BlockSpec((_R, 1), lambda i: (i, 0)),
          pl.BlockSpec((_R, 1), lambda i: (i, 0)),
      ],
      out_specs=[
          pl.BlockSpec((2, _R, 64), lambda i: (0, i, 0)),
          pl.BlockSpec((_R, 8), lambda i: (i, 0)),
      ],
      out_shape=[
          jax.ShapeDtypeStruct((2, _N, 64), jnp.float32),
          jax.ShapeDtypeStruct((_N, 8), jnp.float32),
      ],
  )(x, w1t, b1, dega, degb)


def _dense_next(ss, uu, dis8, wt, b, fout):
  def body(sl_ref, sr_ref, ul_ref, ur_ref, d_ref, w_ref, b_ref, u_ref):
    dis = d_ref[:, :1]
    zl = dis * (sl_ref[0] + ul_ref[0])
    zr = dis * (sr_ref[0] + ur_ref[0])
    t = jnp.tanh(jnp.dot(zl, w_ref[:64, :], preferred_element_type=jnp.float32)
                 + jnp.dot(zr, w_ref[64:, :], preferred_element_type=jnp.float32)
                 + b_ref[...])
    u = dis * t
    if fout == 128:
      _split_store(u_ref, u)
    else:
      u_ref[...] = u

  if fout == 128:
    out_spec = pl.BlockSpec((2, _R, 64), lambda i: (0, i, 0))
    out_shape = jax.ShapeDtypeStruct((2, _N, 64), jnp.float32)
  else:
    out_spec = pl.BlockSpec((_R, fout), lambda i: (i, 0))
    out_shape = jax.ShapeDtypeStruct((_N, fout), jnp.float32)
  return pl.pallas_call(
      body,
      grid=(_N // _R,),
      in_specs=[
          _HALF, _HALF2, _HALF, _HALF2,
          pl.BlockSpec((_R, 8), lambda i: (i, 0)),
          pl.BlockSpec((128, fout), lambda i: (0, 0)),
          pl.BlockSpec((1, fout), lambda i: (0, 0)),
      ],
      out_specs=out_spec,
      out_shape=out_shape,
  )(ss, ss, uu, uu, dis8, wt, b)


def _combine3(p0, p1, u3, dis8):
  def body(p0_ref, p1_ref, u_ref, d_ref, v_ref):
    v_ref[...] = d_ref[...] * (p0_ref[...] + p1_ref[...] + u_ref[...])

  spec = pl.BlockSpec((_R, 1), lambda i: (i, 0))
  return pl.pallas_call(
      body,
      grid=(_N // _R,),
      in_specs=[spec, spec, spec, spec],
      out_specs=spec,
      out_shape=jax.ShapeDtypeStruct((_N, 1), jnp.float32),
  )(p0, p1, u3, dis8)


def _sortpool(vpad, bpad):
  def body(v_ref, b_ref, o_ref):
    neg = jnp.float32(-jnp.inf)
    bt = b_ref[...]
    m = jnp.where(
        bt[None, :, :] == lax.broadcasted_iota(jnp.int32, (_B, 128, 128), 0),
        v_ref[...][None, :, :], neg)
    m = m.reshape(_B * 128, 128)
    r_i = lax.broadcasted_iota(jnp.int32, (_B * 128, 128), 0) & 127
    c_i = lax.broadcasted_iota(jnp.int32, (_B * 128, 128), 1)
    idx = r_i * 128 + c_i
    k = 2
    while k <= _S:
      j = k // 2
      while j >= 1:
        if j >= 128:
          jr = j // 128
          up = pltpu.roll(m, (_B * 128) - jr, axis=0)
          dn = pltpu.roll(m, jr, axis=0)
          part = jnp.where((r_i & jr) == 0, up, dn)
        else:
          up = pltpu.roll(m, 128 - j, axis=1)
          dn = pltpu.roll(m, j, axis=1)
          part = jnp.where((c_i & j) == 0, up, dn)
        is_lo = (idx & j) == 0
        descblk = (idx & k) == 0
        m = jnp.where(descblk == is_lo,
                      jnp.maximum(m, part), jnp.minimum(m, part))
        j //= 2
      k *= 2
    m3 = m.reshape(_B, 128, 128)
    top = m3[:, :23, :]
    o_ref[...] = jnp.where(top > neg, top, 0.0)

  return pl.pallas_call(
      body,
      out_shape=jax.ShapeDtypeStruct((_B, 23, 128), jnp.float32),
  )(vpad, bpad)


def _head(pw, c1wt, c1b, c2r, c2b, f1r, f1b, f2wt, f2b):
  def body(pw_ref, c1_ref, c1b_ref, c2_ref, c2b_ref, f1_ref, f1b_ref,
           f2_ref, f2b_ref, o_ref):
    y1 = jnp.maximum(
        jnp.dot(pw_ref[...], c1_ref[...],
                preferred_element_type=jnp.float32) + c1b_ref[...], 0.0)
    mp = jnp.max(y1.reshape(60, 2, 16), axis=1)
    mm = mp.reshape(_B, 15, 16)
    acc = jnp.zeros((_B * 11, 32), jnp.float32)
    for kk in range(5):
      wnd = mm[:, kk:kk + 11, :].reshape(_B * 11, 16)
      acc = acc + jnp.dot(wnd, c2_ref[kk],
                          preferred_element_type=jnp.float32)
    y3 = jnp.maximum(acc + c2b_ref[...], 0.0).reshape(_B, 11, 32)
    acc2 = jnp.zeros((_B, 128), jnp.float32)
    for ss in range(11):
      acc2 = acc2 + jnp.dot(y3[:, ss, :], f1_ref[ss],
                            preferred_element_type=jnp.float32)
    f = jnp.maximum(acc2 + f1b_ref[...], 0.0)
    o_ref[...] = jnp.dot(f, f2_ref[...],
                         preferred_element_type=jnp.float32) + f2b_ref[...]

  return pl.pallas_call(
      body,
      out_shape=jax.ShapeDtypeStruct((_B, 10), jnp.float32),
  )(pw, c1wt, c1b, c2r, c2b, f1r, f1b, f2wt, f2b)


def kernel(x, edge_index, batch, W1, b1, W2, b2, W3, b3,
           c1w, c1b, c2w, c2b, f1w, f1b, f2w, f2b):
  f32 = jnp.float32
  row16 = edge_index[0].reshape(16, _E // (16 * _WN), _WN)
  col16 = edge_index[1].reshape(16, _E // (16 * _WN), _WN)
  zeros64 = jnp.zeros((_N, 64), f32)
  zeros1 = jnp.zeros((_N,), f32)
  ones1 = jnp.ones((_N,), f32)

  segf = _make_seg(64, True)
  seg1 = _make_seg(1, False)

  deg_seg = _make_seg(1, False, gather=False)
  degp = deg_seg(ones1, row16, col16, zeros1)

  u1, dis8 = _dense1(x, W1.T, b1.reshape(1, 128),
                     degp[0].reshape(_N, 1), degp[1].reshape(_N, 1))
  s1 = segf(u1, row16, col16, zeros64)
  u2 = _dense_next(s1, u1, dis8, W2.T, b2.reshape(1, 128), 128)
  s2 = segf(u2, row16, col16, zeros64)
  w3t = jnp.zeros((128, 8), f32).at[:, :1].set(W3.T)
  b3p = jnp.zeros((1, 8), f32).at[0, :1].set(b3)
  u3 = _dense_next(s2, u2, dis8, w3t, b3p, 8)
  p3 = seg1(u3[:, 0], row16, col16, zeros1)
  v = _combine3(p3[0].reshape(_N, 1), p3[1].reshape(_N, 1),
                u3[:, :1], dis8[:, :1])

  vpad = jnp.concatenate(
      [v[:, 0], jnp.full((_S - _N,), -jnp.inf, f32)]).reshape(128, 128)
  bpad = jnp.concatenate(
      [batch, jnp.full((_S - _N,), -1, jnp.int32)]).reshape(128, 128)
  top = _sortpool(vpad, bpad)
  p = top.reshape(_B, 23 * 128)[:, :_K]

  pw = p.reshape(_B * 30, 97)
  c1wt = c1w[:, 0, :].T
  c2r = jnp.transpose(c2w, (2, 1, 0))
  f1r = jnp.transpose(f1w.reshape(128, 32, 11), (2, 1, 0))
  return _head(pw, c1wt, c1b.reshape(1, 16), c2r, c2b.reshape(1, 32),
               f1r, f1b.reshape(1, 128), f2w.T, f2b.reshape(1, 10))

# --- scband reference (transcript-rebuilt; emitter-appended) ---
"""Pipeline reference for scband-dgcnnmodel-25056839205565 (READ-ONLY COPY).

The authoritative reference and input builder live on the scoring server;
editing this copy changes nothing except your own understanding.
"""

import jax, jax.numpy as jnp
import numpy as np

N = 10000
E = 320000
D_IN = 128
HID = 128
OUT = 10
B = 4
K = 2910


def setup_inputs(seed: int = 0) -> dict:
    key = jax.random.key(seed)
    ks = jax.random.split(key, 20)
    x = jax.random.normal(ks[0], (N, D_IN), dtype=jnp.float32)
    edge_index = jax.random.randint(ks[1], (2, E), 0, N, dtype=jnp.int32)
    batch = jnp.sort(jax.random.randint(ks[2], (N,), 0, B, dtype=jnp.int32))
    def lin(k, fo, fi):
        return jax.random.normal(k, (fo, fi), jnp.float32) * (1.0 / np.sqrt(fi))
    W1 = lin(ks[3], HID, D_IN); b1 = jnp.zeros((HID,), jnp.float32)
    W2 = lin(ks[4], HID, HID); b2 = jnp.zeros((HID,), jnp.float32)
    W3 = lin(ks[5], 1, HID); b3 = jnp.zeros((1,), jnp.float32)
    c1w = jax.random.normal(ks[6], (16, 1, 97), jnp.float32) * (1.0 / np.sqrt(97))
    c1b = jnp.zeros((16,), jnp.float32)
    c2w = jax.random.normal(ks[7], (32, 16, 5), jnp.float32) * (1.0 / np.sqrt(16 * 5))
    c2b = jnp.zeros((32,), jnp.float32)
    f1w = lin(ks[8], 128, 352); f1b = jnp.zeros((128,), jnp.float32)
    f2w = lin(ks[9], OUT, 128); f2b = jnp.zeros((OUT,), jnp.float32)
    return {"x": x, "edge_index": edge_index, "batch": batch,
            "W1": W1, "b1": b1, "W2": W2, "b2": b2, "W3": W3, "b3": b3,
            "c1w": c1w, "c1b": c1b, "c2w": c2w, "c2b": c2b,
            "f1w": f1w, "f1b": f1b, "f2w": f2w, "f2b": f2b}


def _dgcnn_conv(x, edge_index, W, b):
    n = x.shape[0]
    loops = jnp.arange(n, dtype=edge_index.dtype)
    row = jnp.concatenate([edge_index[0], loops])
    col = jnp.concatenate([edge_index[1], loops])
    h = jnp.tanh(x @ W.T + b)
    deg = jnp.zeros((n,), h.dtype).at[col].add(1.0)
    dis = deg ** -0.5
    norm = dis[row] * dis[col]
    msg = norm[:, None] * h[row]
    return jax.ops.segment_sum(msg, col, num_segments=n)


def _sort_pool(x, batch):
    vals = x[:, 0]
    mask = batch[None, :] == jnp.arange(B, dtype=batch.dtype)[:, None]
    m = jnp.where(mask, vals[None, :], -jnp.inf)
    topk, _ = jax.lax.top_k(m, K)
    return jnp.where(jnp.isfinite(topk), topk, 0.0)


def _conv1d(x, w, b, stride):
    y = jax.lax.conv_general_dilated(x, w, (stride,), 'VALID',
                                     dimension_numbers=('NCH', 'OIH', 'NCH'))
    return y + b[None, :, None]


def reference(x, edge_index, batch, W1, b1, W2, b2, W3, b3,
              c1w, c1b, c2w, c2b, f1w, f1b, f2w, f2b):
    h = _dgcnn_conv(x, edge_index, W1, b1)
    h = _dgcnn_conv(h, edge_index, W2, b2)
    h = _dgcnn_conv(h, edge_index, W3, b3)  # [N, 1]
    p = _sort_pool(h, batch)                # [B, K]
    p = p[:, None, :]                       # [B, 1, K]
    c = jax.nn.relu(_conv1d(p, c1w, c1b, 97))    # [B, 16, 30]
    c = c.reshape(B, 16, 15, 2).max(axis=-1)     # maxpool(2,2) -> [B, 16, 15]
    c = jax.nn.relu(_conv1d(c, c2w, c2b, 1))     # [B, 32, 11]
    f = c.reshape(B, -1)                         # [B, 352]
    f = jax.nn.relu(f @ f1w.T + f1b)
    # dropout is identity at inference
    return f @ f2w.T + f2b                       # [B, OUT]

if __name__ == "__main__":
    import jax
    _d = setup_inputs()
    print(jax.jit(kernel)(*tuple(_d.values())))

</pallas_src>

<mosaic_0001>
#map = affine_map<(d0, d1) -> (0, 0, 0)>
#map1 = affine_map<(d0, d1) -> (0, 0)>
module attributes {stable_mosaic.version = 14 : i64} {
  func.func @seg(%arg0: i32, %arg1: i32, %arg2: memref<2x10000x64xf32, #tpu.memory_space<hbm>>, %arg3: memref<16x200x100xi32, #tpu.memory_space<hbm>>, %arg4: memref<16x200x100xi32, #tpu.memory_space<hbm>>, %arg5: memref<10000x64xf32, #tpu.memory_space<hbm>>, %arg6: memref<2x10000x64xf32, #tpu.memory_space<hbm>>, %arg7: memref<10000x64xf32, #tpu.memory_space<vmem_shared>>, %arg8: memref<200x100xi32, #tpu.memory_space<vmem>>, %arg9: memref<200x100xi32, #tpu.memory_space<vmem>>, %arg10: memref<100x64xf32, #tpu.memory_space<vmem>>, %arg11: memref<100x64xf32, #tpu.memory_space<vmem>>, %arg12: memref<100x64xf32, #tpu.memory_space<vmem>>, %arg13: memref<100x64xf32, #tpu.memory_space<vmem>>, %arg14: memref<!tpu.dma_semaphore, #tpu.memory_space<semaphore_mem>>, %arg15: memref<!tpu.dma_semaphore, #tpu.memory_space<semaphore_mem>>, %arg16: memref<!tpu.dma_semaphore, #tpu.memory_space<semaphore_mem>>, %arg17: memref<!tpu.dma_semaphore, #tpu.memory_space<semaphore_mem>>, %arg18: memref<!tpu.dma_semaphore, #tpu.memory_space<semaphore_mem>>, %arg19: memref<!tpu.dma_semaphore, #tpu.memory_space<semaphore_mem>>, %arg20: memref<!tpu.dma_semaphore, #tpu.memory_space<semaphore_mem>>, %arg21: memref<!tpu.dma_semaphore, #tpu.memory_space<semaphore_mem>>) attributes {dimension_semantics = [#tpu.dimension_semantics<core_parallel>, #tpu.dimension_semantics<subcore_parallel>], iteration_bounds = array<i64: 2, 16>, scalar_prefetch = 0 : i64, scratch_operands = 15 : i64, tpu.core_type = #tpu.core_type<sc_vector_subcore>, window_params = [{transform_indices = #map}, {transform_indices = #map}, {transform_indices = #map}, {transform_indices = #map1}, {transform_indices = #map}]} {
    "tpu.region"() ({
      %run_scoped3A = tpu.sem_alloc : memref<!tpu.dma_semaphore, #tpu.memory_space<semaphore_mem>>
      %dma_start3A_70 = arith.constant 0 : i32
      %dma_start3A_71 = arith.constant 0 : i32
      %dma_start3A_72 = tpu.memref_slice %arg3[%arg1, %dma_start3A_70, %dma_start3A_71] : memref<16x200x100xi32, #tpu.memory_space<hbm>> -> memref<1x200x100xi32, #tpu.memory_space<hbm>>
      %dma_start3A_73 = tpu.memref_squeeze %dma_start3A_72 : memref<1x200x100xi32, #tpu.memory_space<hbm>> -> memref<200x100xi32, #tpu.memory_space<hbm>>
      %dma_start3A_74 = arith.constant 0 : i32
      %dma_start3A_75 = arith.constant 0 : i32
      %dma_start3A_76 = tpu.memref_slice %arg3[%arg1, %dma_start3A_74, %dma_start3A_75] : memref<16x200x100xi32, #tpu.memory_space<hbm>> -> memref<1x200x100xi32, #tpu.memory_space<hbm>>
      %dma_start3A_77 = tpu.memref_squeeze %dma_start3A_76 : memref<1x200x100xi32, #tpu.memory_space<hbm>> -> memref<200x100xi32, #tpu.memory_space<hbm>>
      tpu.enqueue_dma source(%dma_start3A_77 : memref<200x100xi32, #tpu.memory_space<hbm>>) target(%arg8 : memref<200x100xi32, #tpu.memory_space<vmem>>) target_semaphore(%run_scoped3A : memref<!tpu.dma_semaphore, #tpu.memory_space<semaphore_mem>>)
      %dma_wait3A_78 = arith.constant 0 : i32
      %dma_wait3A_79 = arith.constant 0 : i32
      %dma_wait3A_80 = tpu.memref_slice %arg3[%arg1, %dma_wait3A_78, %dma_wait3A_79] : memref<16x200x100xi32, #tpu.memory_space<hbm>> -> memref<1x200x100xi32, #tpu.memory_space<hbm>>
      %dma_wait3A_81 = tpu.memref_squeeze %dma_wait3A_80 : memref<1x200x100xi32, #tpu.memory_space<hbm>> -> memref<200x100xi32, #tpu.memory_space<hbm>>
      %dma_wait3A_82 = arith.constant 0 : i32
      %dma_wait3A_83 = arith.constant 0 : i32
      %dma_wait3A_84 = tpu.memref_slice %arg3[%arg1, %dma_wait3A_82, %dma_wait3A_83] : memref<16x200x100xi32, #tpu.memory_space<hbm>> -> memref<1x200x100xi32, #tpu.memory_space<hbm>>
      %dma_wait3A_85 = tpu.memref_squeeze %dma_wait3A_84 : memref<1x200x100xi32, #tpu.memory_space<hbm>> -> memref<200x100xi32, #tpu.memory_space<hbm>>
      tpu.wait_dma2 semaphore(%run_scoped3A : memref<!tpu.dma_semaphore, #tpu.memory_space<semaphore_mem>>) src(%dma_wait3A_85 : memref<200x100xi32, #tpu.memory_space<hbm>>) dst(%arg8 : memref<200x100xi32, #tpu.memory_space<vmem>>)
      tpu.yield
    }) : () -> ()
    "tpu.region"() ({
      %run_scoped3A = tpu.sem_alloc : memref<!tpu.dma_semaphore, #tpu.memory_space<semaphore_mem>>
      %dma_start3A_70 = arith.constant 0 : i32
      %dma_start3A_71 = arith.constant 0 : i32
      %dma_start3A_72 = tpu.memref_slice %arg4[%arg1, %dma_start3A_70, %dma_start3A_71] : memref<16x200x100xi32, #tpu.memory_space<hbm>> -> memref<1x200x100xi32, #tpu.memory_space<hbm>>
      %dma_start3A_73 = tpu.memref_squeeze %dma_start3A_72 : memref<1x200x100xi32, #tpu.memory_space<hbm>> -> memref<200x100xi32, #tpu.memory_space<hbm>>
      %dma_start3A_74 = arith.constant 0 : i32
      %dma_start3A_75 = arith.constant 0 : i32
      %dma_start3A_76 = tpu.memref_slice %arg4[%arg1, %dma_start3A_74, %dma_start3A_75] : memref<16x200x100xi32, #tpu.memory_space<hbm>> -> memref<1x200x100xi32, #tpu.memory_space<hbm>>
      %dma_start3A_77 = tpu.memref_squeeze %dma_start3A_76 : memref<1x200x100xi32, #tpu.memory_space<hbm>> -> memref<200x100xi32, #tpu.memory_space<hbm>>
      tpu.enqueue_dma source(%dma_start3A_77 : memref<200x100xi32, #tpu.memory_space<hbm>>) target(%arg9 : memref<200x100xi32, #tpu.memory_space<vmem>>) target_semaphore(%run_scoped3A : memref<!tpu.dma_semaphore, #tpu.memory_space<semaphore_mem>>)
      %dma_wait3A_78 = arith.constant 0 : i32
      %dma_wait3A_79 = arith.constant 0 : i32
      %dma_wait3A_80 = tpu.memref_slice %arg4[%arg1, %dma_wait3A_78, %dma_wait3A_79] : memref<16x200x100xi32, #tpu.memory_space<hbm>> -> memref<1x200x100xi32, #tpu.memory_space<hbm>>
      %dma_wait3A_81 = tpu.memref_squeeze %dma_wait3A_80 : memref<1x200x100xi32, #tpu.memory_space<hbm>> -> memref<200x100xi32, #tpu.memory_space<hbm>>
      %dma_wait3A_82 = arith.constant 0 : i32
      %dma_wait3A_83 = arith.constant 0 : i32
      %dma_wait3A_84 = tpu.memref_slice %arg4[%arg1, %dma_wait3A_82, %dma_wait3A_83] : memref<16x200x100xi32, #tpu.memory_space<hbm>> -> memref<1x200x100xi32, #tpu.memory_space<hbm>>
      %dma_wait3A_85 = tpu.memref_squeeze %dma_wait3A_84 : memref<1x200x100xi32, #tpu.memory_space<hbm>> -> memref<200x100xi32, #tpu.memory_space<hbm>>
      tpu.wait_dma2 semaphore(%run_scoped3A : memref<!tpu.dma_semaphore, #tpu.memory_space<semaphore_mem>>) src(%dma_wait3A_85 : memref<200x100xi32, #tpu.memory_space<hbm>>) dst(%arg9 : memref<200x100xi32, #tpu.memory_space<vmem>>)
      tpu.yield
    }) : () -> ()
    %lt3A = arith.constant 15 : i32
    %lt3A_0 = arith.cmpi slt, %arg1, %lt3A : i32
    %convert_element_type3A = arith.extui %lt3A_0 : i1 to i32
    %cond3A = arith.constant 0 : i32
    %cond3A_1 = arith.cmpi ne, %convert_element_type3A, %cond3A : i32
    scf.if %cond3A_1 {
      %mul3A = arith.constant 632 : i32
      %mul3A_70 = arith.muli %arg1, %mul3A : i32
      %mul3A_71 = arith.constant 632 : i32
      %mul3A_72 = arith.muli %arg1, %mul3A_71 : i32
      "tpu.region"() ({
        %run_scoped3A = tpu.sem_alloc : memref<!tpu.dma_semaphore, #tpu.memory_space<semaphore_mem>>
        %dma_start3A_73 = arith.constant 0 : i32
        %dma_start3A_74 = tpu.memref_slice %arg7[%mul3A_72, %dma_start3A_73] : memref<10000x64xf32, #tpu.memory_space<vmem_shared>> -> memref<632x64xf32, #tpu.memory_space<vmem_shared>>
        %dma_start3A_75 = arith.constant 0 : i32
        %dma_start3A_76 = tpu.memref_slice %arg5[%mul3A_70, %dma_start3A_75] : memref<10000x64xf32, #tpu.memory_space<hbm>> -> memref<632x64xf32, #tpu.memory_space<hbm>>
        tpu.enqueue_dma source(%dma_start3A_76 : memref<632x64xf32, #tpu.memory_space<hbm>>) target(%dma_start3A_74 : memref<632x64xf32, #tpu.memory_space<vmem_shared>>) target_semaphore(%run_scoped3A : memref<!tpu.dma_semaphore, #tpu.memory_space<semaphore_mem>>)
        %dma_wait3A_77 = arith.constant 0 : i32
        %dma_wait3A_78 = tpu.memref_slice %arg7[%mul3A_72, %dma_wait3A_77] : memref<10000x64xf32, #tpu.memory_space<vmem_shared>> -> memref<632x64xf32, #tpu.memory_space<vmem_shared>>
        %dma_wait3A_79 = arith.constant 0 : i32
        %dma_wait3A_80 = tpu.memref_slice %arg5[%mul3A_70, %dma_wait3A_79] : memref<10000x64xf32, #tpu.memory_space<hbm>> -> memref<632x64xf32, #tpu.memory_space<hbm>>
        tpu.wait_dma2 semaphore(%run_scoped3A : memref<!tpu.dma_semaphore, #tpu.memory_space<semaphore_mem>>) src(%dma_wait3A_80 : memref<632x64xf32, #tpu.memory_space<hbm>>) dst(%dma_wait3A_78 : memref<632x64xf32, #tpu.memory_space<vmem_shared>>)
        tpu.yield
      }) : () -> ()
    } else {
    }
    %eq3A = arith.constant 15 : i32
    %eq3A_2 = arith.cmpi eq, %arg1, %eq3A : i32
    %convert_element_type3A_3 = arith.extui %eq3A_2 : i1 to i32
    %cond3A_4 = arith.constant 0 : i32
    %cond3A_5 = arith.cmpi ne, %convert_element_type3A_3, %cond3A_4 : i32
    scf.if %cond3A_5 {
      "tpu.region"() ({
        %run_scoped3A = tpu.sem_alloc : memref<!tpu.dma_semaphore, #tpu.memory_space<semaphore_mem>>
        %dma_start3A_70 = arith.constant 9480 : i32
        %dma_start3A_71 = arith.constant 0 : i32
        %dma_start3A_72 = tpu.memref_slice %arg7[%dma_start3A_70, %dma_start3A_71] : memref<10000x64xf32, #tpu.memory_space<vmem_shared>> -> memref<520x64xf32, #tpu.memory_space<vmem_shared>>
        %dma_start3A_73 = arith.constant 9480 : i32
        %dma_start3A_74 = arith.constant 0 : i32
        %dma_start3A_75 = tpu.memref_slice %arg5[%dma_start3A_73, %dma_start3A_74] : memref<10000x64xf32, #tpu.memory_space<hbm>> -> memref<520x64xf32, #tpu.memory_space<hbm>>
        tpu.enqueue_dma source(%dma_start3A_75 : memref<520x64xf32, #tpu.memory_space<hbm>>) target(%dma_start3A_72 : memref<520x64xf32, #tpu.memory_space<vmem_shared>>) target_semaphore(%run_scoped3A : memref<!tpu.dma_semaphore, #tpu.memory_space<semaphore_mem>>)
        %dma_wait3A_76 = arith.constant 9480 : i32
        %dma_wait3A_77 = arith.constant 0 : i32
        %dma_wait3A_78 = tpu.memref_slice %arg7[%dma_wait3A_76, %dma_wait3A_77] : memref<10000x64xf32, #tpu.memory_space<vmem_shared>> -> memref<520x64xf32, #tpu.memory_space<vmem_shared>>
        %dma_wait3A_79 = arith.constant 9480 : i32
        %dma_wait3A_80 = arith.constant 0 : i32
        %dma_wait3A_81 = tpu.memref_slice %arg5[%dma_wait3A_79, %dma_wait3A_80] : memref<10000x64xf32, #tpu.memory_space<hbm>> -> memref<520x64xf32, #tpu.memory_space<hbm>>
        tpu.wait_dma2 semaphore(%run_scoped3A : memref<!tpu.dma_semaphore, #tpu.memory_space<semaphore_mem>>) src(%dma_wait3A_81 : memref<520x64xf32, #tpu.memory_space<hbm>>) dst(%dma_wait3A_78 : memref<520x64xf32, #tpu.memory_space<vmem_shared>>)
        tpu.yield
      }) : () -> ()
    } else {
    }
    %dma_start3A = arith.constant 0 : i32
    %dma_start3A_6 = arith.constant 0 : i32
    %dma_start3A_7 = tpu.memref_slice %arg8[%dma_start3A, %dma_start3A_6] : memref<200x100xi32, #tpu.memory_space<vmem>> -> memref<1x100xi32, #tpu.memory_space<vmem>>
    %dma_start3A_8 = tpu.memref_squeeze %dma_start3A_7 : memref<1x100xi32, #tpu.memory_space<vmem>> -> memref<100xi32, #tpu.memory_space<vmem>>
    %dma_start3A_9 = arith.constant 0 : i32
    %dma_start3A_10 = arith.constant 0 : i32
    %dma_start3A_11 = tpu.memref_slice %arg2[%arg0, %dma_start3A_9, %dma_start3A_10] : memref<2x10000x64xf32, #tpu.memory_space<hbm>> -> memref<1x10000x64xf32, #tpu.memory_space<hbm>>
    %dma_start3A_12 = tpu.memref_squeeze %dma_start3A_11 : memref<1x10000x64xf32, #tpu.memory_space<hbm>> -> memref<10000x64xf32, #tpu.memory_space<hbm>>
    %dma_start3A_13 = arith.constant 0 : i32
    %dma_start3A_14 = arith.constant 0 : i32
    %dma_start3A_15 = tpu.memref_slice %dma_start3A_12[%dma_start3A_13, %dma_start3A_14] : memref<10000x64xf32, #tpu.memory_space<hbm>> -> memref<10000x64xf32, #tpu.memory_space<hbm>>
    tpu.enqueue_indirect_dma source(%dma_start3A_15 : memref<10000x64xf32, #tpu.memory_space<hbm>>) target(%arg10 : memref<100x64xf32, #tpu.memory_space<vmem>>) offsets(%dma_start3A_8 : memref<100xi32, #tpu.memory_space<vmem>>) semaphore(%arg14 : memref<!tpu.dma_semaphore, #tpu.memory_space<semaphore_mem>>)
    %dma_start3A_16 = arith.constant 1 : i32
    %dma_start3A_17 = arith.constant 0 : i32
    %dma_start3A_18 = tpu.memref_slice %arg8[%dma_start3A_16, %dma_start3A_17] : memref<200x100xi32, #tpu.memory_space<vmem>> -> memref<1x100xi32, #tpu.memory_space<vmem>>
    %dma_start3A_19 = tpu.memref_squeeze %dma_start3A_18 : memref<1x100xi32, #tpu.memory_space<vmem>> -> memref<100xi32, #tpu.memory_space<vmem>>
    %dma_start3A_20 = arith.constant 0 : i32
    %dma_start3A_21 = arith.constant 0 : i32
    %dma_start3A_22 = tpu.memref_slice %arg2[%arg0, %dma_start3A_20, %dma_start3A_21] : memref<2x10000x64xf32, #tpu.memory_space<hbm>> -> memref<1x10000x64xf32, #tpu.memory_space<hbm>>
    %dma_start3A_23 = tpu.memref_squeeze %dma_start3A_22 : memref<1x10000x64xf32, #tpu.memory_space<hbm>> -> memref<10000x64xf32, #tpu.memory_space<hbm>>
    %dma_start3A_24 = arith.constant 0 : i32
    %dma_start3A_25 = arith.constant 0 : i32
    %dma_start3A_26 = tpu.memref_slice %dma_start3A_23[%dma_start3A_24, %dma_start3A_25] : memref<10000x64xf32, #tpu.memory_space<hbm>> -> memref<10000x64xf32, #tpu.memory_space<hbm>>
    tpu.enqueue_indirect_dma source(%dma_start3A_26 : memref<10000x64xf32, #tpu.memory_space<hbm>>) target(%arg11 : memref<100x64xf32, #tpu.memory_space<vmem>>) offsets(%dma_start3A_19 : memref<100xi32, #tpu.memory_space<vmem>>) semaphore(%arg15 : memref<!tpu.dma_semaphore, #tpu.memory_space<semaphore_mem>>)
    %barrier3A = arith.constant 0 : index
    tpu.barrier barrier_id(%barrier3A)
    %scan3A = arith.constant 0 : i32
    %scan3A_27 = arith.constant 0 : i32
    %scan3A_28 = arith.constant 50 : i32
    %scan3A_29 = arith.addi %scan3A_27, %scan3A_28 : i32
    %scan3A_30 = arith.constant 1 : i32
    scf.for %scan3A_70 = %scan3A_27 to %scan3A_29 step %scan3A_30  : i32 {
      %mul3A = arith.constant 4 : i32
      %mul3A_71 = arith.muli %scan3A_70, %mul3A : i32
      %add3A = arith.constant 0 : i32
      %add3A_72 = arith.addi %mul3A_71, %add3A : i32
      %dma_wait3A_73 = arith.constant 0 : i32
      %dma_wait3A_74 = tpu.memref_slice %arg8[%add3A_72, %dma_wait3A_73] : memref<200x100xi32, #tpu.memory_space<vmem>> -> memref<1x100xi32, #tpu.memory_space<vmem>>
      %dma_wait3A_75 = tpu.memref_squeeze %dma_wait3A_74 : memref<1x100xi32, #tpu.memory_space<vmem>> -> memref<100xi32, #tpu.memory_space<vmem>>
      %dma_wait3A_76 = arith.constant 0 : i32
      %dma_wait3A_77 = arith.constant 0 : i32
      %dma_wait3A_78 = tpu.memref_slice %arg2[%arg0, %dma_wait3A_76, %dma_wait3A_77] : memref<2x10000x64xf32, #tpu.memory_space<hbm>> -> memref<1x10000x64xf32, #tpu.memory_space<hbm>>
      %dma_wait3A_79 = tpu.memref_squeeze %dma_wait3A_78 : memref<1x10000x64xf32, #tpu.memory_space<hbm>> -> memref<10000x64xf32, #tpu.memory_space<hbm>>
      %dma_wait3A_80 = arith.constant 0 : i32
      %dma_wait3A_81 = arith.constant 0 : i32
      %dma_wait3A_82 = tpu.memref_slice %dma_wait3A_79[%dma_wait3A_80, %dma_wait3A_81] : memref<10000x64xf32, #tpu.memory_space<hbm>> -> memref<10000x64xf32, #tpu.memory_space<hbm>>
      tpu.wait_indirect_dma semaphore(%arg14 : memref<!tpu.dma_semaphore, #tpu.memory_space<semaphore_mem>>) src(%dma_wait3A_82 : memref<10000x64xf32, #tpu.memory_space<hbm>>) dst(%arg10 : memref<100x64xf32, #tpu.memory_space<vmem>>)
      %dma_start3A_83 = arith.constant 0 : i32
      %dma_start3A_84 = tpu.memref_slice %arg9[%add3A_72, %dma_start3A_83] : memref<200x100xi32, #tpu.memory_space<vmem>> -> memref<1x100xi32, #tpu.memory_space<vmem>>
      %dma_start3A_85 = tpu.memref_squeeze %dma_start3A_84 : memref<1x100xi32, #tpu.memory_space<vmem>> -> memref<100xi32, #tpu.memory_space<vmem>>
      %dma_start3A_86 = arith.constant 0 : i32
      %dma_start3A_87 = arith.constant 0 : i32
      %dma_start3A_88 = tpu.memref_slice %arg7[%dma_start3A_86, %dma_start3A_87] : memref<10000x64xf32, #tpu.memory_space<vmem_shared>> -> memref<10000x64xf32, #tpu.memory_space<vmem_shared>>
      tpu.enqueue_indirect_dma source(%arg10 : memref<100x64xf32, #tpu.memory_space<vmem>>) target(%dma_start3A_88 : memref<10000x64xf32, #tpu.memory_space<vmem_shared>>) offsets(%dma_start3A_85 : memref<100xi32, #tpu.memory_space<vmem>>) semaphore(%arg18 : memref<!tpu.dma_semaphore, #tpu.memory_space<semaphore_mem>>) {add = true}
      %ge3A = arith.constant 2 : i32
      %ge3A_89 = arith.cmpi sge, %add3A_72, %ge3A : i32
      %convert_element_type3A_90 = arith.extui %ge3A_89 : i1 to i32
      %cond3A_91 = arith.constant 0 : i32
      %cond3A_92 = arith.cmpi ne, %convert_element_type3A_90, %cond3A_91 : i32
      scf.if %cond3A_92 {
        %dma_wait3A_196 = arith.constant 0 : i32
        %dma_wait3A_197 = arith.constant 0 : i32
        %dma_wait3A_198 = tpu.memref_slice %arg2[%arg0, %dma_wait3A_196, %dma_wait3A_197] : memref<2x10000x64xf32, #tpu.memory_space<hbm>> -> memref<1x10000x64xf32, #tpu.memory_space<hbm>>
        %dma_wait3A_199 = tpu.memref_squeeze %dma_wait3A_198 : memref<1x10000x64xf32, #tpu.memory_space<hbm>> -> memref<10000x64xf32, #tpu.memory_space<hbm>>
        %dma_wait3A_200 = arith.constant 0 : i32
        %dma_wait3A_201 = arith.constant 0 : i32
        %dma_wait3A_202 = tpu.memref_slice %dma_wait3A_199[%dma_wait3A_200, %dma_wait3A_201] : memref<10000x64xf32, #tpu.memory_space<hbm>> -> memref<100x64xf32, #tpu.memory_space<hbm>>
        %dma_wait3A_203 = arith.constant 0 : i32
        %dma_wait3A_204 = arith.constant 0 : i32
        %dma_wait3A_205 = tpu.memref_slice %arg2[%arg0, %dma_wait3A_203, %dma_wait3A_204] : memref<2x10000x64xf32, #tpu.memory_space<hbm>> -> memref<1x10000x64xf32, #tpu.memory_space<hbm>>
        %dma_wait3A_206 = tpu.memref_squeeze %dma_wait3A_205 : memref<1x10000x64xf32, #tpu.memory_space<hbm>> -> memref<10000x64xf32, #tpu.memory_space<hbm>>
        %dma_wait3A_207 = arith.constant 0 : i32
        %dma_wait3A_208 = arith.constant 0 : i32
        %dma_wait3A_209 = tpu.memref_slice %dma_wait3A_206[%dma_wait3A_207, %dma_wait3A_208] : memref<10000x64xf32, #tpu.memory_space<hbm>> -> memref<100x64xf32, #tpu.memory_space<hbm>>
        tpu.wait_dma2 semaphore(%arg20 : memref<!tpu.dma_semaphore, #tpu.memory_space<semaphore_mem>>) src(%dma_wait3A_209 : memref<100x64xf32, #tpu.memory_space<hbm>>) dst(%arg12 : memref<100x64xf32, #tpu.memory_space<vmem>>)
      } else {
      }
      %add3A_93 = arith.constant 2 : i32
      %add3A_94 = arith.addi %add3A_72, %add3A_93 : i32
      %lt3A_95 = arith.constant 200 : i32
      %lt3A_96 = arith.cmpi slt, %add3A_94, %lt3A_95 : i32
      %convert_element_type3A_97 = arith.extui %lt3A_96 : i1 to i32
      %cond3A_98 = arith.constant 0 : i32
      %cond3A_99 = arith.cmpi ne, %convert_element_type3A_97, %cond3A_98 : i32
      scf.if %cond3A_99 {
        %add3A_196 = arith.constant 2 : i32
        %add3A_197 = arith.addi %add3A_72, %add3A_196 : i32
        %dma_start3A_198 = arith.constant 0 : i32
        %dma_start3A_199 = tpu.memref_slice %arg8[%add3A_197, %dma_start3A_198] : memref<200x100xi32, #tpu.memory_space<vmem>> -> memref<1x100xi32, #tpu.memory_space<vmem>>
        %dma_start3A_200 = tpu.memref_squeeze %dma_start3A_199 : memref<1x100xi32, #tpu.memory_space<vmem>> -> memref<100xi32, #tpu.memory_space<vmem>>
        %dma_start3A_201 = arith.constant 0 : i32
        %dma_start3A_202 = arith.constant 0 : i32
        %dma_start3A_203 = tpu.memref_slice %arg2[%arg0, %dma_start3A_201, %dma_start3A_202] : memref<2x10000x64xf32, #tpu.memory_space<hbm>> -> memref<1x10000x64xf32, #tpu.memory_space<hbm>>
        %dma_start3A_204 = tpu.memref_squeeze %dma_start3A_203 : memref<1x10000x64xf32, #tpu.memory_space<hbm>> -> memref<10000x64xf32, #tpu.memory_space<hbm>>
        %dma_start3A_205 = arith.constant 0 : i32
        %dma_start3A_206 = arith.constant 0 : i32
        %dma_start3A_207 = tpu.memref_slice %dma_start3A_204[%dma_start3A_205, %dma_start3A_206] : memref<10000x64xf32, #tpu.memory_space<hbm>> -> memref<10000x64xf32, #tpu.memory_space<hbm>>
        tpu.enqueue_indirect_dma source(%dma_start3A_207 : memref<10000x64xf32, #tpu.memory_space<hbm>>) target(%arg12 : memref<100x64xf32, #tpu.memory_space<vmem>>) offsets(%dma_start3A_200 : memref<100xi32, #tpu.memory_space<vmem>>) semaphore(%arg16 : memref<!tpu.dma_semaphore, #tpu.memory_space<semaphore_mem>>)
      } else {
      }
      %mul3A_100 = arith.constant 4 : i32
      %mul3A_101 = arith.muli %scan3A_70, %mul3A_100 : i32
      %add3A_102 = arith.constant 1 : i32
      %add3A_103 = arith.addi %mul3A_101, %add3A_102 : i32
      %dma_wait3A_104 = arith.constant 0 : i32
      %dma_wait3A_105 = tpu.memref_slice %arg8[%add3A_103, %dma_wait3A_104] : memref<200x100xi32, #tpu.memory_space<vmem>> -> memref<1x100xi32, #tpu.memory_space<vmem>>
      %dma_wait3A_106 = tpu.memref_squeeze %dma_wait3A_105 : memref<1x100xi32, #tpu.memory_space<vmem>> -> memref<100xi32, #tpu.memory_space<vmem>>
      %dma_wait3A_107 = arith.constant 0 : i32
      %dma_wait3A_108 = arith.constant 0 : i32
      %dma_wait3A_109 = tpu.memref_slice %arg2[%arg0, %dma_wait3A_107, %dma_wait3A_108] : memref<2x10000x64xf32, #tpu.memory_space<hbm>> -> memref<1x10000x64xf32, #tpu.memory_space<hbm>>
      %dma_wait3A_110 = tpu.memref_squeeze %dma_wait3A_109 : memref<1x10000x64xf32, #tpu.memory_space<hbm>> -> memref<10000x64xf32, #tpu.memory_space<hbm>>
      %dma_wait3A_111 = arith.constant 0 : i32
      %dma_wait3A_112 = arith.constant 0 : i32
      %dma_wait3A_113 = tpu.memref_slice %dma_wait3A_110[%dma_wait3A_111, %dma_wait3A_112] : memref<10000x64xf32, #tpu.memory_space<hbm>> -> memref<10000x64xf32, #tpu.memory_space<hbm>>
      tpu.wait_indirect_dma semaphore(%arg15 : memref<!tpu.dma_semaphore, #tpu.memory_space<semaphore_mem>>) src(%dma_wait3A_113 : memref<10000x64xf32, #tpu.memory_space<hbm>>) dst(%arg11 : memref<100x64xf32, #tpu.memory_space<vmem>>)
      %dma_start3A_114 = arith.constant 0 : i32
      %dma_start3A_115 = tpu.memref_slice %arg9[%add3A_103, %dma_start3A_114] : memref<200x100xi32, #tpu.memory_space<vmem>> -> memref<1x100xi32, #tpu.memory_space<vmem>>
      %dma_start3A_116 = tpu.memref_squeeze %dma_start3A_115 : memref<1x100xi32, #tpu.memory_space<vmem>> -> memref<100xi32, #tpu.memory_space<vmem>>
      %dma_start3A_117 = arith.constant 0 : i32
      %dma_start3A_118 = arith.constant 0 : i32
      %dma_start3A_119 = tpu.memref_slice %arg7[%dma_start3A_117, %dma_start3A_118] : memref<10000x64xf32, #tpu.memory_space<vmem_shared>> -> memref<10000x64xf32, #tpu.memory_space<vmem_shared>>
      tpu.enqueue_indirect_dma source(%arg11 : memref<100x64xf32, #tpu.memory_space<vmem>>) target(%dma_start3A_119 : memref<10000x64xf32, #tpu.memory_space<vmem_shared>>) offsets(%dma_start3A_116 : memref<100xi32, #tpu.memory_space<vmem>>) semaphore(%arg19 : memref<!tpu.dma_semaphore, #tpu.memory_space<semaphore_mem>>) {add = true}
      %ge3A_120 = arith.constant 2 : i32
      %ge3A_121 = arith.cmpi sge, %add3A_103, %ge3A_120 : i32
      %convert_element_type3A_122 = arith.extui %ge3A_121 : i1 to i32
      %cond3A_123 = arith.constant 0 : i32
      %cond3A_124 = arith.cmpi ne, %convert_element_type3A_122, %cond3A_123 : i32
      scf.if %cond3A_124 {
        %dma_wait3A_196 = arith.constant 0 : i32
        %dma_wait3A_197 = arith.constant 0 : i32
        %dma_wait3A_198 = tpu.memref_slice %arg2[%arg0, %dma_wait3A_196, %dma_wait3A_197] : memref<2x10000x64xf32, #tpu.memory_space<hbm>> -> memref<1x10000x64xf32, #tpu.memory_space<hbm>>
        %dma_wait3A_199 = tpu.memref_squeeze %dma_wait3A_198 : memref<1x10000x64xf32, #tpu.memory_space<hbm>> -> memref<10000x64xf32, #tpu.memory_space<hbm>>
        %dma_wait3A_200 = arith.constant 0 : i32
        %dma_wait3A_201 = arith.constant 0 : i32
        %dma_wait3A_202 = tpu.memref_slice %dma_wait3A_199[%dma_wait3A_200, %dma_wait3A_201] : memref<10000x64xf32, #tpu.memory_space<hbm>> -> memref<100x64xf32, #tpu.memory_space<hbm>>
        %dma_wait3A_203 = arith.constant 0 : i32
        %dma_wait3A_204 = arith.constant 0 : i32
        %dma_wait3A_205 = tpu.memref_slice %arg2[%arg0, %dma_wait3A_203, %dma_wait3A_204] : memref<2x10000x64xf32, #tpu.memory_space<hbm>> -> memref<1x10000x64xf32, #tpu.memory_space<hbm>>
        %dma_wait3A_206 = tpu.memref_squeeze %dma_wait3A_205 : memref<1x10000x64xf32, #tpu.memory_space<hbm>> -> memref<10000x64xf32, #tpu.memory_space<hbm>>
        %dma_wait3A_207 = arith.constant 0 : i32
        %dma_wait3A_208 = arith.constant 0 : i32
        %dma_wait3A_209 = tpu.memref_slice %dma_wait3A_206[%dma_wait3A_207, %dma_wait3A_208] : memref<10000x64xf32, #tpu.memory_space<hbm>> -> memref<100x64xf32, #tpu.memory_space<hbm>>
        tpu.wait_dma2 semaphore(%arg21 : memref<!tpu.dma_semaphore, #tpu.memory_space<semaphore_mem>>) src(%dma_wait3A_209 : memref<100x64xf32, #tpu.memory_space<hbm>>) dst(%arg13 : memref<100x64xf32, #tpu.memory_space<vmem>>)
      } else {
      }
      %add3A_125 = arith.constant 2 : i32
      %add3A_126 = arith.addi %add3A_103, %add3A_125 : i32
      %lt3A_127 = arith.constant 200 : i32
      %lt3A_128 = arith.cmpi slt, %add3A_126, %lt3A_127 : i32
      %convert_element_type3A_129 = arith.extui %lt3A_128 : i1 to i32
      %cond3A_130 = arith.constant 0 : i32
      %cond3A_131 = arith.cmpi ne, %convert_element_type3A_129, %cond3A_130 : i32
      scf.if %cond3A_131 {
        %add3A_196 = arith.constant 2 : i32
        %add3A_197 = arith.addi %add3A_103, %add3A_196 : i32
        %dma_start3A_198 = arith.constant 0 : i32
        %dma_start3A_199 = tpu.memref_slice %arg8[%add3A_197, %dma_start3A_198] : memref<200x100xi32, #tpu.memory_space<vmem>> -> memref<1x100xi32, #tpu.memory_space<vmem>>
        %dma_start3A_200 = tpu.memref_squeeze %dma_start3A_199 : memref<1x100xi32, #tpu.memory_space<vmem>> -> memref<100xi32, #tpu.memory_space<vmem>>
        %dma_start3A_201 = arith.constant 0 : i32
        %dma_start3A_202 = arith.constant 0 : i32
        %dma_start3A_203 = tpu.memref_slice %arg2[%arg0, %dma_start3A_201, %dma_start3A_202] : memref<2x10000x64xf32, #tpu.memory_space<hbm>> -> memref<1x10000x64xf32, #tpu.memory_space<hbm>>
        %dma_start3A_204 = tpu.memref_squeeze %dma_start3A_203 : memref<1x10000x64xf32, #tpu.memory_space<hbm>> -> memref<10000x64xf32, #tpu.memory_space<hbm>>
        %dma_start3A_205 = arith.constant 0 : i32
        %dma_start3A_206 = arith.constant 0 : i32
        %dma_start3A_207 = tpu.memref_slice %dma_start3A_204[%dma_start3A_205, %dma_start3A_206] : memref<10000x64xf32, #tpu.memory_space<hbm>> -> memref<10000x64xf32, #tpu.memory_space<hbm>>
        tpu.enqueue_indirect_dma source(%dma_start3A_207 : memref<10000x64xf32, #tpu.memory_space<hbm>>) target(%arg13 : memref<100x64xf32, #tpu.memory_space<vmem>>) offsets(%dma_start3A_200 : memref<100xi32, #tpu.memory_space<vmem>>) semaphore(%arg17 : memref<!tpu.dma_semaphore, #tpu.memory_space<semaphore_mem>>)
      } else {
      }
      %mul3A_132 = arith.constant 4 : i32
      %mul3A_133 = arith.muli %scan3A_70, %mul3A_132 : i32
      %add3A_134 = arith.constant 2 : i32
      %add3A_135 = arith.addi %mul3A_133, %add3A_134 : i32
      %dma_wait3A_136 = arith.constant 0 : i32
      %dma_wait3A_137 = tpu.memref_slice %arg8[%add3A_135, %dma_wait3A_136] : memref<200x100xi32, #tpu.memory_space<vmem>> -> memref<1x100xi32, #tpu.memory_space<vmem>>
      %dma_wait3A_138 = tpu.memref_squeeze %dma_wait3A_137 : memref<1x100xi32, #tpu.memory_space<vmem>> -> memref<100xi32, #tpu.memory_space<vmem>>
      %dma_wait3A_139 = arith.constant 0 : i32
      %dma_wait3A_140 = arith.constant 0 : i32
      %dma_wait3A_141 = tpu.memref_slice %arg2[%arg0, %dma_wait3A_139, %dma_wait3A_140] : memref<2x10000x64xf32, #tpu.memory_space<hbm>> -> memref<1x10000x64xf32, #tpu.memory_space<hbm>>
      %dma_wait3A_142 = tpu.memref_squeeze %dma_wait3A_141 : memref<1x10000x64xf32, #tpu.memory_space<hbm>> -> memref<10000x64xf32, #tpu.memory_space<hbm>>
      %dma_wait3A_143 = arith.constant 0 : i32
      %dma_wait3A_144 = arith.constant 0 : i32
      %dma_wait3A_145 = tpu.memref_slice %dma_wait3A_142[%dma_wait3A_143, %dma_wait3A_144] : memref<10000x64xf32, #tpu.memory_space<hbm>> -> memref<10000x64xf32, #tpu.memory_space<hbm>>
      tpu.wait_indirect_dma semaphore(%arg16 : memref<!tpu.dma_semaphore, #tpu.memory_space<semaphore_mem>>) src(%dma_wait3A_145 : memref<10000x64xf32, #tpu.memory_space<hbm>>) dst(%arg12 : memref<100x64xf32, #tpu.memory_space<vmem>>)
      %dma_start3A_146 = arith.constant 0 : i32
      %dma_start3A_147 = tpu.memref_slice %arg9[%add3A_135, %dma_start3A_146] : memref<200x100xi32, #tpu.memory_space<vmem>> -> memref<1x100xi32, #tpu.memory_space<vmem>>
      %dma_start3A_148 = tpu.memref_squeeze %dma_start3A_147 : memref<1x100xi32, #tpu.memory_space<vmem>> -> memref<100xi32, #tpu.memory_space<vmem>>
      %dma_start3A_149 = arith.constant 0 : i32
      %dma_start3A_150 = arith.constant 0 : i32
      %dma_start3A_151 = tpu.memref_slice %arg7[%dma_start3A_149, %dma_start3A_150] : memref<10000x64xf32, #tpu.memory_space<vmem_shared>> -> memref<10000x64xf32, #tpu.memory_space<vmem_shared>>
      tpu.enqueue_indirect_dma source(%arg12 : memref<100x64xf32, #tpu.memory_space<vmem>>) target(%dma_start3A_151 : memref<10000x64xf32, #tpu.memory_space<vmem_shared>>) offsets(%dma_start3A_148 : memref<100xi32, #tpu.memory_space<vmem>>) semaphore(%arg20 : memref<!tpu.dma_semaphore, #tpu.memory_space<semaphore_mem>>) {add = true}
      %ge3A_152 = arith.constant 2 : i32
      %ge3A_153 = arith.cmpi sge, %add3A_135, %ge3A_152 : i32
      %convert_element_type3A_154 = arith.extui %ge3A_153 : i1 to i32
      %cond3A_155 = arith.constant 0 : i32
      %cond3A_156 = arith.cmpi ne, %convert_element_type3A_154, %cond3A_155 : i32
      scf.if %cond3A_156 {
        %dma_wait3A_196 = arith.constant 0 : i32
        %dma_wait3A_197 = arith.constant 0 : i32
        %dma_wait3A_198 = tpu.memref_slice %arg2[%arg0, %dma_wait3A_196, %dma_wait3A_197] : memref<2x10000x64xf32, #tpu.memory_space<hbm>> -> memref<1x10000x64xf32, #tpu.memory_space<hbm>>
        %dma_wait3A_199 = tpu.memref_squeeze %dma_wait3A_198 : memref<1x10000x64xf32, #tpu.memory_space<hbm>> -> memref<10000x64xf32, #tpu.memory_space<hbm>>
        %dma_wait3A_200 = arith.constant 0 : i32
        %dma_wait3A_201 = arith.constant 0 : i32
        %dma_wait3A_202 = tpu.memref_slice %dma_wait3A_199[%dma_wait3A_200, %dma_wait3A_201] : memref<10000x64xf32, #tpu.memory_space<hbm>> -> memref<100x64xf32, #tpu.memory_space<hbm>>
        %dma_wait3A_203 = arith.constant 0 : i32
        %dma_wait3A_204 = arith.constant 0 : i32
        %dma_wait3A_205 = tpu.memref_slice %arg2[%arg0, %dma_wait3A_203, %dma_wait3A_204] : memref<2x10000x64xf32, #tpu.memory_space<hbm>> -> memref<1x10000x64xf32, #tpu.memory_space<hbm>>
        %dma_wait3A_206 = tpu.memref_squeeze %dma_wait3A_205 : memref<1x10000x64xf32, #tpu.memory_space<hbm>> -> memref<10000x64xf32, #tpu.memory_space<hbm>>
        %dma_wait3A_207 = arith.constant 0 : i32
        %dma_wait3A_208 = arith.constant 0 : i32
        %dma_wait3A_209 = tpu.memref_slice %dma_wait3A_206[%dma_wait3A_207, %dma_wait3A_208] : memref<10000x64xf32, #tpu.memory_space<hbm>> -> memref<100x64xf32, #tpu.memory_space<hbm>>
        tpu.wait_dma2 semaphore(%arg18 : memref<!tpu.dma_semaphore, #tpu.memory_space<semaphore_mem>>) src(%dma_wait3A_209 : memref<100x64xf32, #tpu.memory_space<hbm>>) dst(%arg10 : memref<100x64xf32, #tpu.memory_space<vmem>>)
      } else {
      }
      %add3A_157 = arith.constant 2 : i32
      %add3A_158 = arith.addi %add3A_135, %add3A_157 : i32
      %lt3A_159 = arith.constant 200 : i32
      %lt3A_160 = arith.cmpi slt, %add3A_158, %lt3A_159 : i32
      %convert_element_type3A_161 = arith.extui %lt3A_160 : i1 to i32
      %cond3A_162 = arith.constant 0 : i32
      %cond3A_163 = arith.cmpi ne, %convert_element_type3A_161, %cond3A_162 : i32
      scf.if %cond3A_163 {
        %add3A_196 = arith.constant 2 : i32
        %add3A_197 = arith.addi %add3A_135, %add3A_196 : i32
        %dma_start3A_198 = arith.constant 0 : i32
        %dma_start3A_199 = tpu.memref_slice %arg8[%add3A_197, %dma_start3A_198] : memref<200x100xi32, #tpu.memory_space<vmem>> -> memref<1x100xi32, #tpu.memory_space<vmem>>
        %dma_start3A_200 = tpu.memref_squeeze %dma_start3A_199 : memref<1x100xi32, #tpu.memory_space<vmem>> -> memref<100xi32, #tpu.memory_space<vmem>>
        %dma_start3A_201 = arith.constant 0 : i32
        %dma_start3A_202 = arith.constant 0 : i32
        %dma_start3A_203 = tpu.memref_slice %arg2[%arg0, %dma_start3A_201, %dma_start3A_202] : memref<2x10000x64xf32, #tpu.memory_space<hbm>> -> memref<1x10000x64xf32, #tpu.memory_space<hbm>>
        %dma_start3A_204 = tpu.memref_squeeze %dma_start3A_203 : memref<1x10000x64xf32, #tpu.memory_space<hbm>> -> memref<10000x64xf32, #tpu.memory_space<hbm>>
        %dma_start3A_205 = arith.constant 0 : i32
        %dma_start3A_206 = arith.constant 0 : i32
        %dma_start3A_207 = tpu.memref_slice %dma_start3A_204[%dma_start3A_205, %dma_start3A_206] : memref<10000x64xf32, #tpu.memory_space<hbm>> -> memref<10000x64xf32, #tpu.memory_space<hbm>>
        tpu.enqueue_indirect_dma source(%dma_start3A_207 : memref<10000x64xf32, #tpu.memory_space<hbm>>) target(%arg10 : memref<100x64xf32, #tpu.memory_space<vmem>>) offsets(%dma_start3A_200 : memref<100xi32, #tpu.memory_space<vmem>>) semaphore(%arg14 : memref<!tpu.dma_semaphore, #tpu.memory_space<semaphore_mem>>)
      } else {
      }
      %mul3A_164 = arith.constant 4 : i32
      %mul3A_165 = arith.muli %scan3A_70, %mul3A_164 : i32
      %add3A_166 = arith.constant 3 : i32
      %add3A_167 = arith.addi %mul3A_165, %add3A_166 : i32
      %dma_wait3A_168 = arith.constant 0 : i32
      %dma_wait3A_169 = tpu.memref_slice %arg8[%add3A_167, %dma_wait3A_168] : memref<200x100xi32, #tpu.memory_space<vmem>> -> memref<1x100xi32, #tpu.memory_space<vmem>>
      %dma_wait3A_170 = tpu.memref_squeeze %dma_wait3A_169 : memref<1x100xi32, #tpu.memory_space<vmem>> -> memref<100xi32, #tpu.memory_space<vmem>>
      %dma_wait3A_171 = arith.constant 0 : i32
      %dma_wait3A_172 = arith.constant 0 : i32
      %dma_wait3A_173 = tpu.memref_slice %arg2[%arg0, %dma_wait3A_171, %dma_wait3A_172] : memref<2x10000x64xf32, #tpu.memory_space<hbm>> -> memref<1x10000x64xf32, #tpu.memory_space<hbm>>
      %dma_wait3A_174 = tpu.memref_squeeze %dma_wait3A_173 : memref<1x10000x64xf32, #tpu.memory_space<hbm>> -> memref<10000x64xf32, #tpu.memory_space<hbm>>
      %dma_wait3A_175 = arith.constant 0 : i32
      %dma_wait3A_176 = arith.constant 0 : i32
      %dma_wait3A_177 = tpu.memref_slice %dma_wait3A_174[%dma_wait3A_175, %dma_wait3A_176] : memref<10000x64xf32, #tpu.memory_space<hbm>> -> memref<10000x64xf32, #tpu.memory_space<hbm>>
      tpu.wait_indirect_dma semaphore(%arg17 : memref<!tpu.dma_semaphore, #tpu.memory_space<semaphore_mem>>) src(%dma_wait3A_177 : memref<10000x64xf32, #tpu.memory_space<hbm>>) dst(%arg13 : memref<100x64xf32, #tpu.memory_space<vmem>>)
      %dma_start3A_178 = arith.constant 0 : i32
      %dma_start3A_179 = tpu.memref_slice %arg9[%add3A_167, %dma_start3A_178] : memref<200x100xi32, #tpu.memory_space<vmem>> -> memref<1x100xi32, #tpu.memory_space<vmem>>
      %dma_start3A_180 = tpu.memref_squeeze %dma_start3A_179 : memref<1x100xi32, #tpu.memory_space<vmem>> -> memref<100xi32, #tpu.memory_space<vmem>>
      %dma_start3A_181 = arith.constant 0 : i32
      %dma_start3A_182 = arith.constant 0 : i32
      %dma_start3A_183 = tpu.memref_slice %arg7[%dma_start3A_181, %dma_start3A_182] : memref<10000x64xf32, #tpu.memory_space<vmem_shared>> -> memref<10000x64xf32, #tpu.memory_space<vmem_shared>>
      tpu.enqueue_indirect_dma source(%arg13 : memref<100x64xf32, #tpu.memory_space<vmem>>) target(%dma_start3A_183 : memref<10000x64xf32, #tpu.memory_space<vmem_shared>>) offsets(%dma_start3A_180 : memref<100xi32, #tpu.memory_space<vmem>>) semaphore(%arg21 : memref<!tpu.dma_semaphore, #tpu.memory_space<semaphore_mem>>) {add = true}
      %ge3A_184 = arith.constant 2 : i32
      %ge3A_185 = arith.cmpi sge, %add3A_167, %ge3A_184 : i32
      %convert_element_type3A_186 = arith.extui %ge3A_185 : i1 to i32
      %cond3A_187 = arith.constant 0 : i32
      %cond3A_188 = arith.cmpi ne, %convert_element_type3A_186, %cond3A_187 : i32
      scf.if %cond3A_188 {
        %dma_wait3A_196 = arith.constant 0 : i32
        %dma_wait3A_197 = arith.constant 0 : i32
        %dma_wait3A_198 = tpu.memref_slice %arg2[%arg0, %dma_wait3A_196, %dma_wait3A_197] : memref<2x10000x64xf32, #tpu.memory_space<hbm>> -> memref<1x10000x64xf32, #tpu.memory_space<hbm>>
        %dma_wait3A_199 = tpu.memref_squeeze %dma_wait3A_198 : memref<1x10000x64xf32, #tpu.memory_space<hbm>> -> memref<10000x64xf32, #tpu.memory_space<hbm>>
        %dma_wait3A_200 = arith.constant 0 : i32
        %dma_wait3A_201 = arith.constant 0 : i32
        %dma_wait3A_202 = tpu.memref_slice %dma_wait3A_199[%dma_wait3A_200, %dma_wait3A_201] : memref<10000x64xf32, #tpu.memory_space<hbm>> -> memref<100x64xf32, #tpu.memory_space<hbm>>
        %dma_wait3A_203 = arith.constant 0 : i32
        %dma_wait3A_204 = arith.constant 0 : i32
        %dma_wait3A_205 = tpu.memref_slice %arg2[%arg0, %dma_wait3A_203, %dma_wait3A_204] : memref<2x10000x64xf32, #tpu.memory_space<hbm>> -> memref<1x10000x64xf32, #tpu.memory_space<hbm>>
        %dma_wait3A_206 = tpu.memref_squeeze %dma_wait3A_205 : memref<1x10000x64xf32, #tpu.memory_space<hbm>> -> memref<10000x64xf32, #tpu.memory_space<hbm>>
        %dma_wait3A_207 = arith.constant 0 : i32
        %dma_wait3A_208 = arith.constant 0 : i32
        %dma_wait3A_209 = tpu.memref_slice %dma_wait3A_206[%dma_wait3A_207, %dma_wait3A_208] : memref<10000x64xf32, #tpu.memory_space<hbm>> -> memref<100x64xf32, #tpu.memory_space<hbm>>
        tpu.wait_dma2 semaphore(%arg19 : memref<!tpu.dma_semaphore, #tpu.memory_space<semaphore_mem>>) src(%dma_wait3A_209 : memref<100x64xf32, #tpu.memory_space<hbm>>) dst(%arg11 : memref<100x64xf32, #tpu.memory_space<vmem>>)
      } else {
      }
      %add3A_189 = arith.constant 2 : i32
      %add3A_190 = arith.addi %add3A_167, %add3A_189 : i32
      %lt3A_191 = arith.constant 200 : i32
      %lt3A_192 = arith.cmpi slt, %add3A_190, %lt3A_191 : i32
      %convert_element_type3A_193 = arith.extui %lt3A_192 : i1 to i32
      %cond3A_194 = arith.constant 0 : i32
      %cond3A_195 = arith.cmpi ne, %convert_element_type3A_193, %cond3A_194 : i32
      scf.if %cond3A_195 {
        %add3A_196 = arith.constant 2 : i32
        %add3A_197 = arith.addi %add3A_167, %add3A_196 : i32
        %dma_start3A_198 = arith.constant 0 : i32
        %dma_start3A_199 = tpu.memref_slice %arg8[%add3A_197, %dma_start3A_198] : memref<200x100xi32, #tpu.memory_space<vmem>> -> memref<1x100xi32, #tpu.memory_space<vmem>>
        %dma_start3A_200 = tpu.memref_squeeze %dma_start3A_199 : memref<1x100xi32, #tpu.memory_space<vmem>> -> memref<100xi32, #tpu.memory_space<vmem>>
        %dma_start3A_201 = arith.constant 0 : i32
        %dma_start3A_202 = arith.constant 0 : i32
        %dma_start3A_203 = tpu.memref_slice %arg2[%arg0, %dma_start3A_201, %dma_start3A_202] : memref<2x10000x64xf32, #tpu.memory_space<hbm>> -> memref<1x10000x64xf32, #tpu.memory_space<hbm>>
        %dma_start3A_204 = tpu.memref_squeeze %dma_start3A_203 : memref<1x10000x64xf32, #tpu.memory_space<hbm>> -> memref<10000x64xf32, #tpu.memory_space<hbm>>
        %dma_start3A_205 = arith.constant 0 : i32
        %dma_start3A_206 = arith.constant 0 : i32
        %dma_start3A_207 = tpu.memref_slice %dma_start3A_204[%dma_start3A_205, %dma_start3A_206] : memref<10000x64xf32, #tpu.memory_space<hbm>> -> memref<10000x64xf32, #tpu.memory_space<hbm>>
        tpu.enqueue_indirect_dma source(%dma_start3A_207 : memref<10000x64xf32, #tpu.memory_space<hbm>>) target(%arg11 : memref<100x64xf32, #tpu.memory_space<vmem>>) offsets(%dma_start3A_200 : memref<100xi32, #tpu.memory_space<vmem>>) semaphore(%arg15 : memref<!tpu.dma_semaphore, #tpu.memory_space<semaphore_mem>>)
      } else {
      }
    }
    %scan3A_31 = arith.constant 50 : i32
    %dma_wait3A = arith.constant 0 : i32
    %dma_wait3A_32 = arith.constant 0 : i32
    %dma_wait3A_33 = tpu.memref_slice %arg2[%arg0, %dma_wait3A, %dma_wait3A_32] : memref<2x10000x64xf32, #tpu.memory_space<hbm>> -> memref<1x10000x64xf32, #tpu.memory_space<hbm>>
    %dma_wait3A_34 = tpu.memref_squeeze %dma_wait3A_33 : memref<1x10000x64xf32, #tpu.memory_space<hbm>> -> memref<10000x64xf32, #tpu.memory_space<hbm>>
    %dma_wait3A_35 = arith.constant 0 : i32
    %dma_wait3A_36 = arith.constant 0 : i32
    %dma_wait3A_37 = tpu.memref_slice %dma_wait3A_34[%dma_wait3A_35, %dma_wait3A_36] : memref<10000x64xf32, #tpu.memory_space<hbm>> -> memref<100x64xf32, #tpu.memory_space<hbm>>
    %dma_wait3A_38 = arith.constant 0 : i32
    %dma_wait3A_39 = arith.constant 0 : i32
    %dma_wait3A_40 = tpu.memref_slice %arg2[%arg0, %dma_wait3A_38, %dma_wait3A_39] : memref<2x10000x64xf32, #tpu.memory_space<hbm>> -> memref<1x10000x64xf32, #tpu.memory_space<hbm>>
    %dma_wait3A_41 = tpu.memref_squeeze %dma_wait3A_40 : memref<1x10000x64xf32, #tpu.memory_space<hbm>> -> memref<10000x64xf32, #tpu.memory_space<hbm>>
    %dma_wait3A_42 = arith.constant 0 : i32
    %dma_wait3A_43 = arith.constant 0 : i32
    %dma_wait3A_44 = tpu.memref_slice %dma_wait3A_41[%dma_wait3A_42, %dma_wait3A_43] : memref<10000x64xf32, #tpu.memory_space<hbm>> -> memref<100x64xf32, #tpu.memory_space<hbm>>
    tpu.wait_dma2 semaphore(%arg20 : memref<!tpu.dma_semaphore, #tpu.memory_space<semaphore_mem>>) src(%dma_wait3A_44 : memref<100x64xf32, #tpu.memory_space<hbm>>) dst(%arg10 : memref<100x64xf32, #tpu.memory_space<vmem>>)
    %dma_wait3A_45 = arith.constant 0 : i32
    %dma_wait3A_46 = arith.constant 0 : i32
    %dma_wait3A_47 = tpu.memref_slice %arg2[%arg0, %dma_wait3A_45, %dma_wait3A_46] : memref<2x10000x64xf32, #tpu.memory_space<hbm>> -> memref<1x10000x64xf32, #tpu.memory_space<hbm>>
    %dma_wait3A_48 = tpu.memref_squeeze %dma_wait3A_47 : memref<1x10000x64xf32, #tpu.memory_space<hbm>> -> memref<10000x64xf32, #tpu.memory_space<hbm>>
    %dma_wait3A_49 = arith.constant 0 : i32
    %dma_wait3A_50 = arith.constant 0 : i32
    %dma_wait3A_51 = tpu.memref_slice %dma_wait3A_48[%dma_wait3A_49, %dma_wait3A_50] : memref<10000x64xf32, #tpu.memory_space<hbm>> -> memref<100x64xf32, #tpu.memory_space<hbm>>
    %dma_wait3A_52 = arith.constant 0 : i32
    %dma_wait3A_53 = arith.constant 0 : i32
    %dma_wait3A_54 = tpu.memref_slice %arg2[%arg0, %dma_wait3A_52, %dma_wait3A_53] : memref<2x10000x64xf32, #tpu.memory_space<hbm>> -> memref<1x10000x64xf32, #tpu.memory_space<hbm>>
    %dma_wait3A_55 = tpu.memref_squeeze %dma_wait3A_54 : memref<1x10000x64xf32, #tpu.memory_space<hbm>> -> memref<10000x64xf32, #tpu.memory_space<hbm>>
    %dma_wait3A_56 = arith.constant 0 : i32
    %dma_wait3A_57 = arith.constant 0 : i32
    %dma_wait3A_58 = tpu.memref_slice %dma_wait3A_55[%dma_wait3A_56, %dma_wait3A_57] : memref<10000x64xf32, #tpu.memory_space<hbm>> -> memref<100x64xf32, #tpu.memory_space<hbm>>
    tpu.wait_dma2 semaphore(%arg21 : memref<!tpu.dma_semaphore, #tpu.memory_space<semaphore_mem>>) src(%dma_wait3A_58 : memref<100x64xf32, #tpu.memory_space<hbm>>) dst(%arg11 : memref<100x64xf32, #tpu.memory_space<vmem>>)
    %barrier3A_59 = arith.constant 0 : index
    tpu.barrier barrier_id(%barrier3A_59)
    %lt3A_60 = arith.constant 15 : i32
    %lt3A_61 = arith.cmpi slt, %arg1, %lt3A_60 : i32
    %convert_element_type3A_62 = arith.extui %lt3A_61 : i1 to i32
    %cond3A_63 = arith.constant 0 : i32
    %cond3A_64 = arith.cmpi ne, %convert_element_type3A_62, %cond3A_63 : i32
    scf.if %cond3A_64 {
      %mul3A = arith.constant 632 : i32
      %mul3A_70 = arith.muli %arg1, %mul3A : i32
      %mul3A_71 = arith.constant 632 : i32
      %mul3A_72 = arith.muli %arg1, %mul3A_71 : i32
      "tpu.region"() ({
        %run_scoped3A = tpu.sem_alloc : memref<!tpu.dma_semaphore, #tpu.memory_space<semaphore_mem>>
        %dma_start3A_73 = arith.constant 0 : i32
        %dma_start3A_74 = arith.constant 0 : i32
        %dma_start3A_75 = tpu.memref_slice %arg6[%arg0, %dma_start3A_73, %dma_start3A_74] : memref<2x10000x64xf32, #tpu.memory_space<hbm>> -> memref<1x10000x64xf32, #tpu.memory_space<hbm>>
        %dma_start3A_76 = tpu.memref_squeeze %dma_start3A_75 : memref<1x10000x64xf32, #tpu.memory_space<hbm>> -> memref<10000x64xf32, #tpu.memory_space<hbm>>
        %dma_start3A_77 = arith.constant 0 : i32
        %dma_start3A_78 = tpu.memref_slice %dma_start3A_76[%mul3A_72, %dma_start3A_77] : memref<10000x64xf32, #tpu.memory_space<hbm>> -> memref<632x64xf32, #tpu.memory_space<hbm>>
        %dma_start3A_79 = arith.constant 0 : i32
        %dma_start3A_80 = tpu.memref_slice %arg7[%mul3A_70, %dma_start3A_79] : memref<10000x64xf32, #tpu.memory_space<vmem_shared>> -> memref<632x64xf32, #tpu.memory_space<vmem_shared>>
        tpu.enqueue_dma source(%dma_start3A_80 : memref<632x64xf32, #tpu.memory_space<vmem_shared>>) target(%dma_start3A_78 : memref<632x64xf32, #tpu.memory_space<hbm>>) target_semaphore(%run_scoped3A : memref<!tpu.dma_semaphore, #tpu.memory_space<semaphore_mem>>)
        %dma_wait3A_81 = arith.constant 0 : i32
        %dma_wait3A_82 = arith.constant 0 : i32
        %dma_wait3A_83 = tpu.memref_slice %arg6[%arg0, %dma_wait3A_81, %dma_wait3A_82] : memref<2x10000x64xf32, #tpu.memory_space<hbm>> -> memref<1x10000x64xf32, #tpu.memory_space<hbm>>
        %dma_wait3A_84 = tpu.memref_squeeze %dma_wait3A_83 : memref<1x10000x64xf32, #tpu.memory_space<hbm>> -> memref<10000x64xf32, #tpu.memory_space<hbm>>
        %dma_wait3A_85 = arith.constant 0 : i32
        %dma_wait3A_86 = tpu.memref_slice %dma_wait3A_84[%mul3A_72, %dma_wait3A_85] : memref<10000x64xf32, #tpu.memory_space<hbm>> -> memref<632x64xf32, #tpu.memory_space<hbm>>
        %dma_wait3A_87 = arith.constant 0 : i32
        %dma_wait3A_88 = tpu.memref_slice %arg7[%mul3A_70, %dma_wait3A_87] : memref<10000x64xf32, #tpu.memory_space<vmem_shared>> -> memref<632x64xf32, #tpu.memory_space<vmem_shared>>
        tpu.wait_dma2 semaphore(%run_scoped3A : memref<!tpu.dma_semaphore, #tpu.memory_space<semaphore_mem>>) src(%dma_wait3A_88 : memref<632x64xf32, #tpu.memory_space<vmem_shared>>) dst(%dma_wait3A_86 : memref<632x64xf32, #tpu.memory_space<hbm>>)
        tpu.yield
      }) : () -> ()
    } else {
    }
    %eq3A_65 = arith.constant 15 : i32
    %eq3A_66 = arith.cmpi eq, %arg1, %eq3A_65 : i32
    %convert_element_type3A_67 = arith.extui %eq3A_66 : i1 to i32
    %cond3A_68 = arith.constant 0 : i32
    %cond3A_69 = arith.cmpi ne, %convert_element_type3A_67, %cond3A_68 : i32
    scf.if %cond3A_69 {
      "tpu.region"() ({
        %run_scoped3A = tpu.sem_alloc : memref<!tpu.dma_semaphore, #tpu.memory_space<semaphore_mem>>
        %dma_start3A_70 = arith.constant 0 : i32
        %dma_start3A_71 = arith.constant 0 : i32
        %dma_start3A_72 = tpu.memref_slice %arg6[%arg0, %dma_start3A_70, %dma_start3A_71] : memref<2x10000x64xf32, #tpu.memory_space<hbm>> -> memref<1x10000x64xf32, #tpu.memory_space<hbm>>
        %dma_start3A_73 = tpu.memref_squeeze %dma_start3A_72 : memref<1x10000x64xf32, #tpu.memory_space<hbm>> -> memref<10000x64xf32, #tpu.memory_space<hbm>>
        %dma_start3A_74 = arith.constant 9480 : i32
        %dma_start3A_75 = arith.constant 0 : i32
        %dma_start3A_76 = tpu.memref_slice %dma_start3A_73[%dma_start3A_74, %dma_start3A_75] : memref<10000x64xf32, #tpu.memory_space<hbm>> -> memref<520x64xf32, #tpu.memory_space<hbm>>
        %dma_start3A_77 = arith.constant 9480 : i32
        %dma_start3A_78 = arith.constant 0 : i32
        %dma_start3A_79 = tpu.memref_slice %arg7[%dma_start3A_77, %dma_start3A_78] : memref<10000x64xf32, #tpu.memory_space<vmem_shared>> -> memref<520x64xf32, #tpu.memory_space<vmem_shared>>
        tpu.enqueue_dma source(%dma_start3A_79 : memref<520x64xf32, #tpu.memory_space<vmem_shared>>) target(%dma_start3A_76 : memref<520x64xf32, #tpu.memory_space<hbm>>) target_semaphore(%run_scoped3A : memref<!tpu.dma_semaphore, #tpu.memory_space<semaphore_mem>>)
        %dma_wait3A_80 = arith.constant 0 : i32
        %dma_wait3A_81 = arith.constant 0 : i32
        %dma_wait3A_82 = tpu.memref_slice %arg6[%arg0, %dma_wait3A_80, %dma_wait3A_81] : memref<2x10000x64xf32, #tpu.memory_space<hbm>> -> memref<1x10000x64xf32, #tpu.memory_space<hbm>>
        %dma_wait3A_83 = tpu.memref_squeeze %dma_wait3A_82 : memref<1x10000x64xf32, #tpu.memory_space<hbm>> -> memref<10000x64xf32, #tpu.memory_space<hbm>>
        %dma_wait3A_84 = arith.constant 9480 : i32
        %dma_wait3A_85 = arith.constant 0 : i32
        %dma_wait3A_86 = tpu.memref_slice %dma_wait3A_83[%dma_wait3A_84, %dma_wait3A_85] : memref<10000x64xf32, #tpu.memory_space<hbm>> -> memref<520x64xf32, #tpu.memory_space<hbm>>
        %dma_wait3A_87 = arith.constant 9480 : i32
        %dma_wait3A_88 = arith.constant 0 : i32
        %dma_wait3A_89 = tpu.memref_slice %arg7[%dma_wait3A_87, %dma_wait3A_88] : memref<10000x64xf32, #tpu.memory_space<vmem_shared>> -> memref<520x64xf32, #tpu.memory_space<vmem_shared>>
        tpu.wait_dma2 semaphore(%run_scoped3A : memref<!tpu.dma_semaphore, #tpu.memory_space<semaphore_mem>>) src(%dma_wait3A_89 : memref<520x64xf32, #tpu.memory_space<vmem_shared>>) dst(%dma_wait3A_86 : memref<520x64xf32, #tpu.memory_space<hbm>>)
        tpu.yield
      }) : () -> ()
    } else {
    }
    return
  }
}

#map = affine_map<(d0, d1) -> (0)>
#map1 = affine_map<(d0, d1) -> (0, 0, 0)>
#map2 = affine_map<(d0, d1) -> (0, 0)>
module attributes {stable_mosaic.version = 14 : i64} {
  func.func @seg(%arg0: i32, %arg1: i32, %arg2: memref<10000xf32, #tpu.memory_space<hbm>>, %arg3: memref<16x200x100xi32, #tpu.memory_space<hbm>>, %arg4: memref<16x200x100xi32, #tpu.memory_space<hbm>>, %arg5: memref<10000xf32, #tpu.memory_space<hbm>>, %arg6: memref<2x10000xf32, #tpu.memory_space<hbm>>, %arg7: memref<10000xf32, #tpu.memory_space<vmem_shared>>, %arg8: memref<100x100xi32, #tpu.memory_space<vmem>>, %arg9: memref<100x100xi32, #tpu.memory_space<vmem>>, %arg10: memref<100xf32, #tpu.memory_space<vmem>>, %arg11: memref<100xf32, #tpu.memory_space<vmem>>, %arg12: memref<100xf32, #tpu.memory_space<vmem>>, %arg13: memref<100xf32, #tpu.memory_space<vmem>>, %arg14: memref<!tpu.dma_semaphore, #tpu.memory_space<semaphore_mem>>, %arg15: memref<!tpu.dma_semaphore, #tpu.memory_space<semaphore_mem>>, %arg16: memref<!tpu.dma_semaphore, #tpu.memory_space<semaphore_mem>>, %arg17: memref<!tpu.dma_semaphore, #tpu.memory_space<semaphore_mem>>, %arg18: memref<!tpu.dma_semaphore, #tpu.memory_space<semaphore_mem>>, %arg19: memref<!tpu.dma_semaphore, #tpu.memory_space<semaphore_mem>>, %arg20: memref<!tpu.dma_semaphore, #tpu.memory_space<semaphore_mem>>, %arg21: memref<!tpu.dma_semaphore, #tpu.memory_space<semaphore_mem>>) attributes {dimension_semantics = [#tpu.dimension_semantics<core_parallel>, #tpu.dimension_semantics<subcore_parallel>], iteration_bounds = array<i64: 2, 16>, scalar_prefetch = 0 : i64, scratch_operands = 15 : i64, tpu.core_type = #tpu.core_type<sc_vector_subcore>, window_params = [{transform_indices = #map}, {transform_indices = #map1}, {transform_indices = #map1}, {transform_indices = #map}, {transform_indices = #map2}]} {
    %mul3A = arith.constant 100 : i32
    %mul3A_0 = arith.muli %arg0, %mul3A : i32
    "tpu.region"() ({
      %run_scoped3A = tpu.sem_alloc : memref<!tpu.dma_semaphore, #tpu.memory_space<semaphore_mem>>
      %dma_start3A = arith.constant 0 : i32
      %dma_start3A_32 = tpu.memref_slice %arg3[%arg1, %mul3A_0, %dma_start3A] : memref<16x200x100xi32, #tpu.memory_space<hbm>> -> memref<1x100x100xi32, #tpu.memory_space<hbm>>
      %dma_start3A_33 = tpu.memref_squeeze %dma_start3A_32 : memref<1x100x100xi32, #tpu.memory_space<hbm>> -> memref<100x100xi32, #tpu.memory_space<hbm>>
      %dma_start3A_34 = arith.constant 0 : i32
      %dma_start3A_35 = tpu.memref_slice %arg3[%arg1, %mul3A_0, %dma_start3A_34] : memref<16x200x100xi32, #tpu.memory_space<hbm>> -> memref<1x100x100xi32, #tpu.memory_space<hbm>>
      %dma_start3A_36 = tpu.memref_squeeze %dma_start3A_35 : memref<1x100x100xi32, #tpu.memory_space<hbm>> -> memref<100x100xi32, #tpu.memory_space<hbm>>
      tpu.enqueue_dma source(%dma_start3A_36 : memref<100x100xi32, #tpu.memory_space<hbm>>) target(%arg8 : memref<100x100xi32, #tpu.memory_space<vmem>>) target_semaphore(%run_scoped3A : memref<!tpu.dma_semaphore, #tpu.memory_space<semaphore_mem>>)
      %dma_wait3A_37 = arith.constant 0 : i32
      %dma_wait3A_38 = tpu.memref_slice %arg3[%arg1, %mul3A_0, %dma_wait3A_37] : memref<16x200x100xi32, #tpu.memory_space<hbm>> -> memref<1x100x100xi32, #tpu.memory_space<hbm>>
      %dma_wait3A_39 = tpu.memref_squeeze %dma_wait3A_38 : memref<1x100x100xi32, #tpu.memory_space<hbm>> -> memref<100x100xi32, #tpu.memory_space<hbm>>
      %dma_wait3A_40 = arith.constant 0 : i32
      %dma_wait3A_41 = tpu.memref_slice %arg3[%arg1, %mul3A_0, %dma_wait3A_40] : memref<16x200x100xi32, #tpu.memory_space<hbm>> -> memref<1x100x100xi32, #tpu.memory_space<hbm>>
      %dma_wait3A_42 = tpu.memref_squeeze %dma_wait3A_41 : memref<1x100x100xi32, #tpu.memory_space<hbm>> -> memref<100x100xi32, #tpu.memory_space<hbm>>
      tpu.wait_dma2 semaphore(%run_scoped3A : memref<!tpu.dma_semaphore, #tpu.memory_space<semaphore_mem>>) src(%dma_wait3A_42 : memref<100x100xi32, #tpu.memory_space<hbm>>) dst(%arg8 : memref<100x100xi32, #tpu.memory_space<vmem>>)
      tpu.yield
    }) : () -> ()
    %mul3A_1 = arith.constant 100 : i32
    %mul3A_2 = arith.muli %arg0, %mul3A_1 : i32
    "tpu.region"() ({
      %run_scoped3A = tpu.sem_alloc : memref<!tpu.dma_semaphore, #tpu.memory_space<semaphore_mem>>
      %dma_start3A = arith.constant 0 : i32
      %dma_start3A_32 = tpu.memref_slice %arg4[%arg1, %mul3A_2, %dma_start3A] : memref<16x200x100xi32, #tpu.memory_space<hbm>> -> memref<1x100x100xi32, #tpu.memory_space<hbm>>
      %dma_start3A_33 = tpu.memref_squeeze %dma_start3A_32 : memref<1x100x100xi32, #tpu.memory_space<hbm>> -> memref<100x100xi32, #tpu.memory_space<hbm>>
      %dma_start3A_34 = arith.constant 0 : i32
      %dma_start3A_35 = tpu.memref_slice %arg4[%arg1, %mul3A_2, %dma_start3A_34] : memref<16x200x100xi32, #tpu.memory_space<hbm>> -> memref<1x100x100xi32, #tpu.memory_space<hbm>>
      %dma_start3A_36 = tpu.memref_squeeze %dma_start3A_35 : memref<1x100x100xi32, #tpu.memory_space<hbm>> -> memref<100x100xi32, #tpu.memory_space<hbm>>
      tpu.enqueue_dma source(%dma_start3A_36 : memref<100x100xi32, #tpu.memory_space<hbm>>) target(%arg9 : memref<100x100xi32, #tpu.memory_space<vmem>>) target_semaphore(%run_scoped3A : memref<!tpu.dma_semaphore, #tpu.memory_space<semaphore_mem>>)
      %dma_wait3A_37 = arith.constant 0 : i32
      %dma_wait3A_38 = tpu.memref_slice %arg4[%arg1, %mul3A_2, %dma_wait3A_37] : memref<16x200x100xi32, #tpu.memory_space<hbm>> -> memref<1x100x100xi32, #tpu.memory_space<hbm>>
      %dma_wait3A_39 = tpu.memref_squeeze %dma_wait3A_38 : memref<1x100x100xi32, #tpu.memory_space<hbm>> -> memref<100x100xi32, #tpu.memory_space<hbm>>
      %dma_wait3A_40 = arith.constant 0 : i32
      %dma_wait3A_41 = tpu.memref_slice %arg4[%arg1, %mul3A_2, %dma_wait3A_40] : memref<16x200x100xi32, #tpu.memory_space<hbm>> -> memref<1x100x100xi32, #tpu.memory_space<hbm>>
      %dma_wait3A_42 = tpu.memref_squeeze %dma_wait3A_41 : memref<1x100x100xi32, #tpu.memory_space<hbm>> -> memref<100x100xi32, #tpu.memory_space<hbm>>
      tpu.wait_dma2 semaphore(%run_scoped3A : memref<!tpu.dma_semaphore, #tpu.memory_space<semaphore_mem>>) src(%dma_wait3A_42 : memref<100x100xi32, #tpu.memory_space<hbm>>) dst(%arg9 : memref<100x100xi32, #tpu.memory_space<vmem>>)
      tpu.yield
    }) : () -> ()
    %lt3A = arith.constant 15 : i32
    %lt3A_3 = arith.cmpi slt, %arg1, %lt3A : i32
    %convert_element_type3A = arith.extui %lt3A_3 : i1 to i32
    %cond3A = arith.constant 0 : i32
    %cond3A_4 = arith.cmpi ne, %convert_element_type3A, %cond3A : i32
    scf.if %cond3A_4 {
      %mul3A_32 = arith.constant 632 : i32
      %mul3A_33 = arith.muli %arg1, %mul3A_32 : i32
      %mul3A_34 = arith.constant 632 : i32
      %mul3A_35 = arith.muli %arg1, %mul3A_34 : i32
      "tpu.region"() ({
        %run_scoped3A = tpu.sem_alloc : memref<!tpu.dma_semaphore, #tpu.memory_space<semaphore_mem>>
        %dma_start3A = tpu.memref_slice %arg7[%mul3A_35] : memref<10000xf32, #tpu.memory_space<vmem_shared>> -> memref<632xf32, #tpu.memory_space<vmem_shared>>
        %dma_start3A_36 = tpu.memref_slice %arg5[%mul3A_33] : memref<10000xf32, #tpu.memory_space<hbm>> -> memref<632xf32, #tpu.memory_space<hbm>>
        tpu.enqueue_dma source(%dma_start3A_36 : memref<632xf32, #tpu.memory_space<hbm>>) target(%dma_start3A : memref<632xf32, #tpu.memory_space<vmem_shared>>) target_semaphore(%run_scoped3A : memref<!tpu.dma_semaphore, #tpu.memory_space<semaphore_mem>>)
        %dma_wait3A_37 = tpu.memref_slice %arg7[%mul3A_35] : memref<10000xf32, #tpu.memory_space<vmem_shared>> -> memref<632xf32, #tpu.memory_space<vmem_shared>>
        %dma_wait3A_38 = tpu.memref_slice %arg5[%mul3A_33] : memref<10000xf32, #tpu.memory_space<hbm>> -> memref<632xf32, #tpu.memory_space<hbm>>
        tpu.wait_dma2 semaphore(%run_scoped3A : memref<!tpu.dma_semaphore, #tpu.memory_space<semaphore_mem>>) src(%dma_wait3A_38 : memref<632xf32, #tpu.memory_space<hbm>>) dst(%dma_wait3A_37 : memref<632xf32, #tpu.memory_space<vmem_shared>>)
        tpu.yield
      }) : () -> ()
    } else {
    }
    %eq3A = arith.constant 15 : i32
    %eq3A_5 = arith.cmpi eq, %arg1, %eq3A : i32
    %convert_element_type3A_6 = arith.extui %eq3A_5 : i1 to i32
    %cond3A_7 = arith.constant 0 : i32
    %cond3A_8 = arith.cmpi ne, %convert_element_type3A_6, %cond3A_7 : i32
    scf.if %cond3A_8 {
      "tpu.region"() ({
        %run_scoped3A = tpu.sem_alloc : memref<!tpu.dma_semaphore, #tpu.memory_space<semaphore_mem>>
        %dma_start3A = arith.constant 9480 : i32
        %dma_start3A_32 = tpu.memref_slice %arg7[%dma_start3A] : memref<10000xf32, #tpu.memory_space<vmem_shared>> -> memref<520xf32, #tpu.memory_space<vmem_shared>>
        %dma_start3A_33 = arith.constant 9480 : i32
        %dma_start3A_34 = tpu.memref_slice %arg5[%dma_start3A_33] : memref<10000xf32, #tpu.memory_space<hbm>> -> memref<520xf32, #tpu.memory_space<hbm>>
        tpu.enqueue_dma source(%dma_start3A_34 : memref<520xf32, #tpu.memory_space<hbm>>) target(%dma_start3A_32 : memref<520xf32, #tpu.memory_space<vmem_shared>>) target_semaphore(%run_scoped3A : memref<!tpu.dma_semaphore, #tpu.memory_space<semaphore_mem>>)
        %dma_wait3A_35 = arith.constant 9480 : i32
        %dma_wait3A_36 = tpu.memref_slice %arg7[%dma_wait3A_35] : memref<10000xf32, #tpu.memory_space<vmem_shared>> -> memref<520xf32, #tpu.memory_space<vmem_shared>>
        %dma_wait3A_37 = arith.constant 9480 : i32
        %dma_wait3A_38 = tpu.memref_slice %arg5[%dma_wait3A_37] : memref<10000xf32, #tpu.memory_space<hbm>> -> memref<520xf32, #tpu.memory_space<hbm>>
        tpu.wait_dma2 semaphore(%run_scoped3A : memref<!tpu.dma_semaphore, #tpu.memory_space<semaphore_mem>>) src(%dma_wait3A_38 : memref<520xf32, #tpu.memory_space<hbm>>) dst(%dma_wait3A_36 : memref<520xf32, #tpu.memory_space<vmem_shared>>)
        tpu.yield
      }) : () -> ()
    } else {
    }
    "tpu.region"() ({
      %run_scoped3A = tpu.sem_alloc : memref<!tpu.dma_semaphore, #tpu.memory_space<semaphore_mem>>
      %dma_start3A = arith.constant 0 : i32
      %dma_start3A_32 = tpu.memref_slice %arg2[%dma_start3A] : memref<10000xf32, #tpu.memory_space<hbm>> -> memref<100xf32, #tpu.memory_space<hbm>>
      %dma_start3A_33 = arith.constant 0 : i32
      %dma_start3A_34 = tpu.memref_slice %arg2[%dma_start3A_33] : memref<10000xf32, #tpu.memory_space<hbm>> -> memref<100xf32, #tpu.memory_space<hbm>>
      tpu.enqueue_dma source(%dma_start3A_34 : memref<100xf32, #tpu.memory_space<hbm>>) target(%arg10 : memref<100xf32, #tpu.memory_space<vmem>>) target_semaphore(%run_scoped3A : memref<!tpu.dma_semaphore, #tpu.memory_space<semaphore_mem>>)
      %dma_wait3A_35 = arith.constant 0 : i32
      %dma_wait3A_36 = tpu.memref_slice %arg2[%dma_wait3A_35] : memref<10000xf32, #tpu.memory_space<hbm>> -> memref<100xf32, #tpu.memory_space<hbm>>
      %dma_wait3A_37 = arith.constant 0 : i32
      %dma_wait3A_38 = tpu.memref_slice %arg2[%dma_wait3A_37] : memref<10000xf32, #tpu.memory_space<hbm>> -> memref<100xf32, #tpu.memory_space<hbm>>
      tpu.wait_dma2 semaphore(%run_scoped3A : memref<!tpu.dma_semaphore, #tpu.memory_space<semaphore_mem>>) src(%dma_wait3A_38 : memref<100xf32, #tpu.memory_space<hbm>>) dst(%arg10 : memref<100xf32, #tpu.memory_space<vmem>>)
      tpu.yield
    }) : () -> ()
    "tpu.region"() ({
      %run_scoped3A = tpu.sem_alloc : memref<!tpu.dma_semaphore, #tpu.memory_space<semaphore_mem>>
      %dma_start3A = arith.constant 0 : i32
      %dma_start3A_32 = tpu.memref_slice %arg2[%dma_start3A] : memref<10000xf32, #tpu.memory_space<hbm>> -> memref<100xf32, #tpu.memory_space<hbm>>
      %dma_start3A_33 = arith.constant 0 : i32
      %dma_start3A_34 = tpu.memref_slice %arg2[%dma_start3A_33] : memref<10000xf32, #tpu.memory_space<hbm>> -> memref<100xf32, #tpu.memory_space<hbm>>
      tpu.enqueue_dma source(%dma_start3A_34 : memref<100xf32, #tpu.memory_space<hbm>>) target(%arg11 : memref<100xf32, #tpu.memory_space<vmem>>) target_semaphore(%run_scoped3A : memref<!tpu.dma_semaphore, #tpu.memory_space<semaphore_mem>>)
      %dma_wait3A_35 = arith.constant 0 : i32
      %dma_wait3A_36 = tpu.memref_slice %arg2[%dma_wait3A_35] : memref<10000xf32, #tpu.memory_space<hbm>> -> memref<100xf32, #tpu.memory_space<hbm>>
      %dma_wait3A_37 = arith.constant 0 : i32
      %dma_wait3A_38 = tpu.memref_slice %arg2[%dma_wait3A_37] : memref<10000xf32, #tpu.memory_space<hbm>> -> memref<100xf32, #tpu.memory_space<hbm>>
      tpu.wait_dma2 semaphore(%run_scoped3A : memref<!tpu.dma_semaphore, #tpu.memory_space<semaphore_mem>>) src(%dma_wait3A_38 : memref<100xf32, #tpu.memory_space<hbm>>) dst(%arg11 : memref<100xf32, #tpu.memory_space<vmem>>)
      tpu.yield
    }) : () -> ()
    "tpu.region"() ({
      %run_scoped3A = tpu.sem_alloc : memref<!tpu.dma_semaphore, #tpu.memory_space<semaphore_mem>>
      %dma_start3A = arith.constant 0 : i32
      %dma_start3A_32 = tpu.memref_slice %arg2[%dma_start3A] : memref<10000xf32, #tpu.memory_space<hbm>> -> memref<100xf32, #tpu.memory_space<hbm>>
      %dma_start3A_33 = arith.constant 0 : i32
      %dma_start3A_34 = tpu.memref_slice %arg2[%dma_start3A_33] : memref<10000xf32, #tpu.memory_space<hbm>> -> memref<100xf32, #tpu.memory_space<hbm>>
      tpu.enqueue_dma source(%dma_start3A_34 : memref<100xf32, #tpu.memory_space<hbm>>) target(%arg12 : memref<100xf32, #tpu.memory_space<vmem>>) target_semaphore(%run_scoped3A : memref<!tpu.dma_semaphore, #tpu.memory_space<semaphore_mem>>)
      %dma_wait3A_35 = arith.constant 0 : i32
      %dma_wait3A_36 = tpu.memref_slice %arg2[%dma_wait3A_35] : memref<10000xf32, #tpu.memory_space<hbm>> -> memref<100xf32, #tpu.memory_space<hbm>>
      %dma_wait3A_37 = arith.constant 0 : i32
      %dma_wait3A_38 = tpu.memref_slice %arg2[%dma_wait3A_37] : memref<10000xf32, #tpu.memory_space<hbm>> -> memref<100xf32, #tpu.memory_space<hbm>>
      tpu.wait_dma2 semaphore(%run_scoped3A : memref<!tpu.dma_semaphore, #tpu.memory_space<semaphore_mem>>) src(%dma_wait3A_38 : memref<100xf32, #tpu.memory_space<hbm>>) dst(%arg12 : memref<100xf32, #tpu.memory_space<vmem>>)
      tpu.yield
    }) : () -> ()
    "tpu.region"() ({
      %run_scoped3A = tpu.sem_alloc : memref<!tpu.dma_semaphore, #tpu.memory_space<semaphore_mem>>
      %dma_start3A = arith.constant 0 : i32
      %dma_start3A_32 = tpu.memref_slice %arg2[%dma_start3A] : memref<10000xf32, #tpu.memory_space<hbm>> -> memref<100xf32, #tpu.memory_space<hbm>>
      %dma_start3A_33 = arith.constant 0 : i32
      %dma_start3A_34 = tpu.memref_slice %arg2[%dma_start3A_33] : memref<10000xf32, #tpu.memory_space<hbm>> -> memref<100xf32, #tpu.memory_space<hbm>>
      tpu.enqueue_dma source(%dma_start3A_34 : memref<100xf32, #tpu.memory_space<hbm>>) target(%arg13 : memref<100xf32, #tpu.memory_space<vmem>>) target_semaphore(%run_scoped3A : memref<!tpu.dma_semaphore, #tpu.memory_space<semaphore_mem>>)
      %dma_wait3A_35 = arith.constant 0 : i32
      %dma_wait3A_36 = tpu.memref_slice %arg2[%dma_wait3A_35] : memref<10000xf32, #tpu.memory_space<hbm>> -> memref<100xf32, #tpu.memory_space<hbm>>
      %dma_wait3A_37 = arith.constant 0 : i32
      %dma_wait3A_38 = tpu.memref_slice %arg2[%dma_wait3A_37] : memref<10000xf32, #tpu.memory_space<hbm>> -> memref<100xf32, #tpu.memory_space<hbm>>
      tpu.wait_dma2 semaphore(%run_scoped3A : memref<!tpu.dma_semaphore, #tpu.memory_space<semaphore_mem>>) src(%dma_wait3A_38 : memref<100xf32, #tpu.memory_space<hbm>>) dst(%arg13 : memref<100xf32, #tpu.memory_space<vmem>>)
      tpu.yield
    }) : () -> ()
    %barrier3A = arith.constant 0 : index
    tpu.barrier barrier_id(%barrier3A)
    %scan3A = arith.constant 0 : i32
    %scan3A_9 = arith.constant 0 : i32
    %scan3A_10 = arith.constant 25 : i32
    %scan3A_11 = arith.addi %scan3A_9, %scan3A_10 : i32
    %scan3A_12 = arith.constant 1 : i32
    scf.for %scan3A_32 = %scan3A_9 to %scan3A_11 step %scan3A_12  : i32 {
      %mul3A_33 = arith.constant 4 : i32
      %mul3A_34 = arith.muli %scan3A_32, %mul3A_33 : i32
      %add3A = arith.constant 0 : i32
      %add3A_35 = arith.addi %mul3A_34, %add3A : i32
      %dma_start3A = arith.constant 0 : i32
      %dma_start3A_36 = tpu.memref_slice %arg9[%add3A_35, %dma_start3A] : memref<100x100xi32, #tpu.memory_space<vmem>> -> memref<1x100xi32, #tpu.memory_space<vmem>>
      %dma_start3A_37 = tpu.memref_squeeze %dma_start3A_36 : memref<1x100xi32, #tpu.memory_space<vmem>> -> memref<100xi32, #tpu.memory_space<vmem>>
      %dma_start3A_38 = arith.constant 0 : i32
      %dma_start3A_39 = tpu.memref_slice %arg7[%dma_start3A_38] : memref<10000xf32, #tpu.memory_space<vmem_shared>> -> memref<10000xf32, #tpu.memory_space<vmem_shared>>
      tpu.enqueue_indirect_dma source(%arg10 : memref<100xf32, #tpu.memory_space<vmem>>) target(%dma_start3A_39 : memref<10000xf32, #tpu.memory_space<vmem_shared>>) offsets(%dma_start3A_37 : memref<100xi32, #tpu.memory_space<vmem>>) semaphore(%arg18 : memref<!tpu.dma_semaphore, #tpu.memory_space<semaphore_mem>>) {add = true}
      %ge3A = arith.constant 2 : i32
      %ge3A_40 = arith.cmpi sge, %add3A_35, %ge3A : i32
      %convert_element_type3A_41 = arith.extui %ge3A_40 : i1 to i32
      %cond3A_42 = arith.constant 0 : i32
      %cond3A_43 = arith.cmpi ne, %convert_element_type3A_41, %cond3A_42 : i32
      scf.if %cond3A_43 {
        %dma_wait3A_86 = arith.constant 0 : i32
        %dma_wait3A_87 = tpu.memref_slice %arg2[%dma_wait3A_86] : memref<10000xf32, #tpu.memory_space<hbm>> -> memref<100xf32, #tpu.memory_space<hbm>>
        %dma_wait3A_88 = arith.constant 0 : i32
        %dma_wait3A_89 = tpu.memref_slice %arg2[%dma_wait3A_88] : memref<10000xf32, #tpu.memory_space<hbm>> -> memref<100xf32, #tpu.memory_space<hbm>>
        tpu.wait_dma2 semaphore(%arg20 : memref<!tpu.dma_semaphore, #tpu.memory_space<semaphore_mem>>) src(%dma_wait3A_89 : memref<100xf32, #tpu.memory_space<hbm>>) dst(%arg12 : memref<100xf32, #tpu.memory_space<vmem>>)
      } else {
      }
      %mul3A_44 = arith.constant 4 : i32
      %mul3A_45 = arith.muli %scan3A_32, %mul3A_44 : i32
      %add3A_46 = arith.constant 1 : i32
      %add3A_47 = arith.addi %mul3A_45, %add3A_46 : i32
      %dma_start3A_48 = arith.constant 0 : i32
      %dma_start3A_49 = tpu.memref_slice %arg9[%add3A_47, %dma_start3A_48] : memref<100x100xi32, #tpu.memory_space<vmem>> -> memref<1x100xi32, #tpu.memory_space<vmem>>
      %dma_start3A_50 = tpu.memref_squeeze %dma_start3A_49 : memref<1x100xi32, #tpu.memory_space<vmem>> -> memref<100xi32, #tpu.memory_space<vmem>>
      %dma_start3A_51 = arith.constant 0 : i32
      %dma_start3A_52 = tpu.memref_slice %arg7[%dma_start3A_51] : memref<10000xf32, #tpu.memory_space<vmem_shared>> -> memref<10000xf32, #tpu.memory_space<vmem_shared>>
      tpu.enqueue_indirect_dma source(%arg11 : memref<100xf32, #tpu.memory_space<vmem>>) target(%dma_start3A_52 : memref<10000xf32, #tpu.memory_space<vmem_shared>>) offsets(%dma_start3A_50 : memref<100xi32, #tpu.memory_space<vmem>>) semaphore(%arg19 : memref<!tpu.dma_semaphore, #tpu.memory_space<semaphore_mem>>) {add = true}
      %ge3A_53 = arith.constant 2 : i32
      %ge3A_54 = arith.cmpi sge, %add3A_47, %ge3A_53 : i32
      %convert_element_type3A_55 = arith.extui %ge3A_54 : i1 to i32
      %cond3A_56 = arith.constant 0 : i32
      %cond3A_57 = arith.cmpi ne, %convert_element_type3A_55, %cond3A_56 : i32
      scf.if %cond3A_57 {
        %dma_wait3A_86 = arith.constant 0 : i32
        %dma_wait3A_87 = tpu.memref_slice %arg2[%dma_wait3A_86] : memref<10000xf32, #tpu.memory_space<hbm>> -> memref<100xf32, #tpu.memory_space<hbm>>
        %dma_wait3A_88 = arith.constant 0 : i32
        %dma_wait3A_89 = tpu.memref_slice %arg2[%dma_wait3A_88] : memref<10000xf32, #tpu.memory_space<hbm>> -> memref<100xf32, #tpu.memory_space<hbm>>
        tpu.wait_dma2 semaphore(%arg21 : memref<!tpu.dma_semaphore, #tpu.memory_space<semaphore_mem>>) src(%dma_wait3A_89 : memref<100xf32, #tpu.memory_space<hbm>>) dst(%arg13 : memref<100xf32, #tpu.memory_space<vmem>>)
      } else {
      }
      %mul3A_58 = arith.constant 4 : i32
      %mul3A_59 = arith.muli %scan3A_32, %mul3A_58 : i32
      %add3A_60 = arith.constant 2 : i32
      %add3A_61 = arith.addi %mul3A_59, %add3A_60 : i32
      %dma_start3A_62 = arith.constant 0 : i32
      %dma_start3A_63 = tpu.memref_slice %arg9[%add3A_61, %dma_start3A_62] : memref<100x100xi32, #tpu.memory_space<vmem>> -> memref<1x100xi32, #tpu.memory_space<vmem>>
      %dma_start3A_64 = tpu.memref_squeeze %dma_start3A_63 : memref<1x100xi32, #tpu.memory_space<vmem>> -> memref<100xi32, #tpu.memory_space<vmem>>
      %dma_start3A_65 = arith.constant 0 : i32
      %dma_start3A_66 = tpu.memref_slice %arg7[%dma_start3A_65] : memref<10000xf32, #tpu.memory_space<vmem_shared>> -> memref<10000xf32, #tpu.memory_space<vmem_shared>>
      tpu.enqueue_indirect_dma source(%arg12 : memref<100xf32, #tpu.memory_space<vmem>>) target(%dma_start3A_66 : memref<10000xf32, #tpu.memory_space<vmem_shared>>) offsets(%dma_start3A_64 : memref<100xi32, #tpu.memory_space<vmem>>) semaphore(%arg20 : memref<!tpu.dma_semaphore, #tpu.memory_space<semaphore_mem>>) {add = true}
      %ge3A_67 = arith.constant 2 : i32
      %ge3A_68 = arith.cmpi sge, %add3A_61, %ge3A_67 : i32
      %convert_element_type3A_69 = arith.extui %ge3A_68 : i1 to i32
      %cond3A_70 = arith.constant 0 : i32
      %cond3A_71 = arith.cmpi ne, %convert_element_type3A_69, %cond3A_70 : i32
      scf.if %cond3A_71 {
        %dma_wait3A_86 = arith.constant 0 : i32
        %dma_wait3A_87 = tpu.memref_slice %arg2[%dma_wait3A_86] : memref<10000xf32, #tpu.memory_space<hbm>> -> memref<100xf32, #tpu.memory_space<hbm>>
        %dma_wait3A_88 = arith.constant 0 : i32
        %dma_wait3A_89 = tpu.memref_slice %arg2[%dma_wait3A_88] : memref<10000xf32, #tpu.memory_space<hbm>> -> memref<100xf32, #tpu.memory_space<hbm>>
        tpu.wait_dma2 semaphore(%arg18 : memref<!tpu.dma_semaphore, #tpu.memory_space<semaphore_mem>>) src(%dma_wait3A_89 : memref<100xf32, #tpu.memory_space<hbm>>) dst(%arg10 : memref<100xf32, #tpu.memory_space<vmem>>)
      } else {
      }
      %mul3A_72 = arith.constant 4 : i32
      %mul3A_73 = arith.muli %scan3A_32, %mul3A_72 : i32
      %add3A_74 = arith.constant 3 : i32
      %add3A_75 = arith.addi %mul3A_73, %add3A_74 : i32
      %dma_start3A_76 = arith.constant 0 : i32
      %dma_start3A_77 = tpu.memref_slice %arg9[%add3A_75, %dma_start3A_76] : memref<100x100xi32, #tpu.memory_space<vmem>> -> memref<1x100xi32, #tpu.memory_space<vmem>>
      %dma_start3A_78 = tpu.memref_squeeze %dma_start3A_77 : memref<1x100xi32, #tpu.memory_space<vmem>> -> memref<100xi32, #tpu.memory_space<vmem>>
      %dma_start3A_79 = arith.constant 0 : i32
      %dma_start3A_80 = tpu.memref_slice %arg7[%dma_start3A_79] : memref<10000xf32, #tpu.memory_space<vmem_shared>> -> memref<10000xf32, #tpu.memory_space<vmem_shared>>
      tpu.enqueue_indirect_dma source(%arg13 : memref<100xf32, #tpu.memory_space<vmem>>) target(%dma_start3A_80 : memref<10000xf32, #tpu.memory_space<vmem_shared>>) offsets(%dma_start3A_78 : memref<100xi32, #tpu.memory_space<vmem>>) semaphore(%arg21 : memref<!tpu.dma_semaphore, #tpu.memory_space<semaphore_mem>>) {add = true}
      %ge3A_81 = arith.constant 2 : i32
      %ge3A_82 = arith.cmpi sge, %add3A_75, %ge3A_81 : i32
      %convert_element_type3A_83 = arith.extui %ge3A_82 : i1 to i32
      %cond3A_84 = arith.constant 0 : i32
      %cond3A_85 = arith.cmpi ne, %convert_element_type3A_83, %cond3A_84 : i32
      scf.if %cond3A_85 {
        %dma_wait3A_86 = arith.constant 0 : i32
        %dma_wait3A_87 = tpu.memref_slice %arg2[%dma_wait3A_86] : memref<10000xf32, #tpu.memory_space<hbm>> -> memref<100xf32, #tpu.memory_space<hbm>>
        %dma_wait3A_88 = arith.constant 0 : i32
        %dma_wait3A_89 = tpu.memref_slice %arg2[%dma_wait3A_88] : memref<10000xf32, #tpu.memory_space<hbm>> -> memref<100xf32, #tpu.memory_space<hbm>>
        tpu.wait_dma2 semaphore(%arg19 : memref<!tpu.dma_semaphore, #tpu.memory_space<semaphore_mem>>) src(%dma_wait3A_89 : memref<100xf32, #tpu.memory_space<hbm>>) dst(%arg11 : memref<100xf32, #tpu.memory_space<vmem>>)
      } else {
      }
    }
    %scan3A_13 = arith.constant 25 : i32
    %dma_wait3A = arith.constant 0 : i32
    %dma_wait3A_14 = tpu.memref_slice %arg2[%dma_wait3A] : memref<10000xf32, #tpu.memory_space<hbm>> -> memref<100xf32, #tpu.memory_space<hbm>>
    %dma_wait3A_15 = arith.constant 0 : i32
    %dma_wait3A_16 = tpu.memref_slice %arg2[%dma_wait3A_15] : memref<10000xf32, #tpu.memory_space<hbm>> -> memref<100xf32, #tpu.memory_space<hbm>>
    tpu.wait_dma2 semaphore(%arg20 : memref<!tpu.dma_semaphore, #tpu.memory_space<semaphore_mem>>) src(%dma_wait3A_16 : memref<100xf32, #tpu.memory_space<hbm>>) dst(%arg10 : memref<100xf32, #tpu.memory_space<vmem>>)
    %dma_wait3A_17 = arith.constant 0 : i32
    %dma_wait3A_18 = tpu.memref_slice %arg2[%dma_wait3A_17] : memref<10000xf32, #tpu.memory_space<hbm>> -> memref<100xf32, #tpu.memory_space<hbm>>
    %dma_wait3A_19 = arith.constant 0 : i32
    %dma_wait3A_20 = tpu.memref_slice %arg2[%dma_wait3A_19] : memref<10000xf32, #tpu.memory_space<hbm>> -> memref<100xf32, #tpu.memory_space<hbm>>
    tpu.wait_dma2 semaphore(%arg21 : memref<!tpu.dma_semaphore, #tpu.memory_space<semaphore_mem>>) src(%dma_wait3A_20 : memref<100xf32, #tpu.memory_space<hbm>>) dst(%arg11 : memref<100xf32, #tpu.memory_space<vmem>>)
    %barrier3A_21 = arith.constant 0 : index
    tpu.barrier barrier_id(%barrier3A_21)
    %lt3A_22 = arith.constant 15 : i32
    %lt3A_23 = arith.cmpi slt, %arg1, %lt3A_22 : i32
    %convert_element_type3A_24 = arith.extui %lt3A_23 : i1 to i32
    %cond3A_25 = arith.constant 0 : i32
    %cond3A_26 = arith.cmpi ne, %convert_element_type3A_24, %cond3A_25 : i32
    scf.if %cond3A_26 {
      %mul3A_32 = arith.constant 632 : i32
      %mul3A_33 = arith.muli %arg1, %mul3A_32 : i32
      %mul3A_34 = arith.constant 632 : i32
      %mul3A_35 = arith.muli %arg1, %mul3A_34 : i32
      "tpu.region"() ({
        %run_scoped3A = tpu.sem_alloc : memref<!tpu.dma_semaphore, #tpu.memory_space<semaphore_mem>>
        %dma_start3A = arith.constant 0 : i32
        %dma_start3A_36 = tpu.memref_slice %arg6[%arg0, %dma_start3A] : memref<2x10000xf32, #tpu.memory_space<hbm>> -> memref<1x10000xf32, #tpu.memory_space<hbm>>
        %dma_start3A_37 = tpu.memref_squeeze %dma_start3A_36 : memref<1x10000xf32, #tpu.memory_space<hbm>> -> memref<10000xf32, #tpu.memory_space<hbm>>
        %dma_start3A_38 = tpu.memref_slice %dma_start3A_37[%mul3A_35] : memref<10000xf32, #tpu.memory_space<hbm>> -> memref<632xf32, #tpu.memory_space<hbm>>
        %dma_start3A_39 = tpu.memref_slice %arg7[%mul3A_33] : memref<10000xf32, #tpu.memory_space<vmem_shared>> -> memref<632xf32, #tpu.memory_space<vmem_shared>>
        tpu.enqueue_dma source(%dma_start3A_39 : memref<632xf32, #tpu.memory_space<vmem_shared>>) target(%dma_start3A_38 : memref<632xf32, #tpu.memory_space<hbm>>) target_semaphore(%run_scoped3A : memref<!tpu.dma_semaphore, #tpu.memory_space<semaphore_mem>>)
        %dma_wait3A_40 = arith.constant 0 : i32
        %dma_wait3A_41 = tpu.memref_slice %arg6[%arg0, %dma_wait3A_40] : memref<2x10000xf32, #tpu.memory_space<hbm>> -> memref<1x10000xf32, #tpu.memory_space<hbm>>
        %dma_wait3A_42 = tpu.memref_squeeze %dma_wait3A_41 : memref<1x10000xf32, #tpu.memory_space<hbm>> -> memref<10000xf32, #tpu.memory_space<hbm>>
        %dma_wait3A_43 = tpu.memref_slice %dma_wait3A_42[%mul3A_35] : memref<10000xf32, #tpu.memory_space<hbm>> -> memref<632xf32, #tpu.memory_space<hbm>>
        %dma_wait3A_44 = tpu.memref_slice %arg7[%mul3A_33] : memref<10000xf32, #tpu.memory_space<vmem_shared>> -> memref<632xf32, #tpu.memory_space<vmem_shared>>
        tpu.wait_dma2 semaphore(%run_scoped3A : memref<!tpu.dma_semaphore, #tpu.memory_space<semaphore_mem>>) src(%dma_wait3A_44 : memref<632xf32, #tpu.memory_space<vmem_shared>>) dst(%dma_wait3A_43 : memref<632xf32, #tpu.memory_space<hbm>>)
        tpu.yield
      }) : () -> ()
    } else {
    }
    %eq3A_27 = arith.constant 15 : i32
    %eq3A_28 = arith.cmpi eq, %arg1, %eq3A_27 : i32
    %convert_element_type3A_29 = arith.extui %eq3A_28 : i1 to i32
    %cond3A_30 = arith.constant 0 : i32
    %cond3A_31 = arith.cmpi ne, %convert_element_type3A_29, %cond3A_30 : i32
    scf.if %cond3A_31 {
      "tpu.region"() ({
        %run_scoped3A = tpu.sem_alloc : memref<!tpu.dma_semaphore, #tpu.memory_space<semaphore_mem>>
        %dma_start3A = arith.constant 0 : i32
        %dma_start3A_32 = tpu.memref_slice %arg6[%arg0, %dma_start3A] : memref<2x10000xf32, #tpu.memory_space<hbm>> -> memref<1x10000xf32, #tpu.memory_space<hbm>>
        %dma_start3A_33 = tpu.memref_squeeze %dma_start3A_32 : memref<1x10000xf32, #tpu.memory_space<hbm>> -> memref<10000xf32, #tpu.memory_space<hbm>>
        %dma_start3A_34 = arith.constant 9480 : i32
        %dma_start3A_35 = tpu.memref_slice %dma_start3A_33[%dma_start3A_34] : memref<10000xf32, #tpu.memory_space<hbm>> -> memref<520xf32, #tpu.memory_space<hbm>>
        %dma_start3A_36 = arith.constant 9480 : i32
        %dma_start3A_37 = tpu.memref_slice %arg7[%dma_start3A_36] : memref<10000xf32, #tpu.memory_space<vmem_shared>> -> memref<520xf32, #tpu.memory_space<vmem_shared>>
        tpu.enqueue_dma source(%dma_start3A_37 : memref<520xf32, #tpu.memory_space<vmem_shared>>) target(%dma_start3A_35 : memref<520xf32, #tpu.memory_space<hbm>>) target_semaphore(%run_scoped3A : memref<!tpu.dma_semaphore, #tpu.memory_space<semaphore_mem>>)
        %dma_wait3A_38 = arith.constant 0 : i32
        %dma_wait3A_39 = tpu.memref_slice %arg6[%arg0, %dma_wait3A_38] : memref<2x10000xf32, #tpu.memory_space<hbm>> -> memref<1x10000xf32, #tpu.memory_space<hbm>>
        %dma_wait3A_40 = tpu.memref_squeeze %dma_wait3A_39 : memref<1x10000xf32, #tpu.memory_space<hbm>> -> memref<10000xf32, #tpu.memory_space<hbm>>
        %dma_wait3A_41 = arith.constant 9480 : i32
        %dma_wait3A_42 = tpu.memref_slice %dma_wait3A_40[%dma_wait3A_41] : memref<10000xf32, #tpu.memory_space<hbm>> -> memref<520xf32, #tpu.memory_space<hbm>>
        %dma_wait3A_43 = arith.constant 9480 : i32
        %dma_wait3A_44 = tpu.memref_slice %arg7[%dma_wait3A_43] : memref<10000xf32, #tpu.memory_space<vmem_shared>> -> memref<520xf32, #tpu.memory_space<vmem_shared>>
        tpu.wait_dma2 semaphore(%run_scoped3A : memref<!tpu.dma_semaphore, #tpu.memory_space<semaphore_mem>>) src(%dma_wait3A_44 : memref<520xf32, #tpu.memory_space<vmem_shared>>) dst(%dma_wait3A_42 : memref<520xf32, #tpu.memory_space<hbm>>)
        tpu.yield
      }) : () -> ()
    } else {
    }
    return
  }
}

#map = affine_map<(d0, d1) -> (0)>
#map1 = affine_map<(d0, d1) -> (0, 0, 0)>
#map2 = affine_map<(d0, d1) -> (0, 0)>
module attributes {stable_mosaic.version = 14 : i64} {
  func.func @seg(%arg0: i32, %arg1: i32, %arg2: memref<10000xf32, #tpu.memory_space<hbm>>, %arg3: memref<16x200x100xi32, #tpu.memory_space<hbm>>, %arg4: memref<16x200x100xi32, #tpu.memory_space<hbm>>, %arg5: memref<10000xf32, #tpu.memory_space<hbm>>, %arg6: memref<2x10000xf32, #tpu.memory_space<hbm>>, %arg7: memref<10000xf32, #tpu.memory_space<vmem_shared>>, %arg8: memref<100x100xi32, #tpu.memory_space<vmem>>, %arg9: memref<100x100xi32, #tpu.memory_space<vmem>>, %arg10: memref<100xf32, #tpu.memory_space<vmem>>, %arg11: memref<100xf32, #tpu.memory_space<vmem>>, %arg12: memref<100xf32, #tpu.memory_space<vmem>>, %arg13: memref<100xf32, #tpu.memory_space<vmem>>, %arg14: memref<!tpu.dma_semaphore, #tpu.memory_space<semaphore_mem>>, %arg15: memref<!tpu.dma_semaphore, #tpu.memory_space<semaphore_mem>>, %arg16: memref<!tpu.dma_semaphore, #tpu.memory_space<semaphore_mem>>, %arg17: memref<!tpu.dma_semaphore, #tpu.memory_space<semaphore_mem>>, %arg18: memref<!tpu.dma_semaphore, #tpu.memory_space<semaphore_mem>>, %arg19: memref<!tpu.dma_semaphore, #tpu.memory_space<semaphore_mem>>, %arg20: memref<!tpu.dma_semaphore, #tpu.memory_space<semaphore_mem>>, %arg21: memref<!tpu.dma_semaphore, #tpu.memory_space<semaphore_mem>>) attributes {dimension_semantics = [#tpu.dimension_semantics<core_parallel>, #tpu.dimension_semantics<subcore_parallel>], iteration_bounds = array<i64: 2, 16>, scalar_prefetch = 0 : i64, scratch_operands = 15 : i64, tpu.core_type = #tpu.core_type<sc_vector_subcore>, window_params = [{transform_indices = #map}, {transform_indices = #map1}, {transform_indices = #map1}, {transform_indices = #map}, {transform_indices = #map2}]} {
    %mul3A = arith.constant 100 : i32
    %mul3A_0 = arith.muli %arg0, %mul3A : i32
    "tpu.region"() ({
      %run_scoped3A = tpu.sem_alloc : memref<!tpu.dma_semaphore, #tpu.memory_space<semaphore_mem>>
      %dma_start3A_43 = arith.constant 0 : i32
      %dma_start3A_44 = tpu.memref_slice %arg3[%arg1, %mul3A_0, %dma_start3A_43] : memref<16x200x100xi32, #tpu.memory_space<hbm>> -> memref<1x100x100xi32, #tpu.memory_space<hbm>>
      %dma_start3A_45 = tpu.memref_squeeze %dma_start3A_44 : memref<1x100x100xi32, #tpu.memory_space<hbm>> -> memref<100x100xi32, #tpu.memory_space<hbm>>
      %dma_start3A_46 = arith.constant 0 : i32
      %dma_start3A_47 = tpu.memref_slice %arg3[%arg1, %mul3A_0, %dma_start3A_46] : memref<16x200x100xi32, #tpu.memory_space<hbm>> -> memref<1x100x100xi32, #tpu.memory_space<hbm>>
      %dma_start3A_48 = tpu.memref_squeeze %dma_start3A_47 : memref<1x100x100xi32, #tpu.memory_space<hbm>> -> memref<100x100xi32, #tpu.memory_space<hbm>>
      tpu.enqueue_dma source(%dma_start3A_48 : memref<100x100xi32, #tpu.memory_space<hbm>>) target(%arg8 : memref<100x100xi32, #tpu.memory_space<vmem>>) target_semaphore(%run_scoped3A : memref<!tpu.dma_semaphore, #tpu.memory_space<semaphore_mem>>)
      %dma_wait3A_49 = arith.constant 0 : i32
      %dma_wait3A_50 = tpu.memref_slice %arg3[%arg1, %mul3A_0, %dma_wait3A_49] : memref<16x200x100xi32, #tpu.memory_space<hbm>> -> memref<1x100x100xi32, #tpu.memory_space<hbm>>
      %dma_wait3A_51 = tpu.memref_squeeze %dma_wait3A_50 : memref<1x100x100xi32, #tpu.memory_space<hbm>> -> memref<100x100xi32, #tpu.memory_space<hbm>>
      %dma_wait3A_52 = arith.constant 0 : i32
      %dma_wait3A_53 = tpu.memref_slice %arg3[%arg1, %mul3A_0, %dma_wait3A_52] : memref<16x200x100xi32, #tpu.memory_space<hbm>> -> memref<1x100x100xi32, #tpu.memory_space<hbm>>
      %dma_wait3A_54 = tpu.memref_squeeze %dma_wait3A_53 : memref<1x100x100xi32, #tpu.memory_space<hbm>> -> memref<100x100xi32, #tpu.memory_space<hbm>>
      tpu.wait_dma2 semaphore(%run_scoped3A : memref<!tpu.dma_semaphore, #tpu.memory_space<semaphore_mem>>) src(%dma_wait3A_54 : memref<100x100xi32, #tpu.memory_space<hbm>>) dst(%arg8 : memref<100x100xi32, #tpu.memory_space<vmem>>)
      tpu.yield
    }) : () -> ()
    %mul3A_1 = arith.constant 100 : i32
    %mul3A_2 = arith.muli %arg0, %mul3A_1 : i32
    "tpu.region"() ({
      %run_scoped3A = tpu.sem_alloc : memref<!tpu.dma_semaphore, #tpu.memory_space<semaphore_mem>>
      %dma_start3A_43 = arith.constant 0 : i32
      %dma_start3A_44 = tpu.memref_slice %arg4[%arg1, %mul3A_2, %dma_start3A_43] : memref<16x200x100xi32, #tpu.memory_space<hbm>> -> memref<1x100x100xi32, #tpu.memory_space<hbm>>
      %dma_start3A_45 = tpu.memref_squeeze %dma_start3A_44 : memref<1x100x100xi32, #tpu.memory_space<hbm>> -> memref<100x100xi32, #tpu.memory_space<hbm>>
      %dma_start3A_46 = arith.constant 0 : i32
      %dma_start3A_47 = tpu.memref_slice %arg4[%arg1, %mul3A_2, %dma_start3A_46] : memref<16x200x100xi32, #tpu.memory_space<hbm>> -> memref<1x100x100xi32, #tpu.memory_space<hbm>>
      %dma_start3A_48 = tpu.memref_squeeze %dma_start3A_47 : memref<1x100x100xi32, #tpu.memory_space<hbm>> -> memref<100x100xi32, #tpu.memory_space<hbm>>
      tpu.enqueue_dma source(%dma_start3A_48 : memref<100x100xi32, #tpu.memory_space<hbm>>) target(%arg9 : memref<100x100xi32, #tpu.memory_space<vmem>>) target_semaphore(%run_scoped3A : memref<!tpu.dma_semaphore, #tpu.memory_space<semaphore_mem>>)
      %dma_wait3A_49 = arith.constant 0 : i32
      %dma_wait3A_50 = tpu.memref_slice %arg4[%arg1, %mul3A_2, %dma_wait3A_49] : memref<16x200x100xi32, #tpu.memory_space<hbm>> -> memref<1x100x100xi32, #tpu.memory_space<hbm>>
      %dma_wait3A_51 = tpu.memref_squeeze %dma_wait3A_50 : memref<1x100x100xi32, #tpu.memory_space<hbm>> -> memref<100x100xi32, #tpu.memory_space<hbm>>
      %dma_wait3A_52 = arith.constant 0 : i32
      %dma_wait3A_53 = tpu.memref_slice %arg4[%arg1, %mul3A_2, %dma_wait3A_52] : memref<16x200x100xi32, #tpu.memory_space<hbm>> -> memref<1x100x100xi32, #tpu.memory_space<hbm>>
      %dma_wait3A_54 = tpu.memref_squeeze %dma_wait3A_53 : memref<1x100x100xi32, #tpu.memory_space<hbm>> -> memref<100x100xi32, #tpu.memory_space<hbm>>
      tpu.wait_dma2 semaphore(%run_scoped3A : memref<!tpu.dma_semaphore, #tpu.memory_space<semaphore_mem>>) src(%dma_wait3A_54 : memref<100x100xi32, #tpu.memory_space<hbm>>) dst(%arg9 : memref<100x100xi32, #tpu.memory_space<vmem>>)
      tpu.yield
    }) : () -> ()
    %lt3A = arith.constant 15 : i32
    %lt3A_3 = arith.cmpi slt, %arg1, %lt3A : i32
    %convert_element_type3A = arith.extui %lt3A_3 : i1 to i32
    %cond3A = arith.constant 0 : i32
    %cond3A_4 = arith.cmpi ne, %convert_element_type3A, %cond3A : i32
    scf.if %cond3A_4 {
      %mul3A_43 = arith.constant 632 : i32
      %mul3A_44 = arith.muli %arg1, %mul3A_43 : i32
      %mul3A_45 = arith.constant 632 : i32
      %mul3A_46 = arith.muli %arg1, %mul3A_45 : i32
      "tpu.region"() ({
        %run_scoped3A = tpu.sem_alloc : memref<!tpu.dma_semaphore, #tpu.memory_space<semaphore_mem>>
        %dma_start3A_47 = tpu.memref_slice %arg7[%mul3A_46] : memref<10000xf32, #tpu.memory_space<vmem_shared>> -> memref<632xf32, #tpu.memory_space<vmem_shared>>
        %dma_start3A_48 = tpu.memref_slice %arg5[%mul3A_44] : memref<10000xf32, #tpu.memory_space<hbm>> -> memref<632xf32, #tpu.memory_space<hbm>>
        tpu.enqueue_dma source(%dma_start3A_48 : memref<632xf32, #tpu.memory_space<hbm>>) target(%dma_start3A_47 : memref<632xf32, #tpu.memory_space<vmem_shared>>) target_semaphore(%run_scoped3A : memref<!tpu.dma_semaphore, #tpu.memory_space<semaphore_mem>>)
        %dma_wait3A_49 = tpu.memref_slice %arg7[%mul3A_46] : memref<10000xf32, #tpu.memory_space<vmem_shared>> -> memref<632xf32, #tpu.memory_space<vmem_shared>>
        %dma_wait3A_50 = tpu.memref_slice %arg5[%mul3A_44] : memref<10000xf32, #tpu.memory_space<hbm>> -> memref<632xf32, #tpu.memory_space<hbm>>
        tpu.wait_dma2 semaphore(%run_scoped3A : memref<!tpu.dma_semaphore, #tpu.memory_space<semaphore_mem>>) src(%dma_wait3A_50 : memref<632xf32, #tpu.memory_space<hbm>>) dst(%dma_wait3A_49 : memref<632xf32, #tpu.memory_space<vmem_shared>>)
        tpu.yield
      }) : () -> ()
    } else {
    }
    %eq3A = arith.constant 15 : i32
    %eq3A_5 = arith.cmpi eq, %arg1, %eq3A : i32
    %convert_element_type3A_6 = arith.extui %eq3A_5 : i1 to i32
    %cond3A_7 = arith.constant 0 : i32
    %cond3A_8 = arith.cmpi ne, %convert_element_type3A_6, %cond3A_7 : i32
    scf.if %cond3A_8 {
      "tpu.region"() ({
        %run_scoped3A = tpu.sem_alloc : memref<!tpu.dma_semaphore, #tpu.memory_space<semaphore_mem>>
        %dma_start3A_43 = arith.constant 9480 : i32
        %dma_start3A_44 = tpu.memref_slice %arg7[%dma_start3A_43] : memref<10000xf32, #tpu.memory_space<vmem_shared>> -> memref<520xf32, #tpu.memory_space<vmem_shared>>
        %dma_start3A_45 = arith.constant 9480 : i32
        %dma_start3A_46 = tpu.memref_slice %arg5[%dma_start3A_45] : memref<10000xf32, #tpu.memory_space<hbm>> -> memref<520xf32, #tpu.memory_space<hbm>>
        tpu.enqueue_dma source(%dma_start3A_46 : memref<520xf32, #tpu.memory_space<hbm>>) target(%dma_start3A_44 : memref<520xf32, #tpu.memory_space<vmem_shared>>) target_semaphore(%run_scoped3A : memref<!tpu.dma_semaphore, #tpu.memory_space<semaphore_mem>>)
        %dma_wait3A_47 = arith.constant 9480 : i32
        %dma_wait3A_48 = tpu.memref_slice %arg7[%dma_wait3A_47] : memref<10000xf32, #tpu.memory_space<vmem_shared>> -> memref<520xf32, #tpu.memory_space<vmem_shared>>
        %dma_wait3A_49 = arith.constant 9480 : i32
        %dma_wait3A_50 = tpu.memref_slice %arg5[%dma_wait3A_49] : memref<10000xf32, #tpu.memory_space<hbm>> -> memref<520xf32, #tpu.memory_space<hbm>>
        tpu.wait_dma2 semaphore(%run_scoped3A : memref<!tpu.dma_semaphore, #tpu.memory_space<semaphore_mem>>) src(%dma_wait3A_50 : memref<520xf32, #tpu.memory_space<hbm>>) dst(%dma_wait3A_48 : memref<520xf32, #tpu.memory_space<vmem_shared>>)
        tpu.yield
      }) : () -> ()
    } else {
    }
    %dma_start3A = arith.constant 0 : i32
    %dma_start3A_9 = arith.constant 0 : i32
    %dma_start3A_10 = tpu.memref_slice %arg8[%dma_start3A, %dma_start3A_9] : memref<100x100xi32, #tpu.memory_space<vmem>> -> memref<1x100xi32, #tpu.memory_space<vmem>>
    %dma_start3A_11 = tpu.memref_squeeze %dma_start3A_10 : memref<1x100xi32, #tpu.memory_space<vmem>> -> memref<100xi32, #tpu.memory_space<vmem>>
    %dma_start3A_12 = arith.constant 0 : i32
    %dma_start3A_13 = tpu.memref_slice %arg2[%dma_start3A_12] : memref<10000xf32, #tpu.memory_space<hbm>> -> memref<10000xf32, #tpu.memory_space<hbm>>
    tpu.enqueue_indirect_dma source(%dma_start3A_13 : memref<10000xf32, #tpu.memory_space<hbm>>) target(%arg10 : memref<100xf32, #tpu.memory_space<vmem>>) offsets(%dma_start3A_11 : memref<100xi32, #tpu.memory_space<vmem>>) semaphore(%arg14 : memref<!tpu.dma_semaphore, #tpu.memory_space<semaphore_mem>>)
    %dma_start3A_14 = arith.constant 1 : i32
    %dma_start3A_15 = arith.constant 0 : i32
    %dma_start3A_16 = tpu.memref_slice %arg8[%dma_start3A_14, %dma_start3A_15] : memref<100x100xi32, #tpu.memory_space<vmem>> -> memref<1x100xi32, #tpu.memory_space<vmem>>
    %dma_start3A_17 = tpu.memref_squeeze %dma_start3A_16 : memref<1x100xi32, #tpu.memory_space<vmem>> -> memref<100xi32, #tpu.memory_space<vmem>>
    %dma_start3A_18 = arith.constant 0 : i32
    %dma_start3A_19 = tpu.memref_slice %arg2[%dma_start3A_18] : memref<10000xf32, #tpu.memory_space<hbm>> -> memref<10000xf32, #tpu.memory_space<hbm>>
    tpu.enqueue_indirect_dma source(%dma_start3A_19 : memref<10000xf32, #tpu.memory_space<hbm>>) target(%arg11 : memref<100xf32, #tpu.memory_space<vmem>>) offsets(%dma_start3A_17 : memref<100xi32, #tpu.memory_space<vmem>>) semaphore(%arg15 : memref<!tpu.dma_semaphore, #tpu.memory_space<semaphore_mem>>)
    %barrier3A = arith.constant 0 : index
    tpu.barrier barrier_id(%barrier3A)
    %scan3A = arith.constant 0 : i32
    %scan3A_20 = arith.constant 0 : i32
    %scan3A_21 = arith.constant 25 : i32
    %scan3A_22 = arith.addi %scan3A_20, %scan3A_21 : i32
    %scan3A_23 = arith.constant 1 : i32
    scf.for %scan3A_43 = %scan3A_20 to %scan3A_22 step %scan3A_23  : i32 {
      %mul3A_44 = arith.constant 4 : i32
      %mul3A_45 = arith.muli %scan3A_43, %mul3A_44 : i32
      %add3A = arith.constant 0 : i32
      %add3A_46 = arith.addi %mul3A_45, %add3A : i32
      %dma_wait3A_47 = arith.constant 0 : i32
      %dma_wait3A_48 = tpu.memref_slice %arg8[%add3A_46, %dma_wait3A_47] : memref<100x100xi32, #tpu.memory_space<vmem>> -> memref<1x100xi32, #tpu.memory_space<vmem>>
      %dma_wait3A_49 = tpu.memref_squeeze %dma_wait3A_48 : memref<1x100xi32, #tpu.memory_space<vmem>> -> memref<100xi32, #tpu.memory_space<vmem>>
      %dma_wait3A_50 = arith.constant 0 : i32
      %dma_wait3A_51 = tpu.memref_slice %arg2[%dma_wait3A_50] : memref<10000xf32, #tpu.memory_space<hbm>> -> memref<10000xf32, #tpu.memory_space<hbm>>
      tpu.wait_indirect_dma semaphore(%arg14 : memref<!tpu.dma_semaphore, #tpu.memory_space<semaphore_mem>>) src(%dma_wait3A_51 : memref<10000xf32, #tpu.memory_space<hbm>>) dst(%arg10 : memref<100xf32, #tpu.memory_space<vmem>>)
      %dma_start3A_52 = arith.constant 0 : i32
      %dma_start3A_53 = tpu.memref_slice %arg9[%add3A_46, %dma_start3A_52] : memref<100x100xi32, #tpu.memory_space<vmem>> -> memref<1x100xi32, #tpu.memory_space<vmem>>
      %dma_start3A_54 = tpu.memref_squeeze %dma_start3A_53 : memref<1x100xi32, #tpu.memory_space<vmem>> -> memref<100xi32, #tpu.memory_space<vmem>>
      %dma_start3A_55 = arith.constant 0 : i32
      %dma_start3A_56 = tpu.memref_slice %arg7[%dma_start3A_55] : memref<10000xf32, #tpu.memory_space<vmem_shared>> -> memref<10000xf32, #tpu.memory_space<vmem_shared>>
      tpu.enqueue_indirect_dma source(%arg10 : memref<100xf32, #tpu.memory_space<vmem>>) target(%dma_start3A_56 : memref<10000xf32, #tpu.memory_space<vmem_shared>>) offsets(%dma_start3A_54 : memref<100xi32, #tpu.memory_space<vmem>>) semaphore(%arg18 : memref<!tpu.dma_semaphore, #tpu.memory_space<semaphore_mem>>) {add = true}
      %ge3A = arith.constant 2 : i32
      %ge3A_57 = arith.cmpi sge, %add3A_46, %ge3A : i32
      %convert_element_type3A_58 = arith.extui %ge3A_57 : i1 to i32
      %cond3A_59 = arith.constant 0 : i32
      %cond3A_60 = arith.cmpi ne, %convert_element_type3A_58, %cond3A_59 : i32
      scf.if %cond3A_60 {
        %dma_wait3A_146 = arith.constant 0 : i32
        %dma_wait3A_147 = tpu.memref_slice %arg2[%dma_wait3A_146] : memref<10000xf32, #tpu.memory_space<hbm>> -> memref<100xf32, #tpu.memory_space<hbm>>
        %dma_wait3A_148 = arith.constant 0 : i32
        %dma_wait3A_149 = tpu.memref_slice %arg2[%dma_wait3A_148] : memref<10000xf32, #tpu.memory_space<hbm>> -> memref<100xf32, #tpu.memory_space<hbm>>
        tpu.wait_dma2 semaphore(%arg20 : memref<!tpu.dma_semaphore, #tpu.memory_space<semaphore_mem>>) src(%dma_wait3A_149 : memref<100xf32, #tpu.memory_space<hbm>>) dst(%arg12 : memref<100xf32, #tpu.memory_space<vmem>>)
      } else {
      }
      %add3A_61 = arith.constant 2 : i32
      %add3A_62 = arith.addi %add3A_46, %add3A_61 : i32
      %lt3A_63 = arith.constant 100 : i32
      %lt3A_64 = arith.cmpi slt, %add3A_62, %lt3A_63 : i32
      %convert_element_type3A_65 = arith.extui %lt3A_64 : i1 to i32
      %cond3A_66 = arith.constant 0 : i32
      %cond3A_67 = arith.cmpi ne, %convert_element_type3A_65, %cond3A_66 : i32
      scf.if %cond3A_67 {
        %add3A_146 = arith.constant 2 : i32
        %add3A_147 = arith.addi %add3A_46, %add3A_146 : i32
        %dma_start3A_148 = arith.constant 0 : i32
        %dma_start3A_149 = tpu.memref_slice %arg8[%add3A_147, %dma_start3A_148] : memref<100x100xi32, #tpu.memory_space<vmem>> -> memref<1x100xi32, #tpu.memory_space<vmem>>
        %dma_start3A_150 = tpu.memref_squeeze %dma_start3A_149 : memref<1x100xi32, #tpu.memory_space<vmem>> -> memref<100xi32, #tpu.memory_space<vmem>>
        %dma_start3A_151 = arith.constant 0 : i32
        %dma_start3A_152 = tpu.memref_slice %arg2[%dma_start3A_151] : memref<10000xf32, #tpu.memory_space<hbm>> -> memref<10000xf32, #tpu.memory_space<hbm>>
        tpu.enqueue_indirect_dma source(%dma_start3A_152 : memref<10000xf32, #tpu.memory_space<hbm>>) target(%arg12 : memref<100xf32, #tpu.memory_space<vmem>>) offsets(%dma_start3A_150 : memref<100xi32, #tpu.memory_space<vmem>>) semaphore(%arg16 : memref<!tpu.dma_semaphore, #tpu.memory_space<semaphore_mem>>)
      } else {
      }
      %mul3A_68 = arith.constant 4 : i32
      %mul3A_69 = arith.muli %scan3A_43, %mul3A_68 : i32
      %add3A_70 = arith.constant 1 : i32
      %add3A_71 = arith.addi %mul3A_69, %add3A_70 : i32
      %dma_wait3A_72 = arith.constant 0 : i32
      %dma_wait3A_73 = tpu.memref_slice %arg8[%add3A_71, %dma_wait3A_72] : memref<100x100xi32, #tpu.memory_space<vmem>> -> memref<1x100xi32, #tpu.memory_space<vmem>>
      %dma_wait3A_74 = tpu.memref_squeeze %dma_wait3A_73 : memref<1x100xi32, #tpu.memory_space<vmem>> -> memref<100xi32, #tpu.memory_space<vmem>>
      %dma_wait3A_75 = arith.constant 0 : i32
      %dma_wait3A_76 = tpu.memref_slice %arg2[%dma_wait3A_75] : memref<10000xf32, #tpu.memory_space<hbm>> -> memref<10000xf32, #tpu.memory_space<hbm>>
      tpu.wait_indirect_dma semaphore(%arg15 : memref<!tpu.dma_semaphore, #tpu.memory_space<semaphore_mem>>) src(%dma_wait3A_76 : memref<10000xf32, #tpu.memory_space<hbm>>) dst(%arg11 : memref<100xf32, #tpu.memory_space<vmem>>)
      %dma_start3A_77 = arith.constant 0 : i32
      %dma_start3A_78 = tpu.memref_slice %arg9[%add3A_71, %dma_start3A_77] : memref<100x100xi32, #tpu.memory_space<vmem>> -> memref<1x100xi32, #tpu.memory_space<vmem>>
      %dma_start3A_79 = tpu.memref_squeeze %dma_start3A_78 : memref<1x100xi32, #tpu.memory_space<vmem>> -> memref<100xi32, #tpu.memory_space<vmem>>
      %dma_start3A_80 = arith.constant 0 : i32
      %dma_start3A_81 = tpu.memref_slice %arg7[%dma_start3A_80] : memref<10000xf32, #tpu.memory_space<vmem_shared>> -> memref<10000xf32, #tpu.memory_space<vmem_shared>>
      tpu.enqueue_indirect_dma source(%arg11 : memref<100xf32, #tpu.memory_space<vmem>>) target(%dma_start3A_81 : memref<10000xf32, #tpu.memory_space<vmem_shared>>) offsets(%dma_start3A_79 : memref<100xi32, #tpu.memory_space<vmem>>) semaphore(%arg19 : memref<!tpu.dma_semaphore, #tpu.memory_space<semaphore_mem>>) {add = true}
      %ge3A_82 = arith.constant 2 : i32
      %ge3A_83 = arith.cmpi sge, %add3A_71, %ge3A_82 : i32
      %convert_element_type3A_84 = arith.extui %ge3A_83 : i1 to i32
      %cond3A_85 = arith.constant 0 : i32
      %cond3A_86 = arith.cmpi ne, %convert_element_type3A_84, %cond3A_85 : i32
      scf.if %cond3A_86 {
        %dma_wait3A_146 = arith.constant 0 : i32
        %dma_wait3A_147 = tpu.memref_slice %arg2[%dma_wait3A_146] : memref<10000xf32, #tpu.memory_space<hbm>> -> memref<100xf32, #tpu.memory_space<hbm>>
        %dma_wait3A_148 = arith.constant 0 : i32
        %dma_wait3A_149 = tpu.memref_slice %arg2[%dma_wait3A_148] : memref<10000xf32, #tpu.memory_space<hbm>> -> memref<100xf32, #tpu.memory_space<hbm>>
        tpu.wait_dma2 semaphore(%arg21 : memref<!tpu.dma_semaphore, #tpu.memory_space<semaphore_mem>>) src(%dma_wait3A_149 : memref<100xf32, #tpu.memory_space<hbm>>) dst(%arg13 : memref<100xf32, #tpu.memory_space<vmem>>)
      } else {
      }
      %add3A_87 = arith.constant 2 : i32
      %add3A_88 = arith.addi %add3A_71, %add3A_87 : i32
      %lt3A_89 = arith.constant 100 : i32
      %lt3A_90 = arith.cmpi slt, %add3A_88, %lt3A_89 : i32
      %convert_element_type3A_91 = arith.extui %lt3A_90 : i1 to i32
      %cond3A_92 = arith.constant 0 : i32
      %cond3A_93 = arith.cmpi ne, %convert_element_type3A_91, %cond3A_92 : i32
      scf.if %cond3A_93 {
        %add3A_146 = arith.constant 2 : i32
        %add3A_147 = arith.addi %add3A_71, %add3A_146 : i32
        %dma_start3A_148 = arith.constant 0 : i32
        %dma_start3A_149 = tpu.memref_slice %arg8[%add3A_147, %dma_start3A_148] : memref<100x100xi32, #tpu.memory_space<vmem>> -> memref<1x100xi32, #tpu.memory_space<vmem>>
        %dma_start3A_150 = tpu.memref_squeeze %dma_start3A_149 : memref<1x100xi32, #tpu.memory_space<vmem>> -> memref<100xi32, #tpu.memory_space<vmem>>
        %dma_start3A_151 = arith.constant 0 : i32
        %dma_start3A_152 = tpu.memref_slice %arg2[%dma_start3A_151] : memref<10000xf32, #tpu.memory_space<hbm>> -> memref<10000xf32, #tpu.memory_space<hbm>>
        tpu.enqueue_indirect_dma source(%dma_start3A_152 : memref<10000xf32, #tpu.memory_space<hbm>>) target(%arg13 : memref<100xf32, #tpu.memory_space<vmem>>) offsets(%dma_start3A_150 : memref<100xi32, #tpu.memory_space<vmem>>) semaphore(%arg17 : memref<!tpu.dma_semaphore, #tpu.memory_space<semaphore_mem>>)
      } else {
      }
      %mul3A_94 = arith.constant 4 : i32
      %mul3A_95 = arith.muli %scan3A_43, %mul3A_94 : i32
      %add3A_96 = arith.constant 2 : i32
      %add3A_97 = arith.addi %mul3A_95, %add3A_96 : i32
      %dma_wait3A_98 = arith.constant 0 : i32
      %dma_wait3A_99 = tpu.memref_slice %arg8[%add3A_97, %dma_wait3A_98] : memref<100x100xi32, #tpu.memory_space<vmem>> -> memref<1x100xi32, #tpu.memory_space<vmem>>
      %dma_wait3A_100 = tpu.memref_squeeze %dma_wait3A_99 : memref<1x100xi32, #tpu.memory_space<vmem>> -> memref<100xi32, #tpu.memory_space<vmem>>
      %dma_wait3A_101 = arith.constant 0 : i32
      %dma_wait3A_102 = tpu.memref_slice %arg2[%dma_wait3A_101] : memref<10000xf32, #tpu.memory_space<hbm>> -> memref<10000xf32, #tpu.memory_space<hbm>>
      tpu.wait_indirect_dma semaphore(%arg16 : memref<!tpu.dma_semaphore, #tpu.memory_space<semaphore_mem>>) src(%dma_wait3A_102 : memref<10000xf32, #tpu.memory_space<hbm>>) dst(%arg12 : memref<100xf32, #tpu.memory_space<vmem>>)
      %dma_start3A_103 = arith.constant 0 : i32
      %dma_start3A_104 = tpu.memref_slice %arg9[%add3A_97, %dma_start3A_103] : memref<100x100xi32, #tpu.memory_space<vmem>> -> memref<1x100xi32, #tpu.memory_space<vmem>>
      %dma_start3A_105 = tpu.memref_squeeze %dma_start3A_104 : memref<1x100xi32, #tpu.memory_space<vmem>> -> memref<100xi32, #tpu.memory_space<vmem>>
      %dma_start3A_106 = arith.constant 0 : i32
      %dma_start3A_107 = tpu.memref_slice %arg7[%dma_start3A_106] : memref<10000xf32, #tpu.memory_space<vmem_shared>> -> memref<10000xf32, #tpu.memory_space<vmem_shared>>
      tpu.enqueue_indirect_dma source(%arg12 : memref<100xf32, #tpu.memory_space<vmem>>) target(%dma_start3A_107 : memref<10000xf32, #tpu.memory_space<vmem_shared>>) offsets(%dma_start3A_105 : memref<100xi32, #tpu.memory_space<vmem>>) semaphore(%arg20 : memref<!tpu.dma_semaphore, #tpu.memory_space<semaphore_mem>>) {add = true}
      %ge3A_108 = arith.constant 2 : i32
      %ge3A_109 = arith.cmpi sge, %add3A_97, %ge3A_108 : i32
      %convert_element_type3A_110 = arith.extui %ge3A_109 : i1 to i32
      %cond3A_111 = arith.constant 0 : i32
      %cond3A_112 = arith.cmpi ne, %convert_element_type3A_110, %cond3A_111 : i32
      scf.if %cond3A_112 {
        %dma_wait3A_146 = arith.constant 0 : i32
        %dma_wait3A_147 = tpu.memref_slice %arg2[%dma_wait3A_146] : memref<10000xf32, #tpu.memory_space<hbm>> -> memref<100xf32, #tpu.memory_space<hbm>>
        %dma_wait3A_148 = arith.constant 0 : i32
        %dma_wait3A_149 = tpu.memref_slice %arg2[%dma_wait3A_148] : memref<10000xf32, #tpu.memory_space<hbm>> -> memref<100xf32, #tpu.memory_space<hbm>>
        tpu.wait_dma2 semaphore(%arg18 : memref<!tpu.dma_semaphore, #tpu.memory_space<semaphore_mem>>) src(%dma_wait3A_149 : memref<100xf32, #tpu.memory_space<hbm>>) dst(%arg10 : memref<100xf32, #tpu.memory_space<vmem>>)
      } else {
      }
      %add3A_113 = arith.constant 2 : i32
      %add3A_114 = arith.addi %add3A_97, %add3A_113 : i32
      %lt3A_115 = arith.constant 100 : i32
      %lt3A_116 = arith.cmpi slt, %add3A_114, %lt3A_115 : i32
      %convert_element_type3A_117 = arith.extui %lt3A_116 : i1 to i32
      %cond3A_118 = arith.constant 0 : i32
      %cond3A_119 = arith.cmpi ne, %convert_element_type3A_117, %cond3A_118 : i32
      scf.if %cond3A_119 {
        %add3A_146 = arith.constant 2 : i32
        %add3A_147 = arith.addi %add3A_97, %add3A_146 : i32
        %dma_start3A_148 = arith.constant 0 : i32
        %dma_start3A_149 = tpu.memref_slice %arg8[%add3A_147, %dma_start3A_148] : memref<100x100xi32, #tpu.memory_space<vmem>> -> memref<1x100xi32, #tpu.memory_space<vmem>>
        %dma_start3A_150 = tpu.memref_squeeze %dma_start3A_149 : memref<1x100xi32, #tpu.memory_space<vmem>> -> memref<100xi32, #tpu.memory_space<vmem>>
        %dma_start3A_151 = arith.constant 0 : i32
        %dma_start3A_152 = tpu.memref_slice %arg2[%dma_start3A_151] : memref<10000xf32, #tpu.memory_space<hbm>> -> memref<10000xf32, #tpu.memory_space<hbm>>
        tpu.enqueue_indirect_dma source(%dma_start3A_152 : memref<10000xf32, #tpu.memory_space<hbm>>) target(%arg10 : memref<100xf32, #tpu.memory_space<vmem>>) offsets(%dma_start3A_150 : memref<100xi32, #tpu.memory_space<vmem>>) semaphore(%arg14 : memref<!tpu.dma_semaphore, #tpu.memory_space<semaphore_mem>>)
      } else {
      }
      %mul3A_120 = arith.constant 4 : i32
      %mul3A_121 = arith.muli %scan3A_43, %mul3A_120 : i32
      %add3A_122 = arith.constant 3 : i32
      %add3A_123 = arith.addi %mul3A_121, %add3A_122 : i32
      %dma_wait3A_124 = arith.constant 0 : i32
      %dma_wait3A_125 = tpu.memref_slice %arg8[%add3A_123, %dma_wait3A_124] : memref<100x100xi32, #tpu.memory_space<vmem>> -> memref<1x100xi32, #tpu.memory_space<vmem>>
      %dma_wait3A_126 = tpu.memref_squeeze %dma_wait3A_125 : memref<1x100xi32, #tpu.memory_space<vmem>> -> memref<100xi32, #tpu.memory_space<vmem>>
      %dma_wait3A_127 = arith.constant 0 : i32
      %dma_wait3A_128 = tpu.memref_slice %arg2[%dma_wait3A_127] : memref<10000xf32, #tpu.memory_space<hbm>> -> memref<10000xf32, #tpu.memory_space<hbm>>
      tpu.wait_indirect_dma semaphore(%arg17 : memref<!tpu.dma_semaphore, #tpu.memory_space<semaphore_mem>>) src(%dma_wait3A_128 : memref<10000xf32, #tpu.memory_space<hbm>>) dst(%arg13 : memref<100xf32, #tpu.memory_space<vmem>>)
      %dma_start3A_129 = arith.constant 0 : i32
      %dma_start3A_130 = tpu.memref_slice %arg9[%add3A_123, %dma_start3A_129] : memref<100x100xi32, #tpu.memory_space<vmem>> -> memref<1x100xi32, #tpu.memory_space<vmem>>
      %dma_start3A_131 = tpu.memref_squeeze %dma_start3A_130 : memref<1x100xi32, #tpu.memory_space<vmem>> -> memref<100xi32, #tpu.memory_space<vmem>>
      %dma_start3A_132 = arith.constant 0 : i32
      %dma_start3A_133 = tpu.memref_slice %arg7[%dma_start3A_132] : memref<10000xf32, #tpu.memory_space<vmem_shared>> -> memref<10000xf32, #tpu.memory_space<vmem_shared>>
      tpu.enqueue_indirect_dma source(%arg13 : memref<100xf32, #tpu.memory_space<vmem>>) target(%dma_start3A_133 : memref<10000xf32, #tpu.memory_space<vmem_shared>>) offsets(%dma_start3A_131 : memref<100xi32, #tpu.memory_space<vmem>>) semaphore(%arg21 : memref<!tpu.dma_semaphore, #tpu.memory_space<semaphore_mem>>) {add = true}
      %ge3A_134 = arith.constant 2 : i32
      %ge3A_135 = arith.cmpi sge, %add3A_123, %ge3A_134 : i32
      %convert_element_type3A_136 = arith.extui %ge3A_135 : i1 to i32
      %cond3A_137 = arith.constant 0 : i32
      %cond3A_138 = arith.cmpi ne, %convert_element_type3A_136, %cond3A_137 : i32
      scf.if %cond3A_138 {
        %dma_wait3A_146 = arith.constant 0 : i32
        %dma_wait3A_147 = tpu.memref_slice %arg2[%dma_wait3A_146] : memref<10000xf32, #tpu.memory_space<hbm>> -> memref<100xf32, #tpu.memory_space<hbm>>
        %dma_wait3A_148 = arith.constant 0 : i32
        %dma_wait3A_149 = tpu.memref_slice %arg2[%dma_wait3A_148] : memref<10000xf32, #tpu.memory_space<hbm>> -> memref<100xf32, #tpu.memory_space<hbm>>
        tpu.wait_dma2 semaphore(%arg19 : memref<!tpu.dma_semaphore, #tpu.memory_space<semaphore_mem>>) src(%dma_wait3A_149 : memref<100xf32, #tpu.memory_space<hbm>>) dst(%arg11 : memref<100xf32, #tpu.memory_space<vmem>>)
      } else {
      }
      %add3A_139 = arith.constant 2 : i32
      %add3A_140 = arith.addi %add3A_123, %add3A_139 : i32
      %lt3A_141 = arith.constant 100 : i32
      %lt3A_142 = arith.cmpi slt, %add3A_140, %lt3A_141 : i32
      %convert_element_type3A_143 = arith.extui %lt3A_142 : i1 to i32
      %cond3A_144 = arith.constant 0 : i32
      %cond3A_145 = arith.cmpi ne, %convert_element_type3A_143, %cond3A_144 : i32
      scf.if %cond3A_145 {
        %add3A_146 = arith.constant 2 : i32
        %add3A_147 = arith.addi %add3A_123, %add3A_146 : i32
        %dma_start3A_148 = arith.constant 0 : i32
        %dma_start3A_149 = tpu.memref_slice %arg8[%add3A_147, %dma_start3A_148] : memref<100x100xi32, #tpu.memory_space<vmem>> -> memref<1x100xi32, #tpu.memory_space<vmem>>
        %dma_start3A_150 = tpu.memref_squeeze %dma_start3A_149 : memref<1x100xi32, #tpu.memory_space<vmem>> -> memref<100xi32, #tpu.memory_space<vmem>>
        %dma_start3A_151 = arith.constant 0 : i32
        %dma_start3A_152 = tpu.memref_slice %arg2[%dma_start3A_151] : memref<10000xf32, #tpu.memory_space<hbm>> -> memref<10000xf32, #tpu.memory_space<hbm>>
        tpu.enqueue_indirect_dma source(%dma_start3A_152 : memref<10000xf32, #tpu.memory_space<hbm>>) target(%arg11 : memref<100xf32, #tpu.memory_space<vmem>>) offsets(%dma_start3A_150 : memref<100xi32, #tpu.memory_space<vmem>>) semaphore(%arg15 : memref<!tpu.dma_semaphore, #tpu.memory_space<semaphore_mem>>)
      } else {
      }
    }
    %scan3A_24 = arith.constant 25 : i32
    %dma_wait3A = arith.constant 0 : i32
    %dma_wait3A_25 = tpu.memref_slice %arg2[%dma_wait3A] : memref<10000xf32, #tpu.memory_space<hbm>> -> memref<100xf32, #tpu.memory_space<hbm>>
    %dma_wait3A_26 = arith.constant 0 : i32
    %dma_wait3A_27 = tpu.memref_slice %arg2[%dma_wait3A_26] : memref<10000xf32, #tpu.memory_space<hbm>> -> memref<100xf32, #tpu.memory_space<hbm>>
    tpu.wait_dma2 semaphore(%arg20 : memref<!tpu.dma_semaphore, #tpu.memory_space<semaphore_mem>>) src(%dma_wait3A_27 : memref<100xf32, #tpu.memory_space<hbm>>) dst(%arg10 : memref<100xf32, #tpu.memory_space<vmem>>)
    %dma_wait3A_28 = arith.constant 0 : i32
    %dma_wait3A_29 = tpu.memref_slice %arg2[%dma_wait3A_28] : memref<10000xf32, #tpu.memory_space<hbm>> -> memref<100xf32, #tpu.memory_space<hbm>>
    %dma_wait3A_30 = arith.constant 0 : i32
    %dma_wait3A_31 = tpu.memref_slice %arg2[%dma_wait3A_30] : memref<10000xf32, #tpu.memory_space<hbm>> -> memref<100xf32, #tpu.memory_space<hbm>>
    tpu.wait_dma2 semaphore(%arg21 : memref<!tpu.dma_semaphore, #tpu.memory_space<semaphore_mem>>) src(%dma_wait3A_31 : memref<100xf32, #tpu.memory_space<hbm>>) dst(%arg11 : memref<100xf32, #tpu.memory_space<vmem>>)
    %barrier3A_32 = arith.constant 0 : index
    tpu.barrier barrier_id(%barrier3A_32)
    %lt3A_33 = arith.constant 15 : i32
    %lt3A_34 = arith.cmpi slt, %arg1, %lt3A_33 : i32
    %convert_element_type3A_35 = arith.extui %lt3A_34 : i1 to i32
    %cond3A_36 = arith.constant 0 : i32
    %cond3A_37 = arith.cmpi ne, %convert_element_type3A_35, %cond3A_36 : i32
    scf.if %cond3A_37 {
      %mul3A_43 = arith.constant 632 : i32
      %mul3A_44 = arith.muli %arg1, %mul3A_43 : i32
      %mul3A_45 = arith.constant 632 : i32
      %mul3A_46 = arith.muli %arg1, %mul3A_45 : i32
      "tpu.region"() ({
        %run_scoped3A = tpu.sem_alloc : memref<!tpu.dma_semaphore, #tpu.memory_space<semaphore_mem>>
        %dma_start3A_47 = arith.constant 0 : i32
        %dma_start3A_48 = tpu.memref_slice %arg6[%arg0, %dma_start3A_47] : memref<2x10000xf32, #tpu.memory_space<hbm>> -> memref<1x10000xf32, #tpu.memory_space<hbm>>
        %dma_start3A_49 = tpu.memref_squeeze %dma_start3A_48 : memref<1x10000xf32, #tpu.memory_space<hbm>> -> memref<10000xf32, #tpu.memory_space<hbm>>
        %dma_start3A_50 = tpu.memref_slice %dma_start3A_49[%mul3A_46] : memref<10000xf32, #tpu.memory_space<hbm>> -> memref<632xf32, #tpu.memory_space<hbm>>
        %dma_start3A_51 = tpu.memref_slice %arg7[%mul3A_44] : memref<10000xf32, #tpu.memory_space<vmem_shared>> -> memref<632xf32, #tpu.memory_space<vmem_shared>>
        tpu.enqueue_dma source(%dma_start3A_51 : memref<632xf32, #tpu.memory_space<vmem_shared>>) target(%dma_start3A_50 : memref<632xf32, #tpu.memory_space<hbm>>) target_semaphore(%run_scoped3A : memref<!tpu.dma_semaphore, #tpu.memory_space<semaphore_mem>>)
        %dma_wait3A_52 = arith.constant 0 : i32
        %dma_wait3A_53 = tpu.memref_slice %arg6[%arg0, %dma_wait3A_52] : memref<2x10000xf32, #tpu.memory_space<hbm>> -> memref<1x10000xf32, #tpu.memory_space<hbm>>
        %dma_wait3A_54 = tpu.memref_squeeze %dma_wait3A_53 : memref<1x10000xf32, #tpu.memory_space<hbm>> -> memref<10000xf32, #tpu.memory_space<hbm>>
        %dma_wait3A_55 = tpu.memref_slice %dma_wait3A_54[%mul3A_46] : memref<10000xf32, #tpu.memory_space<hbm>> -> memref<632xf32, #tpu.memory_space<hbm>>
        %dma_wait3A_56 = tpu.memref_slice %arg7[%mul3A_44] : memref<10000xf32, #tpu.memory_space<vmem_shared>> -> memref<632xf32, #tpu.memory_space<vmem_shared>>
        tpu.wait_dma2 semaphore(%run_scoped3A : memref<!tpu.dma_semaphore, #tpu.memory_space<semaphore_mem>>) src(%dma_wait3A_56 : memref<632xf32, #tpu.memory_space<vmem_shared>>) dst(%dma_wait3A_55 : memref<632xf32, #tpu.memory_space<hbm>>)
        tpu.yield
      }) : () -> ()
    } else {
    }
    %eq3A_38 = arith.constant 15 : i32
    %eq3A_39 = arith.cmpi eq, %arg1, %eq3A_38 : i32
    %convert_element_type3A_40 = arith.extui %eq3A_39 : i1 to i32
    %cond3A_41 = arith.constant 0 : i32
    %cond3A_42 = arith.cmpi ne, %convert_element_type3A_40, %cond3A_41 : i32
    scf.if %cond3A_42 {
      "tpu.region"() ({
        %run_scoped3A = tpu.sem_alloc : memref<!tpu.dma_semaphore, #tpu.memory_space<semaphore_mem>>
        %dma_start3A_43 = arith.constant 0 : i32
        %dma_start3A_44 = tpu.memref_slice %arg6[%arg0, %dma_start3A_43] : memref<2x10000xf32, #tpu.memory_space<hbm>> -> memref<1x10000xf32, #tpu.memory_space<hbm>>
        %dma_start3A_45 = tpu.memref_squeeze %dma_start3A_44 : memref<1x10000xf32, #tpu.memory_space<hbm>> -> memref<10000xf32, #tpu.memory_space<hbm>>
        %dma_start3A_46 = arith.constant 9480 : i32
        %dma_start3A_47 = tpu.memref_slice %dma_start3A_45[%dma_start3A_46] : memref<10000xf32, #tpu.memory_space<hbm>> -> memref<520xf32, #tpu.memory_space<hbm>>
        %dma_start3A_48 = arith.constant 9480 : i32
        %dma_start3A_49 = tpu.memref_slice %arg7[%dma_start3A_48] : memref<10000xf32, #tpu.memory_space<vmem_shared>> -> memref<520xf32, #tpu.memory_space<vmem_shared>>
        tpu.enqueue_dma source(%dma_start3A_49 : memref<520xf32, #tpu.memory_space<vmem_shared>>) target(%dma_start3A_47 : memref<520xf32, #tpu.memory_space<hbm>>) target_semaphore(%run_scoped3A : memref<!tpu.dma_semaphore, #tpu.memory_space<semaphore_mem>>)
        %dma_wait3A_50 = arith.constant 0 : i32
        %dma_wait3A_51 = tpu.memref_slice %arg6[%arg0, %dma_wait3A_50] : memref<2x10000xf32, #tpu.memory_space<hbm>> -> memref<1x10000xf32, #tpu.memory_space<hbm>>
        %dma_wait3A_52 = tpu.memref_squeeze %dma_wait3A_51 : memref<1x10000xf32, #tpu.memory_space<hbm>> -> memref<10000xf32, #tpu.memory_space<hbm>>
        %dma_wait3A_53 = arith.constant 9480 : i32
        %dma_wait3A_54 = tpu.memref_slice %dma_wait3A_52[%dma_wait3A_53] : memref<10000xf32, #tpu.memory_space<hbm>> -> memref<520xf32, #tpu.memory_space<hbm>>
        %dma_wait3A_55 = arith.constant 9480 : i32
        %dma_wait3A_56 = tpu.memref_slice %arg7[%dma_wait3A_55] : memref<10000xf32, #tpu.memory_space<vmem_shared>> -> memref<520xf32, #tpu.memory_space<vmem_shared>>
        tpu.wait_dma2 semaphore(%run_scoped3A : memref<!tpu.dma_semaphore, #tpu.memory_space<semaphore_mem>>) src(%dma_wait3A_56 : memref<520xf32, #tpu.memory_space<vmem_shared>>) dst(%dma_wait3A_54 : memref<520xf32, #tpu.memory_space<hbm>>)
        tpu.yield
      }) : () -> ()
    } else {
    }
    return
  }
}

#map = affine_map<(d0, d1) -> (0, 0, 0)>
#map1 = affine_map<(d0, d1) -> (0, 0)>
module attributes {stable_mosaic.version = 14 : i64} {
  func.func @seg(%arg0: i32, %arg1: i32, %arg2: memref<2x10000x64xf32, #tpu.memory_space<hbm>>, %arg3: memref<16x200x100xi32, #tpu.memory_space<hbm>>, %arg4: memref<16x200x100xi32, #tpu.memory_space<hbm>>, %arg5: memref<10000x64xf32, #tpu.memory_space<hbm>>, %arg6: memref<2x10000x64xf32, #tpu.memory_space<hbm>>, %arg7: memref<10000x64xf32, #tpu.memory_space<vmem_shared>>, %arg8: memref<200x100xi32, #tpu.memory_space<vmem>>, %arg9: memref<200x100xi32, #tpu.memory_space<vmem>>, %arg10: memref<100x64xf32, #tpu.memory_space<vmem>>, %arg11: memref<100x64xf32, #tpu.memory_space<vmem>>, %arg12: memref<100x64xf32, #tpu.memory_space<vmem>>, %arg13: memref<100x64xf32, #tpu.memory_space<vmem>>, %arg14: memref<!tpu.dma_semaphore, #tpu.memory_space<semaphore_mem>>, %arg15: memref<!tpu.dma_semaphore, #tpu.memory_space<semaphore_mem>>, %arg16: memref<!tpu.dma_semaphore, #tpu.memory_space<semaphore_mem>>, %arg17: memref<!tpu.dma_semaphore, #tpu.memory_space<semaphore_mem>>, %arg18: memref<!tpu.dma_semaphore, #tpu.memory_space<semaphore_mem>>, %arg19: memref<!tpu.dma_semaphore, #tpu.memory_space<semaphore_mem>>, %arg20: memref<!tpu.dma_semaphore, #tpu.memory_space<semaphore_mem>>, %arg21: memref<!tpu.dma_semaphore, #tpu.memory_space<semaphore_mem>>) attributes {dimension_semantics = [#tpu.dimension_semantics<core_parallel>, #tpu.dimension_semantics<subcore_parallel>], iteration_bounds = array<i64: 2, 16>, scalar_prefetch = 0 : i64, scratch_operands = 15 : i64, tpu.core_type = #tpu.core_type<sc_vector_subcore>, window_params = [{transform_indices = #map}, {transform_indices = #map}, {transform_indices = #map}, {transform_indices = #map1}, {transform_indices = #map}]} {
    "tpu.region"() ({
      %run_scoped3A = tpu.sem_alloc : memref<!tpu.dma_semaphore, #tpu.memory_space<semaphore_mem>>
      %dma_start3A_70 = arith.constant 0 : i32
      %dma_start3A_71 = arith.constant 0 : i32
      %dma_start3A_72 = tpu.memref_slice %arg3[%arg1, %dma_start3A_70, %dma_start3A_71] : memref<16x200x100xi32, #tpu.memory_space<hbm>> -> memref<1x200x100xi32, #tpu.memory_space<hbm>>
      %dma_start3A_73 = tpu.memref_squeeze %dma_start3A_72 : memref<1x200x100xi32, #tpu.memory_space<hbm>> -> memref<200x100xi32, #tpu.memory_space<hbm>>
      %dma_start3A_74 = arith.constant 0 : i32
      %dma_start3A_75 = arith.constant 0 : i32
      %dma_start3A_76 = tpu.memref_slice %arg3[%arg1, %dma_start3A_74, %dma_start3A_75] : memref<16x200x100xi32, #tpu.memory_space<hbm>> -> memref<1x200x100xi32, #tpu.memory_space<hbm>>
      %dma_start3A_77 = tpu.memref_squeeze %dma_start3A_76 : memref<1x200x100xi32, #tpu.memory_space<hbm>> -> memref<200x100xi32, #tpu.memory_space<hbm>>
      tpu.enqueue_dma source(%dma_start3A_77 : memref<200x100xi32, #tpu.memory_space<hbm>>) target(%arg8 : memref<200x100xi32, #tpu.memory_space<vmem>>) target_semaphore(%run_scoped3A : memref<!tpu.dma_semaphore, #tpu.memory_space<semaphore_mem>>)
      %dma_wait3A_78 = arith.constant 0 : i32
      %dma_wait3A_79 = arith.constant 0 : i32
      %dma_wait3A_80 = tpu.memref_slice %arg3[%arg1, %dma_wait3A_78, %dma_wait3A_79] : memref<16x200x100xi32, #tpu.memory_space<hbm>> -> memref<1x200x100xi32, #tpu.memory_space<hbm>>
      %dma_wait3A_81 = tpu.memref_squeeze %dma_wait3A_80 : memref<1x200x100xi32, #tpu.memory_space<hbm>> -> memref<200x100xi32, #tpu.memory_space<hbm>>
      %dma_wait3A_82 = arith.constant 0 : i32
      %dma_wait3A_83 = arith.constant 0 : i32
      %dma_wait3A_84 = tpu.memref_slice %arg3[%arg1, %dma_wait3A_82, %dma_wait3A_83] : memref<16x200x100xi32, #tpu.memory_space<hbm>> -> memref<1x200x100xi32, #tpu.memory_space<hbm>>
      %dma_wait3A_85 = tpu.memref_squeeze %dma_wait3A_84 : memref<1x200x100xi32, #tpu.memory_space<hbm>> -> memref<200x100xi32, #tpu.memory_space<hbm>>
      tpu.wait_dma2 semaphore(%run_scoped3A : memref<!tpu.dma_semaphore, #tpu.memory_space<semaphore_mem>>) src(%dma_wait3A_85 : memref<200x100xi32, #tpu.memory_space<hbm>>) dst(%arg8 : memref<200x100xi32, #tpu.memory_space<vmem>>)
      tpu.yield
    }) : () -> ()
    "tpu.region"() ({
      %run_scoped3A = tpu.sem_alloc : memref<!tpu.dma_semaphore, #tpu.memory_space<semaphore_mem>>
      %dma_start3A_70 = arith.constant 0 : i32
      %dma_start3A_71 = arith.constant 0 : i32
      %dma_start3A_72 = tpu.memref_slice %arg4[%arg1, %dma_start3A_70, %dma_start3A_71] : memref<16x200x100xi32, #tpu.memory_space<hbm>> -> memref<1x200x100xi32, #tpu.memory_space<hbm>>
      %dma_start3A_73 = tpu.memref_squeeze %dma_start3A_72 : memref<1x200x100xi32, #tpu.memory_space<hbm>> -> memref<200x100xi32, #tpu.memory_space<hbm>>
      %dma_start3A_74 = arith.constant 0 : i32
      %dma_start3A_75 = arith.constant 0 : i32
      %dma_start3A_76 = tpu.memref_slice %arg4[%arg1, %dma_start3A_74, %dma_start3A_75] : memref<16x200x100xi32, #tpu.memory_space<hbm>> -> memref<1x200x100xi32, #tpu.memory_space<hbm>>
      %dma_start3A_77 = tpu.memref_squeeze %dma_start3A_76 : memref<1x200x100xi32, #tpu.memory_space<hbm>> -> memref<200x100xi32, #tpu.memory_space<hbm>>
      tpu.enqueue_dma source(%dma_start3A_77 : memref<200x100xi32, #tpu.memory_space<hbm>>) target(%arg9 : memref<200x100xi32, #tpu.memory_space<vmem>>) target_semaphore(%run_scoped3A : memref<!tpu.dma_semaphore, #tpu.memory_space<semaphore_mem>>)
      %dma_wait3A_78 = arith.constant 0 : i32
      %dma_wait3A_79 = arith.constant 0 : i32
      %dma_wait3A_80 = tpu.memref_slice %arg4[%arg1, %dma_wait3A_78, %dma_wait3A_79] : memref<16x200x100xi32, #tpu.memory_space<hbm>> -> memref<1x200x100xi32, #tpu.memory_space<hbm>>
      %dma_wait3A_81 = tpu.memref_squeeze %dma_wait3A_80 : memref<1x200x100xi32, #tpu.memory_space<hbm>> -> memref<200x100xi32, #tpu.memory_space<hbm>>
      %dma_wait3A_82 = arith.constant 0 : i32
      %dma_wait3A_83 = arith.constant 0 : i32
      %dma_wait3A_84 = tpu.memref_slice %arg4[%arg1, %dma_wait3A_82, %dma_wait3A_83] : memref<16x200x100xi32, #tpu.memory_space<hbm>> -> memref<1x200x100xi32, #tpu.memory_space<hbm>>
      %dma_wait3A_85 = tpu.memref_squeeze %dma_wait3A_84 : memref<1x200x100xi32, #tpu.memory_space<hbm>> -> memref<200x100xi32, #tpu.memory_space<hbm>>
      tpu.wait_dma2 semaphore(%run_scoped3A : memref<!tpu.dma_semaphore, #tpu.memory_space<semaphore_mem>>) src(%dma_wait3A_85 : memref<200x100xi32, #tpu.memory_space<hbm>>) dst(%arg9 : memref<200x100xi32, #tpu.memory_space<vmem>>)
      tpu.yield
    }) : () -> ()
    %lt3A = arith.constant 15 : i32
    %lt3A_0 = arith.cmpi slt, %arg1, %lt3A : i32
    %convert_element_type3A = arith.extui %lt3A_0 : i1 to i32
    %cond3A = arith.constant 0 : i32
    %cond3A_1 = arith.cmpi ne, %convert_element_type3A, %cond3A : i32
    scf.if %cond3A_1 {
      %mul3A = arith.constant 632 : i32
      %mul3A_70 = arith.muli %arg1, %mul3A : i32
      %mul3A_71 = arith.constant 632 : i32
      %mul3A_72 = arith.muli %arg1, %mul3A_71 : i32
      "tpu.region"() ({
        %run_scoped3A = tpu.sem_alloc : memref<!tpu.dma_semaphore, #tpu.memory_space<semaphore_mem>>
        %dma_start3A_73 = arith.constant 0 : i32
        %dma_start3A_74 = tpu.memref_slice %arg7[%mul3A_72, %dma_start3A_73] : memref<10000x64xf32, #tpu.memory_space<vmem_shared>> -> memref<632x64xf32, #tpu.memory_space<vmem_shared>>
        %dma_start3A_75 = arith.constant 0 : i32
        %dma_start3A_76 = tpu.memref_slice %arg5[%mul3A_70, %dma_start3A_75] : memref<10000x64xf32, #tpu.memory_space<hbm>> -> memref<632x64xf32, #tpu.memory_space<hbm>>
        tpu.enqueue_dma source(%dma_start3A_76 : memref<632x64xf32, #tpu.memory_space<hbm>>) target(%dma_start3A_74 : memref<632x64xf32, #tpu.memory_space<vmem_shared>>) target_semaphore(%run_scoped3A : memref<!tpu.dma_semaphore, #tpu.memory_space<semaphore_mem>>)
        %dma_wait3A_77 = arith.constant 0 : i32
        %dma_wait3A_78 = tpu.memref_slice %arg7[%mul3A_72, %dma_wait3A_77] : memref<10000x64xf32, #tpu.memory_space<vmem_shared>> -> memref<632x64xf32, #tpu.memory_space<vmem_shared>>
        %dma_wait3A_79 = arith.constant 0 : i32
        %dma_wait3A_80 = tpu.memref_slice %arg5[%mul3A_70, %dma_wait3A_79] : memref<10000x64xf32, #tpu.memory_space<hbm>> -> memref<632x64xf32, #tpu.memory_space<hbm>>
        tpu.wait_dma2 semaphore(%run_scoped3A : memref<!tpu.dma_semaphore, #tpu.memory_space<semaphore_mem>>) src(%dma_wait3A_80 : memref<632x64xf32, #tpu.memory_space<hbm>>) dst(%dma_wait3A_78 : memref<632x64xf32, #tpu.memory_space<vmem_shared>>)
        tpu.yield
      }) : () -> ()
    } else {
    }
    %eq3A = arith.constant 15 : i32
    %eq3A_2 = arith.cmpi eq, %arg1, %eq3A : i32
    %convert_element_type3A_3 = arith.extui %eq3A_2 : i1 to i32
    %cond3A_4 = arith.constant 0 : i32
    %cond3A_5 = arith.cmpi ne, %convert_element_type3A_3, %cond3A_4 : i32
    scf.if %cond3A_5 {
      "tpu.region"() ({
        %run_scoped3A = tpu.sem_alloc : memref<!tpu.dma_semaphore, #tpu.memory_space<semaphore_mem>>
        %dma_start3A_70 = arith.constant 9480 : i32
        %dma_start3A_71 = arith.constant 0 : i32
        %dma_start3A_72 = tpu.memref_slice %arg7[%dma_start3A_70, %dma_start3A_71] : memref<10000x64xf32, #tpu.memory_space<vmem_shared>> -> memref<520x64xf32, #tpu.memory_space<vmem_shared>>
        %dma_start3A_73 = arith.constant 9480 : i32
        %dma_start3A_74 = arith.constant 0 : i32
        %dma_start3A_75 = tpu.memref_slice %arg5[%dma_start3A_73, %dma_start3A_74] : memref<10000x64xf32, #tpu.memory_space<hbm>> -> memref<520x64xf32, #tpu.memory_space<hbm>>
        tpu.enqueue_dma source(%dma_start3A_75 : memref<520x64xf32, #tpu.memory_space<hbm>>) target(%dma_start3A_72 : memref<520x64xf32, #tpu.memory_space<vmem_shared>>) target_semaphore(%run_scoped3A : memref<!tpu.dma_semaphore, #tpu.memory_space<semaphore_mem>>)
        %dma_wait3A_76 = arith.constant 9480 : i32
        %dma_wait3A_77 = arith.constant 0 : i32
        %dma_wait3A_78 = tpu.memref_slice %arg7[%dma_wait3A_76, %dma_wait3A_77] : memref<10000x64xf32, #tpu.memory_space<vmem_shared>> -> memref<520x64xf32, #tpu.memory_space<vmem_shared>>
        %dma_wait3A_79 = arith.constant 9480 : i32
        %dma_wait3A_80 = arith.constant 0 : i32
        %dma_wait3A_81 = tpu.memref_slice %arg5[%dma_wait3A_79, %dma_wait3A_80] : memref<10000x64xf32, #tpu.memory_space<hbm>> -> memref<520x64xf32, #tpu.memory_space<hbm>>
        tpu.wait_dma2 semaphore(%run_scoped3A : memref<!tpu.dma_semaphore, #tpu.memory_space<semaphore_mem>>) src(%dma_wait3A_81 : memref<520x64xf32, #tpu.memory_space<hbm>>) dst(%dma_wait3A_78 : memref<520x64xf32, #tpu.memory_space<vmem_shared>>)
        tpu.yield
      }) : () -> ()
    } else {
    }
    %dma_start3A = arith.constant 0 : i32
    %dma_start3A_6 = arith.constant 0 : i32
    %dma_start3A_7 = tpu.memref_slice %arg8[%dma_start3A, %dma_start3A_6] : memref<200x100xi32, #tpu.memory_space<vmem>> -> memref<1x100xi32, #tpu.memory_space<vmem>>
    %dma_start3A_8 = tpu.memref_squeeze %dma_start3A_7 : memref<1x100xi32, #tpu.memory_space<vmem>> -> memref<100xi32, #tpu.memory_space<vmem>>
    %dma_start3A_9 = arith.constant 0 : i32
    %dma_start3A_10 = arith.constant 0 : i32
    %dma_start3A_11 = tpu.memref_slice %arg2[%arg0, %dma_start3A_9, %dma_start3A_10] : memref<2x10000x64xf32, #tpu.memory_space<hbm>> -> memref<1x10000x64xf32, #tpu.memory_space<hbm>>
    %dma_start3A_12 = tpu.memref_squeeze %dma_start3A_11 : memref<1x10000x64xf32, #tpu.memory_space<hbm>> -> memref<10000x64xf32, #tpu.memory_space<hbm>>
    %dma_start3A_13 = arith.constant 0 : i32
    %dma_start3A_14 = arith.constant 0 : i32
    %dma_start3A_15 = tpu.memref_slice %dma_start3A_12[%dma_start3A_13, %dma_start3A_14] : memref<10000x64xf32, #tpu.memory_space<hbm>> -> memref<10000x64xf32, #tpu.memory_space<hbm>>
    tpu.enqueue_indirect_dma source(%dma_start3A_15 : memref<10000x64xf32, #tpu.memory_space<hbm>>) target(%arg10 : memref<100x64xf32, #tpu.memory_space<vmem>>) offsets(%dma_start3A_8 : memref<100xi32, #tpu.memory_space<vmem>>) semaphore(%arg14 : memref<!tpu.dma_semaphore, #tpu.memory_space<semaphore_mem>>)
    %dma_start3A_16 = arith.constant 1 : i32
    %dma_start3A_17 = arith.constant 0 : i32
    %dma_start3A_18 = tpu.memref_slice %arg8[%dma_start3A_16, %dma_start3A_17] : memref<200x100xi32, #tpu.memory_space<vmem>> -> memref<1x100xi32, #tpu.memory_space<vmem>>
    %dma_start3A_19 = tpu.memref_squeeze %dma_start3A_18 : memref<1x100xi32, #tpu.memory_space<vmem>> -> memref<100xi32, #tpu.memory_space<vmem>>
    %dma_start3A_20 = arith.constant 0 : i32
    %dma_start3A_21 = arith.constant 0 : i32
    %dma_start3A_22 = tpu.memref_slice %arg2[%arg0, %dma_start3A_20, %dma_start3A_21] : memref<2x10000x64xf32, #tpu.memory_space<hbm>> -> memref<1x10000x64xf32, #tpu.memory_space<hbm>>
    %dma_start3A_23 = tpu.memref_squeeze %dma_start3A_22 : memref<1x10000x64xf32, #tpu.memory_space<hbm>> -> memref<10000x64xf32, #tpu.memory_space<hbm>>
    %dma_start3A_24 = arith.constant 0 : i32
    %dma_start3A_25 = arith.constant 0 : i32
    %dma_start3A_26 = tpu.memref_slice %dma_start3A_23[%dma_start3A_24, %dma_start3A_25] : memref<10000x64xf32, #tpu.memory_space<hbm>> -> memref<10000x64xf32, #tpu.memory_space<hbm>>
    tpu.enqueue_indirect_dma source(%dma_start3A_26 : memref<10000x64xf32, #tpu.memory_space<hbm>>) target(%arg11 : memref<100x64xf32, #tpu.memory_space<vmem>>) offsets(%dma_start3A_19 : memref<100xi32, #tpu.memory_space<vmem>>) semaphore(%arg15 : memref<!tpu.dma_semaphore, #tpu.memory_space<semaphore_mem>>)
    %barrier3A = arith.constant 0 : index
    tpu.barrier barrier_id(%barrier3A)
    %scan3A = arith.constant 0 : i32
    %scan3A_27 = arith.constant 0 : i32
    %scan3A_28 = arith.constant 50 : i32
    %scan3A_29 = arith.addi %scan3A_27, %scan3A_28 : i32
    %scan3A_30 = arith.constant 1 : i32
    scf.for %scan3A_70 = %scan3A_27 to %scan3A_29 step %scan3A_30  : i32 {
      %mul3A = arith.constant 4 : i32
      %mul3A_71 = arith.muli %scan3A_70, %mul3A : i32
      %add3A = arith.constant 0 : i32
      %add3A_72 = arith.addi %mul3A_71, %add3A : i32
      %dma_wait3A_73 = arith.constant 0 : i32
      %dma_wait3A_74 = tpu.memref_slice %arg8[%add3A_72, %dma_wait3A_73] : memref<200x100xi32, #tpu.memory_space<vmem>> -> memref<1x100xi32, #tpu.memory_space<vmem>>
      %dma_wait3A_75 = tpu.memref_squeeze %dma_wait3A_74 : memref<1x100xi32, #tpu.memory_space<vmem>> -> memref<100xi32, #tpu.memory_space<vmem>>
      %dma_wait3A_76 = arith.constant 0 : i32
      %dma_wait3A_77 = arith.constant 0 : i32
      %dma_wait3A_78 = tpu.memref_slice %arg2[%arg0, %dma_wait3A_76, %dma_wait3A_77] : memref<2x10000x64xf32, #tpu.memory_space<hbm>> -> memref<1x10000x64xf32, #tpu.memory_space<hbm>>
      %dma_wait3A_79 = tpu.memref_squeeze %dma_wait3A_78 : memref<1x10000x64xf32, #tpu.memory_space<hbm>> -> memref<10000x64xf32, #tpu.memory_space<hbm>>
      %dma_wait3A_80 = arith.constant 0 : i32
      %dma_wait3A_81 = arith.constant 0 : i32
      %dma_wait3A_82 = tpu.memref_slice %dma_wait3A_79[%dma_wait3A_80, %dma_wait3A_81] : memref<10000x64xf32, #tpu.memory_space<hbm>> -> memref<10000x64xf32, #tpu.memory_space<hbm>>
      tpu.wait_indirect_dma semaphore(%arg14 : memref<!tpu.dma_semaphore, #tpu.memory_space<semaphore_mem>>) src(%dma_wait3A_82 : memref<10000x64xf32, #tpu.memory_space<hbm>>) dst(%arg10 : memref<100x64xf32, #tpu.memory_space<vmem>>)
      %dma_start3A_83 = arith.constant 0 : i32
      %dma_start3A_84 = tpu.memref_slice %arg9[%add3A_72, %dma_start3A_83] : memref<200x100xi32, #tpu.memory_space<vmem>> -> memref<1x100xi32, #tpu.memory_space<vmem>>
      %dma_start3A_85 = tpu.memref_squeeze %dma_start3A_84 : memref<1x100xi32, #tpu.memory_space<vmem>> -> memref<100xi32, #tpu.memory_space<vmem>>
      %dma_start3A_86 = arith.constant 0 : i32
      %dma_start3A_87 = arith.constant 0 : i32
      %dma_start3A_88 = tpu.memref_slice %arg7[%dma_start3A_86, %dma_start3A_87] : memref<10000x64xf32, #tpu.memory_space<vmem_shared>> -> memref<10000x64xf32, #tpu.memory_space<vmem_shared>>
      tpu.enqueue_indirect_dma source(%arg10 : memref<100x64xf32, #tpu.memory_space<vmem>>) target(%dma_start3A_88 : memref<10000x64xf32, #tpu.memory_space<vmem_shared>>) offsets(%dma_start3A_85 : memref<100xi32, #tpu.memory_space<vmem>>) semaphore(%arg18 : memref<!tpu.dma_semaphore, #tpu.memory_space<semaphore_mem>>) {add = true}
      %ge3A = arith.constant 2 : i32
      %ge3A_89 = arith.cmpi sge, %add3A_72, %ge3A : i32
      %convert_element_type3A_90 = arith.extui %ge3A_89 : i1 to i32
      %cond3A_91 = arith.constant 0 : i32
      %cond3A_92 = arith.cmpi ne, %convert_element_type3A_90, %cond3A_91 : i32
      scf.if %cond3A_92 {
        %dma_wait3A_196 = arith.constant 0 : i32
        %dma_wait3A_197 = arith.constant 0 : i32
        %dma_wait3A_198 = tpu.memref_slice %arg2[%arg0, %dma_wait3A_196, %dma_wait3A_197] : memref<2x10000x64xf32, #tpu.memory_space<hbm>> -> memref<1x10000x64xf32, #tpu.memory_space<hbm>>
        %dma_wait3A_199 = tpu.memref_squeeze %dma_wait3A_198 : memref<1x10000x64xf32, #tpu.memory_space<hbm>> -> memref<10000x64xf32, #tpu.memory_space<hbm>>
        %dma_wait3A_200 = arith.constant 0 : i32
        %dma_wait3A_201 = arith.constant 0 : i32
        %dma_wait3A_202 = tpu.memref_slice %dma_wait3A_199[%dma_wait3A_200, %dma_wait3A_201] : memref<10000x64xf32, #tpu.memory_space<hbm>> -> memref<100x64xf32, #tpu.memory_space<hbm>>
        %dma_wait3A_203 = arith.constant 0 : i32
        %dma_wait3A_204 = arith.constant 0 : i32
        %dma_wait3A_205 = tpu.memref_slice %arg2[%arg0, %dma_wait3A_203, %dma_wait3A_204] : memref<2x10000x64xf32, #tpu.memory_space<hbm>> -> memref<1x10000x64xf32, #tpu.memory_space<hbm>>
        %dma_wait3A_206 = tpu.memref_squeeze %dma_wait3A_205 : memref<1x10000x64xf32, #tpu.memory_space<hbm>> -> memref<10000x64xf32, #tpu.memory_space<hbm>>
        %dma_wait3A_207 = arith.constant 0 : i32
        %dma_wait3A_208 = arith.constant 0 : i32
        %dma_wait3A_209 = tpu.memref_slice %dma_wait3A_206[%dma_wait3A_207, %dma_wait3A_208] : memref<10000x64xf32, #tpu.memory_space<hbm>> -> memref<100x64xf32, #tpu.memory_space<hbm>>
        tpu.wait_dma2 semaphore(%arg20 : memref<!tpu.dma_semaphore, #tpu.memory_space<semaphore_mem>>) src(%dma_wait3A_209 : memref<100x64xf32, #tpu.memory_space<hbm>>) dst(%arg12 : memref<100x64xf32, #tpu.memory_space<vmem>>)
      } else {
      }
      %add3A_93 = arith.constant 2 : i32
      %add3A_94 = arith.addi %add3A_72, %add3A_93 : i32
      %lt3A_95 = arith.constant 200 : i32
      %lt3A_96 = arith.cmpi slt, %add3A_94, %lt3A_95 : i32
      %convert_element_type3A_97 = arith.extui %lt3A_96 : i1 to i32
      %cond3A_98 = arith.constant 0 : i32
      %cond3A_99 = arith.cmpi ne, %convert_element_type3A_97, %cond3A_98 : i32
      scf.if %cond3A_99 {
        %add3A_196 = arith.constant 2 : i32
        %add3A_197 = arith.addi %add3A_72, %add3A_196 : i32
        %dma_start3A_198 = arith.constant 0 : i32
        %dma_start3A_199 = tpu.memref_slice %arg8[%add3A_197, %dma_start3A_198] : memref<200x100xi32, #tpu.memory_space<vmem>> -> memref<1x100xi32, #tpu.memory_space<vmem>>
        %dma_start3A_200 = tpu.memref_squeeze %dma_start3A_199 : memref<1x100xi32, #tpu.memory_space<vmem>> -> memref<100xi32, #tpu.memory_space<vmem>>
        %dma_start3A_201 = arith.constant 0 : i32
        %dma_start3A_202 = arith.constant 0 : i32
        %dma_start3A_203 = tpu.memref_slice %arg2[%arg0, %dma_start3A_201, %dma_start3A_202] : memref<2x10000x64xf32, #tpu.memory_space<hbm>> -> memref<1x10000x64xf32, #tpu.memory_space<hbm>>
        %dma_start3A_204 = tpu.memref_squeeze %dma_start3A_203 : memref<1x10000x64xf32, #tpu.memory_space<hbm>> -> memref<10000x64xf32, #tpu.memory_space<hbm>>
        %dma_start3A_205 = arith.constant 0 : i32
        %dma_start3A_206 = arith.constant 0 : i32
        %dma_start3A_207 = tpu.memref_slice %dma_start3A_204[%dma_start3A_205, %dma_start3A_206] : memref<10000x64xf32, #tpu.memory_space<hbm>> -> memref<10000x64xf32, #tpu.memory_space<hbm>>
        tpu.enqueue_indirect_dma source(%dma_start3A_207 : memref<10000x64xf32, #tpu.memory_space<hbm>>) target(%arg12 : memref<100x64xf32, #tpu.memory_space<vmem>>) offsets(%dma_start3A_200 : memref<100xi32, #tpu.memory_space<vmem>>) semaphore(%arg16 : memref<!tpu.dma_semaphore, #tpu.memory_space<semaphore_mem>>)
      } else {
      }
      %mul3A_100 = arith.constant 4 : i32
      %mul3A_101 = arith.muli %scan3A_70, %mul3A_100 : i32
      %add3A_102 = arith.constant 1 : i32
      %add3A_103 = arith.addi %mul3A_101, %add3A_102 : i32
      %dma_wait3A_104 = arith.constant 0 : i32
      %dma_wait3A_105 = tpu.memref_slice %arg8[%add3A_103, %dma_wait3A_104] : memref<200x100xi32, #tpu.memory_space<vmem>> -> memref<1x100xi32, #tpu.memory_space<vmem>>
      %dma_wait3A_106 = tpu.memref_squeeze %dma_wait3A_105 : memref<1x100xi32, #tpu.memory_space<vmem>> -> memref<100xi32, #tpu.memory_space<vmem>>
      %dma_wait3A_107 = arith.constant 0 : i32
      %dma_wait3A_108 = arith.constant 0 : i32
      %dma_wait3A_109 = tpu.memref_slice %arg2[%arg0, %dma_wait3A_107, %dma_wait3A_108] : memref<2x10000x64xf32, #tpu.memory_space<hbm>> -> memref<1x10000x64xf32, #tpu.memory_space<hbm>>
      %dma_wait3A_110 = tpu.memref_squeeze %dma_wait3A_109 : memref<1x10000x64xf32, #tpu.memory_space<hbm>> -> memref<10000x64xf32, #tpu.memory_space<hbm>>
      %dma_wait3A_111 = arith.constant 0 : i32
      %dma_wait3A_112 = arith.constant 0 : i32
      %dma_wait3A_113 = tpu.memref_slice %dma_wait3A_110[%dma_wait3A_111, %dma_wait3A_112] : memref<10000x64xf32, #tpu.memory_space<hbm>> -> memref<10000x64xf32, #tpu.memory_space<hbm>>
      tpu.wait_indirect_dma semaphore(%arg15 : memref<!tpu.dma_semaphore, #tpu.memory_space<semaphore_mem>>) src(%dma_wait3A_113 : memref<10000x64xf32, #tpu.memory_space<hbm>>) dst(%arg11 : memref<100x64xf32, #tpu.memory_space<vmem>>)
      %dma_start3A_114 = arith.constant 0 : i32
      %dma_start3A_115 = tpu.memref_slice %arg9[%add3A_103, %dma_start3A_114] : memref<200x100xi32, #tpu.memory_space<vmem>> -> memref<1x100xi32, #tpu.memory_space<vmem>>
      %dma_start3A_116 = tpu.memref_squeeze %dma_start3A_115 : memref<1x100xi32, #tpu.memory_space<vmem>> -> memref<100xi32, #tpu.memory_space<vmem>>
      %dma_start3A_117 = arith.constant 0 : i32
      %dma_start3A_118 = arith.constant 0 : i32
      %dma_start3A_119 = tpu.memref_slice %arg7[%dma_start3A_117, %dma_start3A_118] : memref<10000x64xf32, #tpu.memory_space<vmem_shared>> -> memref<10000x64xf32, #tpu.memory_space<vmem_shared>>
      tpu.enqueue_indirect_dma source(%arg11 : memref<100x64xf32, #tpu.memory_space<vmem>>) target(%dma_start3A_119 : memref<10000x64xf32, #tpu.memory_space<vmem_shared>>) offsets(%dma_start3A_116 : memref<100xi32, #tpu.memory_space<vmem>>) semaphore(%arg19 : memref<!tpu.dma_semaphore, #tpu.memory_space<semaphore_mem>>) {add = true}
      %ge3A_120 = arith.constant 2 : i32
      %ge3A_121 = arith.cmpi sge, %add3A_103, %ge3A_120 : i32
      %convert_element_type3A_122 = arith.extui %ge3A_121 : i1 to i32
      %cond3A_123 = arith.constant 0 : i32
      %cond3A_124 = arith.cmpi ne, %convert_element_type3A_122, %cond3A_123 : i32
      scf.if %cond3A_124 {
        %dma_wait3A_196 = arith.constant 0 : i32
        %dma_wait3A_197 = arith.constant 0 : i32
        %dma_wait3A_198 = tpu.memref_slice %arg2[%arg0, %dma_wait3A_196, %dma_wait3A_197] : memref<2x10000x64xf32, #tpu.memory_space<hbm>> -> memref<1x10000x64xf32, #tpu.memory_space<hbm>>
        %dma_wait3A_199 = tpu.memref_squeeze %dma_wait3A_198 : memref<1x10000x64xf32, #tpu.memory_space<hbm>> -> memref<10000x64xf32, #tpu.memory_space<hbm>>
        %dma_wait3A_200 = arith.constant 0 : i32
        %dma_wait3A_201 = arith.constant 0 : i32
        %dma_wait3A_202 = tpu.memref_slice %dma_wait3A_199[%dma_wait3A_200, %dma_wait3A_201] : memref<10000x64xf32, #tpu.memory_space<hbm>> -> memref<100x64xf32, #tpu.memory_space<hbm>>
        %dma_wait3A_203 = arith.constant 0 : i32
        %dma_wait3A_204 = arith.constant 0 : i32
        %dma_wait3A_205 = tpu.memref_slice %arg2[%arg0, %dma_wait3A_203, %dma_wait3A_204] : memref<2x10000x64xf32, #tpu.memory_space<hbm>> -> memref<1x10000x64xf32, #tpu.memory_space<hbm>>
        %dma_wait3A_206 = tpu.memref_squeeze %dma_wait3A_205 : memref<1x10000x64xf32, #tpu.memory_space<hbm>> -> memref<10000x64xf32, #tpu.memory_space<hbm>>
        %dma_wait3A_207 = arith.constant 0 : i32
        %dma_wait3A_208 = arith.constant 0 : i32
        %dma_wait3A_209 = tpu.memref_slice %dma_wait3A_206[%dma_wait3A_207, %dma_wait3A_208] : memref<10000x64xf32, #tpu.memory_space<hbm>> -> memref<100x64xf32, #tpu.memory_space<hbm>>
        tpu.wait_dma2 semaphore(%arg21 : memref<!tpu.dma_semaphore, #tpu.memory_space<semaphore_mem>>) src(%dma_wait3A_209 : memref<100x64xf32, #tpu.memory_space<hbm>>) dst(%arg13 : memref<100x64xf32, #tpu.memory_space<vmem>>)
      } else {
      }
      %add3A_125 = arith.constant 2 : i32
      %add3A_126 = arith.addi %add3A_103, %add3A_125 : i32
      %lt3A_127 = arith.constant 200 : i32
      %lt3A_128 = arith.cmpi slt, %add3A_126, %lt3A_127 : i32
      %convert_element_type3A_129 = arith.extui %lt3A_128 : i1 to i32
      %cond3A_130 = arith.constant 0 : i32
      %cond3A_131 = arith.cmpi ne, %convert_element_type3A_129, %cond3A_130 : i32
      scf.if %cond3A_131 {
        %add3A_196 = arith.constant 2 : i32
        %add3A_197 = arith.addi %add3A_103, %add3A_196 : i32
        %dma_start3A_198 = arith.constant 0 : i32
        %dma_start3A_199 = tpu.memref_slice %arg8[%add3A_197, %dma_start3A_198] : memref<200x100xi32, #tpu.memory_space<vmem>> -> memref<1x100xi32, #tpu.memory_space<vmem>>
        %dma_start3A_200 = tpu.memref_squeeze %dma_start3A_199 : memref<1x100xi32, #tpu.memory_space<vmem>> -> memref<100xi32, #tpu.memory_space<vmem>>
        %dma_start3A_201 = arith.constant 0 : i32
        %dma_start3A_202 = arith.constant 0 : i32
        %dma_start3A_203 = tpu.memref_slice %arg2[%arg0, %dma_start3A_201, %dma_start3A_202] : memref<2x10000x64xf32, #tpu.memory_space<hbm>> -> memref<1x10000x64xf32, #tpu.memory_space<hbm>>
        %dma_start3A_204 = tpu.memref_squeeze %dma_start3A_203 : memref<1x10000x64xf32, #tpu.memory_space<hbm>> -> memref<10000x64xf32, #tpu.memory_space<hbm>>
        %dma_start3A_205 = arith.constant 0 : i32
        %dma_start3A_206 = arith.constant 0 : i32
        %dma_start3A_207 = tpu.memref_slice %dma_start3A_204[%dma_start3A_205, %dma_start3A_206] : memref<10000x64xf32, #tpu.memory_space<hbm>> -> memref<10000x64xf32, #tpu.memory_space<hbm>>
        tpu.enqueue_indirect_dma source(%dma_start3A_207 : memref<10000x64xf32, #tpu.memory_space<hbm>>) target(%arg13 : memref<100x64xf32, #tpu.memory_space<vmem>>) offsets(%dma_start3A_200 : memref<100xi32, #tpu.memory_space<vmem>>) semaphore(%arg17 : memref<!tpu.dma_semaphore, #tpu.memory_space<semaphore_mem>>)
      } else {
      }
      %mul3A_132 = arith.constant 4 : i32
      %mul3A_133 = arith.muli %scan3A_70, %mul3A_132 : i32
      %add3A_134 = arith.constant 2 : i32
      %add3A_135 = arith.addi %mul3A_133, %add3A_134 : i32
      %dma_wait3A_136 = arith.constant 0 : i32
      %dma_wait3A_137 = tpu.memref_slice %arg8[%add3A_135, %dma_wait3A_136] : memref<200x100xi32, #tpu.memory_space<vmem>> -> memref<1x100xi32, #tpu.memory_space<vmem>>
      %dma_wait3A_138 = tpu.memref_squeeze %dma_wait3A_137 : memref<1x100xi32, #tpu.memory_space<vmem>> -> memref<100xi32, #tpu.memory_space<vmem>>
      %dma_wait3A_139 = arith.constant 0 : i32
      %dma_wait3A_140 = arith.constant 0 : i32
      %dma_wait3A_141 = tpu.memref_slice %arg2[%arg0, %dma_wait3A_139, %dma_wait3A_140] : memref<2x10000x64xf32, #tpu.memory_space<hbm>> -> memref<1x10000x64xf32, #tpu.memory_space<hbm>>
      %dma_wait3A_142 = tpu.memref_squeeze %dma_wait3A_141 : memref<1x10000x64xf32, #tpu.memory_space<hbm>> -> memref<10000x64xf32, #tpu.memory_space<hbm>>
      %dma_wait3A_143 = arith.constant 0 : i32
      %dma_wait3A_144 = arith.constant 0 : i32
      %dma_wait3A_145 = tpu.memref_slice %dma_wait3A_142[%dma_wait3A_143, %dma_wait3A_144] : memref<10000x64xf32, #tpu.memory_space<hbm>> -> memref<10000x64xf32, #tpu.memory_space<hbm>>
      tpu.wait_indirect_dma semaphore(%arg16 : memref<!tpu.dma_semaphore, #tpu.memory_space<semaphore_mem>>) src(%dma_wait3A_145 : memref<10000x64xf32, #tpu.memory_space<hbm>>) dst(%arg12 : memref<100x64xf32, #tpu.memory_space<vmem>>)
      %dma_start3A_146 = arith.constant 0 : i32
      %dma_start3A_147 = tpu.memref_slice %arg9[%add3A_135, %dma_start3A_146] : memref<200x100xi32, #tpu.memory_space<vmem>> -> memref<1x100xi32, #tpu.memory_space<vmem>>
      %dma_start3A_148 = tpu.memref_squeeze %dma_start3A_147 : memref<1x100xi32, #tpu.memory_space<vmem>> -> memref<100xi32, #tpu.memory_space<vmem>>
      %dma_start3A_149 = arith.constant 0 : i32
      %dma_start3A_150 = arith.constant 0 : i32
      %dma_start3A_151 = tpu.memref_slice %arg7[%dma_start3A_149, %dma_start3A_150] : memref<10000x64xf32, #tpu.memory_space<vmem_shared>> -> memref<10000x64xf32, #tpu.memory_space<vmem_shared>>
      tpu.enqueue_indirect_dma source(%arg12 : memref<100x64xf32, #tpu.memory_space<vmem>>) target(%dma_start3A_151 : memref<10000x64xf32, #tpu.memory_space<vmem_shared>>) offsets(%dma_start3A_148 : memref<100xi32, #tpu.memory_space<vmem>>) semaphore(%arg20 : memref<!tpu.dma_semaphore, #tpu.memory_space<semaphore_mem>>) {add = true}
      %ge3A_152 = arith.constant 2 : i32
      %ge3A_153 = arith.cmpi sge, %add3A_135, %ge3A_152 : i32
      %convert_element_type3A_154 = arith.extui %ge3A_153 : i1 to i32
      %cond3A_155 = arith.constant 0 : i32
      %cond3A_156 = arith.cmpi ne, %convert_element_type3A_154, %cond3A_155 : i32
      scf.if %cond3A_156 {
        %dma_wait3A_196 = arith.constant 0 : i32
        %dma_wait3A_197 = arith.constant 0 : i32
        %dma_wait3A_198 = tpu.memref_slice %arg2[%arg0, %dma_wait3A_196, %dma_wait3A_197] : memref<2x10000x64xf32, #tpu.memory_space<hbm>> -> memref<1x10000x64xf32, #tpu.memory_space<hbm>>
        %dma_wait3A_199 = tpu.memref_squeeze %dma_wait3A_198 : memref<1x10000x64xf32, #tpu.memory_space<hbm>> -> memref<10000x64xf32, #tpu.memory_space<hbm>>
        %dma_wait3A_200 = arith.constant 0 : i32
        %dma_wait3A_201 = arith.constant 0 : i32
        %dma_wait3A_202 = tpu.memref_slice %dma_wait3A_199[%dma_wait3A_200, %dma_wait3A_201] : memref<10000x64xf32, #tpu.memory_space<hbm>> -> memref<100x64xf32, #tpu.memory_space<hbm>>
        %dma_wait3A_203 = arith.constant 0 : i32
        %dma_wait3A_204 = arith.constant 0 : i32
        %dma_wait3A_205 = tpu.memref_slice %arg2[%arg0, %dma_wait3A_203, %dma_wait3A_204] : memref<2x10000x64xf32, #tpu.memory_space<hbm>> -> memref<1x10000x64xf32, #tpu.memory_space<hbm>>
        %dma_wait3A_206 = tpu.memref_squeeze %dma_wait3A_205 : memref<1x10000x64xf32, #tpu.memory_space<hbm>> -> memref<10000x64xf32, #tpu.memory_space<hbm>>
        %dma_wait3A_207 = arith.constant 0 : i32
        %dma_wait3A_208 = arith.constant 0 : i32
        %dma_wait3A_209 = tpu.memref_slice %dma_wait3A_206[%dma_wait3A_207, %dma_wait3A_208] : memref<10000x64xf32, #tpu.memory_space<hbm>> -> memref<100x64xf32, #tpu.memory_space<hbm>>
        tpu.wait_dma2 semaphore(%arg18 : memref<!tpu.dma_semaphore, #tpu.memory_space<semaphore_mem>>) src(%dma_wait3A_209 : memref<100x64xf32, #tpu.memory_space<hbm>>) dst(%arg10 : memref<100x64xf32, #tpu.memory_space<vmem>>)
      } else {
      }
      %add3A_157 = arith.constant 2 : i32
      %add3A_158 = arith.addi %add3A_135, %add3A_157 : i32
      %lt3A_159 = arith.constant 200 : i32
      %lt3A_160 = arith.cmpi slt, %add3A_158, %lt3A_159 : i32
      %convert_element_type3A_161 = arith.extui %lt3A_160 : i1 to i32
      %cond3A_162 = arith.constant 0 : i32
      %cond3A_163 = arith.cmpi ne, %convert_element_type3A_161, %cond3A_162 : i32
      scf.if %cond3A_163 {
        %add3A_196 = arith.constant 2 : i32
        %add3A_197 = arith.addi %add3A_135, %add3A_196 : i32
        %dma_start3A_198 = arith.constant 0 : i32
        %dma_start3A_199 = tpu.memref_slice %arg8[%add3A_197, %dma_start3A_198] : memref<200x100xi32, #tpu.memory_space<vmem>> -> memref<1x100xi32, #tpu.memory_space<vmem>>
        %dma_start3A_200 = tpu.memref_squeeze %dma_start3A_199 : memref<1x100xi32, #tpu.memory_space<vmem>> -> memref<100xi32, #tpu.memory_space<vmem>>
        %dma_start3A_201 = arith.constant 0 : i32
        %dma_start3A_202 = arith.constant 0 : i32
        %dma_start3A_203 = tpu.memref_slice %arg2[%arg0, %dma_start3A_201, %dma_start3A_202] : memref<2x10000x64xf32, #tpu.memory_space<hbm>> -> memref<1x10000x64xf32, #tpu.memory_space<hbm>>
        %dma_start3A_204 = tpu.memref_squeeze %dma_start3A_203 : memref<1x10000x64xf32, #tpu.memory_space<hbm>> -> memref<10000x64xf32, #tpu.memory_space<hbm>>
        %dma_start3A_205 = arith.constant 0 : i32
        %dma_start3A_206 = arith.constant 0 : i32
        %dma_start3A_207 = tpu.memref_slice %dma_start3A_204[%dma_start3A_205, %dma_start3A_206] : memref<10000x64xf32, #tpu.memory_space<hbm>> -> memref<10000x64xf32, #tpu.memory_space<hbm>>
        tpu.enqueue_indirect_dma source(%dma_start3A_207 : memref<10000x64xf32, #tpu.memory_space<hbm>>) target(%arg10 : memref<100x64xf32, #tpu.memory_space<vmem>>) offsets(%dma_start3A_200 : memref<100xi32, #tpu.memory_space<vmem>>) semaphore(%arg14 : memref<!tpu.dma_semaphore, #tpu.memory_space<semaphore_mem>>)
      } else {
      }
      %mul3A_164 = arith.constant 4 : i32
      %mul3A_165 = arith.muli %scan3A_70, %mul3A_164 : i32
      %add3A_166 = arith.constant 3 : i32
      %add3A_167 = arith.addi %mul3A_165, %add3A_166 : i32
      %dma_wait3A_168 = arith.constant 0 : i32
      %dma_wait3A_169 = tpu.memref_slice %arg8[%add3A_167, %dma_wait3A_168] : memref<200x100xi32, #tpu.memory_space<vmem>> -> memref<1x100xi32, #tpu.memory_space<vmem>>
      %dma_wait3A_170 = tpu.memref_squeeze %dma_wait3A_169 : memref<1x100xi32, #tpu.memory_space<vmem>> -> memref<100xi32, #tpu.memory_space<vmem>>
      %dma_wait3A_171 = arith.constant 0 : i32
      %dma_wait3A_172 = arith.constant 0 : i32
      %dma_wait3A_173 = tpu.memref_slice %arg2[%arg0, %dma_wait3A_171, %dma_wait3A_172] : memref<2x10000x64xf32, #tpu.memory_space<hbm>> -> memref<1x10000x64xf32, #tpu.memory_space<hbm>>
      %dma_wait3A_174 = tpu.memref_squeeze %dma_wait3A_173 : memref<1x10000x64xf32, #tpu.memory_space<hbm>> -> memref<10000x64xf32, #tpu.memory_space<hbm>>
      %dma_wait3A_175 = arith.constant 0 : i32
      %dma_wait3A_176 = arith.constant 0 : i32
      %dma_wait3A_177 = tpu.memref_slice %dma_wait3A_174[%dma_wait3A_175, %dma_wait3A_176] : memref<10000x64xf32, #tpu.memory_space<hbm>> -> memref<10000x64xf32, #tpu.memory_space<hbm>>
      tpu.wait_indirect_dma semaphore(%arg17 : memref<!tpu.dma_semaphore, #tpu.memory_space<semaphore_mem>>) src(%dma_wait3A_177 : memref<10000x64xf32, #tpu.memory_space<hbm>>) dst(%arg13 : memref<100x64xf32, #tpu.memory_space<vmem>>)
      %dma_start3A_178 = arith.constant 0 : i32
      %dma_start3A_179 = tpu.memref_slice %arg9[%add3A_167, %dma_start3A_178] : memref<200x100xi32, #tpu.memory_space<vmem>> -> memref<1x100xi32, #tpu.memory_space<vmem>>
      %dma_start3A_180 = tpu.memref_squeeze %dma_start3A_179 : memref<1x100xi32, #tpu.memory_space<vmem>> -> memref<100xi32, #tpu.memory_space<vmem>>
      %dma_start3A_181 = arith.constant 0 : i32
      %dma_start3A_182 = arith.constant 0 : i32
      %dma_start3A_183 = tpu.memref_slice %arg7[%dma_start3A_181, %dma_start3A_182] : memref<10000x64xf32, #tpu.memory_space<vmem_shared>> -> memref<10000x64xf32, #tpu.memory_space<vmem_shared>>
      tpu.enqueue_indirect_dma source(%arg13 : memref<100x64xf32, #tpu.memory_space<vmem>>) target(%dma_start3A_183 : memref<10000x64xf32, #tpu.memory_space<vmem_shared>>) offsets(%dma_start3A_180 : memref<100xi32, #tpu.memory_space<vmem>>) semaphore(%arg21 : memref<!tpu.dma_semaphore, #tpu.memory_space<semaphore_mem>>) {add = true}
      %ge3A_184 = arith.constant 2 : i32
      %ge3A_185 = arith.cmpi sge, %add3A_167, %ge3A_184 : i32
      %convert_element_type3A_186 = arith.extui %ge3A_185 : i1 to i32
      %cond3A_187 = arith.constant 0 : i32
      %cond3A_188 = arith.cmpi ne, %convert_element_type3A_186, %cond3A_187 : i32
      scf.if %cond3A_188 {
        %dma_wait3A_196 = arith.constant 0 : i32
        %dma_wait3A_197 = arith.constant 0 : i32
        %dma_wait3A_198 = tpu.memref_slice %arg2[%arg0, %dma_wait3A_196, %dma_wait3A_197] : memref<2x10000x64xf32, #tpu.memory_space<hbm>> -> memref<1x10000x64xf32, #tpu.memory_space<hbm>>
        %dma_wait3A_199 = tpu.memref_squeeze %dma_wait3A_198 : memref<1x10000x64xf32, #tpu.memory_space<hbm>> -> memref<10000x64xf32, #tpu.memory_space<hbm>>
        %dma_wait3A_200 = arith.constant 0 : i32
        %dma_wait3A_201 = arith.constant 0 : i32
        %dma_wait3A_202 = tpu.memref_slice %dma_wait3A_199[%dma_wait3A_200, %dma_wait3A_201] : memref<10000x64xf32, #tpu.memory_space<hbm>> -> memref<100x64xf32, #tpu.memory_space<hbm>>
        %dma_wait3A_203 = arith.constant 0 : i32
        %dma_wait3A_204 = arith.constant 0 : i32
        %dma_wait3A_205 = tpu.memref_slice %arg2[%arg0, %dma_wait3A_203, %dma_wait3A_204] : memref<2x10000x64xf32, #tpu.memory_space<hbm>> -> memref<1x10000x64xf32, #tpu.memory_space<hbm>>
        %dma_wait3A_206 = tpu.memref_squeeze %dma_wait3A_205 : memref<1x10000x64xf32, #tpu.memory_space<hbm>> -> memref<10000x64xf32, #tpu.memory_space<hbm>>
        %dma_wait3A_207 = arith.constant 0 : i32
        %dma_wait3A_208 = arith.constant 0 : i32
        %dma_wait3A_209 = tpu.memref_slice %dma_wait3A_206[%dma_wait3A_207, %dma_wait3A_208] : memref<10000x64xf32, #tpu.memory_space<hbm>> -> memref<100x64xf32, #tpu.memory_space<hbm>>
        tpu.wait_dma2 semaphore(%arg19 : memref<!tpu.dma_semaphore, #tpu.memory_space<semaphore_mem>>) src(%dma_wait3A_209 : memref<100x64xf32, #tpu.memory_space<hbm>>) dst(%arg11 : memref<100x64xf32, #tpu.memory_space<vmem>>)
      } else {
      }
      %add3A_189 = arith.constant 2 : i32
      %add3A_190 = arith.addi %add3A_167, %add3A_189 : i32
      %lt3A_191 = arith.constant 200 : i32
      %lt3A_192 = arith.cmpi slt, %add3A_190, %lt3A_191 : i32
      %convert_element_type3A_193 = arith.extui %lt3A_192 : i1 to i32
      %cond3A_194 = arith.constant 0 : i32
      %cond3A_195 = arith.cmpi ne, %convert_element_type3A_193, %cond3A_194 : i32
      scf.if %cond3A_195 {
        %add3A_196 = arith.constant 2 : i32
        %add3A_197 = arith.addi %add3A_167, %add3A_196 : i32
        %dma_start3A_198 = arith.constant 0 : i32
        %dma_start3A_199 = tpu.memref_slice %arg8[%add3A_197, %dma_start3A_198] : memref<200x100xi32, #tpu.memory_space<vmem>> -> memref<1x100xi32, #tpu.memory_space<vmem>>
        %dma_start3A_200 = tpu.memref_squeeze %dma_start3A_199 : memref<1x100xi32, #tpu.memory_space<vmem>> -> memref<100xi32, #tpu.memory_space<vmem>>
        %dma_start3A_201 = arith.constant 0 : i32
        %dma_start3A_202 = arith.constant 0 : i32
        %dma_start3A_203 = tpu.memref_slice %arg2[%arg0, %dma_start3A_201, %dma_start3A_202] : memref<2x10000x64xf32, #tpu.memory_space<hbm>> -> memref<1x10000x64xf32, #tpu.memory_space<hbm>>
        %dma_start3A_204 = tpu.memref_squeeze %dma_start3A_203 : memref<1x10000x64xf32, #tpu.memory_space<hbm>> -> memref<10000x64xf32, #tpu.memory_space<hbm>>
        %dma_start3A_205 = arith.constant 0 : i32
        %dma_start3A_206 = arith.constant 0 : i32
        %dma_start3A_207 = tpu.memref_slice %dma_start3A_204[%dma_start3A_205, %dma_start3A_206] : memref<10000x64xf32, #tpu.memory_space<hbm>> -> memref<10000x64xf32, #tpu.memory_space<hbm>>
        tpu.enqueue_indirect_dma source(%dma_start3A_207 : memref<10000x64xf32, #tpu.memory_space<hbm>>) target(%arg11 : memref<100x64xf32, #tpu.memory_space<vmem>>) offsets(%dma_start3A_200 : memref<100xi32, #tpu.memory_space<vmem>>) semaphore(%arg15 : memref<!tpu.dma_semaphore, #tpu.memory_space<semaphore_mem>>)
      } else {
      }
    }
    %scan3A_31 = arith.constant 50 : i32
    %dma_wait3A = arith.constant 0 : i32
    %dma_wait3A_32 = arith.constant 0 : i32
    %dma_wait3A_33 = tpu.memref_slice %arg2[%arg0, %dma_wait3A, %dma_wait3A_32] : memref<2x10000x64xf32, #tpu.memory_space<hbm>> -> memref<1x10000x64xf32, #tpu.memory_space<hbm>>
    %dma_wait3A_34 = tpu.memref_squeeze %dma_wait3A_33 : memref<1x10000x64xf32, #tpu.memory_space<hbm>> -> memref<10000x64xf32, #tpu.memory_space<hbm>>
    %dma_wait3A_35 = arith.constant 0 : i32
    %dma_wait3A_36 = arith.constant 0 : i32
    %dma_wait3A_37 = tpu.memref_slice %dma_wait3A_34[%dma_wait3A_35, %dma_wait3A_36] : memref<10000x64xf32, #tpu.memory_space<hbm>> -> memref<100x64xf32, #tpu.memory_space<hbm>>
    %dma_wait3A_38 = arith.constant 0 : i32
    %dma_wait3A_39 = arith.constant 0 : i32
    %dma_wait3A_40 = tpu.memref_slice %arg2[%arg0, %dma_wait3A_38, %dma_wait3A_39] : memref<2x10000x64xf32, #tpu.memory_space<hbm>> -> memref<1x10000x64xf32, #tpu.memory_space<hbm>>
    %dma_wait3A_41 = tpu.memref_squeeze %dma_wait3A_40 : memref<1x10000x64xf32, #tpu.memory_space<hbm>> -> memref<10000x64xf32, #tpu.memory_space<hbm>>
    %dma_wait3A_42 = arith.constant 0 : i32
    %dma_wait3A_43 = arith.constant 0 : i32
    %dma_wait3A_44 = tpu.memref_slice %dma_wait3A_41[%dma_wait3A_42, %dma_wait3A_43] : memref<10000x64xf32, #tpu.memory_space<hbm>> -> memref<100x64xf32, #tpu.memory_space<hbm>>
    tpu.wait_dma2 semaphore(%arg20 : memref<!tpu.dma_semaphore, #tpu.memory_space<semaphore_mem>>) src(%dma_wait3A_44 : memref<100x64xf32, #tpu.memory_space<hbm>>) dst(%arg10 : memref<100x64xf32, #tpu.memory_space<vmem>>)
    %dma_wait3A_45 = arith.constant 0 : i32
    %dma_wait3A_46 = arith.constant 0 : i32
    %dma_wait3A_47 = tpu.memref_slice %arg2[%arg0, %dma_wait3A_45, %dma_wait3A_46] : memref<2x10000x64xf32, #tpu.memory_space<hbm>> -> memref<1x10000x64xf32, #tpu.memory_space<hbm>>
    %dma_wait3A_48 = tpu.memref_squeeze %dma_wait3A_47 : memref<1x10000x64xf32, #tpu.memory_space<hbm>> -> memref<10000x64xf32, #tpu.memory_space<hbm>>
    %dma_wait3A_49 = arith.constant 0 : i32
    %dma_wait3A_50 = arith.constant 0 : i32
    %dma_wait3A_51 = tpu.memref_slice %dma_wait3A_48[%dma_wait3A_49, %dma_wait3A_50] : memref<10000x64xf32, #tpu.memory_space<hbm>> -> memref<100x64xf32, #tpu.memory_space<hbm>>
    %dma_wait3A_52 = arith.constant 0 : i32
    %dma_wait3A_53 = arith.constant 0 : i32
    %dma_wait3A_54 = tpu.memref_slice %arg2[%arg0, %dma_wait3A_52, %dma_wait3A_53] : memref<2x10000x64xf32, #tpu.memory_space<hbm>> -> memref<1x10000x64xf32, #tpu.memory_space<hbm>>
    %dma_wait3A_55 = tpu.memref_squeeze %dma_wait3A_54 : memref<1x10000x64xf32, #tpu.memory_space<hbm>> -> memref<10000x64xf32, #tpu.memory_space<hbm>>
    %dma_wait3A_56 = arith.constant 0 : i32
    %dma_wait3A_57 = arith.constant 0 : i32
    %dma_wait3A_58 = tpu.memref_slice %dma_wait3A_55[%dma_wait3A_56, %dma_wait3A_57] : memref<10000x64xf32, #tpu.memory_space<hbm>> -> memref<100x64xf32, #tpu.memory_space<hbm>>
    tpu.wait_dma2 semaphore(%arg21 : memref<!tpu.dma_semaphore, #tpu.memory_space<semaphore_mem>>) src(%dma_wait3A_58 : memref<100x64xf32, #tpu.memory_space<hbm>>) dst(%arg11 : memref<100x64xf32, #tpu.memory_space<vmem>>)
    %barrier3A_59 = arith.constant 0 : index
    tpu.barrier barrier_id(%barrier3A_59)
    %lt3A_60 = arith.constant 15 : i32
    %lt3A_61 = arith.cmpi slt, %arg1, %lt3A_60 : i32
    %convert_element_type3A_62 = arith.extui %lt3A_61 : i1 to i32
    %cond3A_63 = arith.constant 0 : i32
    %cond3A_64 = arith.cmpi ne, %convert_element_type3A_62, %cond3A_63 : i32
    scf.if %cond3A_64 {
      %mul3A = arith.constant 632 : i32
      %mul3A_70 = arith.muli %arg1, %mul3A : i32
      %mul3A_71 = arith.constant 632 : i32
      %mul3A_72 = arith.muli %arg1, %mul3A_71 : i32
      "tpu.region"() ({
        %run_scoped3A = tpu.sem_alloc : memref<!tpu.dma_semaphore, #tpu.memory_space<semaphore_mem>>
        %dma_start3A_73 = arith.constant 0 : i32
        %dma_start3A_74 = arith.constant 0 : i32
        %dma_start3A_75 = tpu.memref_slice %arg6[%arg0, %dma_start3A_73, %dma_start3A_74] : memref<2x10000x64xf32, #tpu.memory_space<hbm>> -> memref<1x10000x64xf32, #tpu.memory_space<hbm>>
        %dma_start3A_76 = tpu.memref_squeeze %dma_start3A_75 : memref<1x10000x64xf32, #tpu.memory_space<hbm>> -> memref<10000x64xf32, #tpu.memory_space<hbm>>
        %dma_start3A_77 = arith.constant 0 : i32
        %dma_start3A_78 = tpu.memref_slice %dma_start3A_76[%mul3A_72, %dma_start3A_77] : memref<10000x64xf32, #tpu.memory_space<hbm>> -> memref<632x64xf32, #tpu.memory_space<hbm>>
        %dma_start3A_79 = arith.constant 0 : i32
        %dma_start3A_80 = tpu.memref_slice %arg7[%mul3A_70, %dma_start3A_79] : memref<10000x64xf32, #tpu.memory_space<vmem_shared>> -> memref<632x64xf32, #tpu.memory_space<vmem_shared>>
        tpu.enqueue_dma source(%dma_start3A_80 : memref<632x64xf32, #tpu.memory_space<vmem_shared>>) target(%dma_start3A_78 : memref<632x64xf32, #tpu.memory_space<hbm>>) target_semaphore(%run_scoped3A : memref<!tpu.dma_semaphore, #tpu.memory_space<semaphore_mem>>)
        %dma_wait3A_81 = arith.constant 0 : i32
        %dma_wait3A_82 = arith.constant 0 : i32
        %dma_wait3A_83 = tpu.memref_slice %arg6[%arg0, %dma_wait3A_81, %dma_wait3A_82] : memref<2x10000x64xf32, #tpu.memory_space<hbm>> -> memref<1x10000x64xf32, #tpu.memory_space<hbm>>
        %dma_wait3A_84 = tpu.memref_squeeze %dma_wait3A_83 : memref<1x10000x64xf32, #tpu.memory_space<hbm>> -> memref<10000x64xf32, #tpu.memory_space<hbm>>
        %dma_wait3A_85 = arith.constant 0 : i32
        %dma_wait3A_86 = tpu.memref_slice %dma_wait3A_84[%mul3A_72, %dma_wait3A_85] : memref<10000x64xf32, #tpu.memory_space<hbm>> -> memref<632x64xf32, #tpu.memory_space<hbm>>
        %dma_wait3A_87 = arith.constant 0 : i32
        %dma_wait3A_88 = tpu.memref_slice %arg7[%mul3A_70, %dma_wait3A_87] : memref<10000x64xf32, #tpu.memory_space<vmem_shared>> -> memref<632x64xf32, #tpu.memory_space<vmem_shared>>
        tpu.wait_dma2 semaphore(%run_scoped3A : memref<!tpu.dma_semaphore, #tpu.memory_space<semaphore_mem>>) src(%dma_wait3A_88 : memref<632x64xf32, #tpu.memory_space<vmem_shared>>) dst(%dma_wait3A_86 : memref<632x64xf32, #tpu.memory_space<hbm>>)
        tpu.yield
      }) : () -> ()
    } else {
    }
    %eq3A_65 = arith.constant 15 : i32
    %eq3A_66 = arith.cmpi eq, %arg1, %eq3A_65 : i32
    %convert_element_type3A_67 = arith.extui %eq3A_66 : i1 to i32
    %cond3A_68 = arith.constant 0 : i32
    %cond3A_69 = arith.cmpi ne, %convert_element_type3A_67, %cond3A_68 : i32
    scf.if %cond3A_69 {
      "tpu.region"() ({
        %run_scoped3A = tpu.sem_alloc : memref<!tpu.dma_semaphore, #tpu.memory_space<semaphore_mem>>
        %dma_start3A_70 = arith.constant 0 : i32
        %dma_start3A_71 = arith.constant 0 : i32
        %dma_start3A_72 = tpu.memref_slice %arg6[%arg0, %dma_start3A_70, %dma_start3A_71] : memref<2x10000x64xf32, #tpu.memory_space<hbm>> -> memref<1x10000x64xf32, #tpu.memory_space<hbm>>
        %dma_start3A_73 = tpu.memref_squeeze %dma_start3A_72 : memref<1x10000x64xf32, #tpu.memory_space<hbm>> -> memref<10000x64xf32, #tpu.memory_space<hbm>>
        %dma_start3A_74 = arith.constant 9480 : i32
        %dma_start3A_75 = arith.constant 0 : i32
        %dma_start3A_76 = tpu.memref_slice %dma_start3A_73[%dma_start3A_74, %dma_start3A_75] : memref<10000x64xf32, #tpu.memory_space<hbm>> -> memref<520x64xf32, #tpu.memory_space<hbm>>
        %dma_start3A_77 = arith.constant 9480 : i32
        %dma_start3A_78 = arith.constant 0 : i32
        %dma_start3A_79 = tpu.memref_slice %arg7[%dma_start3A_77, %dma_start3A_78] : memref<10000x64xf32, #tpu.memory_space<vmem_shared>> -> memref<520x64xf32, #tpu.memory_space<vmem_shared>>
        tpu.enqueue_dma source(%dma_start3A_79 : memref<520x64xf32, #tpu.memory_space<vmem_shared>>) target(%dma_start3A_76 : memref<520x64xf32, #tpu.memory_space<hbm>>) target_semaphore(%run_scoped3A : memref<!tpu.dma_semaphore, #tpu.memory_space<semaphore_mem>>)
        %dma_wait3A_80 = arith.constant 0 : i32
        %dma_wait3A_81 = arith.constant 0 : i32
        %dma_wait3A_82 = tpu.memref_slice %arg6[%arg0, %dma_wait3A_80, %dma_wait3A_81] : memref<2x10000x64xf32, #tpu.memory_space<hbm>> -> memref<1x10000x64xf32, #tpu.memory_space<hbm>>
        %dma_wait3A_83 = tpu.memref_squeeze %dma_wait3A_82 : memref<1x10000x64xf32, #tpu.memory_space<hbm>> -> memref<10000x64xf32, #tpu.memory_space<hbm>>
        %dma_wait3A_84 = arith.constant 9480 : i32
        %dma_wait3A_85 = arith.constant 0 : i32
        %dma_wait3A_86 = tpu.memref_slice %dma_wait3A_83[%dma_wait3A_84, %dma_wait3A_85] : memref<10000x64xf32, #tpu.memory_space<hbm>> -> memref<520x64xf32, #tpu.memory_space<hbm>>
        %dma_wait3A_87 = arith.constant 9480 : i32
        %dma_wait3A_88 = arith.constant 0 : i32
        %dma_wait3A_89 = tpu.memref_slice %arg7[%dma_wait3A_87, %dma_wait3A_88] : memref<10000x64xf32, #tpu.memory_space<vmem_shared>> -> memref<520x64xf32, #tpu.memory_space<vmem_shared>>
        tpu.wait_dma2 semaphore(%run_scoped3A : memref<!tpu.dma_semaphore, #tpu.memory_space<semaphore_mem>>) src(%dma_wait3A_89 : memref<520x64xf32, #tpu.memory_space<vmem_shared>>) dst(%dma_wait3A_86 : memref<520x64xf32, #tpu.memory_space<hbm>>)
        tpu.yield
      }) : () -> ()
    } else {
    }
    return
  }
}

module attributes {stable_mosaic.version = 14 : i64} {
  func.func @body(%arg0: i32, %arg1: memref<1000x128xf32, #tpu.memory_space<vmem>>, %arg2: memref<128x128xf32, #tpu.memory_space<vmem>>, %arg3: memref<1x128xf32, #tpu.memory_space<vmem>>, %arg4: memref<1000x1xf32, #tpu.memory_space<vmem>>, %arg5: memref<1000x1xf32, #tpu.memory_space<vmem>>, %arg6: memref<2x1000x64xf32, #tpu.memory_space<vmem>>, %arg7: memref<1000x8xf32, #tpu.memory_space<vmem>>) attributes {dimension_semantics = [#tpu.dimension_semantics<arbitrary>], iteration_bounds = array<i64: 10>, scalar_prefetch = 0 : i64, scratch_operands = 0 : i64, tpu.core_type = #tpu.core_type<tc>, window_params = [{transform_indices = @transform_0, window_bounds = array<i64: 1000, 128>}, {pipeline_mode = #tpu.pipeline_mode<synchronous>, transform_indices = @transform_1, window_bounds = array<i64: 128, 128>}, {pipeline_mode = #tpu.pipeline_mode<synchronous>, transform_indices = @transform_2, window_bounds = array<i64: 1, 128>}, {transform_indices = @transform_3, window_bounds = array<i64: 1000, 1>}, {transform_indices = @transform_4, window_bounds = array<i64: 1000, 1>}, {transform_indices = @transform_5, window_bounds = array<i64: 2, 1000, 64>}, {transform_indices = @transform_6, window_bounds = array<i64: 1000, 8>}]} {
    %get3A = arith.constant 0 : index
    %get3A_0 = arith.constant 0 : index
    %get3A_1 = vector.load %arg4[%get3A, %get3A_0] : memref<1000x1xf32, #tpu.memory_space<vmem>>, vector<1000x1xf32>
    %get3A_2 = arith.constant 0 : index
    %get3A_3 = arith.constant 0 : index
    %get3A_4 = vector.load %arg5[%get3A_2, %get3A_3] : memref<1000x1xf32, #tpu.memory_space<vmem>>, vector<1000x1xf32>
    %add3A = arith.addf %get3A_1, %get3A_4 : vector<1000x1xf32>
    %add3A_5 = arith.constant 1.000000e+00 : f32
    %add3A_6 = vector.broadcast %add3A_5 : f32 to vector<1000x1xf32>
    %add3A_7 = arith.addf %add3A, %add3A_6 : vector<1000x1xf32>
    %rsqrt3A = math.rsqrt %add3A_7 : vector<1000x1xf32>
    %get3A_8 = arith.constant 0 : index
    %get3A_9 = arith.constant 0 : index
    %get3A_10 = vector.load %arg1[%get3A_8, %get3A_9] : memref<1000x128xf32, #tpu.memory_space<vmem>>, vector<1000x128xf32>
    %get3A_11 = arith.constant 0 : index
    %get3A_12 = arith.constant 0 : index
    %get3A_13 = vector.load %arg2[%get3A_11, %get3A_12] : memref<128x128xf32, #tpu.memory_space<vmem>>, vector<128x128xf32>
    %dot_general3A = arith.constant dense<0.000000e+00> : vector<1000x128xf32>
    %dot_general3A_14 = tpu.matmul %get3A_10, %get3A_13, %dot_general3A {dimension_numbers = #tpu.dot_dimension_numbers<[1], [0], [0], [1], [0, 0, 1, 1], [], []>, transpose_lhs_hint = false} : vector<1000x128xf32>, vector<128x128xf32>, vector<1000x128xf32> -> vector<1000x128xf32>
    %get3A_15 = arith.constant 0 : index
    %get3A_16 = arith.constant 0 : index
    %get3A_17 = vector.load %arg3[%get3A_15, %get3A_16] : memref<1x128xf32, #tpu.memory_space<vmem>>, vector<1x128xf32>
    %add3A_18 = vector.broadcast %get3A_17 : vector<1x128xf32> to vector<1000x128xf32>
    %add3A_19 = arith.addf %dot_general3A_14, %add3A_18 : vector<1000x128xf32>
    %tanh3A = math.tanh %add3A_19 : vector<1000x128xf32>
    %mul3A = vector.broadcast %rsqrt3A : vector<1000x1xf32> to vector<1000x128xf32>
    %mul3A_20 = arith.mulf %mul3A, %tanh3A : vector<1000x128xf32>
    %slice3A = vector.extract_strided_slice %mul3A_20 {offsets = [0, 0], sizes = [1000, 64], strides = [1, 1]} : vector<1000x128xf32> to vector<1000x64xf32>
    %swap3A = arith.constant 0 : index
    %swap3A_21 = arith.constant 0 : index
    %swap3A_22 = arith.constant 0 : index
    %swap3A_23 = vector.load %arg6[%swap3A, %swap3A_21, %swap3A_22] : memref<2x1000x64xf32, #tpu.memory_space<vmem>>, vector<1x1000x64xf32>
    %swap3A_24 = vector.shape_cast %swap3A_23 : vector<1x1000x64xf32> to vector<1000x64xf32>
    %swap3A_25 = vector.shape_cast %slice3A : vector<1000x64xf32> to vector<1x1000x64xf32>
    tpu.vector_store %arg6[%swap3A, %swap3A_21, %swap3A_22], %swap3A_25 {strides = array<i32>} : memref<2x1000x64xf32, #tpu.memory_space<vmem>>, vector<1x1000x64xf32>,
    %slice3A_26 = vector.extract_strided_slice %mul3A_20 {offsets = [0, 64], sizes = [1000, 64], strides = [1, 1]} : vector<1000x128xf32> to vector<1000x64xf32>
    %swap3A_27 = arith.constant 1 : index
    %swap3A_28 = arith.constant 0 : index
    %swap3A_29 = arith.constant 0 : index
    %swap3A_30 = vector.load %arg6[%swap3A_27, %swap3A_28, %swap3A_29] : memref<2x1000x64xf32, #tpu.memory_space<vmem>>, vector<1x1000x64xf32>
    %swap3A_31 = vector.shape_cast %swap3A_30 : vector<1x1000x64xf32> to vector<1000x64xf32>
    %swap3A_32 = vector.shape_cast %slice3A_26 : vector<1000x64xf32> to vector<1x1000x64xf32>
    tpu.vector_store %arg6[%swap3A_27, %swap3A_28, %swap3A_29], %swap3A_32 {strides = array<i32>} : memref<2x1000x64xf32, #tpu.memory_space<vmem>>, vector<1x1000x64xf32>,
    %broadcast_in_dim3A = vector.shape_cast %rsqrt3A : vector<1000x1xf32> to vector<1000x1xf32>
    %broadcast_in_dim3A_33 = vector.broadcast %broadcast_in_dim3A : vector<1000x1xf32> to vector<1000x8xf32>
    %swap3A_34 = arith.constant 0 : index
    %swap3A_35 = arith.constant 0 : index
    %swap3A_36 = vector.load %arg7[%swap3A_34, %swap3A_35] : memref<1000x8xf32, #tpu.memory_space<vmem>>, vector<1000x8xf32>
    tpu.vector_store %arg7[%swap3A_34, %swap3A_35], %broadcast_in_dim3A_33 {strides = array<i32>} : memref<1000x8xf32, #tpu.memory_space<vmem>>, vector<1000x8xf32>,
    return
  }
  func.func @transform_0(%arg0: i32) -> (i32, i32) {
    %c0_i32 = arith.constant 0 : i32
    %c0_i32_0 = arith.constant 0 : i32
    return %arg0, %c0_i32 : i32, i32
  }
  func.func @transform_1(%arg0: i32) -> (i32, i32) {
    %c0_i32 = arith.constant 0 : i32
    %c0_i32_0 = arith.constant 0 : i32
    %c0_i32_1 = arith.constant 0 : i32
    return %c0_i32, %c0_i32_0 : i32, i32
  }
  func.func @transform_2(%arg0: i32) -> (i32, i32) {
    %c0_i32 = arith.constant 0 : i32
    %c0_i32_0 = arith.constant 0 : i32
    %c0_i32_1 = arith.constant 0 : i32
    return %c0_i32, %c0_i32_0 : i32, i32
  }
  func.func @transform_3(%arg0: i32) -> (i32, i32) {
    %c0_i32 = arith.constant 0 : i32
    %c0_i32_0 = arith.constant 0 : i32
    return %arg0, %c0_i32 : i32, i32
  }
  func.func @transform_4(%arg0: i32) -> (i32, i32) {
    %c0_i32 = arith.constant 0 : i32
    %c0_i32_0 = arith.constant 0 : i32
    return %arg0, %c0_i32 : i32, i32
  }
  func.func @transform_5(%arg0: i32) -> (i32, i32, i32) {
    %c0_i32 = arith.constant 0 : i32
    %c0_i32_0 = arith.constant 0 : i32
    %c0_i32_1 = arith.constant 0 : i32
    return %c0_i32, %arg0, %c0_i32_0 : i32, i32, i32
  }
  func.func @transform_6(%arg0: i32) -> (i32, i32) {
    %c0_i32 = arith.constant 0 : i32
    %c0_i32_0 = arith.constant 0 : i32
    return %arg0, %c0_i32 : i32, i32
  }
}

module attributes {stable_mosaic.version = 14 : i64} {
  func.func @body(%arg0: i32, %arg1: memref<1x1000x64xf32, #tpu.memory_space<vmem>>, %arg2: memref<1x1000x64xf32, #tpu.memory_space<vmem>>, %arg3: memref<1x1000x64xf32, #tpu.memory_space<vmem>>, %arg4: memref<1x1000x64xf32, #tpu.memory_space<vmem>>, %arg5: memref<1000x8xf32, #tpu.memory_space<vmem>>, %arg6: memref<128x128xf32, #tpu.memory_space<vmem>>, %arg7: memref<1x128xf32, #tpu.memory_space<vmem>>, %arg8: memref<2x1000x64xf32, #tpu.memory_space<vmem>>) attributes {dimension_semantics = [#tpu.dimension_semantics<arbitrary>], iteration_bounds = array<i64: 10>, scalar_prefetch = 0 : i64, scratch_operands = 0 : i64, tpu.core_type = #tpu.core_type<tc>, window_params = [{transform_indices = @transform_0, window_bounds = array<i64: 1, 1000, 64>}, {transform_indices = @transform_1, window_bounds = array<i64: 1, 1000, 64>}, {transform_indices = @transform_2, window_bounds = array<i64: 1, 1000, 64>}, {transform_indices = @transform_3, window_bounds = array<i64: 1, 1000, 64>}, {transform_indices = @transform_4, window_bounds = array<i64: 1000, 8>}, {pipeline_mode = #tpu.pipeline_mode<synchronous>, transform_indices = @transform_5, window_bounds = array<i64: 128, 128>}, {pipeline_mode = #tpu.pipeline_mode<synchronous>, transform_indices = @transform_6, window_bounds = array<i64: 1, 128>}, {transform_indices = @transform_7, window_bounds = array<i64: 2, 1000, 64>}]} {
    %get3A = arith.constant 0 : index
    %get3A_0 = arith.constant 0 : index
    %get3A_1 = vector.load %arg5[%get3A, %get3A_0] : memref<1000x8xf32, #tpu.memory_space<vmem>>, vector<1000x1xf32>
    %get3A_2 = arith.constant 0 : index
    %get3A_3 = arith.constant 0 : index
    %get3A_4 = arith.constant 0 : index
    %get3A_5 = vector.load %arg1[%get3A_2, %get3A_3, %get3A_4] : memref<1x1000x64xf32, #tpu.memory_space<vmem>>, vector<1x1000x64xf32>
    %get3A_6 = vector.shape_cast %get3A_5 : vector<1x1000x64xf32> to vector<1000x64xf32>
    %get3A_7 = arith.constant 0 : index
    %get3A_8 = arith.constant 0 : index
    %get3A_9 = arith.constant 0 : index
    %get3A_10 = vector.load %arg3[%get3A_7, %get3A_8, %get3A_9] : memref<1x1000x64xf32, #tpu.memory_space<vmem>>, vector<1x1000x64xf32>
    %get3A_11 = vector.shape_cast %get3A_10 : vector<1x1000x64xf32> to vector<1000x64xf32>
    %add3A = arith.addf %get3A_6, %get3A_11 : vector<1000x64xf32>
    %mul3A = vector.broadcast %get3A_1 : vector<1000x1xf32> to vector<1000x64xf32>
    %mul3A_12 = arith.mulf %mul3A, %add3A : vector<1000x64xf32>
    %get3A_13 = arith.constant 0 : index
    %get3A_14 = arith.constant 0 : index
    %get3A_15 = arith.constant 0 : index
    %get3A_16 = vector.load %arg2[%get3A_13, %get3A_14, %get3A_15] : memref<1x1000x64xf32, #tpu.memory_space<vmem>>, vector<1x1000x64xf32>
    %get3A_17 = vector.shape_cast %get3A_16 : vector<1x1000x64xf32> to vector<1000x64xf32>
    %get3A_18 = arith.constant 0 : index
    %get3A_19 = arith.constant 0 : index
    %get3A_20 = arith.constant 0 : index
    %get3A_21 = vector.load %arg4[%get3A_18, %get3A_19, %get3A_20] : memref<1x1000x64xf32, #tpu.memory_space<vmem>>, vector<1x1000x64xf32>
    %get3A_22 = vector.shape_cast %get3A_21 : vector<1x1000x64xf32> to vector<1000x64xf32>
    %add3A_23 = arith.addf %get3A_17, %get3A_22 : vector<1000x64xf32>
    %mul3A_24 = vector.broadcast %get3A_1 : vector<1000x1xf32> to vector<1000x64xf32>
    %mul3A_25 = arith.mulf %mul3A_24, %add3A_23 : vector<1000x64xf32>
    %get3A_26 = arith.constant 0 : index
    %get3A_27 = arith.constant 0 : index
    %get3A_28 = vector.load %arg6[%get3A_26, %get3A_27] : memref<128x128xf32, #tpu.memory_space<vmem>>, vector<64x128xf32>
    %dot_general3A = arith.constant dense<0.000000e+00> : vector<1000x128xf32>
    %dot_general3A_29 = tpu.matmul %mul3A_12, %get3A_28, %dot_general3A {dimension_numbers = #tpu.dot_dimension_numbers<[1], [0], [0], [1], [0, 0, 1, 1], [], []>, transpose_lhs_hint = false} : vector<1000x64xf32>, vector<64x128xf32>, vector<1000x128xf32> -> vector<1000x128xf32>
    %get3A_30 = arith.constant 64 : index
    %get3A_31 = arith.constant 0 : index
    %get3A_32 = vector.load %arg6[%get3A_30, %get3A_31] : memref<128x128xf32, #tpu.memory_space<vmem>>, vector<64x128xf32>
    %dot_general3A_33 = arith.constant dense<0.000000e+00> : vector<1000x128xf32>
    %dot_general3A_34 = tpu.matmul %mul3A_25, %get3A_32, %dot_general3A_33 {dimension_numbers = #tpu.dot_dimension_numbers<[1], [0], [0], [1], [0, 0, 1, 1], [], []>, transpose_lhs_hint = false} : vector<1000x64xf32>, vector<64x128xf32>, vector<1000x128xf32> -> vector<1000x128xf32>
    %add3A_35 = arith.addf %dot_general3A_29, %dot_general3A_34 : vector<1000x128xf32>
    %get3A_36 = arith.constant 0 : index
    %get3A_37 = arith.constant 0 : index
    %get3A_38 = vector.load %arg7[%get3A_36, %get3A_37] : memref<1x128xf32, #tpu.memory_space<vmem>>, vector<1x128xf32>
    %add3A_39 = vector.broadcast %get3A_38 : vector<1x128xf32> to vector<1000x128xf32>
    %add3A_40 = arith.addf %add3A_35, %add3A_39 : vector<1000x128xf32>
    %tanh3A = math.tanh %add3A_40 : vector<1000x128xf32>
    %mul3A_41 = vector.broadcast %get3A_1 : vector<1000x1xf32> to vector<1000x128xf32>
    %mul3A_42 = arith.mulf %mul3A_41, %tanh3A : vector<1000x128xf32>
    %slice3A = vector.extract_strided_slice %mul3A_42 {offsets = [0, 0], sizes = [1000, 64], strides = [1, 1]} : vector<1000x128xf32> to vector<1000x64xf32>
    %swap3A = arith.constant 0 : index
    %swap3A_43 = arith.constant 0 : index
    %swap3A_44 = arith.constant 0 : index
    %swap3A_45 = vector.load %arg8[%swap3A, %swap3A_43, %swap3A_44] : memref<2x1000x64xf32, #tpu.memory_space<vmem>>, vector<1x1000x64xf32>
    %swap3A_46 = vector.shape_cast %swap3A_45 : vector<1x1000x64xf32> to vector<1000x64xf32>
    %swap3A_47 = vector.shape_cast %slice3A : vector<1000x64xf32> to vector<1x1000x64xf32>
    tpu.vector_store %arg8[%swap3A, %swap3A_43, %swap3A_44], %swap3A_47 {strides = array<i32>} : memref<2x1000x64xf32, #tpu.memory_space<vmem>>, vector<1x1000x64xf32>,
    %slice3A_48 = vector.extract_strided_slice %mul3A_42 {offsets = [0, 64], sizes = [1000, 64], strides = [1, 1]} : vector<1000x128xf32> to vector<1000x64xf32>
    %swap3A_49 = arith.constant 1 : index
    %swap3A_50 = arith.constant 0 : index
    %swap3A_51 = arith.constant 0 : index
    %swap3A_52 = vector.load %arg8[%swap3A_49, %swap3A_50, %swap3A_51] : memref<2x1000x64xf32, #tpu.memory_space<vmem>>, vector<1x1000x64xf32>
    %swap3A_53 = vector.shape_cast %swap3A_52 : vector<1x1000x64xf32> to vector<1000x64xf32>
    %swap3A_54 = vector.shape_cast %slice3A_48 : vector<1000x64xf32> to vector<1x1000x64xf32>
    tpu.vector_store %arg8[%swap3A_49, %swap3A_50, %swap3A_51], %swap3A_54 {strides = array<i32>} : memref<2x1000x64xf32, #tpu.memory_space<vmem>>, vector<1x1000x64xf32>,
    return
  }
  func.func @transform_0(%arg0: i32) -> (i32, i32, i32) {
    %c0_i32 = arith.constant 0 : i32
    %c0_i32_0 = arith.constant 0 : i32
    %c0_i32_1 = arith.constant 0 : i32
    return %c0_i32, %arg0, %c0_i32_0 : i32, i32, i32
  }
  func.func @transform_1(%arg0: i32) -> (i32, i32, i32) {
    %c1_i32 = arith.constant 1 : i32
    %c0_i32 = arith.constant 0 : i32
    %c0_i32_0 = arith.constant 0 : i32
    return %c1_i32, %arg0, %c0_i32 : i32, i32, i32
  }
  func.func @transform_2(%arg0: i32) -> (i32, i32, i32) {
    %c0_i32 = arith.constant 0 : i32
    %c0_i32_0 = arith.constant 0 : i32
    %c0_i32_1 = arith.constant 0 : i32
    return %c0_i32, %arg0, %c0_i32_0 : i32, i32, i32
  }
  func.func @transform_3(%arg0: i32) -> (i32, i32, i32) {
    %c1_i32 = arith.constant 1 : i32
    %c0_i32 = arith.constant 0 : i32
    %c0_i32_0 = arith.constant 0 : i32
    return %c1_i32, %arg0, %c0_i32 : i32, i32, i32
  }
  func.func @transform_4(%arg0: i32) -> (i32, i32) {
    %c0_i32 = arith.constant 0 : i32
    %c0_i32_0 = arith.constant 0 : i32
    return %arg0, %c0_i32 : i32, i32
  }
  func.func @transform_5(%arg0: i32) -> (i32, i32) {
    %c0_i32 = arith.constant 0 : i32
    %c0_i32_0 = arith.constant 0 : i32
    %c0_i32_1 = arith.constant 0 : i32
    return %c0_i32, %c0_i32_0 : i32, i32
  }
  func.func @transform_6(%arg0: i32) -> (i32, i32) {
    %c0_i32 = arith.constant 0 : i32
    %c0_i32_0 = arith.constant 0 : i32
    %c0_i32_1 = arith.constant 0 : i32
    return %c0_i32, %c0_i32_0 : i32, i32
  }
  func.func @transform_7(%arg0: i32) -> (i32, i32, i32) {
    %c0_i32 = arith.constant 0 : i32
    %c0_i32_0 = arith.constant 0 : i32
    %c0_i32_1 = arith.constant 0 : i32
    return %c0_i32, %arg0, %c0_i32_0 : i32, i32, i32
  }
}

module attributes {stable_mosaic.version = 14 : i64} {
  func.func @body(%arg0: i32, %arg1: memref<1x1000x64xf32, #tpu.memory_space<vmem>>, %arg2: memref<1x1000x64xf32, #tpu.memory_space<vmem>>, %arg3: memref<1x1000x64xf32, #tpu.memory_space<vmem>>, %arg4: memref<1x1000x64xf32, #tpu.memory_space<vmem>>, %arg5: memref<1000x8xf32, #tpu.memory_space<vmem>>, %arg6: memref<128x8xf32, #tpu.memory_space<vmem>>, %arg7: memref<1x8xf32, #tpu.memory_space<vmem>>, %arg8: memref<1000x8xf32, #tpu.memory_space<vmem>>) attributes {dimension_semantics = [#tpu.dimension_semantics<arbitrary>], iteration_bounds = array<i64: 10>, scalar_prefetch = 0 : i64, scratch_operands = 0 : i64, tpu.core_type = #tpu.core_type<tc>, window_params = [{transform_indices = @transform_0, window_bounds = array<i64: 1, 1000, 64>}, {transform_indices = @transform_1, window_bounds = array<i64: 1, 1000, 64>}, {transform_indices = @transform_2, window_bounds = array<i64: 1, 1000, 64>}, {transform_indices = @transform_3, window_bounds = array<i64: 1, 1000, 64>}, {transform_indices = @transform_4, window_bounds = array<i64: 1000, 8>}, {pipeline_mode = #tpu.pipeline_mode<synchronous>, transform_indices = @transform_5, window_bounds = array<i64: 128, 8>}, {pipeline_mode = #tpu.pipeline_mode<synchronous>, transform_indices = @transform_6, window_bounds = array<i64: 1, 8>}, {transform_indices = @transform_7, window_bounds = array<i64: 1000, 8>}]} {
    %get3A = arith.constant 0 : index
    %get3A_0 = arith.constant 0 : index
    %get3A_1 = vector.load %arg5[%get3A, %get3A_0] : memref<1000x8xf32, #tpu.memory_space<vmem>>, vector<1000x1xf32>
    %get3A_2 = arith.constant 0 : index
    %get3A_3 = arith.constant 0 : index
    %get3A_4 = arith.constant 0 : index
    %get3A_5 = vector.load %arg1[%get3A_2, %get3A_3, %get3A_4] : memref<1x1000x64xf32, #tpu.memory_space<vmem>>, vector<1x1000x64xf32>
    %get3A_6 = vector.shape_cast %get3A_5 : vector<1x1000x64xf32> to vector<1000x64xf32>
    %get3A_7 = arith.constant 0 : index
    %get3A_8 = arith.constant 0 : index
    %get3A_9 = arith.constant 0 : index
    %get3A_10 = vector.load %arg3[%get3A_7, %get3A_8, %get3A_9] : memref<1x1000x64xf32, #tpu.memory_space<vmem>>, vector<1x1000x64xf32>
    %get3A_11 = vector.shape_cast %get3A_10 : vector<1x1000x64xf32> to vector<1000x64xf32>
    %add3A = arith.addf %get3A_6, %get3A_11 : vector<1000x64xf32>
    %mul3A = vector.broadcast %get3A_1 : vector<1000x1xf32> to vector<1000x64xf32>
    %mul3A_12 = arith.mulf %mul3A, %add3A : vector<1000x64xf32>
    %get3A_13 = arith.constant 0 : index
    %get3A_14 = arith.constant 0 : index
    %get3A_15 = arith.constant 0 : index
    %get3A_16 = vector.load %arg2[%get3A_13, %get3A_14, %get3A_15] : memref<1x1000x64xf32, #tpu.memory_space<vmem>>, vector<1x1000x64xf32>
    %get3A_17 = vector.shape_cast %get3A_16 : vector<1x1000x64xf32> to vector<1000x64xf32>
    %get3A_18 = arith.constant 0 : index
    %get3A_19 = arith.constant 0 : index
    %get3A_20 = arith.constant 0 : index
    %get3A_21 = vector.load %arg4[%get3A_18, %get3A_19, %get3A_20] : memref<1x1000x64xf32, #tpu.memory_space<vmem>>, vector<1x1000x64xf32>
    %get3A_22 = vector.shape_cast %get3A_21 : vector<1x1000x64xf32> to vector<1000x64xf32>
    %add3A_23 = arith.addf %get3A_17, %get3A_22 : vector<1000x64xf32>
    %mul3A_24 = vector.broadcast %get3A_1 : vector<1000x1xf32> to vector<1000x64xf32>
    %mul3A_25 = arith.mulf %mul3A_24, %add3A_23 : vector<1000x64xf32>
    %get3A_26 = arith.constant 0 : index
    %get3A_27 = arith.constant 0 : index
    %get3A_28 = vector.load %arg6[%get3A_26, %get3A_27] : memref<128x8xf32, #tpu.memory_space<vmem>>, vector<64x8xf32>
    %dot_general3A = arith.constant dense<0.000000e+00> : vector<1000x8xf32>
    %dot_general3A_29 = tpu.matmul %mul3A_12, %get3A_28, %dot_general3A {dimension_numbers = #tpu.dot_dimension_numbers<[1], [0], [0], [1], [0, 0, 1, 1], [], []>, transpose_lhs_hint = false} : vector<1000x64xf32>, vector<64x8xf32>, vector<1000x8xf32> -> vector<1000x8xf32>
    %get3A_30 = arith.constant 64 : index
    %get3A_31 = arith.constant 0 : index
    %get3A_32 = vector.load %arg6[%get3A_30, %get3A_31] : memref<128x8xf32, #tpu.memory_space<vmem>>, vector<64x8xf32>
    %dot_general3A_33 = arith.constant dense<0.000000e+00> : vector<1000x8xf32>
    %dot_general3A_34 = tpu.matmul %mul3A_25, %get3A_32, %dot_general3A_33 {dimension_numbers = #tpu.dot_dimension_numbers<[1], [0], [0], [1], [0, 0, 1, 1], [], []>, transpose_lhs_hint = false} : vector<1000x64xf32>, vector<64x8xf32>, vector<1000x8xf32> -> vector<1000x8xf32>
    %add3A_35 = arith.addf %dot_general3A_29, %dot_general3A_34 : vector<1000x8xf32>
    %get3A_36 = arith.constant 0 : index
    %get3A_37 = arith.constant 0 : index
    %get3A_38 = vector.load %arg7[%get3A_36, %get3A_37] : memref<1x8xf32, #tpu.memory_space<vmem>>, vector<1x8xf32>
    %add3A_39 = vector.broadcast %get3A_38 : vector<1x8xf32> to vector<1000x8xf32>
    %add3A_40 = arith.addf %add3A_35, %add3A_39 : vector<1000x8xf32>
    %tanh3A = math.tanh %add3A_40 : vector<1000x8xf32>
    %mul3A_41 = vector.broadcast %get3A_1 : vector<1000x1xf32> to vector<1000x8xf32>
    %mul3A_42 = arith.mulf %mul3A_41, %tanh3A : vector<1000x8xf32>
    %swap3A = arith.constant 0 : index
    %swap3A_43 = arith.constant 0 : index
    %swap3A_44 = vector.load %arg8[%swap3A, %swap3A_43] : memref<1000x8xf32, #tpu.memory_space<vmem>>, vector<1000x8xf32>
    tpu.vector_store %arg8[%swap3A, %swap3A_43], %mul3A_42 {strides = array<i32>} : memref<1000x8xf32, #tpu.memory_space<vmem>>, vector<1000x8xf32>,
    return
  }
  func.func @transform_0(%arg0: i32) -> (i32, i32, i32) {
    %c0_i32 = arith.constant 0 : i32
    %c0_i32_0 = arith.constant 0 : i32
    %c0_i32_1 = arith.constant 0 : i32
    return %c0_i32, %arg0, %c0_i32_0 : i32, i32, i32
  }
  func.func @transform_1(%arg0: i32) -> (i32, i32, i32) {
    %c1_i32 = arith.constant 1 : i32
    %c0_i32 = arith.constant 0 : i32
    %c0_i32_0 = arith.constant 0 : i32
    return %c1_i32, %arg0, %c0_i32 : i32, i32, i32
  }
  func.func @transform_2(%arg0: i32) -> (i32, i32, i32) {
    %c0_i32 = arith.constant 0 : i32
    %c0_i32_0 = arith.constant 0 : i32
    %c0_i32_1 = arith.constant 0 : i32
    return %c0_i32, %arg0, %c0_i32_0 : i32, i32, i32
  }
  func.func @transform_3(%arg0: i32) -> (i32, i32, i32) {
    %c1_i32 = arith.constant 1 : i32
    %c0_i32 = arith.constant 0 : i32
    %c0_i32_0 = arith.constant 0 : i32
    return %c1_i32, %arg0, %c0_i32 : i32, i32, i32
  }
  func.func @transform_4(%arg0: i32) -> (i32, i32) {
    %c0_i32 = arith.constant 0 : i32
    %c0_i32_0 = arith.constant 0 : i32
    return %arg0, %c0_i32 : i32, i32
  }
  func.func @transform_5(%arg0: i32) -> (i32, i32) {
    %c0_i32 = arith.constant 0 : i32
    %c0_i32_0 = arith.constant 0 : i32
    %c0_i32_1 = arith.constant 0 : i32
    return %c0_i32, %c0_i32_0 : i32, i32
  }
  func.func @transform_6(%arg0: i32) -> (i32, i32) {
    %c0_i32 = arith.constant 0 : i32
    %c0_i32_0 = arith.constant 0 : i32
    %c0_i32_1 = arith.constant 0 : i32
    return %c0_i32, %c0_i32_0 : i32, i32
  }
  func.func @transform_7(%arg0: i32) -> (i32, i32) {
    %c0_i32 = arith.constant 0 : i32
    %c0_i32_0 = arith.constant 0 : i32
    return %arg0, %c0_i32 : i32, i32
  }
}

module attributes {stable_mosaic.version = 14 : i64} {
  func.func @body(%arg0: i32, %arg1: memref<1000x1xf32, #tpu.memory_space<vmem>>, %arg2: memref<1000x1xf32, #tpu.memory_space<vmem>>, %arg3: memref<1000x1xf32, #tpu.memory_space<vmem>>, %arg4: memref<1000x1xf32, #tpu.memory_space<vmem>>, %arg5: memref<1000x1xf32, #tpu.memory_space<vmem>>) attributes {dimension_semantics = [#tpu.dimension_semantics<arbitrary>], iteration_bounds = array<i64: 10>, scalar_prefetch = 0 : i64, scratch_operands = 0 : i64, tpu.core_type = #tpu.core_type<tc>, window_params = [{transform_indices = @transform_0, window_bounds = array<i64: 1000, 1>}, {transform_indices = @transform_1, window_bounds = array<i64: 1000, 1>}, {transform_indices = @transform_2, window_bounds = array<i64: 1000, 1>}, {transform_indices = @transform_3, window_bounds = array<i64: 1000, 1>}, {transform_indices = @transform_4, window_bounds = array<i64: 1000, 1>}]} {
    %get3A = arith.constant 0 : index
    %get3A_0 = arith.constant 0 : index
    %get3A_1 = vector.load %arg4[%get3A, %get3A_0] : memref<1000x1xf32, #tpu.memory_space<vmem>>, vector<1000x1xf32>
    %get3A_2 = arith.constant 0 : index
    %get3A_3 = arith.constant 0 : index
    %get3A_4 = vector.load %arg1[%get3A_2, %get3A_3] : memref<1000x1xf32, #tpu.memory_space<vmem>>, vector<1000x1xf32>
    %get3A_5 = arith.constant 0 : index
    %get3A_6 = arith.constant 0 : index
    %get3A_7 = vector.load %arg2[%get3A_5, %get3A_6] : memref<1000x1xf32, #tpu.memory_space<vmem>>, vector<1000x1xf32>
    %add3A = arith.addf %get3A_4, %get3A_7 : vector<1000x1xf32>
    %get3A_8 = arith.constant 0 : index
    %get3A_9 = arith.constant 0 : index
    %get3A_10 = vector.load %arg3[%get3A_8, %get3A_9] : memref<1000x1xf32, #tpu.memory_space<vmem>>, vector<1000x1xf32>
    %add3A_11 = arith.addf %add3A, %get3A_10 : vector<1000x1xf32>
    %mul3A = arith.mulf %get3A_1, %add3A_11 : vector<1000x1xf32>
    %swap3A = arith.constant 0 : index
    %swap3A_12 = arith.constant 0 : index
    %swap3A_13 = vector.load %arg5[%swap3A, %swap3A_12] : memref<1000x1xf32, #tpu.memory_space<vmem>>, vector<1000x1xf32>
    tpu.vector_store %arg5[%swap3A, %swap3A_12], %mul3A {strides = array<i32>} : memref<1000x1xf32, #tpu.memory_space<vmem>>, vector<1000x1xf32>,
    return
  }
  func.func @transform_0(%arg0: i32) -> (i32, i32) {
    %c0_i32 = arith.constant 0 : i32
    %c0_i32_0 = arith.constant 0 : i32
    return %arg0, %c0_i32 : i32, i32
  }
  func.func @transform_1(%arg0: i32) -> (i32, i32) {
    %c0_i32 = arith.constant 0 : i32
    %c0_i32_0 = arith.constant 0 : i32
    return %arg0, %c0_i32 : i32, i32
  }
  func.func @transform_2(%arg0: i32) -> (i32, i32) {
    %c0_i32 = arith.constant 0 : i32
    %c0_i32_0 = arith.constant 0 : i32
    return %arg0, %c0_i32 : i32, i32
  }
  func.func @transform_3(%arg0: i32) -> (i32, i32) {
    %c0_i32 = arith.constant 0 : i32
    %c0_i32_0 = arith.constant 0 : i32
    return %arg0, %c0_i32 : i32, i32
  }
  func.func @transform_4(%arg0: i32) -> (i32, i32) {
    %c0_i32 = arith.constant 0 : i32
    %c0_i32_0 = arith.constant 0 : i32
    return %arg0, %c0_i32 : i32, i32
  }
}

module attributes {stable_mosaic.version = 14 : i64} {
  func.func @body(%arg0: memref<128x128xf32, #tpu.memory_space<vmem>>, %arg1: memref<128x128xi32, #tpu.memory_space<vmem>>, %arg2: memref<4x23x128xf32, #tpu.memory_space<vmem>>) attributes {dimension_semantics = [], scalar_prefetch = 0 : i64, scratch_operands = 0 : i64, tpu.core_type = #tpu.core_type<tc>} {
    %get3A = arith.constant 0 : index
    %get3A_0 = arith.constant 0 : index
    %get3A_1 = vector.load %arg1[%get3A, %get3A_0] : memref<128x128xi32, #tpu.memory_space<vmem>>, vector<128x128xi32>
    %broadcast_in_dim3A = vector.shape_cast %get3A_1 : vector<128x128xi32> to vector<1x128x128xi32>
    %iota3A = tpu.iota {dimensions = array<i32: 0>} : vector<4x128x128xi32>
    %eq3A = vector.broadcast %broadcast_in_dim3A : vector<1x128x128xi32> to vector<4x128x128xi32>
    %eq3A_2 = arith.cmpi eq, %eq3A, %iota3A : vector<4x128x128xi32>
    %get3A_3 = arith.constant 0 : index
    %get3A_4 = arith.constant 0 : index
    %get3A_5 = vector.load %arg0[%get3A_3, %get3A_4] : memref<128x128xf32, #tpu.memory_space<vmem>>, vector<128x128xf32>
    %broadcast_in_dim3A_6 = vector.shape_cast %get3A_5 : vector<128x128xf32> to vector<1x128x128xf32>
    %jit3A = arith.constant 0xFF800000 : f32
    %broadcast_in_dim3A_7 = vector.shape_cast %broadcast_in_dim3A_6 : vector<1x128x128xf32> to vector<1x128x128xf32>
    %broadcast_in_dim3A_8 = vector.broadcast %broadcast_in_dim3A_7 : vector<1x128x128xf32> to vector<4x128x128xf32>
    %broadcast_in_dim3A_9 = vector.broadcast %jit3A : f32 to vector<4x128x128xf32>
    %select_n3A = arith.select %eq3A_2, %broadcast_in_dim3A_8, %broadcast_in_dim3A_9 : vector<4x128x128xi1>, vector<4x128x128xf32>
    %reshape3A = vector.shape_cast %select_n3A : vector<4x128x128xf32> to vector<512x128xf32>
    %iota3A_10 = tpu.iota {dimensions = array<i32: 0>} : vector<512x128xi32>
    %and3A = arith.constant 127 : i32
    %and3A_11 = vector.broadcast %and3A : i32 to vector<512x128xi32>
    %and3A_12 = arith.andi %iota3A_10, %and3A_11 : vector<512x128xi32>
    %iota3A_13 = tpu.iota {dimensions = array<i32: 1>} : vector<512x128xi32>
    %mul3A = arith.constant 128 : i32
    %mul3A_14 = vector.broadcast %mul3A : i32 to vector<512x128xi32>
    %mul3A_15 = arith.muli %and3A_12, %mul3A_14 : vector<512x128xi32>
    %add3A = arith.addi %mul3A_15, %iota3A_13 : vector<512x128xi32>
    %roll3A = arith.constant 127 : i32
    %roll3A_16 = tpu.dynamic_rotate %reshape3A by %roll3A dim 1 : vector<512x128xf32>, i32 -> vector<512x128xf32>
    %roll3A_17 = arith.constant 1 : i32
    %roll3A_18 = tpu.dynamic_rotate %reshape3A by %roll3A_17 dim 1 : vector<512x128xf32>, i32 -> vector<512x128xf32>
    %and3A_19 = arith.constant 1 : i32
    %and3A_20 = vector.broadcast %and3A_19 : i32 to vector<512x128xi32>
    %and3A_21 = arith.andi %iota3A_13, %and3A_20 : vector<512x128xi32>
    %eq3A_22 = arith.constant 0 : i32
    %eq3A_23 = vector.broadcast %eq3A_22 : i32 to vector<512x128xi32>
    %eq3A_24 = arith.cmpi eq, %and3A_21, %eq3A_23 : vector<512x128xi32>
    %select_n3A_25 = arith.select %eq3A_24, %roll3A_16, %roll3A_18 : vector<512x128xi1>, vector<512x128xf32>
    %and3A_26 = arith.constant 1 : i32
    %and3A_27 = vector.broadcast %and3A_26 : i32 to vector<512x128xi32>
    %and3A_28 = arith.andi %add3A, %and3A_27 : vector<512x128xi32>
    %eq3A_29 = arith.constant 0 : i32
    %eq3A_30 = vector.broadcast %eq3A_29 : i32 to vector<512x128xi32>
    %eq3A_31 = arith.cmpi eq, %and3A_28, %eq3A_30 : vector<512x128xi32>
    %and3A_32 = arith.constant 2 : i32
    %and3A_33 = vector.broadcast %and3A_32 : i32 to vector<512x128xi32>
    %and3A_34 = arith.andi %add3A, %and3A_33 : vector<512x128xi32>
    %eq3A_35 = arith.constant 0 : i32
    %eq3A_36 = vector.broadcast %eq3A_35 : i32 to vector<512x128xi32>
    %eq3A_37 = arith.cmpi eq, %and3A_34, %eq3A_36 : vector<512x128xi32>
    %eq3A_38 = arith.xori %eq3A_37, %eq3A_31 : vector<512x128xi1>
    %eq3A_39 = arith.constant dense<true> : vector<512x128xi1>
    %eq3A_40 = arith.xori %eq3A_38, %eq3A_39 : vector<512x128xi1>
    %max3A = arith.maximumf %reshape3A, %select_n3A_25 : vector<512x128xf32>
    %min3A = arith.minimumf %reshape3A, %select_n3A_25 : vector<512x128xf32>
    %select_n3A_41 = arith.select %eq3A_40, %max3A, %min3A : vector<512x128xi1>, vector<512x128xf32>
    %roll3A_42 = arith.constant 126 : i32
    %roll3A_43 = tpu.dynamic_rotate %select_n3A_41 by %roll3A_42 dim 1 : vector<512x128xf32>, i32 -> vector<512x128xf32>
    %roll3A_44 = arith.constant 2 : i32
    %roll3A_45 = tpu.dynamic_rotate %select_n3A_41 by %roll3A_44 dim 1 : vector<512x128xf32>, i32 -> vector<512x128xf32>
    %and3A_46 = arith.constant 2 : i32
    %and3A_47 = vector.broadcast %and3A_46 : i32 to vector<512x128xi32>
    %and3A_48 = arith.andi %iota3A_13, %and3A_47 : vector<512x128xi32>
    %eq3A_49 = arith.constant 0 : i32
    %eq3A_50 = vector.broadcast %eq3A_49 : i32 to vector<512x128xi32>
    %eq3A_51 = arith.cmpi eq, %and3A_48, %eq3A_50 : vector<512x128xi32>
    %select_n3A_52 = arith.select %eq3A_51, %roll3A_43, %roll3A_45 : vector<512x128xi1>, vector<512x128xf32>
    %and3A_53 = arith.constant 2 : i32
    %and3A_54 = vector.broadcast %and3A_53 : i32 to vector<512x128xi32>
    %and3A_55 = arith.andi %add3A, %and3A_54 : vector<512x128xi32>
    %eq3A_56 = arith.constant 0 : i32
    %eq3A_57 = vector.broadcast %eq3A_56 : i32 to vector<512x128xi32>
    %eq3A_58 = arith.cmpi eq, %and3A_55, %eq3A_57 : vector<512x128xi32>
    %and3A_59 = arith.constant 4 : i32
    %and3A_60 = vector.broadcast %and3A_59 : i32 to vector<512x128xi32>
    %and3A_61 = arith.andi %add3A, %and3A_60 : vector<512x128xi32>
    %eq3A_62 = arith.constant 0 : i32
    %eq3A_63 = vector.broadcast %eq3A_62 : i32 to vector<512x128xi32>
    %eq3A_64 = arith.cmpi eq, %and3A_61, %eq3A_63 : vector<512x128xi32>
    %eq3A_65 = arith.xori %eq3A_64, %eq3A_58 : vector<512x128xi1>
    %eq3A_66 = arith.constant dense<true> : vector<512x128xi1>
    %eq3A_67 = arith.xori %eq3A_65, %eq3A_66 : vector<512x128xi1>
    %max3A_68 = arith.maximumf %select_n3A_41, %select_n3A_52 : vector<512x128xf32>
    %min3A_69 = arith.minimumf %select_n3A_41, %select_n3A_52 : vector<512x128xf32>
    %select_n3A_70 = arith.select %eq3A_67, %max3A_68, %min3A_69 : vector<512x128xi1>, vector<512x128xf32>
    %roll3A_71 = arith.constant 127 : i32
    %roll3A_72 = tpu.dynamic_rotate %select_n3A_70 by %roll3A_71 dim 1 : vector<512x128xf32>, i32 -> vector<512x128xf32>
    %roll3A_73 = arith.constant 1 : i32
    %roll3A_74 = tpu.dynamic_rotate %select_n3A_70 by %roll3A_73 dim 1 : vector<512x128xf32>, i32 -> vector<512x128xf32>
    %and3A_75 = arith.constant 1 : i32
    %and3A_76 = vector.broadcast %and3A_75 : i32 to vector<512x128xi32>
    %and3A_77 = arith.andi %iota3A_13, %and3A_76 : vector<512x128xi32>
    %eq3A_78 = arith.constant 0 : i32
    %eq3A_79 = vector.broadcast %eq3A_78 : i32 to vector<512x128xi32>
    %eq3A_80 = arith.cmpi eq, %and3A_77, %eq3A_79 : vector<512x128xi32>
    %select_n3A_81 = arith.select %eq3A_80, %roll3A_72, %roll3A_74 : vector<512x128xi1>, vector<512x128xf32>
    %and3A_82 = arith.constant 1 : i32
    %and3A_83 = vector.broadcast %and3A_82 : i32 to vector<512x128xi32>
    %and3A_84 = arith.andi %add3A, %and3A_83 : vector<512x128xi32>
    %eq3A_85 = arith.constant 0 : i32
    %eq3A_86 = vector.broadcast %eq3A_85 : i32 to vector<512x128xi32>
    %eq3A_87 = arith.cmpi eq, %and3A_84, %eq3A_86 : vector<512x128xi32>
    %and3A_88 = arith.constant 4 : i32
    %and3A_89 = vector.broadcast %and3A_88 : i32 to vector<512x128xi32>
    %and3A_90 = arith.andi %add3A, %and3A_89 : vector<512x128xi32>
    %eq3A_91 = arith.constant 0 : i32
    %eq3A_92 = vector.broadcast %eq3A_91 : i32 to vector<512x128xi32>
    %eq3A_93 = arith.cmpi eq, %and3A_90, %eq3A_92 : vector<512x128xi32>
    %eq3A_94 = arith.xori %eq3A_93, %eq3A_87 : vector<512x128xi1>
    %eq3A_95 = arith.constant dense<true> : vector<512x128xi1>
    %eq3A_96 = arith.xori %eq3A_94, %eq3A_95 : vector<512x128xi1>
    %max3A_97 = arith.maximumf %select_n3A_70, %select_n3A_81 : vector<512x128xf32>
    %min3A_98 = arith.minimumf %select_n3A_70, %select_n3A_81 : vector<512x128xf32>
    %select_n3A_99 = arith.select %eq3A_96, %max3A_97, %min3A_98 : vector<512x128xi1>, vector<512x128xf32>
    %roll3A_100 = arith.constant 124 : i32
    %roll3A_101 = tpu.dynamic_rotate %select_n3A_99 by %roll3A_100 dim 1 : vector<512x128xf32>, i32 -> vector<512x128xf32>
    %roll3A_102 = arith.constant 4 : i32
    %roll3A_103 = tpu.dynamic_rotate %select_n3A_99 by %roll3A_102 dim 1 : vector<512x128xf32>, i32 -> vector<512x128xf32>
    %and3A_104 = arith.constant 4 : i32
    %and3A_105 = vector.broadcast %and3A_104 : i32 to vector<512x128xi32>
    %and3A_106 = arith.andi %iota3A_13, %and3A_105 : vector<512x128xi32>
    %eq3A_107 = arith.constant 0 : i32
    %eq3A_108 = vector.broadcast %eq3A_107 : i32 to vector<512x128xi32>
    %eq3A_109 = arith.cmpi eq, %and3A_106, %eq3A_108 : vector<512x128xi32>
    %select_n3A_110 = arith.select %eq3A_109, %roll3A_101, %roll3A_103 : vector<512x128xi1>, vector<512x128xf32>
    %and3A_111 = arith.constant 4 : i32
    %and3A_112 = vector.broadcast %and3A_111 : i32 to vector<512x128xi32>
    %and3A_113 = arith.andi %add3A, %and3A_112 : vector<512x128xi32>
    %eq3A_114 = arith.constant 0 : i32
    %eq3A_115 = vector.broadcast %eq3A_114 : i32 to vector<512x128xi32>
    %eq3A_116 = arith.cmpi eq, %and3A_113, %eq3A_115 : vector<512x128xi32>
    %and3A_117 = arith.constant 8 : i32
    %and3A_118 = vector.broadcast %and3A_117 : i32 to vector<512x128xi32>
    %and3A_119 = arith.andi %add3A, %and3A_118 : vector<512x128xi32>
    %eq3A_120 = arith.constant 0 : i32
    %eq3A_121 = vector.broadcast %eq3A_120 : i32 to vector<512x128xi32>
    %eq3A_122 = arith.cmpi eq, %and3A_119, %eq3A_121 : vector<512x128xi32>
    %eq3A_123 = arith.xori %eq3A_122, %eq3A_116 : vector<512x128xi1>
    %eq3A_124 = arith.constant dense<true> : vector<512x128xi1>
    %eq3A_125 = arith.xori %eq3A_123, %eq3A_124 : vector<512x128xi1>
    %max3A_126 = arith.maximumf %select_n3A_99, %select_n3A_110 : vector<512x128xf32>
    %min3A_127 = arith.minimumf %select_n3A_99, %select_n3A_110 : vector<512x128xf32>
    %select_n3A_128 = arith.select %eq3A_125, %max3A_126, %min3A_127 : vector<512x128xi1>, vector<512x128xf32>
    %roll3A_129 = arith.constant 126 : i32
    %roll3A_130 = tpu.dynamic_rotate %select_n3A_128 by %roll3A_129 dim 1 : vector<512x128xf32>, i32 -> vector<512x128xf32>
    %roll3A_131 = arith.constant 2 : i32
    %roll3A_132 = tpu.dynamic_rotate %select_n3A_128 by %roll3A_131 dim 1 : vector<512x128xf32>, i32 -> vector<512x128xf32>
    %and3A_133 = arith.constant 2 : i32
    %and3A_134 = vector.broadcast %and3A_133 : i32 to vector<512x128xi32>
    %and3A_135 = arith.andi %iota3A_13, %and3A_134 : vector<512x128xi32>
    %eq3A_136 = arith.constant 0 : i32
    %eq3A_137 = vector.broadcast %eq3A_136 : i32 to vector<512x128xi32>
    %eq3A_138 = arith.cmpi eq, %and3A_135, %eq3A_137 : vector<512x128xi32>
    %select_n3A_139 = arith.select %eq3A_138, %roll3A_130, %roll3A_132 : vector<512x128xi1>, vector<512x128xf32>
    %and3A_140 = arith.constant 2 : i32
    %and3A_141 = vector.broadcast %and3A_140 : i32 to vector<512x128xi32>
    %and3A_142 = arith.andi %add3A, %and3A_141 : vector<512x128xi32>
    %eq3A_143 = arith.constant 0 : i32
    %eq3A_144 = vector.broadcast %eq3A_143 : i32 to vector<512x128xi32>
    %eq3A_145 = arith.cmpi eq, %and3A_142, %eq3A_144 : vector<512x128xi32>
    %and3A_146 = arith.constant 8 : i32
    %and3A_147 = vector.broadcast %and3A_146 : i32 to vector<512x128xi32>
    %and3A_148 = arith.andi %add3A, %and3A_147 : vector<512x128xi32>
    %eq3A_149 = arith.constant 0 : i32
    %eq3A_150 = vector.broadcast %eq3A_149 : i32 to vector<512x128xi32>
    %eq3A_151 = arith.cmpi eq, %and3A_148, %eq3A_150 : vector<512x128xi32>
    %eq3A_152 = arith.xori %eq3A_151, %eq3A_145 : vector<512x128xi1>
    %eq3A_153 = arith.constant dense<true> : vector<512x128xi1>
    %eq3A_154 = arith.xori %eq3A_152, %eq3A_153 : vector<512x128xi1>
    %max3A_155 = arith.maximumf %select_n3A_128, %select_n3A_139 : vector<512x128xf32>
    %min3A_156 = arith.minimumf %select_n3A_128, %select_n3A_139 : vector<512x128xf32>
    %select_n3A_157 = arith.select %eq3A_154, %max3A_155, %min3A_156 : vector<512x128xi1>, vector<512x128xf32>
    %roll3A_158 = arith.constant 127 : i32
    %roll3A_159 = tpu.dynamic_rotate %select_n3A_157 by %roll3A_158 dim 1 : vector<512x128xf32>, i32 -> vector<512x128xf32>
    %roll3A_160 = arith.constant 1 : i32
    %roll3A_161 = tpu.dynamic_rotate %select_n3A_157 by %roll3A_160 dim 1 : vector<512x128xf32>, i32 -> vector<512x128xf32>
    %and3A_162 = arith.constant 1 : i32
    %and3A_163 = vector.broadcast %and3A_162 : i32 to vector<512x128xi32>
    %and3A_164 = arith.andi %iota3A_13, %and3A_163 : vector<512x128xi32>
    %eq3A_165 = arith.constant 0 : i32
    %eq3A_166 = vector.broadcast %eq3A_165 : i32 to vector<512x128xi32>
    %eq3A_167 = arith.cmpi eq, %and3A_164, %eq3A_166 : vector<512x128xi32>
    %select_n3A_168 = arith.select %eq3A_167, %roll3A_159, %roll3A_161 : vector<512x128xi1>, vector<512x128xf32>
    %and3A_169 = arith.constant 1 : i32
    %and3A_170 = vector.broadcast %and3A_169 : i32 to vector<512x128xi32>
    %and3A_171 = arith.andi %add3A, %and3A_170 : vector<512x128xi32>
    %eq3A_172 = arith.constant 0 : i32
    %eq3A_173 = vector.broadcast %eq3A_172 : i32 to vector<512x128xi32>
    %eq3A_174 = arith.cmpi eq, %and3A_171, %eq3A_173 : vector<512x128xi32>
    %and3A_175 = arith.constant 8 : i32
    %and3A_176 = vector.broadcast %and3A_175 : i32 to vector<512x128xi32>
    %and3A_177 = arith.andi %add3A, %and3A_176 : vector<512x128xi32>
    %eq3A_178 = arith.constant 0 : i32
    %eq3A_179 = vector.broadcast %eq3A_178 : i32 to vector<512x128xi32>
    %eq3A_180 = arith.cmpi eq, %and3A_177, %eq3A_179 : vector<512x128xi32>
    %eq3A_181 = arith.xori %eq3A_180, %eq3A_174 : vector<512x128xi1>
    %eq3A_182 = arith.constant dense<true> : vector<512x128xi1>
    %eq3A_183 = arith.xori %eq3A_181, %eq3A_182 : vector<512x128xi1>
    %max3A_184 = arith.maximumf %select_n3A_157, %select_n3A_168 : vector<512x128xf32>
    %min3A_185 = arith.minimumf %select_n3A_157, %select_n3A_168 : vector<512x128xf32>
    %select_n3A_186 = arith.select %eq3A_183, %max3A_184, %min3A_185 : vector<512x128xi1>, vector<512x128xf32>
    %roll3A_187 = arith.constant 120 : i32
    %roll3A_188 = tpu.dynamic_rotate %select_n3A_186 by %roll3A_187 dim 1 : vector<512x128xf32>, i32 -> vector<512x128xf32>
    %roll3A_189 = arith.constant 8 : i32
    %roll3A_190 = tpu.dynamic_rotate %select_n3A_186 by %roll3A_189 dim 1 : vector<512x128xf32>, i32 -> vector<512x128xf32>
    %and3A_191 = arith.constant 8 : i32
    %and3A_192 = vector.broadcast %and3A_191 : i32 to vector<512x128xi32>
    %and3A_193 = arith.andi %iota3A_13, %and3A_192 : vector<512x128xi32>
    %eq3A_194 = arith.constant 0 : i32
    %eq3A_195 = vector.broadcast %eq3A_194 : i32 to vector<512x128xi32>
    %eq3A_196 = arith.cmpi eq, %and3A_193, %eq3A_195 : vector<512x128xi32>
    %select_n3A_197 = arith.select %eq3A_196, %roll3A_188, %roll3A_190 : vector<512x128xi1>, vector<512x128xf32>
    %and3A_198 = arith.constant 8 : i32
    %and3A_199 = vector.broadcast %and3A_198 : i32 to vector<512x128xi32>
    %and3A_200 = arith.andi %add3A, %and3A_199 : vector<512x128xi32>
    %eq3A_201 = arith.constant 0 : i32
    %eq3A_202 = vector.broadcast %eq3A_201 : i32 to vector<512x128xi32>
    %eq3A_203 = arith.cmpi eq, %and3A_200, %eq3A_202 : vector<512x128xi32>
    %and3A_204 = arith.constant 16 : i32
    %and3A_205 = vector.broadcast %and3A_204 : i32 to vector<512x128xi32>
    %and3A_206 = arith.andi %add3A, %and3A_205 : vector<512x128xi32>
    %eq3A_207 = arith.constant 0 : i32
    %eq3A_208 = vector.broadcast %eq3A_207 : i32 to vector<512x128xi32>
    %eq3A_209 = arith.cmpi eq, %and3A_206, %eq3A_208 : vector<512x128xi32>
    %eq3A_210 = arith.xori %eq3A_209, %eq3A_203 : vector<512x128xi1>
    %eq3A_211 = arith.constant dense<true> : vector<512x128xi1>
    %eq3A_212 = arith.xori %eq3A_210, %eq3A_211 : vector<512x128xi1>
    %max3A_213 = arith.maximumf %select_n3A_186, %select_n3A_197 : vector<512x128xf32>
    %min3A_214 = arith.minimumf %select_n3A_186, %select_n3A_197 : vector<512x128xf32>
    %select_n3A_215 = arith.select %eq3A_212, %max3A_213, %min3A_214 : vector<512x128xi1>, vector<512x128xf32>
    %roll3A_216 = arith.constant 124 : i32
    %roll3A_217 = tpu.dynamic_rotate %select_n3A_215 by %roll3A_216 dim 1 : vector<512x128xf32>, i32 -> vector<512x128xf32>
    %roll3A_218 = arith.constant 4 : i32
    %roll3A_219 = tpu.dynamic_rotate %select_n3A_215 by %roll3A_218 dim 1 : vector<512x128xf32>, i32 -> vector<512x128xf32>
    %and3A_220 = arith.constant 4 : i32
    %and3A_221 = vector.broadcast %and3A_220 : i32 to vector<512x128xi32>
    %and3A_222 = arith.andi %iota3A_13, %and3A_221 : vector<512x128xi32>
    %eq3A_223 = arith.constant 0 : i32
    %eq3A_224 = vector.broadcast %eq3A_223 : i32 to vector<512x128xi32>
    %eq3A_225 = arith.cmpi eq, %and3A_222, %eq3A_224 : vector<512x128xi32>
    %select_n3A_226 = arith.select %eq3A_225, %roll3A_217, %roll3A_219 : vector<512x128xi1>, vector<512x128xf32>
    %and3A_227 = arith.constant 4 : i32
    %and3A_228 = vector.broadcast %and3A_227 : i32 to vector<512x128xi32>
    %and3A_229 = arith.andi %add3A, %and3A_228 : vector<512x128xi32>
    %eq3A_230 = arith.constant 0 : i32
    %eq3A_231 = vector.broadcast %eq3A_230 : i32 to vector<512x128xi32>
    %eq3A_232 = arith.cmpi eq, %and3A_229, %eq3A_231 : vector<512x128xi32>
    %and3A_233 = arith.constant 16 : i32
    %and3A_234 = vector.broadcast %and3A_233 : i32 to vector<512x128xi32>
    %and3A_235 = arith.andi %add3A, %and3A_234 : vector<512x128xi32>
    %eq3A_236 = arith.constant 0 : i32
    %eq3A_237 = vector.broadcast %eq3A_236 : i32 to vector<512x128xi32>
    %eq3A_238 = arith.cmpi eq, %and3A_235, %eq3A_237 : vector<512x128xi32>
    %eq3A_239 = arith.xori %eq3A_238, %eq3A_232 : vector<512x128xi1>
    %eq3A_240 = arith.constant dense<true> : vector<512x128xi1>
    %eq3A_241 = arith.xori %eq3A_239, %eq3A_240 : vector<512x128xi1>
    %max3A_242 = arith.maximumf %select_n3A_215, %select_n3A_226 : vector<512x128xf32>
    %min3A_243 = arith.minimumf %select_n3A_215, %select_n3A_226 : vector<512x128xf32>
    %select_n3A_244 = arith.select %eq3A_241, %max3A_242, %min3A_243 : vector<512x128xi1>, vector<512x128xf32>
    %roll3A_245 = arith.constant 126 : i32
    %roll3A_246 = tpu.dynamic_rotate %select_n3A_244 by %roll3A_245 dim 1 : vector<512x128xf32>, i32 -> vector<512x128xf32>
    %roll3A_247 = arith.constant 2 : i32
    %roll3A_248 = tpu.dynamic_rotate %select_n3A_244 by %roll3A_247 dim 1 : vector<512x128xf32>, i32 -> vector<512x128xf32>
    %and3A_249 = arith.constant 2 : i32
    %and3A_250 = vector.broadcast %and3A_249 : i32 to vector<512x128xi32>
    %and3A_251 = arith.andi %iota3A_13, %and3A_250 : vector<512x128xi32>
    %eq3A_252 = arith.constant 0 : i32
    %eq3A_253 = vector.broadcast %eq3A_252 : i32 to vector<512x128xi32>
    %eq3A_254 = arith.cmpi eq, %and3A_251, %eq3A_253 : vector<512x128xi32>
    %select_n3A_255 = arith.select %eq3A_254, %roll3A_246, %roll3A_248 : vector<512x128xi1>, vector<512x128xf32>
    %and3A_256 = arith.constant 2 : i32
    %and3A_257 = vector.broadcast %and3A_256 : i32 to vector<512x128xi32>
    %and3A_258 = arith.andi %add3A, %and3A_257 : vector<512x128xi32>
    %eq3A_259 = arith.constant 0 : i32
    %eq3A_260 = vector.broadcast %eq3A_259 : i32 to vector<512x128xi32>
    %eq3A_261 = arith.cmpi eq, %and3A_258, %eq3A_260 : vector<512x128xi32>
    %and3A_262 = arith.constant 16 : i32
    %and3A_263 = vector.broadcast %and3A_262 : i32 to vector<512x128xi32>
    %and3A_264 = arith.andi %add3A, %and3A_263 : vector<512x128xi32>
    %eq3A_265 = arith.constant 0 : i32
    %eq3A_266 = vector.broadcast %eq3A_265 : i32 to vector<512x128xi32>
    %eq3A_267 = arith.cmpi eq, %and3A_264, %eq3A_266 : vector<512x128xi32>
    %eq3A_268 = arith.xori %eq3A_267, %eq3A_261 : vector<512x128xi1>
    %eq3A_269 = arith.constant dense<true> : vector<512x128xi1>
    %eq3A_270 = arith.xori %eq3A_268, %eq3A_269 : vector<512x128xi1>
    %max3A_271 = arith.maximumf %select_n3A_244, %select_n3A_255 : vector<512x128xf32>
    %min3A_272 = arith.minimumf %select_n3A_244, %select_n3A_255 : vector<512x128xf32>
    %select_n3A_273 = arith.select %eq3A_270, %max3A_271, %min3A_272 : vector<512x128xi1>, vector<512x128xf32>
    %roll3A_274 = arith.constant 127 : i32
    %roll3A_275 = tpu.dynamic_rotate %select_n3A_273 by %roll3A_274 dim 1 : vector<512x128xf32>, i32 -> vector<512x128xf32>
    %roll3A_276 = arith.constant 1 : i32
    %roll3A_277 = tpu.dynamic_rotate %select_n3A_273 by %roll3A_276 dim 1 : vector<512x128xf32>, i32 -> vector<512x128xf32>
    %and3A_278 = arith.constant 1 : i32
    %and3A_279 = vector.broadcast %and3A_278 : i32 to vector<512x128xi32>
    %and3A_280 = arith.andi %iota3A_13, %and3A_279 : vector<512x128xi32>
    %eq3A_281 = arith.constant 0 : i32
    %eq3A_282 = vector.broadcast %eq3A_281 : i32 to vector<512x128xi32>
    %eq3A_283 = arith.cmpi eq, %and3A_280, %eq3A_282 : vector<512x128xi32>
    %select_n3A_284 = arith.select %eq3A_283, %roll3A_275, %roll3A_277 : vector<512x128xi1>, vector<512x128xf32>
    %and3A_285 = arith.constant 1 : i32
    %and3A_286 = vector.broadcast %and3A_285 : i32 to vector<512x128xi32>
    %and3A_287 = arith.andi %add3A, %and3A_286 : vector<512x128xi32>
    %eq3A_288 = arith.constant 0 : i32
    %eq3A_289 = vector.broadcast %eq3A_288 : i32 to vector<512x128xi32>
    %eq3A_290 = arith.cmpi eq, %and3A_287, %eq3A_289 : vector<512x128xi32>
    %and3A_291 = arith.constant 16 : i32
    %and3A_292 = vector.broadcast %and3A_291 : i32 to vector<512x128xi32>
    %and3A_293 = arith.andi %add3A, %and3A_292 : vector<512x128xi32>
    %eq3A_294 = arith.constant 0 : i32
    %eq3A_295 = vector.broadcast %eq3A_294 : i32 to vector<512x128xi32>
    %eq3A_296 = arith.cmpi eq, %and3A_293, %eq3A_295 : vector<512x128xi32>
    %eq3A_297 = arith.xori %eq3A_296, %eq3A_290 : vector<512x128xi1>
    %eq3A_298 = arith.constant dense<true> : vector<512x128xi1>
    %eq3A_299 = arith.xori %eq3A_297, %eq3A_298 : vector<512x128xi1>
    %max3A_300 = arith.maximumf %select_n3A_273, %select_n3A_284 : vector<512x128xf32>
    %min3A_301 = arith.minimumf %select_n3A_273, %select_n3A_284 : vector<512x128xf32>
    %select_n3A_302 = arith.select %eq3A_299, %max3A_300, %min3A_301 : vector<512x128xi1>, vector<512x128xf32>
    %roll3A_303 = arith.constant 112 : i32
    %roll3A_304 = tpu.dynamic_rotate %select_n3A_302 by %roll3A_303 dim 1 : vector<512x128xf32>, i32 -> vector<512x128xf32>
    %roll3A_305 = arith.constant 16 : i32
    %roll3A_306 = tpu.dynamic_rotate %select_n3A_302 by %roll3A_305 dim 1 : vector<512x128xf32>, i32 -> vector<512x128xf32>
    %and3A_307 = arith.constant 16 : i32
    %and3A_308 = vector.broadcast %and3A_307 : i32 to vector<512x128xi32>
    %and3A_309 = arith.andi %iota3A_13, %and3A_308 : vector<512x128xi32>
    %eq3A_310 = arith.constant 0 : i32
    %eq3A_311 = vector.broadcast %eq3A_310 : i32 to vector<512x128xi32>
    %eq3A_312 = arith.cmpi eq, %and3A_309, %eq3A_311 : vector<512x128xi32>
    %select_n3A_313 = arith.select %eq3A_312, %roll3A_304, %roll3A_306 : vector<512x128xi1>, vector<512x128xf32>
    %and3A_314 = arith.constant 16 : i32
    %and3A_315 = vector.broadcast %and3A_314 : i32 to vector<512x128xi32>
    %and3A_316 = arith.andi %add3A, %and3A_315 : vector<512x128xi32>
    %eq3A_317 = arith.constant 0 : i32
    %eq3A_318 = vector.broadcast %eq3A_317 : i32 to vector<512x128xi32>
    %eq3A_319 = arith.cmpi eq, %and3A_316, %eq3A_318 : vector<512x128xi32>
    %and3A_320 = arith.constant 32 : i32
    %and3A_321 = vector.broadcast %and3A_320 : i32 to vector<512x128xi32>
    %and3A_322 = arith.andi %add3A, %and3A_321 : vector<512x128xi32>
    %eq3A_323 = arith.constant 0 : i32
    %eq3A_324 = vector.broadcast %eq3A_323 : i32 to vector<512x128xi32>
    %eq3A_325 = arith.cmpi eq, %and3A_322, %eq3A_324 : vector<512x128xi32>
    %eq3A_326 = arith.xori %eq3A_325, %eq3A_319 : vector<512x128xi1>
    %eq3A_327 = arith.constant dense<true> : vector<512x128xi1>
    %eq3A_328 = arith.xori %eq3A_326, %eq3A_327 : vector<512x128xi1>
    %max3A_329 = arith.maximumf %select_n3A_302, %select_n3A_313 : vector<512x128xf32>
    %min3A_330 = arith.minimumf %select_n3A_302, %select_n3A_313 : vector<512x128xf32>
    %select_n3A_331 = arith.select %eq3A_328, %max3A_329, %min3A_330 : vector<512x128xi1>, vector<512x128xf32>
    %roll3A_332 = arith.constant 120 : i32
    %roll3A_333 = tpu.dynamic_rotate %select_n3A_331 by %roll3A_332 dim 1 : vector<512x128xf32>, i32 -> vector<512x128xf32>
    %roll3A_334 = arith.constant 8 : i32
    %roll3A_335 = tpu.dynamic_rotate %select_n3A_331 by %roll3A_334 dim 1 : vector<512x128xf32>, i32 -> vector<512x128xf32>
    %and3A_336 = arith.constant 8 : i32
    %and3A_337 = vector.broadcast %and3A_336 : i32 to vector<512x128xi32>
    %and3A_338 = arith.andi %iota3A_13, %and3A_337 : vector<512x128xi32>
    %eq3A_339 = arith.constant 0 : i32
    %eq3A_340 = vector.broadcast %eq3A_339 : i32 to vector<512x128xi32>
    %eq3A_341 = arith.cmpi eq, %and3A_338, %eq3A_340 : vector<512x128xi32>
    %select_n3A_342 = arith.select %eq3A_341, %roll3A_333, %roll3A_335 : vector<512x128xi1>, vector<512x128xf32>
    %and3A_343 = arith.constant 8 : i32
    %and3A_344 = vector.broadcast %and3A_343 : i32 to vector<512x128xi32>
    %and3A_345 = arith.andi %add3A, %and3A_344 : vector<512x128xi32>
    %eq3A_346 = arith.constant 0 : i32
    %eq3A_347 = vector.broadcast %eq3A_346 : i32 to vector<512x128xi32>
    %eq3A_348 = arith.cmpi eq, %and3A_345, %eq3A_347 : vector<512x128xi32>
    %and3A_349 = arith.constant 32 : i32
    %and3A_350 = vector.broadcast %and3A_349 : i32 to vector<512x128xi32>
    %and3A_351 = arith.andi %add3A, %and3A_350 : vector<512x128xi32>
    %eq3A_352 = arith.constant 0 : i32
    %eq3A_353 = vector.broadcast %eq3A_352 : i32 to vector<512x128xi32>
    %eq3A_354 = arith.cmpi eq, %and3A_351, %eq3A_353 : vector<512x128xi32>
    %eq3A_355 = arith.xori %eq3A_354, %eq3A_348 : vector<512x128xi1>
    %eq3A_356 = arith.constant dense<true> : vector<512x128xi1>
    %eq3A_357 = arith.xori %eq3A_355, %eq3A_356 : vector<512x128xi1>
    %max3A_358 = arith.maximumf %select_n3A_331, %select_n3A_342 : vector<512x128xf32>
    %min3A_359 = arith.minimumf %select_n3A_331, %select_n3A_342 : vector<512x128xf32>
    %select_n3A_360 = arith.select %eq3A_357, %max3A_358, %min3A_359 : vector<512x128xi1>, vector<512x128xf32>
    %roll3A_361 = arith.constant 124 : i32
    %roll3A_362 = tpu.dynamic_rotate %select_n3A_360 by %roll3A_361 dim 1 : vector<512x128xf32>, i32 -> vector<512x128xf32>
    %roll3A_363 = arith.constant 4 : i32
    %roll3A_364 = tpu.dynamic_rotate %select_n3A_360 by %roll3A_363 dim 1 : vector<512x128xf32>, i32 -> vector<512x128xf32>
    %and3A_365 = arith.constant 4 : i32
    %and3A_366 = vector.broadcast %and3A_365 : i32 to vector<512x128xi32>
    %and3A_367 = arith.andi %iota3A_13, %and3A_366 : vector<512x128xi32>
    %eq3A_368 = arith.constant 0 : i32
    %eq3A_369 = vector.broadcast %eq3A_368 : i32 to vector<512x128xi32>
    %eq3A_370 = arith.cmpi eq, %and3A_367, %eq3A_369 : vector<512x128xi32>
    %select_n3A_371 = arith.select %eq3A_370, %roll3A_362, %roll3A_364 : vector<512x128xi1>, vector<512x128xf32>
    %and3A_372 = arith.constant 4 : i32
    %and3A_373 = vector.broadcast %and3A_372 : i32 to vector<512x128xi32>
    %and3A_374 = arith.andi %add3A, %and3A_373 : vector<512x128xi32>
    %eq3A_375 = arith.constant 0 : i32
    %eq3A_376 = vector.broadcast %eq3A_375 : i32 to vector<512x128xi32>
    %eq3A_377 = arith.cmpi eq, %and3A_374, %eq3A_376 : vector<512x128xi32>
    %and3A_378 = arith.constant 32 : i32
    %and3A_379 = vector.broadcast %and3A_378 : i32 to vector<512x128xi32>
    %and3A_380 = arith.andi %add3A, %and3A_379 : vector<512x128xi32>
    %eq3A_381 = arith.constant 0 : i32
    %eq3A_382 = vector.broadcast %eq3A_381 : i32 to vector<512x128xi32>
    %eq3A_383 = arith.cmpi eq, %and3A_380, %eq3A_382 : vector<512x128xi32>
    %eq3A_384 = arith.xori %eq3A_383, %eq3A_377 : vector<512x128xi1>
    %eq3A_385 = arith.constant dense<true> : vector<512x128xi1>
    %eq3A_386 = arith.xori %eq3A_384, %eq3A_385 : vector<512x128xi1>
    %max3A_387 = arith.maximumf %select_n3A_360, %select_n3A_371 : vector<512x128xf32>
    %min3A_388 = arith.minimumf %select_n3A_360, %select_n3A_371 : vector<512x128xf32>
    %select_n3A_389 = arith.select %eq3A_386, %max3A_387, %min3A_388 : vector<512x128xi1>, vector<512x128xf32>
    %roll3A_390 = arith.constant 126 : i32
    %roll3A_391 = tpu.dynamic_rotate %select_n3A_389 by %roll3A_390 dim 1 : vector<512x128xf32>, i32 -> vector<512x128xf32>
    %roll3A_392 = arith.constant 2 : i32
    %roll3A_393 = tpu.dynamic_rotate %select_n3A_389 by %roll3A_392 dim 1 : vector<512x128xf32>, i32 -> vector<512x128xf32>
    %and3A_394 = arith.constant 2 : i32
    %and3A_395 = vector.broadcast %and3A_394 : i32 to vector<512x128xi32>
    %and3A_396 = arith.andi %iota3A_13, %and3A_395 : vector<512x128xi32>
    %eq3A_397 = arith.constant 0 : i32
    %eq3A_398 = vector.broadcast %eq3A_397 : i32 to vector<512x128xi32>
    %eq3A_399 = arith.cmpi eq, %and3A_396, %eq3A_398 : vector<512x128xi32>
    %select_n3A_400 = arith.select %eq3A_399, %roll3A_391, %roll3A_393 : vector<512x128xi1>, vector<512x128xf32>
    %and3A_401 = arith.constant 2 : i32
    %and3A_402 = vector.broadcast %and3A_401 : i32 to vector<512x128xi32>
    %and3A_403 = arith.andi %add3A, %and3A_402 : vector<512x128xi32>
    %eq3A_404 = arith.constant 0 : i32
    %eq3A_405 = vector.broadcast %eq3A_404 : i32 to vector<512x128xi32>
    %eq3A_406 = arith.cmpi eq, %and3A_403, %eq3A_405 : vector<512x128xi32>
    %and3A_407 = arith.constant 32 : i32
    %and3A_408 = vector.broadcast %and3A_407 : i32 to vector<512x128xi32>
    %and3A_409 = arith.andi %add3A, %and3A_408 : vector<512x128xi32>
    %eq3A_410 = arith.constant 0 : i32
    %eq3A_411 = vector.broadcast %eq3A_410 : i32 to vector<512x128xi32>
    %eq3A_412 = arith.cmpi eq, %and3A_409, %eq3A_411 : vector<512x128xi32>
    %eq3A_413 = arith.xori %eq3A_412, %eq3A_406 : vector<512x128xi1>
    %eq3A_414 = arith.constant dense<true> : vector<512x128xi1>
    %eq3A_415 = arith.xori %eq3A_413, %eq3A_414 : vector<512x128xi1>
    %max3A_416 = arith.maximumf %select_n3A_389, %select_n3A_400 : vector<512x128xf32>
    %min3A_417 = arith.minimumf %select_n3A_389, %select_n3A_400 : vector<512x128xf32>
    %select_n3A_418 = arith.select %eq3A_415, %max3A_416, %min3A_417 : vector<512x128xi1>, vector<512x128xf32>
    %roll3A_419 = arith.constant 127 : i32
    %roll3A_420 = tpu.dynamic_rotate %select_n3A_418 by %roll3A_419 dim 1 : vector<512x128xf32>, i32 -> vector<512x128xf32>
    %roll3A_421 = arith.constant 1 : i32
    %roll3A_422 = tpu.dynamic_rotate %select_n3A_418 by %roll3A_421 dim 1 : vector<512x128xf32>, i32 -> vector<512x128xf32>
    %and3A_423 = arith.constant 1 : i32
    %and3A_424 = vector.broadcast %and3A_423 : i32 to vector<512x128xi32>
    %and3A_425 = arith.andi %iota3A_13, %and3A_424 : vector<512x128xi32>
    %eq3A_426 = arith.constant 0 : i32
    %eq3A_427 = vector.broadcast %eq3A_426 : i32 to vector<512x128xi32>
    %eq3A_428 = arith.cmpi eq, %and3A_425, %eq3A_427 : vector<512x128xi32>
    %select_n3A_429 = arith.select %eq3A_428, %roll3A_420, %roll3A_422 : vector<512x128xi1>, vector<512x128xf32>
    %and3A_430 = arith.constant 1 : i32
    %and3A_431 = vector.broadcast %and3A_430 : i32 to vector<512x128xi32>
    %and3A_432 = arith.andi %add3A, %and3A_431 : vector<512x128xi32>
    %eq3A_433 = arith.constant 0 : i32
    %eq3A_434 = vector.broadcast %eq3A_433 : i32 to vector<512x128xi32>
    %eq3A_435 = arith.cmpi eq, %and3A_432, %eq3A_434 : vector<512x128xi32>
    %and3A_436 = arith.constant 32 : i32
    %and3A_437 = vector.broadcast %and3A_436 : i32 to vector<512x128xi32>
    %and3A_438 = arith.andi %add3A, %and3A_437 : vector<512x128xi32>
    %eq3A_439 = arith.constant 0 : i32
    %eq3A_440 = vector.broadcast %eq3A_439 : i32 to vector<512x128xi32>
    %eq3A_441 = arith.cmpi eq, %and3A_438, %eq3A_440 : vector<512x128xi32>
    %eq3A_442 = arith.xori %eq3A_441, %eq3A_435 : vector<512x128xi1>
    %eq3A_443 = arith.constant dense<true> : vector<512x128xi1>
    %eq3A_444 = arith.xori %eq3A_442, %eq3A_443 : vector<512x128xi1>
    %max3A_445 = arith.maximumf %select_n3A_418, %select_n3A_429 : vector<512x128xf32>
    %min3A_446 = arith.minimumf %select_n3A_418, %select_n3A_429 : vector<512x128xf32>
    %select_n3A_447 = arith.select %eq3A_444, %max3A_445, %min3A_446 : vector<512x128xi1>, vector<512x128xf32>
    %roll3A_448 = arith.constant 96 : i32
    %roll3A_449 = tpu.dynamic_rotate %select_n3A_447 by %roll3A_448 dim 1 : vector<512x128xf32>, i32 -> vector<512x128xf32>
    %roll3A_450 = arith.constant 32 : i32
    %roll3A_451 = tpu.dynamic_rotate %select_n3A_447 by %roll3A_450 dim 1 : vector<512x128xf32>, i32 -> vector<512x128xf32>
    %and3A_452 = arith.constant 32 : i32
    %and3A_453 = vector.broadcast %and3A_452 : i32 to vector<512x128xi32>
    %and3A_454 = arith.andi %iota3A_13, %and3A_453 : vector<512x128xi32>
    %eq3A_455 = arith.constant 0 : i32
    %eq3A_456 = vector.broadcast %eq3A_455 : i32 to vector<512x128xi32>
    %eq3A_457 = arith.cmpi eq, %and3A_454, %eq3A_456 : vector<512x128xi32>
    %select_n3A_458 = arith.select %eq3A_457, %roll3A_449, %roll3A_451 : vector<512x128xi1>, vector<512x128xf32>
    %and3A_459 = arith.constant 32 : i32
    %and3A_460 = vector.broadcast %and3A_459 : i32 to vector<512x128xi32>
    %and3A_461 = arith.andi %add3A, %and3A_460 : vector<512x128xi32>
    %eq3A_462 = arith.constant 0 : i32
    %eq3A_463 = vector.broadcast %eq3A_462 : i32 to vector<512x128xi32>
    %eq3A_464 = arith.cmpi eq, %and3A_461, %eq3A_463 : vector<512x128xi32>
    %and3A_465 = arith.constant 64 : i32
    %and3A_466 = vector.broadcast %and3A_465 : i32 to vector<512x128xi32>
    %and3A_467 = arith.andi %add3A, %and3A_466 : vector<512x128xi32>
    %eq3A_468 = arith.constant 0 : i32
    %eq3A_469 = vector.broadcast %eq3A_468 : i32 to vector<512x128xi32>
    %eq3A_470 = arith.cmpi eq, %and3A_467, %eq3A_469 : vector<512x128xi32>
    %eq3A_471 = arith.xori %eq3A_470, %eq3A_464 : vector<512x128xi1>
    %eq3A_472 = arith.constant dense<true> : vector<512x128xi1>
    %eq3A_473 = arith.xori %eq3A_471, %eq3A_472 : vector<512x128xi1>
    %max3A_474 = arith.maximumf %select_n3A_447, %select_n3A_458 : vector<512x128xf32>
    %min3A_475 = arith.minimumf %select_n3A_447, %select_n3A_458 : vector<512x128xf32>
    %select_n3A_476 = arith.select %eq3A_473, %max3A_474, %min3A_475 : vector<512x128xi1>, vector<512x128xf32>
    %roll3A_477 = arith.constant 112 : i32
    %roll3A_478 = tpu.dynamic_rotate %select_n3A_476 by %roll3A_477 dim 1 : vector<512x128xf32>, i32 -> vector<512x128xf32>
    %roll3A_479 = arith.constant 16 : i32
    %roll3A_480 = tpu.dynamic_rotate %select_n3A_476 by %roll3A_479 dim 1 : vector<512x128xf32>, i32 -> vector<512x128xf32>
    %and3A_481 = arith.constant 16 : i32
    %and3A_482 = vector.broadcast %and3A_481 : i32 to vector<512x128xi32>
    %and3A_483 = arith.andi %iota3A_13, %and3A_482 : vector<512x128xi32>
    %eq3A_484 = arith.constant 0 : i32
    %eq3A_485 = vector.broadcast %eq3A_484 : i32 to vector<512x128xi32>
    %eq3A_486 = arith.cmpi eq, %and3A_483, %eq3A_485 : vector<512x128xi32>
    %select_n3A_487 = arith.select %eq3A_486, %roll3A_478, %roll3A_480 : vector<512x128xi1>, vector<512x128xf32>
    %and3A_488 = arith.constant 16 : i32
    %and3A_489 = vector.broadcast %and3A_488 : i32 to vector<512x128xi32>
    %and3A_490 = arith.andi %add3A, %and3A_489 : vector<512x128xi32>
    %eq3A_491 = arith.constant 0 : i32
    %eq3A_492 = vector.broadcast %eq3A_491 : i32 to vector<512x128xi32>
    %eq3A_493 = arith.cmpi eq, %and3A_490, %eq3A_492 : vector<512x128xi32>
    %and3A_494 = arith.constant 64 : i32
    %and3A_495 = vector.broadcast %and3A_494 : i32 to vector<512x128xi32>
    %and3A_496 = arith.andi %add3A, %and3A_495 : vector<512x128xi32>
    %eq3A_497 = arith.constant 0 : i32
    %eq3A_498 = vector.broadcast %eq3A_497 : i32 to vector<512x128xi32>
    %eq3A_499 = arith.cmpi eq, %and3A_496, %eq3A_498 : vector<512x128xi32>
    %eq3A_500 = arith.xori %eq3A_499, %eq3A_493 : vector<512x128xi1>
    %eq3A_501 = arith.constant dense<true> : vector<512x128xi1>
    %eq3A_502 = arith.xori %eq3A_500, %eq3A_501 : vector<512x128xi1>
    %max3A_503 = arith.maximumf %select_n3A_476, %select_n3A_487 : vector<512x128xf32>
    %min3A_504 = arith.minimumf %select_n3A_476, %select_n3A_487 : vector<512x128xf32>
    %select_n3A_505 = arith.select %eq3A_502, %max3A_503, %min3A_504 : vector<512x128xi1>, vector<512x128xf32>
    %roll3A_506 = arith.constant 120 : i32
    %roll3A_507 = tpu.dynamic_rotate %select_n3A_505 by %roll3A_506 dim 1 : vector<512x128xf32>, i32 -> vector<512x128xf32>
    %roll3A_508 = arith.constant 8 : i32
    %roll3A_509 = tpu.dynamic_rotate %select_n3A_505 by %roll3A_508 dim 1 : vector<512x128xf32>, i32 -> vector<512x128xf32>
    %and3A_510 = arith.constant 8 : i32
    %and3A_511 = vector.broadcast %and3A_510 : i32 to vector<512x128xi32>
    %and3A_512 = arith.andi %iota3A_13, %and3A_511 : vector<512x128xi32>
    %eq3A_513 = arith.constant 0 : i32
    %eq3A_514 = vector.broadcast %eq3A_513 : i32 to vector<512x128xi32>
    %eq3A_515 = arith.cmpi eq, %and3A_512, %eq3A_514 : vector<512x128xi32>
    %select_n3A_516 = arith.select %eq3A_515, %roll3A_507, %roll3A_509 : vector<512x128xi1>, vector<512x128xf32>
    %and3A_517 = arith.constant 8 : i32
    %and3A_518 = vector.broadcast %and3A_517 : i32 to vector<512x128xi32>
    %and3A_519 = arith.andi %add3A, %and3A_518 : vector<512x128xi32>
    %eq3A_520 = arith.constant 0 : i32
    %eq3A_521 = vector.broadcast %eq3A_520 : i32 to vector<512x128xi32>
    %eq3A_522 = arith.cmpi eq, %and3A_519, %eq3A_521 : vector<512x128xi32>
    %and3A_523 = arith.constant 64 : i32
    %and3A_524 = vector.broadcast %and3A_523 : i32 to vector<512x128xi32>
    %and3A_525 = arith.andi %add3A, %and3A_524 : vector<512x128xi32>
    %eq3A_526 = arith.constant 0 : i32
    %eq3A_527 = vector.broadcast %eq3A_526 : i32 to vector<512x128xi32>
    %eq3A_528 = arith.cmpi eq, %and3A_525, %eq3A_527 : vector<512x128xi32>
    %eq3A_529 = arith.xori %eq3A_528, %eq3A_522 : vector<512x128xi1>
    %eq3A_530 = arith.constant dense<true> : vector<512x128xi1>
    %eq3A_531 = arith.xori %eq3A_529, %eq3A_530 : vector<512x128xi1>
    %max3A_532 = arith.maximumf %select_n3A_505, %select_n3A_516 : vector<512x128xf32>
    %min3A_533 = arith.minimumf %select_n3A_505, %select_n3A_516 : vector<512x128xf32>
    %select_n3A_534 = arith.select %eq3A_531, %max3A_532, %min3A_533 : vector<512x128xi1>, vector<512x128xf32>
    %roll3A_535 = arith.constant 124 : i32
    %roll3A_536 = tpu.dynamic_rotate %select_n3A_534 by %roll3A_535 dim 1 : vector<512x128xf32>, i32 -> vector<512x128xf32>
    %roll3A_537 = arith.constant 4 : i32
    %roll3A_538 = tpu.dynamic_rotate %select_n3A_534 by %roll3A_537 dim 1 : vector<512x128xf32>, i32 -> vector<512x128xf32>
    %and3A_539 = arith.constant 4 : i32
    %and3A_540 = vector.broadcast %and3A_539 : i32 to vector<512x128xi32>
    %and3A_541 = arith.andi %iota3A_13, %and3A_540 : vector<512x128xi32>
    %eq3A_542 = arith.constant 0 : i32
    %eq3A_543 = vector.broadcast %eq3A_542 : i32 to vector<512x128xi32>
    %eq3A_544 = arith.cmpi eq, %and3A_541, %eq3A_543 : vector<512x128xi32>
    %select_n3A_545 = arith.select %eq3A_544, %roll3A_536, %roll3A_538 : vector<512x128xi1>, vector<512x128xf32>
    %and3A_546 = arith.constant 4 : i32
    %and3A_547 = vector.broadcast %and3A_546 : i32 to vector<512x128xi32>
    %and3A_548 = arith.andi %add3A, %and3A_547 : vector<512x128xi32>
    %eq3A_549 = arith.constant 0 : i32
    %eq3A_550 = vector.broadcast %eq3A_549 : i32 to vector<512x128xi32>
    %eq3A_551 = arith.cmpi eq, %and3A_548, %eq3A_550 : vector<512x128xi32>
    %and3A_552 = arith.constant 64 : i32
    %and3A_553 = vector.broadcast %and3A_552 : i32 to vector<512x128xi32>
    %and3A_554 = arith.andi %add3A, %and3A_553 : vector<512x128xi32>
    %eq3A_555 = arith.constant 0 : i32
    %eq3A_556 = vector.broadcast %eq3A_555 : i32 to vector<512x128xi32>
    %eq3A_557 = arith.cmpi eq, %and3A_554, %eq3A_556 : vector<512x128xi32>
    %eq3A_558 = arith.xori %eq3A_557, %eq3A_551 : vector<512x128xi1>
    %eq3A_559 = arith.constant dense<true> : vector<512x128xi1>
    %eq3A_560 = arith.xori %eq3A_558, %eq3A_559 : vector<512x128xi1>
    %max3A_561 = arith.maximumf %select_n3A_534, %select_n3A_545 : vector<512x128xf32>
    %min3A_562 = arith.minimumf %select_n3A_534, %select_n3A_545 : vector<512x128xf32>
    %select_n3A_563 = arith.select %eq3A_560, %max3A_561, %min3A_562 : vector<512x128xi1>, vector<512x128xf32>
    %roll3A_564 = arith.constant 126 : i32
    %roll3A_565 = tpu.dynamic_rotate %select_n3A_563 by %roll3A_564 dim 1 : vector<512x128xf32>, i32 -> vector<512x128xf32>
    %roll3A_566 = arith.constant 2 : i32
    %roll3A_567 = tpu.dynamic_rotate %select_n3A_563 by %roll3A_566 dim 1 : vector<512x128xf32>, i32 -> vector<512x128xf32>
    %and3A_568 = arith.constant 2 : i32
    %and3A_569 = vector.broadcast %and3A_568 : i32 to vector<512x128xi32>
    %and3A_570 = arith.andi %iota3A_13, %and3A_569 : vector<512x128xi32>
    %eq3A_571 = arith.constant 0 : i32
    %eq3A_572 = vector.broadcast %eq3A_571 : i32 to vector<512x128xi32>
    %eq3A_573 = arith.cmpi eq, %and3A_570, %eq3A_572 : vector<512x128xi32>
    %select_n3A_574 = arith.select %eq3A_573, %roll3A_565, %roll3A_567 : vector<512x128xi1>, vector<512x128xf32>
    %and3A_575 = arith.constant 2 : i32
    %and3A_576 = vector.broadcast %and3A_575 : i32 to vector<512x128xi32>
    %and3A_577 = arith.andi %add3A, %and3A_576 : vector<512x128xi32>
    %eq3A_578 = arith.constant 0 : i32
    %eq3A_579 = vector.broadcast %eq3A_578 : i32 to vector<512x128xi32>
    %eq3A_580 = arith.cmpi eq, %and3A_577, %eq3A_579 : vector<512x128xi32>
    %and3A_581 = arith.constant 64 : i32
    %and3A_582 = vector.broadcast %and3A_581 : i32 to vector<512x128xi32>
    %and3A_583 = arith.andi %add3A, %and3A_582 : vector<512x128xi32>
    %eq3A_584 = arith.constant 0 : i32
    %eq3A_585 = vector.broadcast %eq3A_584 : i32 to vector<512x128xi32>
    %eq3A_586 = arith.cmpi eq, %and3A_583, %eq3A_585 : vector<512x128xi32>
    %eq3A_587 = arith.xori %eq3A_586, %eq3A_580 : vector<512x128xi1>
    %eq3A_588 = arith.constant dense<true> : vector<512x128xi1>
    %eq3A_589 = arith.xori %eq3A_587, %eq3A_588 : vector<512x128xi1>
    %max3A_590 = arith.maximumf %select_n3A_563, %select_n3A_574 : vector<512x128xf32>
    %min3A_591 = arith.minimumf %select_n3A_563, %select_n3A_574 : vector<512x128xf32>
    %select_n3A_592 = arith.select %eq3A_589, %max3A_590, %min3A_591 : vector<512x128xi1>, vector<512x128xf32>
    %roll3A_593 = arith.constant 127 : i32
    %roll3A_594 = tpu.dynamic_rotate %select_n3A_592 by %roll3A_593 dim 1 : vector<512x128xf32>, i32 -> vector<512x128xf32>
    %roll3A_595 = arith.constant 1 : i32
    %roll3A_596 = tpu.dynamic_rotate %select_n3A_592 by %roll3A_595 dim 1 : vector<512x128xf32>, i32 -> vector<512x128xf32>
    %and3A_597 = arith.constant 1 : i32
    %and3A_598 = vector.broadcast %and3A_597 : i32 to vector<512x128xi32>
    %and3A_599 = arith.andi %iota3A_13, %and3A_598 : vector<512x128xi32>
    %eq3A_600 = arith.constant 0 : i32
    %eq3A_601 = vector.broadcast %eq3A_600 : i32 to vector<512x128xi32>
    %eq3A_602 = arith.cmpi eq, %and3A_599, %eq3A_601 : vector<512x128xi32>
    %select_n3A_603 = arith.select %eq3A_602, %roll3A_594, %roll3A_596 : vector<512x128xi1>, vector<512x128xf32>
    %and3A_604 = arith.constant 1 : i32
    %and3A_605 = vector.broadcast %and3A_604 : i32 to vector<512x128xi32>
    %and3A_606 = arith.andi %add3A, %and3A_605 : vector<512x128xi32>
    %eq3A_607 = arith.constant 0 : i32
    %eq3A_608 = vector.broadcast %eq3A_607 : i32 to vector<512x128xi32>
    %eq3A_609 = arith.cmpi eq, %and3A_606, %eq3A_608 : vector<512x128xi32>
    %and3A_610 = arith.constant 64 : i32
    %and3A_611 = vector.broadcast %and3A_610 : i32 to vector<512x128xi32>
    %and3A_612 = arith.andi %add3A, %and3A_611 : vector<512x128xi32>
    %eq3A_613 = arith.constant 0 : i32
    %eq3A_614 = vector.broadcast %eq3A_613 : i32 to vector<512x128xi32>
    %eq3A_615 = arith.cmpi eq, %and3A_612, %eq3A_614 : vector<512x128xi32>
    %eq3A_616 = arith.xori %eq3A_615, %eq3A_609 : vector<512x128xi1>
    %eq3A_617 = arith.constant dense<true> : vector<512x128xi1>
    %eq3A_618 = arith.xori %eq3A_616, %eq3A_617 : vector<512x128xi1>
    %max3A_619 = arith.maximumf %select_n3A_592, %select_n3A_603 : vector<512x128xf32>
    %min3A_620 = arith.minimumf %select_n3A_592, %select_n3A_603 : vector<512x128xf32>
    %select_n3A_621 = arith.select %eq3A_618, %max3A_619, %min3A_620 : vector<512x128xi1>, vector<512x128xf32>
    %roll3A_622 = arith.constant 64 : i32
    %roll3A_623 = tpu.dynamic_rotate %select_n3A_621 by %roll3A_622 dim 1 : vector<512x128xf32>, i32 -> vector<512x128xf32>
    %roll3A_624 = arith.constant 64 : i32
    %roll3A_625 = tpu.dynamic_rotate %select_n3A_621 by %roll3A_624 dim 1 : vector<512x128xf32>, i32 -> vector<512x128xf32>
    %and3A_626 = arith.constant 64 : i32
    %and3A_627 = vector.broadcast %and3A_626 : i32 to vector<512x128xi32>
    %and3A_628 = arith.andi %iota3A_13, %and3A_627 : vector<512x128xi32>
    %eq3A_629 = arith.constant 0 : i32
    %eq3A_630 = vector.broadcast %eq3A_629 : i32 to vector<512x128xi32>
    %eq3A_631 = arith.cmpi eq, %and3A_628, %eq3A_630 : vector<512x128xi32>
    %select_n3A_632 = arith.select %eq3A_631, %roll3A_623, %roll3A_625 : vector<512x128xi1>, vector<512x128xf32>
    %and3A_633 = arith.constant 64 : i32
    %and3A_634 = vector.broadcast %and3A_633 : i32 to vector<512x128xi32>
    %and3A_635 = arith.andi %add3A, %and3A_634 : vector<512x128xi32>
    %eq3A_636 = arith.constant 0 : i32
    %eq3A_637 = vector.broadcast %eq3A_636 : i32 to vector<512x128xi32>
    %eq3A_638 = arith.cmpi eq, %and3A_635, %eq3A_637 : vector<512x128xi32>
    %and3A_639 = arith.constant 128 : i32
    %and3A_640 = vector.broadcast %and3A_639 : i32 to vector<512x128xi32>
    %and3A_641 = arith.andi %add3A, %and3A_640 : vector<512x128xi32>
    %eq3A_642 = arith.constant 0 : i32
    %eq3A_643 = vector.broadcast %eq3A_642 : i32 to vector<512x128xi32>
    %eq3A_644 = arith.cmpi eq, %and3A_641, %eq3A_643 : vector<512x128xi32>
    %eq3A_645 = arith.xori %eq3A_644, %eq3A_638 : vector<512x128xi1>
    %eq3A_646 = arith.constant dense<true> : vector<512x128xi1>
    %eq3A_647 = arith.xori %eq3A_645, %eq3A_646 : vector<512x128xi1>
    %max3A_648 = arith.maximumf %select_n3A_621, %select_n3A_632 : vector<512x128xf32>
    %min3A_649 = arith.minimumf %select_n3A_621, %select_n3A_632 : vector<512x128xf32>
    %select_n3A_650 = arith.select %eq3A_647, %max3A_648, %min3A_649 : vector<512x128xi1>, vector<512x128xf32>
    %roll3A_651 = arith.constant 96 : i32
    %roll3A_652 = tpu.dynamic_rotate %select_n3A_650 by %roll3A_651 dim 1 : vector<512x128xf32>, i32 -> vector<512x128xf32>
    %roll3A_653 = arith.constant 32 : i32
    %roll3A_654 = tpu.dynamic_rotate %select_n3A_650 by %roll3A_653 dim 1 : vector<512x128xf32>, i32 -> vector<512x128xf32>
    %and3A_655 = arith.constant 32 : i32
    %and3A_656 = vector.broadcast %and3A_655 : i32 to vector<512x128xi32>
    %and3A_657 = arith.andi %iota3A_13, %and3A_656 : vector<512x128xi32>
    %eq3A_658 = arith.constant 0 : i32
    %eq3A_659 = vector.broadcast %eq3A_658 : i32 to vector<512x128xi32>
    %eq3A_660 = arith.cmpi eq, %and3A_657, %eq3A_659 : vector<512x128xi32>
    %select_n3A_661 = arith.select %eq3A_660, %roll3A_652, %roll3A_654 : vector<512x128xi1>, vector<512x128xf32>
    %and3A_662 = arith.constant 32 : i32
    %and3A_663 = vector.broadcast %and3A_662 : i32 to vector<512x128xi32>
    %and3A_664 = arith.andi %add3A, %and3A_663 : vector<512x128xi32>
    %eq3A_665 = arith.constant 0 : i32
    %eq3A_666 = vector.broadcast %eq3A_665 : i32 to vector<512x128xi32>
    %eq3A_667 = arith.cmpi eq, %and3A_664, %eq3A_666 : vector<512x128xi32>
    %and3A_668 = arith.constant 128 : i32
    %and3A_669 = vector.broadcast %and3A_668 : i32 to vector<512x128xi32>
    %and3A_670 = arith.andi %add3A, %and3A_669 : vector<512x128xi32>
    %eq3A_671 = arith.constant 0 : i32
    %eq3A_672 = vector.broadcast %eq3A_671 : i32 to vector<512x128xi32>
    %eq3A_673 = arith.cmpi eq, %and3A_670, %eq3A_672 : vector<512x128xi32>
    %eq3A_674 = arith.xori %eq3A_673, %eq3A_667 : vector<512x128xi1>
    %eq3A_675 = arith.constant dense<true> : vector<512x128xi1>
    %eq3A_676 = arith.xori %eq3A_674, %eq3A_675 : vector<512x128xi1>
    %max3A_677 = arith.maximumf %select_n3A_650, %select_n3A_661 : vector<512x128xf32>
    %min3A_678 = arith.minimumf %select_n3A_650, %select_n3A_661 : vector<512x128xf32>
    %select_n3A_679 = arith.select %eq3A_676, %max3A_677, %min3A_678 : vector<512x128xi1>, vector<512x128xf32>
    %roll3A_680 = arith.constant 112 : i32
    %roll3A_681 = tpu.dynamic_rotate %select_n3A_679 by %roll3A_680 dim 1 : vector<512x128xf32>, i32 -> vector<512x128xf32>
    %roll3A_682 = arith.constant 16 : i32
    %roll3A_683 = tpu.dynamic_rotate %select_n3A_679 by %roll3A_682 dim 1 : vector<512x128xf32>, i32 -> vector<512x128xf32>
    %and3A_684 = arith.constant 16 : i32
    %and3A_685 = vector.broadcast %and3A_684 : i32 to vector<512x128xi32>
    %and3A_686 = arith.andi %iota3A_13, %and3A_685 : vector<512x128xi32>
    %eq3A_687 = arith.constant 0 : i32
    %eq3A_688 = vector.broadcast %eq3A_687 : i32 to vector<512x128xi32>
    %eq3A_689 = arith.cmpi eq, %and3A_686, %eq3A_688 : vector<512x128xi32>
    %select_n3A_690 = arith.select %eq3A_689, %roll3A_681, %roll3A_683 : vector<512x128xi1>, vector<512x128xf32>
    %and3A_691 = arith.constant 16 : i32
    %and3A_692 = vector.broadcast %and3A_691 : i32 to vector<512x128xi32>
    %and3A_693 = arith.andi %add3A, %and3A_692 : vector<512x128xi32>
    %eq3A_694 = arith.constant 0 : i32
    %eq3A_695 = vector.broadcast %eq3A_694 : i32 to vector<512x128xi32>
    %eq3A_696 = arith.cmpi eq, %and3A_693, %eq3A_695 : vector<512x128xi32>
    %and3A_697 = arith.constant 128 : i32
    %and3A_698 = vector.broadcast %and3A_697 : i32 to vector<512x128xi32>
    %and3A_699 = arith.andi %add3A, %and3A_698 : vector<512x128xi32>
    %eq3A_700 = arith.constant 0 : i32
    %eq3A_701 = vector.broadcast %eq3A_700 : i32 to vector<512x128xi32>
    %eq3A_702 = arith.cmpi eq, %and3A_699, %eq3A_701 : vector<512x128xi32>
    %eq3A_703 = arith.xori %eq3A_702, %eq3A_696 : vector<512x128xi1>
    %eq3A_704 = arith.constant dense<true> : vector<512x128xi1>
    %eq3A_705 = arith.xori %eq3A_703, %eq3A_704 : vector<512x128xi1>
    %max3A_706 = arith.maximumf %select_n3A_679, %select_n3A_690 : vector<512x128xf32>
    %min3A_707 = arith.minimumf %select_n3A_679, %select_n3A_690 : vector<512x128xf32>
    %select_n3A_708 = arith.select %eq3A_705, %max3A_706, %min3A_707 : vector<512x128xi1>, vector<512x128xf32>
    %roll3A_709 = arith.constant 120 : i32
    %roll3A_710 = tpu.dynamic_rotate %select_n3A_708 by %roll3A_709 dim 1 : vector<512x128xf32>, i32 -> vector<512x128xf32>
    %roll3A_711 = arith.constant 8 : i32
    %roll3A_712 = tpu.dynamic_rotate %select_n3A_708 by %roll3A_711 dim 1 : vector<512x128xf32>, i32 -> vector<512x128xf32>
    %and3A_713 = arith.constant 8 : i32
    %and3A_714 = vector.broadcast %and3A_713 : i32 to vector<512x128xi32>
    %and3A_715 = arith.andi %iota3A_13, %and3A_714 : vector<512x128xi32>
    %eq3A_716 = arith.constant 0 : i32
    %eq3A_717 = vector.broadcast %eq3A_716 : i32 to vector<512x128xi32>
    %eq3A_718 = arith.cmpi eq, %and3A_715, %eq3A_717 : vector<512x128xi32>
    %select_n3A_719 = arith.select %eq3A_718, %roll3A_710, %roll3A_712 : vector<512x128xi1>, vector<512x128xf32>
    %and3A_720 = arith.constant 8 : i32
    %and3A_721 = vector.broadcast %and3A_720 : i32 to vector<512x128xi32>
    %and3A_722 = arith.andi %add3A, %and3A_721 : vector<512x128xi32>
    %eq3A_723 = arith.constant 0 : i32
    %eq3A_724 = vector.broadcast %eq3A_723 : i32 to vector<512x128xi32>
    %eq3A_725 = arith.cmpi eq, %and3A_722, %eq3A_724 : vector<512x128xi32>
    %and3A_726 = arith.constant 128 : i32
    %and3A_727 = vector.broadcast %and3A_726 : i32 to vector<512x128xi32>
    %and3A_728 = arith.andi %add3A, %and3A_727 : vector<512x128xi32>
    %eq3A_729 = arith.constant 0 : i32
    %eq3A_730 = vector.broadcast %eq3A_729 : i32 to vector<512x128xi32>
    %eq3A_731 = arith.cmpi eq, %and3A_728, %eq3A_730 : vector<512x128xi32>
    %eq3A_732 = arith.xori %eq3A_731, %eq3A_725 : vector<512x128xi1>
    %eq3A_733 = arith.constant dense<true> : vector<512x128xi1>
    %eq3A_734 = arith.xori %eq3A_732, %eq3A_733 : vector<512x128xi1>
    %max3A_735 = arith.maximumf %select_n3A_708, %select_n3A_719 : vector<512x128xf32>
    %min3A_736 = arith.minimumf %select_n3A_708, %select_n3A_719 : vector<512x128xf32>
    %select_n3A_737 = arith.select %eq3A_734, %max3A_735, %min3A_736 : vector<512x128xi1>, vector<512x128xf32>
    %roll3A_738 = arith.constant 124 : i32
    %roll3A_739 = tpu.dynamic_rotate %select_n3A_737 by %roll3A_738 dim 1 : vector<512x128xf32>, i32 -> vector<512x128xf32>
    %roll3A_740 = arith.constant 4 : i32
    %roll3A_741 = tpu.dynamic_rotate %select_n3A_737 by %roll3A_740 dim 1 : vector<512x128xf32>, i32 -> vector<512x128xf32>
    %and3A_742 = arith.constant 4 : i32
    %and3A_743 = vector.broadcast %and3A_742 : i32 to vector<512x128xi32>
    %and3A_744 = arith.andi %iota3A_13, %and3A_743 : vector<512x128xi32>
    %eq3A_745 = arith.constant 0 : i32
    %eq3A_746 = vector.broadcast %eq3A_745 : i32 to vector<512x128xi32>
    %eq3A_747 = arith.cmpi eq, %and3A_744, %eq3A_746 : vector<512x128xi32>
    %select_n3A_748 = arith.select %eq3A_747, %roll3A_739, %roll3A_741 : vector<512x128xi1>, vector<512x128xf32>
    %and3A_749 = arith.constant 4 : i32
    %and3A_750 = vector.broadcast %and3A_749 : i32 to vector<512x128xi32>
    %and3A_751 = arith.andi %add3A, %and3A_750 : vector<512x128xi32>
    %eq3A_752 = arith.constant 0 : i32
    %eq3A_753 = vector.broadcast %eq3A_752 : i32 to vector<512x128xi32>
    %eq3A_754 = arith.cmpi eq, %and3A_751, %eq3A_753 : vector<512x128xi32>
    %and3A_755 = arith.constant 128 : i32
    %and3A_756 = vector.broadcast %and3A_755 : i32 to vector<512x128xi32>
    %and3A_757 = arith.andi %add3A, %and3A_756 : vector<512x128xi32>
    %eq3A_758 = arith.constant 0 : i32
    %eq3A_759 = vector.broadcast %eq3A_758 : i32 to vector<512x128xi32>
    %eq3A_760 = arith.cmpi eq, %and3A_757, %eq3A_759 : vector<512x128xi32>
    %eq3A_761 = arith.xori %eq3A_760, %eq3A_754 : vector<512x128xi1>
    %eq3A_762 = arith.constant dense<true> : vector<512x128xi1>
    %eq3A_763 = arith.xori %eq3A_761, %eq3A_762 : vector<512x128xi1>
    %max3A_764 = arith.maximumf %select_n3A_737, %select_n3A_748 : vector<512x128xf32>
    %min3A_765 = arith.minimumf %select_n3A_737, %select_n3A_748 : vector<512x128xf32>
    %select_n3A_766 = arith.select %eq3A_763, %max3A_764, %min3A_765 : vector<512x128xi1>, vector<512x128xf32>
    %roll3A_767 = arith.constant 126 : i32
    %roll3A_768 = tpu.dynamic_rotate %select_n3A_766 by %roll3A_767 dim 1 : vector<512x128xf32>, i32 -> vector<512x128xf32>
    %roll3A_769 = arith.constant 2 : i32
    %roll3A_770 = tpu.dynamic_rotate %select_n3A_766 by %roll3A_769 dim 1 : vector<512x128xf32>, i32 -> vector<512x128xf32>
    %and3A_771 = arith.constant 2 : i32
    %and3A_772 = vector.broadcast %and3A_771 : i32 to vector<512x128xi32>
    %and3A_773 = arith.andi %iota3A_13, %and3A_772 : vector<512x128xi32>
    %eq3A_774 = arith.constant 0 : i32
    %eq3A_775 = vector.broadcast %eq3A_774 : i32 to vector<512x128xi32>
    %eq3A_776 = arith.cmpi eq, %and3A_773, %eq3A_775 : vector<512x128xi32>
    %select_n3A_777 = arith.select %eq3A_776, %roll3A_768, %roll3A_770 : vector<512x128xi1>, vector<512x128xf32>
    %and3A_778 = arith.constant 2 : i32
    %and3A_779 = vector.broadcast %and3A_778 : i32 to vector<512x128xi32>
    %and3A_780 = arith.andi %add3A, %and3A_779 : vector<512x128xi32>
    %eq3A_781 = arith.constant 0 : i32
    %eq3A_782 = vector.broadcast %eq3A_781 : i32 to vector<512x128xi32>
    %eq3A_783 = arith.cmpi eq, %and3A_780, %eq3A_782 : vector<512x128xi32>
    %and3A_784 = arith.constant 128 : i32
    %and3A_785 = vector.broadcast %and3A_784 : i32 to vector<512x128xi32>
    %and3A_786 = arith.andi %add3A, %and3A_785 : vector<512x128xi32>
    %eq3A_787 = arith.constant 0 : i32
    %eq3A_788 = vector.broadcast %eq3A_787 : i32 to vector<512x128xi32>
    %eq3A_789 = arith.cmpi eq, %and3A_786, %eq3A_788 : vector<512x128xi32>
    %eq3A_790 = arith.xori %eq3A_789, %eq3A_783 : vector<512x128xi1>
    %eq3A_791 = arith.constant dense<true> : vector<512x128xi1>
    %eq3A_792 = arith.xori %eq3A_790, %eq3A_791 : vector<512x128xi1>
    %max3A_793 = arith.maximumf %select_n3A_766, %select_n3A_777 : vector<512x128xf32>
    %min3A_794 = arith.minimumf %select_n3A_766, %select_n3A_777 : vector<512x128xf32>
    %select_n3A_795 = arith.select %eq3A_792, %max3A_793, %min3A_794 : vector<512x128xi1>, vector<512x128xf32>
    %roll3A_796 = arith.constant 127 : i32
    %roll3A_797 = tpu.dynamic_rotate %select_n3A_795 by %roll3A_796 dim 1 : vector<512x128xf32>, i32 -> vector<512x128xf32>
    %roll3A_798 = arith.constant 1 : i32
    %roll3A_799 = tpu.dynamic_rotate %select_n3A_795 by %roll3A_798 dim 1 : vector<512x128xf32>, i32 -> vector<512x128xf32>
    %and3A_800 = arith.constant 1 : i32
    %and3A_801 = vector.broadcast %and3A_800 : i32 to vector<512x128xi32>
    %and3A_802 = arith.andi %iota3A_13, %and3A_801 : vector<512x128xi32>
    %eq3A_803 = arith.constant 0 : i32
    %eq3A_804 = vector.broadcast %eq3A_803 : i32 to vector<512x128xi32>
    %eq3A_805 = arith.cmpi eq, %and3A_802, %eq3A_804 : vector<512x128xi32>
    %select_n3A_806 = arith.select %eq3A_805, %roll3A_797, %roll3A_799 : vector<512x128xi1>, vector<512x128xf32>
    %and3A_807 = arith.constant 1 : i32
    %and3A_808 = vector.broadcast %and3A_807 : i32 to vector<512x128xi32>
    %and3A_809 = arith.andi %add3A, %and3A_808 : vector<512x128xi32>
    %eq3A_810 = arith.constant 0 : i32
    %eq3A_811 = vector.broadcast %eq3A_810 : i32 to vector<512x128xi32>
    %eq3A_812 = arith.cmpi eq, %and3A_809, %eq3A_811 : vector<512x128xi32>
    %and3A_813 = arith.constant 128 : i32
    %and3A_814 = vector.broadcast %and3A_813 : i32 to vector<512x128xi32>
    %and3A_815 = arith.andi %add3A, %and3A_814 : vector<512x128xi32>
    %eq3A_816 = arith.constant 0 : i32
    %eq3A_817 = vector.broadcast %eq3A_816 : i32 to vector<512x128xi32>
    %eq3A_818 = arith.cmpi eq, %and3A_815, %eq3A_817 : vector<512x128xi32>
    %eq3A_819 = arith.xori %eq3A_818, %eq3A_812 : vector<512x128xi1>
    %eq3A_820 = arith.constant dense<true> : vector<512x128xi1>
    %eq3A_821 = arith.xori %eq3A_819, %eq3A_820 : vector<512x128xi1>
    %max3A_822 = arith.maximumf %select_n3A_795, %select_n3A_806 : vector<512x128xf32>
    %min3A_823 = arith.minimumf %select_n3A_795, %select_n3A_806 : vector<512x128xf32>
    %select_n3A_824 = arith.select %eq3A_821, %max3A_822, %min3A_823 : vector<512x128xi1>, vector<512x128xf32>
    %roll3A_825 = arith.constant 511 : i32
    %roll3A_826 = tpu.dynamic_rotate %select_n3A_824 by %roll3A_825 dim 0 : vector<512x128xf32>, i32 -> vector<512x128xf32>
    %roll3A_827 = arith.constant 1 : i32
    %roll3A_828 = tpu.dynamic_rotate %select_n3A_824 by %roll3A_827 dim 0 : vector<512x128xf32>, i32 -> vector<512x128xf32>
    %and3A_829 = arith.constant 1 : i32
    %and3A_830 = vector.broadcast %and3A_829 : i32 to vector<512x128xi32>
    %and3A_831 = arith.andi %and3A_12, %and3A_830 : vector<512x128xi32>
    %eq3A_832 = arith.constant 0 : i32
    %eq3A_833 = vector.broadcast %eq3A_832 : i32 to vector<512x128xi32>
    %eq3A_834 = arith.cmpi eq, %and3A_831, %eq3A_833 : vector<512x128xi32>
    %select_n3A_835 = arith.select %eq3A_834, %roll3A_826, %roll3A_828 : vector<512x128xi1>, vector<512x128xf32>
    %and3A_836 = arith.constant 128 : i32
    %and3A_837 = vector.broadcast %and3A_836 : i32 to vector<512x128xi32>
    %and3A_838 = arith.andi %add3A, %and3A_837 : vector<512x128xi32>
    %eq3A_839 = arith.constant 0 : i32
    %eq3A_840 = vector.broadcast %eq3A_839 : i32 to vector<512x128xi32>
    %eq3A_841 = arith.cmpi eq, %and3A_838, %eq3A_840 : vector<512x128xi32>
    %and3A_842 = arith.constant 256 : i32
    %and3A_843 = vector.broadcast %and3A_842 : i32 to vector<512x128xi32>
    %and3A_844 = arith.andi %add3A, %and3A_843 : vector<512x128xi32>
    %eq3A_845 = arith.constant 0 : i32
    %eq3A_846 = vector.broadcast %eq3A_845 : i32 to vector<512x128xi32>
    %eq3A_847 = arith.cmpi eq, %and3A_844, %eq3A_846 : vector<512x128xi32>
    %eq3A_848 = arith.xori %eq3A_847, %eq3A_841 : vector<512x128xi1>
    %eq3A_849 = arith.constant dense<true> : vector<512x128xi1>
    %eq3A_850 = arith.xori %eq3A_848, %eq3A_849 : vector<512x128xi1>
    %max3A_851 = arith.maximumf %select_n3A_824, %select_n3A_835 : vector<512x128xf32>
    %min3A_852 = arith.minimumf %select_n3A_824, %select_n3A_835 : vector<512x128xf32>
    %select_n3A_853 = arith.select %eq3A_850, %max3A_851, %min3A_852 : vector<512x128xi1>, vector<512x128xf32>
    %roll3A_854 = arith.constant 64 : i32
    %roll3A_855 = tpu.dynamic_rotate %select_n3A_853 by %roll3A_854 dim 1 : vector<512x128xf32>, i32 -> vector<512x128xf32>
    %roll3A_856 = arith.constant 64 : i32
    %roll3A_857 = tpu.dynamic_rotate %select_n3A_853 by %roll3A_856 dim 1 : vector<512x128xf32>, i32 -> vector<512x128xf32>
    %and3A_858 = arith.constant 64 : i32
    %and3A_859 = vector.broadcast %and3A_858 : i32 to vector<512x128xi32>
    %and3A_860 = arith.andi %iota3A_13, %and3A_859 : vector<512x128xi32>
    %eq3A_861 = arith.constant 0 : i32
    %eq3A_862 = vector.broadcast %eq3A_861 : i32 to vector<512x128xi32>
    %eq3A_863 = arith.cmpi eq, %and3A_860, %eq3A_862 : vector<512x128xi32>
    %select_n3A_864 = arith.select %eq3A_863, %roll3A_855, %roll3A_857 : vector<512x128xi1>, vector<512x128xf32>
    %and3A_865 = arith.constant 64 : i32
    %and3A_866 = vector.broadcast %and3A_865 : i32 to vector<512x128xi32>
    %and3A_867 = arith.andi %add3A, %and3A_866 : vector<512x128xi32>
    %eq3A_868 = arith.constant 0 : i32
    %eq3A_869 = vector.broadcast %eq3A_868 : i32 to vector<512x128xi32>
    %eq3A_870 = arith.cmpi eq, %and3A_867, %eq3A_869 : vector<512x128xi32>
    %and3A_871 = arith.constant 256 : i32
    %and3A_872 = vector.broadcast %and3A_871 : i32 to vector<512x128xi32>
    %and3A_873 = arith.andi %add3A, %and3A_872 : vector<512x128xi32>
    %eq3A_874 = arith.constant 0 : i32
    %eq3A_875 = vector.broadcast %eq3A_874 : i32 to vector<512x128xi32>
    %eq3A_876 = arith.cmpi eq, %and3A_873, %eq3A_875 : vector<512x128xi32>
    %eq3A_877 = arith.xori %eq3A_876, %eq3A_870 : vector<512x128xi1>
    %eq3A_878 = arith.constant dense<true> : vector<512x128xi1>
    %eq3A_879 = arith.xori %eq3A_877, %eq3A_878 : vector<512x128xi1>
    %max3A_880 = arith.maximumf %select_n3A_853, %select_n3A_864 : vector<512x128xf32>
    %min3A_881 = arith.minimumf %select_n3A_853, %select_n3A_864 : vector<512x128xf32>
    %select_n3A_882 = arith.select %eq3A_879, %max3A_880, %min3A_881 : vector<512x128xi1>, vector<512x128xf32>
    %roll3A_883 = arith.constant 96 : i32
    %roll3A_884 = tpu.dynamic_rotate %select_n3A_882 by %roll3A_883 dim 1 : vector<512x128xf32>, i32 -> vector<512x128xf32>
    %roll3A_885 = arith.constant 32 : i32
    %roll3A_886 = tpu.dynamic_rotate %select_n3A_882 by %roll3A_885 dim 1 : vector<512x128xf32>, i32 -> vector<512x128xf32>
    %and3A_887 = arith.constant 32 : i32
    %and3A_888 = vector.broadcast %and3A_887 : i32 to vector<512x128xi32>
    %and3A_889 = arith.andi %iota3A_13, %and3A_888 : vector<512x128xi32>
    %eq3A_890 = arith.constant 0 : i32
    %eq3A_891 = vector.broadcast %eq3A_890 : i32 to vector<512x128xi32>
    %eq3A_892 = arith.cmpi eq, %and3A_889, %eq3A_891 : vector<512x128xi32>
    %select_n3A_893 = arith.select %eq3A_892, %roll3A_884, %roll3A_886 : vector<512x128xi1>, vector<512x128xf32>
    %and3A_894 = arith.constant 32 : i32
    %and3A_895 = vector.broadcast %and3A_894 : i32 to vector<512x128xi32>
    %and3A_896 = arith.andi %add3A, %and3A_895 : vector<512x128xi32>
    %eq3A_897 = arith.constant 0 : i32
    %eq3A_898 = vector.broadcast %eq3A_897 : i32 to vector<512x128xi32>
    %eq3A_899 = arith.cmpi eq, %and3A_896, %eq3A_898 : vector<512x128xi32>
    %and3A_900 = arith.constant 256 : i32
    %and3A_901 = vector.broadcast %and3A_900 : i32 to vector<512x128xi32>
    %and3A_902 = arith.andi %add3A, %and3A_901 : vector<512x128xi32>
    %eq3A_903 = arith.constant 0 : i32
    %eq3A_904 = vector.broadcast %eq3A_903 : i32 to vector<512x128xi32>
    %eq3A_905 = arith.cmpi eq, %and3A_902, %eq3A_904 : vector<512x128xi32>
    %eq3A_906 = arith.xori %eq3A_905, %eq3A_899 : vector<512x128xi1>
    %eq3A_907 = arith.constant dense<true> : vector<512x128xi1>
    %eq3A_908 = arith.xori %eq3A_906, %eq3A_907 : vector<512x128xi1>
    %max3A_909 = arith.maximumf %select_n3A_882, %select_n3A_893 : vector<512x128xf32>
    %min3A_910 = arith.minimumf %select_n3A_882, %select_n3A_893 : vector<512x128xf32>
    %select_n3A_911 = arith.select %eq3A_908, %max3A_909, %min3A_910 : vector<512x128xi1>, vector<512x128xf32>
    %roll3A_912 = arith.constant 112 : i32
    %roll3A_913 = tpu.dynamic_rotate %select_n3A_911 by %roll3A_912 dim 1 : vector<512x128xf32>, i32 -> vector<512x128xf32>
    %roll3A_914 = arith.constant 16 : i32
    %roll3A_915 = tpu.dynamic_rotate %select_n3A_911 by %roll3A_914 dim 1 : vector<512x128xf32>, i32 -> vector<512x128xf32>
    %and3A_916 = arith.constant 16 : i32
    %and3A_917 = vector.broadcast %and3A_916 : i32 to vector<512x128xi32>
    %and3A_918 = arith.andi %iota3A_13, %and3A_917 : vector<512x128xi32>
    %eq3A_919 = arith.constant 0 : i32
    %eq3A_920 = vector.broadcast %eq3A_919 : i32 to vector<512x128xi32>
    %eq3A_921 = arith.cmpi eq, %and3A_918, %eq3A_920 : vector<512x128xi32>
    %select_n3A_922 = arith.select %eq3A_921, %roll3A_913, %roll3A_915 : vector<512x128xi1>, vector<512x128xf32>
    %and3A_923 = arith.constant 16 : i32
    %and3A_924 = vector.broadcast %and3A_923 : i32 to vector<512x128xi32>
    %and3A_925 = arith.andi %add3A, %and3A_924 : vector<512x128xi32>
    %eq3A_926 = arith.constant 0 : i32
    %eq3A_927 = vector.broadcast %eq3A_926 : i32 to vector<512x128xi32>
    %eq3A_928 = arith.cmpi eq, %and3A_925, %eq3A_927 : vector<512x128xi32>
    %and3A_929 = arith.constant 256 : i32
    %and3A_930 = vector.broadcast %and3A_929 : i32 to vector<512x128xi32>
    %and3A_931 = arith.andi %add3A, %and3A_930 : vector<512x128xi32>
    %eq3A_932 = arith.constant 0 : i32
    %eq3A_933 = vector.broadcast %eq3A_932 : i32 to vector<512x128xi32>
    %eq3A_934 = arith.cmpi eq, %and3A_931, %eq3A_933 : vector<512x128xi32>
    %eq3A_935 = arith.xori %eq3A_934, %eq3A_928 : vector<512x128xi1>
    %eq3A_936 = arith.constant dense<true> : vector<512x128xi1>
    %eq3A_937 = arith.xori %eq3A_935, %eq3A_936 : vector<512x128xi1>
    %max3A_938 = arith.maximumf %select_n3A_911, %select_n3A_922 : vector<512x128xf32>
    %min3A_939 = arith.minimumf %select_n3A_911, %select_n3A_922 : vector<512x128xf32>
    %select_n3A_940 = arith.select %eq3A_937, %max3A_938, %min3A_939 : vector<512x128xi1>, vector<512x128xf32>
    %roll3A_941 = arith.constant 120 : i32
    %roll3A_942 = tpu.dynamic_rotate %select_n3A_940 by %roll3A_941 dim 1 : vector<512x128xf32>, i32 -> vector<512x128xf32>
    %roll3A_943 = arith.constant 8 : i32
    %roll3A_944 = tpu.dynamic_rotate %select_n3A_940 by %roll3A_943 dim 1 : vector<512x128xf32>, i32 -> vector<512x128xf32>
    %and3A_945 = arith.constant 8 : i32
    %and3A_946 = vector.broadcast %and3A_945 : i32 to vector<512x128xi32>
    %and3A_947 = arith.andi %iota3A_13, %and3A_946 : vector<512x128xi32>
    %eq3A_948 = arith.constant 0 : i32
    %eq3A_949 = vector.broadcast %eq3A_948 : i32 to vector<512x128xi32>
    %eq3A_950 = arith.cmpi eq, %and3A_947, %eq3A_949 : vector<512x128xi32>
    %select_n3A_951 = arith.select %eq3A_950, %roll3A_942, %roll3A_944 : vector<512x128xi1>, vector<512x128xf32>
    %and3A_952 = arith.constant 8 : i32
    %and3A_953 = vector.broadcast %and3A_952 : i32 to vector<512x128xi32>
    %and3A_954 = arith.andi %add3A, %and3A_953 : vector<512x128xi32>
    %eq3A_955 = arith.constant 0 : i32
    %eq3A_956 = vector.broadcast %eq3A_955 : i32 to vector<512x128xi32>
    %eq3A_957 = arith.cmpi eq, %and3A_954, %eq3A_956 : vector<512x128xi32>
    %and3A_958 = arith.constant 256 : i32
    %and3A_959 = vector.broadcast %and3A_958 : i32 to vector<512x128xi32>
    %and3A_960 = arith.andi %add3A, %and3A_959 : vector<512x128xi32>
    %eq3A_961 = arith.constant 0 : i32
    %eq3A_962 = vector.broadcast %eq3A_961 : i32 to vector<512x128xi32>
    %eq3A_963 = arith.cmpi eq, %and3A_960, %eq3A_962 : vector<512x128xi32>
    %eq3A_964 = arith.xori %eq3A_963, %eq3A_957 : vector<512x128xi1>
    %eq3A_965 = arith.constant dense<true> : vector<512x128xi1>
    %eq3A_966 = arith.xori %eq3A_964, %eq3A_965 : vector<512x128xi1>
    %max3A_967 = arith.maximumf %select_n3A_940, %select_n3A_951 : vector<512x128xf32>
    %min3A_968 = arith.minimumf %select_n3A_940, %select_n3A_951 : vector<512x128xf32>
    %select_n3A_969 = arith.select %eq3A_966, %max3A_967, %min3A_968 : vector<512x128xi1>, vector<512x128xf32>
    %roll3A_970 = arith.constant 124 : i32
    %roll3A_971 = tpu.dynamic_rotate %select_n3A_969 by %roll3A_970 dim 1 : vector<512x128xf32>, i32 -> vector<512x128xf32>
    %roll3A_972 = arith.constant 4 : i32
    %roll3A_973 = tpu.dynamic_rotate %select_n3A_969 by %roll3A_972 dim 1 : vector<512x128xf32>, i32 -> vector<512x128xf32>
    %and3A_974 = arith.constant 4 : i32
    %and3A_975 = vector.broadcast %and3A_974 : i32 to vector<512x128xi32>
    %and3A_976 = arith.andi %iota3A_13, %and3A_975 : vector<512x128xi32>
    %eq3A_977 = arith.constant 0 : i32
    %eq3A_978 = vector.broadcast %eq3A_977 : i32 to vector<512x128xi32>
    %eq3A_979 = arith.cmpi eq, %and3A_976, %eq3A_978 : vector<512x128xi32>
    %select_n3A_980 = arith.select %eq3A_979, %roll3A_971, %roll3A_973 : vector<512x128xi1>, vector<512x128xf32>
    %and3A_981 = arith.constant 4 : i32
    %and3A_982 = vector.broadcast %and3A_981 : i32 to vector<512x128xi32>
    %and3A_983 = arith.andi %add3A, %and3A_982 : vector<512x128xi32>
    %eq3A_984 = arith.constant 0 : i32
    %eq3A_985 = vector.broadcast %eq3A_984 : i32 to vector<512x128xi32>
    %eq3A_986 = arith.cmpi eq, %and3A_983, %eq3A_985 : vector<512x128xi32>
    %and3A_987 = arith.constant 256 : i32
    %and3A_988 = vector.broadcast %and3A_987 : i32 to vector<512x128xi32>
    %and3A_989 = arith.andi %add3A, %and3A_988 : vector<512x128xi32>
    %eq3A_990 = arith.constant 0 : i32
    %eq3A_991 = vector.broadcast %eq3A_990 : i32 to vector<512x128xi32>
    %eq3A_992 = arith.cmpi eq, %and3A_989, %eq3A_991 : vector<512x128xi32>
    %eq3A_993 = arith.xori %eq3A_992, %eq3A_986 : vector<512x128xi1>
    %eq3A_994 = arith.constant dense<true> : vector<512x128xi1>
    %eq3A_995 = arith.xori %eq3A_993, %eq3A_994 : vector<512x128xi1>
    %max3A_996 = arith.maximumf %select_n3A_969, %select_n3A_980 : vector<512x128xf32>
    %min3A_997 = arith.minimumf %select_n3A_969, %select_n3A_980 : vector<512x128xf32>
    %select_n3A_998 = arith.select %eq3A_995, %max3A_996, %min3A_997 : vector<512x128xi1>, vector<512x128xf32>
    %roll3A_999 = arith.constant 126 : i32
    %roll3A_1000 = tpu.dynamic_rotate %select_n3A_998 by %roll3A_999 dim 1 : vector<512x128xf32>, i32 -> vector<512x128xf32>
    %roll3A_1001 = arith.constant 2 : i32
    %roll3A_1002 = tpu.dynamic_rotate %select_n3A_998 by %roll3A_1001 dim 1 : vector<512x128xf32>, i32 -> vector<512x128xf32>
    %and3A_1003 = arith.constant 2 : i32
    %and3A_1004 = vector.broadcast %and3A_1003 : i32 to vector<512x128xi32>
    %and3A_1005 = arith.andi %iota3A_13, %and3A_1004 : vector<512x128xi32>
    %eq3A_1006 = arith.constant 0 : i32
    %eq3A_1007 = vector.broadcast %eq3A_1006 : i32 to vector<512x128xi32>
    %eq3A_1008 = arith.cmpi eq, %and3A_1005, %eq3A_1007 : vector<512x128xi32>
    %select_n3A_1009 = arith.select %eq3A_1008, %roll3A_1000, %roll3A_1002 : vector<512x128xi1>, vector<512x128xf32>
    %and3A_1010 = arith.constant 2 : i32
    %and3A_1011 = vector.broadcast %and3A_1010 : i32 to vector<512x128xi32>
    %and3A_1012 = arith.andi %add3A, %and3A_1011 : vector<512x128xi32>
    %eq3A_1013 = arith.constant 0 : i32
    %eq3A_1014 = vector.broadcast %eq3A_1013 : i32 to vector<512x128xi32>
    %eq3A_1015 = arith.cmpi eq, %and3A_1012, %eq3A_1014 : vector<512x128xi32>
    %and3A_1016 = arith.constant 256 : i32
    %and3A_1017 = vector.broadcast %and3A_1016 : i32 to vector<512x128xi32>
    %and3A_1018 = arith.andi %add3A, %and3A_1017 : vector<512x128xi32>
    %eq3A_1019 = arith.constant 0 : i32
    %eq3A_1020 = vector.broadcast %eq3A_1019 : i32 to vector<512x128xi32>
    %eq3A_1021 = arith.cmpi eq, %and3A_1018, %eq3A_1020 : vector<512x128xi32>
    %eq3A_1022 = arith.xori %eq3A_1021, %eq3A_1015 : vector<512x128xi1>
    %eq3A_1023 = arith.constant dense<true> : vector<512x128xi1>
    %eq3A_1024 = arith.xori %eq3A_1022, %eq3A_1023 : vector<512x128xi1>
    %max3A_1025 = arith.maximumf %select_n3A_998, %select_n3A_1009 : vector<512x128xf32>
    %min3A_1026 = arith.minimumf %select_n3A_998, %select_n3A_1009 : vector<512x128xf32>
    %select_n3A_1027 = arith.select %eq3A_1024, %max3A_1025, %min3A_1026 : vector<512x128xi1>, vector<512x128xf32>
    %roll3A_1028 = arith.constant 127 : i32
    %roll3A_1029 = tpu.dynamic_rotate %select_n3A_1027 by %roll3A_1028 dim 1 : vector<512x128xf32>, i32 -> vector<512x128xf32>
    %roll3A_1030 = arith.constant 1 : i32
    %roll3A_1031 = tpu.dynamic_rotate %select_n3A_1027 by %roll3A_1030 dim 1 : vector<512x128xf32>, i32 -> vector<512x128xf32>
    %and3A_1032 = arith.constant 1 : i32
    %and3A_1033 = vector.broadcast %and3A_1032 : i32 to vector<512x128xi32>
    %and3A_1034 = arith.andi %iota3A_13, %and3A_1033 : vector<512x128xi32>
    %eq3A_1035 = arith.constant 0 : i32
    %eq3A_1036 = vector.broadcast %eq3A_1035 : i32 to vector<512x128xi32>
    %eq3A_1037 = arith.cmpi eq, %and3A_1034, %eq3A_1036 : vector<512x128xi32>
    %select_n3A_1038 = arith.select %eq3A_1037, %roll3A_1029, %roll3A_1031 : vector<512x128xi1>, vector<512x128xf32>
    %and3A_1039 = arith.constant 1 : i32
    %and3A_1040 = vector.broadcast %and3A_1039 : i32 to vector<512x128xi32>
    %and3A_1041 = arith.andi %add3A, %and3A_1040 : vector<512x128xi32>
    %eq3A_1042 = arith.constant 0 : i32
    %eq3A_1043 = vector.broadcast %eq3A_1042 : i32 to vector<512x128xi32>
    %eq3A_1044 = arith.cmpi eq, %and3A_1041, %eq3A_1043 : vector<512x128xi32>
    %and3A_1045 = arith.constant 256 : i32
    %and3A_1046 = vector.broadcast %and3A_1045 : i32 to vector<512x128xi32>
    %and3A_1047 = arith.andi %add3A, %and3A_1046 : vector<512x128xi32>
    %eq3A_1048 = arith.constant 0 : i32
    %eq3A_1049 = vector.broadcast %eq3A_1048 : i32 to vector<512x128xi32>
    %eq3A_1050 = arith.cmpi eq, %and3A_1047, %eq3A_1049 : vector<512x128xi32>
    %eq3A_1051 = arith.xori %eq3A_1050, %eq3A_1044 : vector<512x128xi1>
    %eq3A_1052 = arith.constant dense<true> : vector<512x128xi1>
    %eq3A_1053 = arith.xori %eq3A_1051, %eq3A_1052 : vector<512x128xi1>
    %max3A_1054 = arith.maximumf %select_n3A_1027, %select_n3A_1038 : vector<512x128xf32>
    %min3A_1055 = arith.minimumf %select_n3A_1027, %select_n3A_1038 : vector<512x128xf32>
    %select_n3A_1056 = arith.select %eq3A_1053, %max3A_1054, %min3A_1055 : vector<512x128xi1>, vector<512x128xf32>
    %roll3A_1057 = arith.constant 510 : i32
    %roll3A_1058 = tpu.dynamic_rotate %select_n3A_1056 by %roll3A_1057 dim 0 : vector<512x128xf32>, i32 -> vector<512x128xf32>
    %roll3A_1059 = arith.constant 2 : i32
    %roll3A_1060 = tpu.dynamic_rotate %select_n3A_1056 by %roll3A_1059 dim 0 : vector<512x128xf32>, i32 -> vector<512x128xf32>
    %and3A_1061 = arith.constant 2 : i32
    %and3A_1062 = vector.broadcast %and3A_1061 : i32 to vector<512x128xi32>
    %and3A_1063 = arith.andi %and3A_12, %and3A_1062 : vector<512x128xi32>
    %eq3A_1064 = arith.constant 0 : i32
    %eq3A_1065 = vector.broadcast %eq3A_1064 : i32 to vector<512x128xi32>
    %eq3A_1066 = arith.cmpi eq, %and3A_1063, %eq3A_1065 : vector<512x128xi32>
    %select_n3A_1067 = arith.select %eq3A_1066, %roll3A_1058, %roll3A_1060 : vector<512x128xi1>, vector<512x128xf32>
    %and3A_1068 = arith.constant 256 : i32
    %and3A_1069 = vector.broadcast %and3A_1068 : i32 to vector<512x128xi32>
    %and3A_1070 = arith.andi %add3A, %and3A_1069 : vector<512x128xi32>
    %eq3A_1071 = arith.constant 0 : i32
    %eq3A_1072 = vector.broadcast %eq3A_1071 : i32 to vector<512x128xi32>
    %eq3A_1073 = arith.cmpi eq, %and3A_1070, %eq3A_1072 : vector<512x128xi32>
    %and3A_1074 = arith.constant 512 : i32
    %and3A_1075 = vector.broadcast %and3A_1074 : i32 to vector<512x128xi32>
    %and3A_1076 = arith.andi %add3A, %and3A_1075 : vector<512x128xi32>
    %eq3A_1077 = arith.constant 0 : i32
    %eq3A_1078 = vector.broadcast %eq3A_1077 : i32 to vector<512x128xi32>
    %eq3A_1079 = arith.cmpi eq, %and3A_1076, %eq3A_1078 : vector<512x128xi32>
    %eq3A_1080 = arith.xori %eq3A_1079, %eq3A_1073 : vector<512x128xi1>
    %eq3A_1081 = arith.constant dense<true> : vector<512x128xi1>
    %eq3A_1082 = arith.xori %eq3A_1080, %eq3A_1081 : vector<512x128xi1>
    %max3A_1083 = arith.maximumf %select_n3A_1056, %select_n3A_1067 : vector<512x128xf32>
    %min3A_1084 = arith.minimumf %select_n3A_1056, %select_n3A_1067 : vector<512x128xf32>
    %select_n3A_1085 = arith.select %eq3A_1082, %max3A_1083, %min3A_1084 : vector<512x128xi1>, vector<512x128xf32>
    %roll3A_1086 = arith.constant 511 : i32
    %roll3A_1087 = tpu.dynamic_rotate %select_n3A_1085 by %roll3A_1086 dim 0 : vector<512x128xf32>, i32 -> vector<512x128xf32>
    %roll3A_1088 = arith.constant 1 : i32
    %roll3A_1089 = tpu.dynamic_rotate %select_n3A_1085 by %roll3A_1088 dim 0 : vector<512x128xf32>, i32 -> vector<512x128xf32>
    %and3A_1090 = arith.constant 1 : i32
    %and3A_1091 = vector.broadcast %and3A_1090 : i32 to vector<512x128xi32>
    %and3A_1092 = arith.andi %and3A_12, %and3A_1091 : vector<512x128xi32>
    %eq3A_1093 = arith.constant 0 : i32
    %eq3A_1094 = vector.broadcast %eq3A_1093 : i32 to vector<512x128xi32>
    %eq3A_1095 = arith.cmpi eq, %and3A_1092, %eq3A_1094 : vector<512x128xi32>
    %select_n3A_1096 = arith.select %eq3A_1095, %roll3A_1087, %roll3A_1089 : vector<512x128xi1>, vector<512x128xf32>
    %and3A_1097 = arith.constant 128 : i32
    %and3A_1098 = vector.broadcast %and3A_1097 : i32 to vector<512x128xi32>
    %and3A_1099 = arith.andi %add3A, %and3A_1098 : vector<512x128xi32>
    %eq3A_1100 = arith.constant 0 : i32
    %eq3A_1101 = vector.broadcast %eq3A_1100 : i32 to vector<512x128xi32>
    %eq3A_1102 = arith.cmpi eq, %and3A_1099, %eq3A_1101 : vector<512x128xi32>
    %and3A_1103 = arith.constant 512 : i32
    %and3A_1104 = vector.broadcast %and3A_1103 : i32 to vector<512x128xi32>
    %and3A_1105 = arith.andi %add3A, %and3A_1104 : vector<512x128xi32>
    %eq3A_1106 = arith.constant 0 : i32
    %eq3A_1107 = vector.broadcast %eq3A_1106 : i32 to vector<512x128xi32>
    %eq3A_1108 = arith.cmpi eq, %and3A_1105, %eq3A_1107 : vector<512x128xi32>
    %eq3A_1109 = arith.xori %eq3A_1108, %eq3A_1102 : vector<512x128xi1>
    %eq3A_1110 = arith.constant dense<true> : vector<512x128xi1>
    %eq3A_1111 = arith.xori %eq3A_1109, %eq3A_1110 : vector<512x128xi1>
    %max3A_1112 = arith.maximumf %select_n3A_1085, %select_n3A_1096 : vector<512x128xf32>
    %min3A_1113 = arith.minimumf %select_n3A_1085, %select_n3A_1096 : vector<512x128xf32>
    %select_n3A_1114 = arith.select %eq3A_1111, %max3A_1112, %min3A_1113 : vector<512x128xi1>, vector<512x128xf32>
    %roll3A_1115 = arith.constant 64 : i32
    %roll3A_1116 = tpu.dynamic_rotate %select_n3A_1114 by %roll3A_1115 dim 1 : vector<512x128xf32>, i32 -> vector<512x128xf32>
    %roll3A_1117 = arith.constant 64 : i32
    %roll3A_1118 = tpu.dynamic_rotate %select_n3A_1114 by %roll3A_1117 dim 1 : vector<512x128xf32>, i32 -> vector<512x128xf32>
    %and3A_1119 = arith.constant 64 : i32
    %and3A_1120 = vector.broadcast %and3A_1119 : i32 to vector<512x128xi32>
    %and3A_1121 = arith.andi %iota3A_13, %and3A_1120 : vector<512x128xi32>
    %eq3A_1122 = arith.constant 0 : i32
    %eq3A_1123 = vector.broadcast %eq3A_1122 : i32 to vector<512x128xi32>
    %eq3A_1124 = arith.cmpi eq, %and3A_1121, %eq3A_1123 : vector<512x128xi32>
    %select_n3A_1125 = arith.select %eq3A_1124, %roll3A_1116, %roll3A_1118 : vector<512x128xi1>, vector<512x128xf32>
    %and3A_1126 = arith.constant 64 : i32
    %and3A_1127 = vector.broadcast %and3A_1126 : i32 to vector<512x128xi32>
    %and3A_1128 = arith.andi %add3A, %and3A_1127 : vector<512x128xi32>
    %eq3A_1129 = arith.constant 0 : i32
    %eq3A_1130 = vector.broadcast %eq3A_1129 : i32 to vector<512x128xi32>
    %eq3A_1131 = arith.cmpi eq, %and3A_1128, %eq3A_1130 : vector<512x128xi32>
    %and3A_1132 = arith.constant 512 : i32
    %and3A_1133 = vector.broadcast %and3A_1132 : i32 to vector<512x128xi32>
    %and3A_1134 = arith.andi %add3A, %and3A_1133 : vector<512x128xi32>
    %eq3A_1135 = arith.constant 0 : i32
    %eq3A_1136 = vector.broadcast %eq3A_1135 : i32 to vector<512x128xi32>
    %eq3A_1137 = arith.cmpi eq, %and3A_1134, %eq3A_1136 : vector<512x128xi32>
    %eq3A_1138 = arith.xori %eq3A_1137, %eq3A_1131 : vector<512x128xi1>
    %eq3A_1139 = arith.constant dense<true> : vector<512x128xi1>
    %eq3A_1140 = arith.xori %eq3A_1138, %eq3A_1139 : vector<512x128xi1>
    %max3A_1141 = arith.maximumf %select_n3A_1114, %select_n3A_1125 : vector<512x128xf32>
    %min3A_1142 = arith.minimumf %select_n3A_1114, %select_n3A_1125 : vector<512x128xf32>
    %select_n3A_1143 = arith.select %eq3A_1140, %max3A_1141, %min3A_1142 : vector<512x128xi1>, vector<512x128xf32>
    %roll3A_1144 = arith.constant 96 : i32
    %roll3A_1145 = tpu.dynamic_rotate %select_n3A_1143 by %roll3A_1144 dim 1 : vector<512x128xf32>, i32 -> vector<512x128xf32>
    %roll3A_1146 = arith.constant 32 : i32
    %roll3A_1147 = tpu.dynamic_rotate %select_n3A_1143 by %roll3A_1146 dim 1 : vector<512x128xf32>, i32 -> vector<512x128xf32>
    %and3A_1148 = arith.constant 32 : i32
    %and3A_1149 = vector.broadcast %and3A_1148 : i32 to vector<512x128xi32>
    %and3A_1150 = arith.andi %iota3A_13, %and3A_1149 : vector<512x128xi32>
    %eq3A_1151 = arith.constant 0 : i32
    %eq3A_1152 = vector.broadcast %eq3A_1151 : i32 to vector<512x128xi32>
    %eq3A_1153 = arith.cmpi eq, %and3A_1150, %eq3A_1152 : vector<512x128xi32>
    %select_n3A_1154 = arith.select %eq3A_1153, %roll3A_1145, %roll3A_1147 : vector<512x128xi1>, vector<512x128xf32>
    %and3A_1155 = arith.constant 32 : i32
    %and3A_1156 = vector.broadcast %and3A_1155 : i32 to vector<512x128xi32>
    %and3A_1157 = arith.andi %add3A, %and3A_1156 : vector<512x128xi32>
    %eq3A_1158 = arith.constant 0 : i32
    %eq3A_1159 = vector.broadcast %eq3A_1158 : i32 to vector<512x128xi32>
    %eq3A_1160 = arith.cmpi eq, %and3A_1157, %eq3A_1159 : vector<512x128xi32>
    %and3A_1161 = arith.constant 512 : i32
    %and3A_1162 = vector.broadcast %and3A_1161 : i32 to vector<512x128xi32>
    %and3A_1163 = arith.andi %add3A, %and3A_1162 : vector<512x128xi32>
    %eq3A_1164 = arith.constant 0 : i32
    %eq3A_1165 = vector.broadcast %eq3A_1164 : i32 to vector<512x128xi32>
    %eq3A_1166 = arith.cmpi eq, %and3A_1163, %eq3A_1165 : vector<512x128xi32>
    %eq3A_1167 = arith.xori %eq3A_1166, %eq3A_1160 : vector<512x128xi1>
    %eq3A_1168 = arith.constant dense<true> : vector<512x128xi1>
    %eq3A_1169 = arith.xori %eq3A_1167, %eq3A_1168 : vector<512x128xi1>
    %max3A_1170 = arith.maximumf %select_n3A_1143, %select_n3A_1154 : vector<512x128xf32>
    %min3A_1171 = arith.minimumf %select_n3A_1143, %select_n3A_1154 : vector<512x128xf32>
    %select_n3A_1172 = arith.select %eq3A_1169, %max3A_1170, %min3A_1171 : vector<512x128xi1>, vector<512x128xf32>
    %roll3A_1173 = arith.constant 112 : i32
    %roll3A_1174 = tpu.dynamic_rotate %select_n3A_1172 by %roll3A_1173 dim 1 : vector<512x128xf32>, i32 -> vector<512x128xf32>
    %roll3A_1175 = arith.constant 16 : i32
    %roll3A_1176 = tpu.dynamic_rotate %select_n3A_1172 by %roll3A_1175 dim 1 : vector<512x128xf32>, i32 -> vector<512x128xf32>
    %and3A_1177 = arith.constant 16 : i32
    %and3A_1178 = vector.broadcast %and3A_1177 : i32 to vector<512x128xi32>
    %and3A_1179 = arith.andi %iota3A_13, %and3A_1178 : vector<512x128xi32>
    %eq3A_1180 = arith.constant 0 : i32
    %eq3A_1181 = vector.broadcast %eq3A_1180 : i32 to vector<512x128xi32>
    %eq3A_1182 = arith.cmpi eq, %and3A_1179, %eq3A_1181 : vector<512x128xi32>
    %select_n3A_1183 = arith.select %eq3A_1182, %roll3A_1174, %roll3A_1176 : vector<512x128xi1>, vector<512x128xf32>
    %and3A_1184 = arith.constant 16 : i32
    %and3A_1185 = vector.broadcast %and3A_1184 : i32 to vector<512x128xi32>
    %and3A_1186 = arith.andi %add3A, %and3A_1185 : vector<512x128xi32>
    %eq3A_1187 = arith.constant 0 : i32
    %eq3A_1188 = vector.broadcast %eq3A_1187 : i32 to vector<512x128xi32>
    %eq3A_1189 = arith.cmpi eq, %and3A_1186, %eq3A_1188 : vector<512x128xi32>
    %and3A_1190 = arith.constant 512 : i32
    %and3A_1191 = vector.broadcast %and3A_1190 : i32 to vector<512x128xi32>
    %and3A_1192 = arith.andi %add3A, %and3A_1191 : vector<512x128xi32>
    %eq3A_1193 = arith.constant 0 : i32
    %eq3A_1194 = vector.broadcast %eq3A_1193 : i32 to vector<512x128xi32>
    %eq3A_1195 = arith.cmpi eq, %and3A_1192, %eq3A_1194 : vector<512x128xi32>
    %eq3A_1196 = arith.xori %eq3A_1195, %eq3A_1189 : vector<512x128xi1>
    %eq3A_1197 = arith.constant dense<true> : vector<512x128xi1>
    %eq3A_1198 = arith.xori %eq3A_1196, %eq3A_1197 : vector<512x128xi1>
    %max3A_1199 = arith.maximumf %select_n3A_1172, %select_n3A_1183 : vector<512x128xf32>
    %min3A_1200 = arith.minimumf %select_n3A_1172, %select_n3A_1183 : vector<512x128xf32>
    %select_n3A_1201 = arith.select %eq3A_1198, %max3A_1199, %min3A_1200 : vector<512x128xi1>, vector<512x128xf32>
    %roll3A_1202 = arith.constant 120 : i32
    %roll3A_1203 = tpu.dynamic_rotate %select_n3A_1201 by %roll3A_1202 dim 1 : vector<512x128xf32>, i32 -> vector<512x128xf32>
    %roll3A_1204 = arith.constant 8 : i32
    %roll3A_1205 = tpu.dynamic_rotate %select_n3A_1201 by %roll3A_1204 dim 1 : vector<512x128xf32>, i32 -> vector<512x128xf32>
    %and3A_1206 = arith.constant 8 : i32
    %and3A_1207 = vector.broadcast %and3A_1206 : i32 to vector<512x128xi32>
    %and3A_1208 = arith.andi %iota3A_13, %and3A_1207 : vector<512x128xi32>
    %eq3A_1209 = arith.constant 0 : i32
    %eq3A_1210 = vector.broadcast %eq3A_1209 : i32 to vector<512x128xi32>
    %eq3A_1211 = arith.cmpi eq, %and3A_1208, %eq3A_1210 : vector<512x128xi32>
    %select_n3A_1212 = arith.select %eq3A_1211, %roll3A_1203, %roll3A_1205 : vector<512x128xi1>, vector<512x128xf32>
    %and3A_1213 = arith.constant 8 : i32
    %and3A_1214 = vector.broadcast %and3A_1213 : i32 to vector<512x128xi32>
    %and3A_1215 = arith.andi %add3A, %and3A_1214 : vector<512x128xi32>
    %eq3A_1216 = arith.constant 0 : i32
    %eq3A_1217 = vector.broadcast %eq3A_1216 : i32 to vector<512x128xi32>
    %eq3A_1218 = arith.cmpi eq, %and3A_1215, %eq3A_1217 : vector<512x128xi32>
    %and3A_1219 = arith.constant 512 : i32
    %and3A_1220 = vector.broadcast %and3A_1219 : i32 to vector<512x128xi32>
    %and3A_1221 = arith.andi %add3A, %and3A_1220 : vector<512x128xi32>
    %eq3A_1222 = arith.constant 0 : i32
    %eq3A_1223 = vector.broadcast %eq3A_1222 : i32 to vector<512x128xi32>
    %eq3A_1224 = arith.cmpi eq, %and3A_1221, %eq3A_1223 : vector<512x128xi32>
    %eq3A_1225 = arith.xori %eq3A_1224, %eq3A_1218 : vector<512x128xi1>
    %eq3A_1226 = arith.constant dense<true> : vector<512x128xi1>
    %eq3A_1227 = arith.xori %eq3A_1225, %eq3A_1226 : vector<512x128xi1>
    %max3A_1228 = arith.maximumf %select_n3A_1201, %select_n3A_1212 : vector<512x128xf32>
    %min3A_1229 = arith.minimumf %select_n3A_1201, %select_n3A_1212 : vector<512x128xf32>
    %select_n3A_1230 = arith.select %eq3A_1227, %max3A_1228, %min3A_1229 : vector<512x128xi1>, vector<512x128xf32>
    %roll3A_1231 = arith.constant 124 : i32
    %roll3A_1232 = tpu.dynamic_rotate %select_n3A_1230 by %roll3A_1231 dim 1 : vector<512x128xf32>, i32 -> vector<512x128xf32>
    %roll3A_1233 = arith.constant 4 : i32
    %roll3A_1234 = tpu.dynamic_rotate %select_n3A_1230 by %roll3A_1233 dim 1 : vector<512x128xf32>, i32 -> vector<512x128xf32>
    %and3A_1235 = arith.constant 4 : i32
    %and3A_1236 = vector.broadcast %and3A_1235 : i32 to vector<512x128xi32>
    %and3A_1237 = arith.andi %iota3A_13, %and3A_1236 : vector<512x128xi32>
    %eq3A_1238 = arith.constant 0 : i32
    %eq3A_1239 = vector.broadcast %eq3A_1238 : i32 to vector<512x128xi32>
    %eq3A_1240 = arith.cmpi eq, %and3A_1237, %eq3A_1239 : vector<512x128xi32>
    %select_n3A_1241 = arith.select %eq3A_1240, %roll3A_1232, %roll3A_1234 : vector<512x128xi1>, vector<512x128xf32>
    %and3A_1242 = arith.constant 4 : i32
    %and3A_1243 = vector.broadcast %and3A_1242 : i32 to vector<512x128xi32>
    %and3A_1244 = arith.andi %add3A, %and3A_1243 : vector<512x128xi32>
    %eq3A_1245 = arith.constant 0 : i32
    %eq3A_1246 = vector.broadcast %eq3A_1245 : i32 to vector<512x128xi32>
    %eq3A_1247 = arith.cmpi eq, %and3A_1244, %eq3A_1246 : vector<512x128xi32>
    %and3A_1248 = arith.constant 512 : i32
    %and3A_1249 = vector.broadcast %and3A_1248 : i32 to vector<512x128xi32>
    %and3A_1250 = arith.andi %add3A, %and3A_1249 : vector<512x128xi32>
    %eq3A_1251 = arith.constant 0 : i32
    %eq3A_1252 = vector.broadcast %eq3A_1251 : i32 to vector<512x128xi32>
    %eq3A_1253 = arith.cmpi eq, %and3A_1250, %eq3A_1252 : vector<512x128xi32>
    %eq3A_1254 = arith.xori %eq3A_1253, %eq3A_1247 : vector<512x128xi1>
    %eq3A_1255 = arith.constant dense<true> : vector<512x128xi1>
    %eq3A_1256 = arith.xori %eq3A_1254, %eq3A_1255 : vector<512x128xi1>
    %max3A_1257 = arith.maximumf %select_n3A_1230, %select_n3A_1241 : vector<512x128xf32>
    %min3A_1258 = arith.minimumf %select_n3A_1230, %select_n3A_1241 : vector<512x128xf32>
    %select_n3A_1259 = arith.select %eq3A_1256, %max3A_1257, %min3A_1258 : vector<512x128xi1>, vector<512x128xf32>
    %roll3A_1260 = arith.constant 126 : i32
    %roll3A_1261 = tpu.dynamic_rotate %select_n3A_1259 by %roll3A_1260 dim 1 : vector<512x128xf32>, i32 -> vector<512x128xf32>
    %roll3A_1262 = arith.constant 2 : i32
    %roll3A_1263 = tpu.dynamic_rotate %select_n3A_1259 by %roll3A_1262 dim 1 : vector<512x128xf32>, i32 -> vector<512x128xf32>
    %and3A_1264 = arith.constant 2 : i32
    %and3A_1265 = vector.broadcast %and3A_1264 : i32 to vector<512x128xi32>
    %and3A_1266 = arith.andi %iota3A_13, %and3A_1265 : vector<512x128xi32>
    %eq3A_1267 = arith.constant 0 : i32
    %eq3A_1268 = vector.broadcast %eq3A_1267 : i32 to vector<512x128xi32>
    %eq3A_1269 = arith.cmpi eq, %and3A_1266, %eq3A_1268 : vector<512x128xi32>
    %select_n3A_1270 = arith.select %eq3A_1269, %roll3A_1261, %roll3A_1263 : vector<512x128xi1>, vector<512x128xf32>
    %and3A_1271 = arith.constant 2 : i32
    %and3A_1272 = vector.broadcast %and3A_1271 : i32 to vector<512x128xi32>
    %and3A_1273 = arith.andi %add3A, %and3A_1272 : vector<512x128xi32>
    %eq3A_1274 = arith.constant 0 : i32
    %eq3A_1275 = vector.broadcast %eq3A_1274 : i32 to vector<512x128xi32>
    %eq3A_1276 = arith.cmpi eq, %and3A_1273, %eq3A_1275 : vector<512x128xi32>
    %and3A_1277 = arith.constant 512 : i32
    %and3A_1278 = vector.broadcast %and3A_1277 : i32 to vector<512x128xi32>
    %and3A_1279 = arith.andi %add3A, %and3A_1278 : vector<512x128xi32>
    %eq3A_1280 = arith.constant 0 : i32
    %eq3A_1281 = vector.broadcast %eq3A_1280 : i32 to vector<512x128xi32>
    %eq3A_1282 = arith.cmpi eq, %and3A_1279, %eq3A_1281 : vector<512x128xi32>
    %eq3A_1283 = arith.xori %eq3A_1282, %eq3A_1276 : vector<512x128xi1>
    %eq3A_1284 = arith.constant dense<true> : vector<512x128xi1>
    %eq3A_1285 = arith.xori %eq3A_1283, %eq3A_1284 : vector<512x128xi1>
    %max3A_1286 = arith.maximumf %select_n3A_1259, %select_n3A_1270 : vector<512x128xf32>
    %min3A_1287 = arith.minimumf %select_n3A_1259, %select_n3A_1270 : vector<512x128xf32>
    %select_n3A_1288 = arith.select %eq3A_1285, %max3A_1286, %min3A_1287 : vector<512x128xi1>, vector<512x128xf32>
    %roll3A_1289 = arith.constant 127 : i32
    %roll3A_1290 = tpu.dynamic_rotate %select_n3A_1288 by %roll3A_1289 dim 1 : vector<512x128xf32>, i32 -> vector<512x128xf32>
    %roll3A_1291 = arith.constant 1 : i32
    %roll3A_1292 = tpu.dynamic_rotate %select_n3A_1288 by %roll3A_1291 dim 1 : vector<512x128xf32>, i32 -> vector<512x128xf32>
    %and3A_1293 = arith.constant 1 : i32
    %and3A_1294 = vector.broadcast %and3A_1293 : i32 to vector<512x128xi32>
    %and3A_1295 = arith.andi %iota3A_13, %and3A_1294 : vector<512x128xi32>
    %eq3A_1296 = arith.constant 0 : i32
    %eq3A_1297 = vector.broadcast %eq3A_1296 : i32 to vector<512x128xi32>
    %eq3A_1298 = arith.cmpi eq, %and3A_1295, %eq3A_1297 : vector<512x128xi32>
    %select_n3A_1299 = arith.select %eq3A_1298, %roll3A_1290, %roll3A_1292 : vector<512x128xi1>, vector<512x128xf32>
    %and3A_1300 = arith.constant 1 : i32
    %and3A_1301 = vector.broadcast %and3A_1300 : i32 to vector<512x128xi32>
    %and3A_1302 = arith.andi %add3A, %and3A_1301 : vector<512x128xi32>
    %eq3A_1303 = arith.constant 0 : i32
    %eq3A_1304 = vector.broadcast %eq3A_1303 : i32 to vector<512x128xi32>
    %eq3A_1305 = arith.cmpi eq, %and3A_1302, %eq3A_1304 : vector<512x128xi32>
    %and3A_1306 = arith.constant 512 : i32
    %and3A_1307 = vector.broadcast %and3A_1306 : i32 to vector<512x128xi32>
    %and3A_1308 = arith.andi %add3A, %and3A_1307 : vector<512x128xi32>
    %eq3A_1309 = arith.constant 0 : i32
    %eq3A_1310 = vector.broadcast %eq3A_1309 : i32 to vector<512x128xi32>
    %eq3A_1311 = arith.cmpi eq, %and3A_1308, %eq3A_1310 : vector<512x128xi32>
    %eq3A_1312 = arith.xori %eq3A_1311, %eq3A_1305 : vector<512x128xi1>
    %eq3A_1313 = arith.constant dense<true> : vector<512x128xi1>
    %eq3A_1314 = arith.xori %eq3A_1312, %eq3A_1313 : vector<512x128xi1>
    %max3A_1315 = arith.maximumf %select_n3A_1288, %select_n3A_1299 : vector<512x128xf32>
    %min3A_1316 = arith.minimumf %select_n3A_1288, %select_n3A_1299 : vector<512x128xf32>
    %select_n3A_1317 = arith.select %eq3A_1314, %max3A_1315, %min3A_1316 : vector<512x128xi1>, vector<512x128xf32>
    %roll3A_1318 = arith.constant 508 : i32
    %roll3A_1319 = tpu.dynamic_rotate %select_n3A_1317 by %roll3A_1318 dim 0 : vector<512x128xf32>, i32 -> vector<512x128xf32>
    %roll3A_1320 = arith.constant 4 : i32
    %roll3A_1321 = tpu.dynamic_rotate %select_n3A_1317 by %roll3A_1320 dim 0 : vector<512x128xf32>, i32 -> vector<512x128xf32>
    %and3A_1322 = arith.constant 4 : i32
    %and3A_1323 = vector.broadcast %and3A_1322 : i32 to vector<512x128xi32>
    %and3A_1324 = arith.andi %and3A_12, %and3A_1323 : vector<512x128xi32>
    %eq3A_1325 = arith.constant 0 : i32
    %eq3A_1326 = vector.broadcast %eq3A_1325 : i32 to vector<512x128xi32>
    %eq3A_1327 = arith.cmpi eq, %and3A_1324, %eq3A_1326 : vector<512x128xi32>
    %select_n3A_1328 = arith.select %eq3A_1327, %roll3A_1319, %roll3A_1321 : vector<512x128xi1>, vector<512x128xf32>
    %and3A_1329 = arith.constant 512 : i32
    %and3A_1330 = vector.broadcast %and3A_1329 : i32 to vector<512x128xi32>
    %and3A_1331 = arith.andi %add3A, %and3A_1330 : vector<512x128xi32>
    %eq3A_1332 = arith.constant 0 : i32
    %eq3A_1333 = vector.broadcast %eq3A_1332 : i32 to vector<512x128xi32>
    %eq3A_1334 = arith.cmpi eq, %and3A_1331, %eq3A_1333 : vector<512x128xi32>
    %and3A_1335 = arith.constant 1024 : i32
    %and3A_1336 = vector.broadcast %and3A_1335 : i32 to vector<512x128xi32>
    %and3A_1337 = arith.andi %add3A, %and3A_1336 : vector<512x128xi32>
    %eq3A_1338 = arith.constant 0 : i32
    %eq3A_1339 = vector.broadcast %eq3A_1338 : i32 to vector<512x128xi32>
    %eq3A_1340 = arith.cmpi eq, %and3A_1337, %eq3A_1339 : vector<512x128xi32>
    %eq3A_1341 = arith.xori %eq3A_1340, %eq3A_1334 : vector<512x128xi1>
    %eq3A_1342 = arith.constant dense<true> : vector<512x128xi1>
    %eq3A_1343 = arith.xori %eq3A_1341, %eq3A_1342 : vector<512x128xi1>
    %max3A_1344 = arith.maximumf %select_n3A_1317, %select_n3A_1328 : vector<512x128xf32>
    %min3A_1345 = arith.minimumf %select_n3A_1317, %select_n3A_1328 : vector<512x128xf32>
    %select_n3A_1346 = arith.select %eq3A_1343, %max3A_1344, %min3A_1345 : vector<512x128xi1>, vector<512x128xf32>
    %roll3A_1347 = arith.constant 510 : i32
    %roll3A_1348 = tpu.dynamic_rotate %select_n3A_1346 by %roll3A_1347 dim 0 : vector<512x128xf32>, i32 -> vector<512x128xf32>
    %roll3A_1349 = arith.constant 2 : i32
    %roll3A_1350 = tpu.dynamic_rotate %select_n3A_1346 by %roll3A_1349 dim 0 : vector<512x128xf32>, i32 -> vector<512x128xf32>
    %and3A_1351 = arith.constant 2 : i32
    %and3A_1352 = vector.broadcast %and3A_1351 : i32 to vector<512x128xi32>
    %and3A_1353 = arith.andi %and3A_12, %and3A_1352 : vector<512x128xi32>
    %eq3A_1354 = arith.constant 0 : i32
    %eq3A_1355 = vector.broadcast %eq3A_1354 : i32 to vector<512x128xi32>
    %eq3A_1356 = arith.cmpi eq, %and3A_1353, %eq3A_1355 : vector<512x128xi32>
    %select_n3A_1357 = arith.select %eq3A_1356, %roll3A_1348, %roll3A_1350 : vector<512x128xi1>, vector<512x128xf32>
    %and3A_1358 = arith.constant 256 : i32
    %and3A_1359 = vector.broadcast %and3A_1358 : i32 to vector<512x128xi32>
    %and3A_1360 = arith.andi %add3A, %and3A_1359 : vector<512x128xi32>
    %eq3A_1361 = arith.constant 0 : i32
    %eq3A_1362 = vector.broadcast %eq3A_1361 : i32 to vector<512x128xi32>
    %eq3A_1363 = arith.cmpi eq, %and3A_1360, %eq3A_1362 : vector<512x128xi32>
    %and3A_1364 = arith.constant 1024 : i32
    %and3A_1365 = vector.broadcast %and3A_1364 : i32 to vector<512x128xi32>
    %and3A_1366 = arith.andi %add3A, %and3A_1365 : vector<512x128xi32>
    %eq3A_1367 = arith.constant 0 : i32
    %eq3A_1368 = vector.broadcast %eq3A_1367 : i32 to vector<512x128xi32>
    %eq3A_1369 = arith.cmpi eq, %and3A_1366, %eq3A_1368 : vector<512x128xi32>
    %eq3A_1370 = arith.xori %eq3A_1369, %eq3A_1363 : vector<512x128xi1>
    %eq3A_1371 = arith.constant dense<true> : vector<512x128xi1>
    %eq3A_1372 = arith.xori %eq3A_1370, %eq3A_1371 : vector<512x128xi1>
    %max3A_1373 = arith.maximumf %select_n3A_1346, %select_n3A_1357 : vector<512x128xf32>
    %min3A_1374 = arith.minimumf %select_n3A_1346, %select_n3A_1357 : vector<512x128xf32>
    %select_n3A_1375 = arith.select %eq3A_1372, %max3A_1373, %min3A_1374 : vector<512x128xi1>, vector<512x128xf32>
    %roll3A_1376 = arith.constant 511 : i32
    %roll3A_1377 = tpu.dynamic_rotate %select_n3A_1375 by %roll3A_1376 dim 0 : vector<512x128xf32>, i32 -> vector<512x128xf32>
    %roll3A_1378 = arith.constant 1 : i32
    %roll3A_1379 = tpu.dynamic_rotate %select_n3A_1375 by %roll3A_1378 dim 0 : vector<512x128xf32>, i32 -> vector<512x128xf32>
    %and3A_1380 = arith.constant 1 : i32
    %and3A_1381 = vector.broadcast %and3A_1380 : i32 to vector<512x128xi32>
    %and3A_1382 = arith.andi %and3A_12, %and3A_1381 : vector<512x128xi32>
    %eq3A_1383 = arith.constant 0 : i32
    %eq3A_1384 = vector.broadcast %eq3A_1383 : i32 to vector<512x128xi32>
    %eq3A_1385 = arith.cmpi eq, %and3A_1382, %eq3A_1384 : vector<512x128xi32>
    %select_n3A_1386 = arith.select %eq3A_1385, %roll3A_1377, %roll3A_1379 : vector<512x128xi1>, vector<512x128xf32>
    %and3A_1387 = arith.constant 128 : i32
    %and3A_1388 = vector.broadcast %and3A_1387 : i32 to vector<512x128xi32>
    %and3A_1389 = arith.andi %add3A, %and3A_1388 : vector<512x128xi32>
    %eq3A_1390 = arith.constant 0 : i32
    %eq3A_1391 = vector.broadcast %eq3A_1390 : i32 to vector<512x128xi32>
    %eq3A_1392 = arith.cmpi eq, %and3A_1389, %eq3A_1391 : vector<512x128xi32>
    %and3A_1393 = arith.constant 1024 : i32
    %and3A_1394 = vector.broadcast %and3A_1393 : i32 to vector<512x128xi32>
    %and3A_1395 = arith.andi %add3A, %and3A_1394 : vector<512x128xi32>
    %eq3A_1396 = arith.constant 0 : i32
    %eq3A_1397 = vector.broadcast %eq3A_1396 : i32 to vector<512x128xi32>
    %eq3A_1398 = arith.cmpi eq, %and3A_1395, %eq3A_1397 : vector<512x128xi32>
    %eq3A_1399 = arith.xori %eq3A_1398, %eq3A_1392 : vector<512x128xi1>
    %eq3A_1400 = arith.constant dense<true> : vector<512x128xi1>
    %eq3A_1401 = arith.xori %eq3A_1399, %eq3A_1400 : vector<512x128xi1>
    %max3A_1402 = arith.maximumf %select_n3A_1375, %select_n3A_1386 : vector<512x128xf32>
    %min3A_1403 = arith.minimumf %select_n3A_1375, %select_n3A_1386 : vector<512x128xf32>
    %select_n3A_1404 = arith.select %eq3A_1401, %max3A_1402, %min3A_1403 : vector<512x128xi1>, vector<512x128xf32>
    %roll3A_1405 = arith.constant 64 : i32
    %roll3A_1406 = tpu.dynamic_rotate %select_n3A_1404 by %roll3A_1405 dim 1 : vector<512x128xf32>, i32 -> vector<512x128xf32>
    %roll3A_1407 = arith.constant 64 : i32
    %roll3A_1408 = tpu.dynamic_rotate %select_n3A_1404 by %roll3A_1407 dim 1 : vector<512x128xf32>, i32 -> vector<512x128xf32>
    %and3A_1409 = arith.constant 64 : i32
    %and3A_1410 = vector.broadcast %and3A_1409 : i32 to vector<512x128xi32>
    %and3A_1411 = arith.andi %iota3A_13, %and3A_1410 : vector<512x128xi32>
    %eq3A_1412 = arith.constant 0 : i32
    %eq3A_1413 = vector.broadcast %eq3A_1412 : i32 to vector<512x128xi32>
    %eq3A_1414 = arith.cmpi eq, %and3A_1411, %eq3A_1413 : vector<512x128xi32>
    %select_n3A_1415 = arith.select %eq3A_1414, %roll3A_1406, %roll3A_1408 : vector<512x128xi1>, vector<512x128xf32>
    %and3A_1416 = arith.constant 64 : i32
    %and3A_1417 = vector.broadcast %and3A_1416 : i32 to vector<512x128xi32>
    %and3A_1418 = arith.andi %add3A, %and3A_1417 : vector<512x128xi32>
    %eq3A_1419 = arith.constant 0 : i32
    %eq3A_1420 = vector.broadcast %eq3A_1419 : i32 to vector<512x128xi32>
    %eq3A_1421 = arith.cmpi eq, %and3A_1418, %eq3A_1420 : vector<512x128xi32>
    %and3A_1422 = arith.constant 1024 : i32
    %and3A_1423 = vector.broadcast %and3A_1422 : i32 to vector<512x128xi32>
    %and3A_1424 = arith.andi %add3A, %and3A_1423 : vector<512x128xi32>
    %eq3A_1425 = arith.constant 0 : i32
    %eq3A_1426 = vector.broadcast %eq3A_1425 : i32 to vector<512x128xi32>
    %eq3A_1427 = arith.cmpi eq, %and3A_1424, %eq3A_1426 : vector<512x128xi32>
    %eq3A_1428 = arith.xori %eq3A_1427, %eq3A_1421 : vector<512x128xi1>
    %eq3A_1429 = arith.constant dense<true> : vector<512x128xi1>
    %eq3A_1430 = arith.xori %eq3A_1428, %eq3A_1429 : vector<512x128xi1>
    %max3A_1431 = arith.maximumf %select_n3A_1404, %select_n3A_1415 : vector<512x128xf32>
    %min3A_1432 = arith.minimumf %select_n3A_1404, %select_n3A_1415 : vector<512x128xf32>
    %select_n3A_1433 = arith.select %eq3A_1430, %max3A_1431, %min3A_1432 : vector<512x128xi1>, vector<512x128xf32>
    %roll3A_1434 = arith.constant 96 : i32
    %roll3A_1435 = tpu.dynamic_rotate %select_n3A_1433 by %roll3A_1434 dim 1 : vector<512x128xf32>, i32 -> vector<512x128xf32>
    %roll3A_1436 = arith.constant 32 : i32
    %roll3A_1437 = tpu.dynamic_rotate %select_n3A_1433 by %roll3A_1436 dim 1 : vector<512x128xf32>, i32 -> vector<512x128xf32>
    %and3A_1438 = arith.constant 32 : i32
    %and3A_1439 = vector.broadcast %and3A_1438 : i32 to vector<512x128xi32>
    %and3A_1440 = arith.andi %iota3A_13, %and3A_1439 : vector<512x128xi32>
    %eq3A_1441 = arith.constant 0 : i32
    %eq3A_1442 = vector.broadcast %eq3A_1441 : i32 to vector<512x128xi32>
    %eq3A_1443 = arith.cmpi eq, %and3A_1440, %eq3A_1442 : vector<512x128xi32>
    %select_n3A_1444 = arith.select %eq3A_1443, %roll3A_1435, %roll3A_1437 : vector<512x128xi1>, vector<512x128xf32>
    %and3A_1445 = arith.constant 32 : i32
    %and3A_1446 = vector.broadcast %and3A_1445 : i32 to vector<512x128xi32>
    %and3A_1447 = arith.andi %add3A, %and3A_1446 : vector<512x128xi32>
    %eq3A_1448 = arith.constant 0 : i32
    %eq3A_1449 = vector.broadcast %eq3A_1448 : i32 to vector<512x128xi32>
    %eq3A_1450 = arith.cmpi eq, %and3A_1447, %eq3A_1449 : vector<512x128xi32>
    %and3A_1451 = arith.constant 1024 : i32
    %and3A_1452 = vector.broadcast %and3A_1451 : i32 to vector<512x128xi32>
    %and3A_1453 = arith.andi %add3A, %and3A_1452 : vector<512x128xi32>
    %eq3A_1454 = arith.constant 0 : i32
    %eq3A_1455 = vector.broadcast %eq3A_1454 : i32 to vector<512x128xi32>
    %eq3A_1456 = arith.cmpi eq, %and3A_1453, %eq3A_1455 : vector<512x128xi32>
    %eq3A_1457 = arith.xori %eq3A_1456, %eq3A_1450 : vector<512x128xi1>
    %eq3A_1458 = arith.constant dense<true> : vector<512x128xi1>
    %eq3A_1459 = arith.xori %eq3A_1457, %eq3A_1458 : vector<512x128xi1>
    %max3A_1460 = arith.maximumf %select_n3A_1433, %select_n3A_1444 : vector<512x128xf32>
    %min3A_1461 = arith.minimumf %select_n3A_1433, %select_n3A_1444 : vector<512x128xf32>
    %select_n3A_1462 = arith.select %eq3A_1459, %max3A_1460, %min3A_1461 : vector<512x128xi1>, vector<512x128xf32>
    %roll3A_1463 = arith.constant 112 : i32
    %roll3A_1464 = tpu.dynamic_rotate %select_n3A_1462 by %roll3A_1463 dim 1 : vector<512x128xf32>, i32 -> vector<512x128xf32>
    %roll3A_1465 = arith.constant 16 : i32
    %roll3A_1466 = tpu.dynamic_rotate %select_n3A_1462 by %roll3A_1465 dim 1 : vector<512x128xf32>, i32 -> vector<512x128xf32>
    %and3A_1467 = arith.constant 16 : i32
    %and3A_1468 = vector.broadcast %and3A_1467 : i32 to vector<512x128xi32>
    %and3A_1469 = arith.andi %iota3A_13, %and3A_1468 : vector<512x128xi32>
    %eq3A_1470 = arith.constant 0 : i32
    %eq3A_1471 = vector.broadcast %eq3A_1470 : i32 to vector<512x128xi32>
    %eq3A_1472 = arith.cmpi eq, %and3A_1469, %eq3A_1471 : vector<512x128xi32>
    %select_n3A_1473 = arith.select %eq3A_1472, %roll3A_1464, %roll3A_1466 : vector<512x128xi1>, vector<512x128xf32>
    %and3A_1474 = arith.constant 16 : i32
    %and3A_1475 = vector.broadcast %and3A_1474 : i32 to vector<512x128xi32>
    %and3A_1476 = arith.andi %add3A, %and3A_1475 : vector<512x128xi32>
    %eq3A_1477 = arith.constant 0 : i32
    %eq3A_1478 = vector.broadcast %eq3A_1477 : i32 to vector<512x128xi32>
    %eq3A_1479 = arith.cmpi eq, %and3A_1476, %eq3A_1478 : vector<512x128xi32>
    %and3A_1480 = arith.constant 1024 : i32
    %and3A_1481 = vector.broadcast %and3A_1480 : i32 to vector<512x128xi32>
    %and3A_1482 = arith.andi %add3A, %and3A_1481 : vector<512x128xi32>
    %eq3A_1483 = arith.constant 0 : i32
    %eq3A_1484 = vector.broadcast %eq3A_1483 : i32 to vector<512x128xi32>
    %eq3A_1485 = arith.cmpi eq, %and3A_1482, %eq3A_1484 : vector<512x128xi32>
    %eq3A_1486 = arith.xori %eq3A_1485, %eq3A_1479 : vector<512x128xi1>
    %eq3A_1487 = arith.constant dense<true> : vector<512x128xi1>
    %eq3A_1488 = arith.xori %eq3A_1486, %eq3A_1487 : vector<512x128xi1>
    %max3A_1489 = arith.maximumf %select_n3A_1462, %select_n3A_1473 : vector<512x128xf32>
    %min3A_1490 = arith.minimumf %select_n3A_1462, %select_n3A_1473 : vector<512x128xf32>
    %select_n3A_1491 = arith.select %eq3A_1488, %max3A_1489, %min3A_1490 : vector<512x128xi1>, vector<512x128xf32>
    %roll3A_1492 = arith.constant 120 : i32
    %roll3A_1493 = tpu.dynamic_rotate %select_n3A_1491 by %roll3A_1492 dim 1 : vector<512x128xf32>, i32 -> vector<512x128xf32>
    %roll3A_1494 = arith.constant 8 : i32
    %roll3A_1495 = tpu.dynamic_rotate %select_n3A_1491 by %roll3A_1494 dim 1 : vector<512x128xf32>, i32 -> vector<512x128xf32>
    %and3A_1496 = arith.constant 8 : i32
    %and3A_1497 = vector.broadcast %and3A_1496 : i32 to vector<512x128xi32>
    %and3A_1498 = arith.andi %iota3A_13, %and3A_1497 : vector<512x128xi32>
    %eq3A_1499 = arith.constant 0 : i32
    %eq3A_1500 = vector.broadcast %eq3A_1499 : i32 to vector<512x128xi32>
    %eq3A_1501 = arith.cmpi eq, %and3A_1498, %eq3A_1500 : vector<512x128xi32>
    %select_n3A_1502 = arith.select %eq3A_1501, %roll3A_1493, %roll3A_1495 : vector<512x128xi1>, vector<512x128xf32>
    %and3A_1503 = arith.constant 8 : i32
    %and3A_1504 = vector.broadcast %and3A_1503 : i32 to vector<512x128xi32>
    %and3A_1505 = arith.andi %add3A, %and3A_1504 : vector<512x128xi32>
    %eq3A_1506 = arith.constant 0 : i32
    %eq3A_1507 = vector.broadcast %eq3A_1506 : i32 to vector<512x128xi32>
    %eq3A_1508 = arith.cmpi eq, %and3A_1505, %eq3A_1507 : vector<512x128xi32>
    %and3A_1509 = arith.constant 1024 : i32
    %and3A_1510 = vector.broadcast %and3A_1509 : i32 to vector<512x128xi32>
    %and3A_1511 = arith.andi %add3A, %and3A_1510 : vector<512x128xi32>
    %eq3A_1512 = arith.constant 0 : i32
    %eq3A_1513 = vector.broadcast %eq3A_1512 : i32 to vector<512x128xi32>
    %eq3A_1514 = arith.cmpi eq, %and3A_1511, %eq3A_1513 : vector<512x128xi32>
    %eq3A_1515 = arith.xori %eq3A_1514, %eq3A_1508 : vector<512x128xi1>
    %eq3A_1516 = arith.constant dense<true> : vector<512x128xi1>
    %eq3A_1517 = arith.xori %eq3A_1515, %eq3A_1516 : vector<512x128xi1>
    %max3A_1518 = arith.maximumf %select_n3A_1491, %select_n3A_1502 : vector<512x128xf32>
    %min3A_1519 = arith.minimumf %select_n3A_1491, %select_n3A_1502 : vector<512x128xf32>
    %select_n3A_1520 = arith.select %eq3A_1517, %max3A_1518, %min3A_1519 : vector<512x128xi1>, vector<512x128xf32>
    %roll3A_1521 = arith.constant 124 : i32
    %roll3A_1522 = tpu.dynamic_rotate %select_n3A_1520 by %roll3A_1521 dim 1 : vector<512x128xf32>, i32 -> vector<512x128xf32>
    %roll3A_1523 = arith.constant 4 : i32
    %roll3A_1524 = tpu.dynamic_rotate %select_n3A_1520 by %roll3A_1523 dim 1 : vector<512x128xf32>, i32 -> vector<512x128xf32>
    %and3A_1525 = arith.constant 4 : i32
    %and3A_1526 = vector.broadcast %and3A_1525 : i32 to vector<512x128xi32>
    %and3A_1527 = arith.andi %iota3A_13, %and3A_1526 : vector<512x128xi32>
    %eq3A_1528 = arith.constant 0 : i32
    %eq3A_1529 = vector.broadcast %eq3A_1528 : i32 to vector<512x128xi32>
    %eq3A_1530 = arith.cmpi eq, %and3A_1527, %eq3A_1529 : vector<512x128xi32>
    %select_n3A_1531 = arith.select %eq3A_1530, %roll3A_1522, %roll3A_1524 : vector<512x128xi1>, vector<512x128xf32>
    %and3A_1532 = arith.constant 4 : i32
    %and3A_1533 = vector.broadcast %and3A_1532 : i32 to vector<512x128xi32>
    %and3A_1534 = arith.andi %add3A, %and3A_1533 : vector<512x128xi32>
    %eq3A_1535 = arith.constant 0 : i32
    %eq3A_1536 = vector.broadcast %eq3A_1535 : i32 to vector<512x128xi32>
    %eq3A_1537 = arith.cmpi eq, %and3A_1534, %eq3A_1536 : vector<512x128xi32>
    %and3A_1538 = arith.constant 1024 : i32
    %and3A_1539 = vector.broadcast %and3A_1538 : i32 to vector<512x128xi32>
    %and3A_1540 = arith.andi %add3A, %and3A_1539 : vector<512x128xi32>
    %eq3A_1541 = arith.constant 0 : i32
    %eq3A_1542 = vector.broadcast %eq3A_1541 : i32 to vector<512x128xi32>
    %eq3A_1543 = arith.cmpi eq, %and3A_1540, %eq3A_1542 : vector<512x128xi32>
    %eq3A_1544 = arith.xori %eq3A_1543, %eq3A_1537 : vector<512x128xi1>
    %eq3A_1545 = arith.constant dense<true> : vector<512x128xi1>
    %eq3A_1546 = arith.xori %eq3A_1544, %eq3A_1545 : vector<512x128xi1>
    %max3A_1547 = arith.maximumf %select_n3A_1520, %select_n3A_1531 : vector<512x128xf32>
    %min3A_1548 = arith.minimumf %select_n3A_1520, %select_n3A_1531 : vector<512x128xf32>
    %select_n3A_1549 = arith.select %eq3A_1546, %max3A_1547, %min3A_1548 : vector<512x128xi1>, vector<512x128xf32>
    %roll3A_1550 = arith.constant 126 : i32
    %roll3A_1551 = tpu.dynamic_rotate %select_n3A_1549 by %roll3A_1550 dim 1 : vector<512x128xf32>, i32 -> vector<512x128xf32>
    %roll3A_1552 = arith.constant 2 : i32
    %roll3A_1553 = tpu.dynamic_rotate %select_n3A_1549 by %roll3A_1552 dim 1 : vector<512x128xf32>, i32 -> vector<512x128xf32>
    %and3A_1554 = arith.constant 2 : i32
    %and3A_1555 = vector.broadcast %and3A_1554 : i32 to vector<512x128xi32>
    %and3A_1556 = arith.andi %iota3A_13, %and3A_1555 : vector<512x128xi32>
    %eq3A_1557 = arith.constant 0 : i32
    %eq3A_1558 = vector.broadcast %eq3A_1557 : i32 to vector<512x128xi32>
    %eq3A_1559 = arith.cmpi eq, %and3A_1556, %eq3A_1558 : vector<512x128xi32>
    %select_n3A_1560 = arith.select %eq3A_1559, %roll3A_1551, %roll3A_1553 : vector<512x128xi1>, vector<512x128xf32>
    %and3A_1561 = arith.constant 2 : i32
    %and3A_1562 = vector.broadcast %and3A_1561 : i32 to vector<512x128xi32>
    %and3A_1563 = arith.andi %add3A, %and3A_1562 : vector<512x128xi32>
    %eq3A_1564 = arith.constant 0 : i32
    %eq3A_1565 = vector.broadcast %eq3A_1564 : i32 to vector<512x128xi32>
    %eq3A_1566 = arith.cmpi eq, %and3A_1563, %eq3A_1565 : vector<512x128xi32>
    %and3A_1567 = arith.constant 1024 : i32
    %and3A_1568 = vector.broadcast %and3A_1567 : i32 to vector<512x128xi32>
    %and3A_1569 = arith.andi %add3A, %and3A_1568 : vector<512x128xi32>
    %eq3A_1570 = arith.constant 0 : i32
    %eq3A_1571 = vector.broadcast %eq3A_1570 : i32 to vector<512x128xi32>
    %eq3A_1572 = arith.cmpi eq, %and3A_1569, %eq3A_1571 : vector<512x128xi32>
    %eq3A_1573 = arith.xori %eq3A_1572, %eq3A_1566 : vector<512x128xi1>
    %eq3A_1574 = arith.constant dense<true> : vector<512x128xi1>
    %eq3A_1575 = arith.xori %eq3A_1573, %eq3A_1574 : vector<512x128xi1>
    %max3A_1576 = arith.maximumf %select_n3A_1549, %select_n3A_1560 : vector<512x128xf32>
    %min3A_1577 = arith.minimumf %select_n3A_1549, %select_n3A_1560 : vector<512x128xf32>
    %select_n3A_1578 = arith.select %eq3A_1575, %max3A_1576, %min3A_1577 : vector<512x128xi1>, vector<512x128xf32>
    %roll3A_1579 = arith.constant 127 : i32
    %roll3A_1580 = tpu.dynamic_rotate %select_n3A_1578 by %roll3A_1579 dim 1 : vector<512x128xf32>, i32 -> vector<512x128xf32>
    %roll3A_1581 = arith.constant 1 : i32
    %roll3A_1582 = tpu.dynamic_rotate %select_n3A_1578 by %roll3A_1581 dim 1 : vector<512x128xf32>, i32 -> vector<512x128xf32>
    %and3A_1583 = arith.constant 1 : i32
    %and3A_1584 = vector.broadcast %and3A_1583 : i32 to vector<512x128xi32>
    %and3A_1585 = arith.andi %iota3A_13, %and3A_1584 : vector<512x128xi32>
    %eq3A_1586 = arith.constant 0 : i32
    %eq3A_1587 = vector.broadcast %eq3A_1586 : i32 to vector<512x128xi32>
    %eq3A_1588 = arith.cmpi eq, %and3A_1585, %eq3A_1587 : vector<512x128xi32>
    %select_n3A_1589 = arith.select %eq3A_1588, %roll3A_1580, %roll3A_1582 : vector<512x128xi1>, vector<512x128xf32>
    %and3A_1590 = arith.constant 1 : i32
    %and3A_1591 = vector.broadcast %and3A_1590 : i32 to vector<512x128xi32>
    %and3A_1592 = arith.andi %add3A, %and3A_1591 : vector<512x128xi32>
    %eq3A_1593 = arith.constant 0 : i32
    %eq3A_1594 = vector.broadcast %eq3A_1593 : i32 to vector<512x128xi32>
    %eq3A_1595 = arith.cmpi eq, %and3A_1592, %eq3A_1594 : vector<512x128xi32>
    %and3A_1596 = arith.constant 1024 : i32
    %and3A_1597 = vector.broadcast %and3A_1596 : i32 to vector<512x128xi32>
    %and3A_1598 = arith.andi %add3A, %and3A_1597 : vector<512x128xi32>
    %eq3A_1599 = arith.constant 0 : i32
    %eq3A_1600 = vector.broadcast %eq3A_1599 : i32 to vector<512x128xi32>
    %eq3A_1601 = arith.cmpi eq, %and3A_1598, %eq3A_1600 : vector<512x128xi32>
    %eq3A_1602 = arith.xori %eq3A_1601, %eq3A_1595 : vector<512x128xi1>
    %eq3A_1603 = arith.constant dense<true> : vector<512x128xi1>
    %eq3A_1604 = arith.xori %eq3A_1602, %eq3A_1603 : vector<512x128xi1>
    %max3A_1605 = arith.maximumf %select_n3A_1578, %select_n3A_1589 : vector<512x128xf32>
    %min3A_1606 = arith.minimumf %select_n3A_1578, %select_n3A_1589 : vector<512x128xf32>
    %select_n3A_1607 = arith.select %eq3A_1604, %max3A_1605, %min3A_1606 : vector<512x128xi1>, vector<512x128xf32>
    %roll3A_1608 = arith.constant 504 : i32
    %roll3A_1609 = tpu.dynamic_rotate %select_n3A_1607 by %roll3A_1608 dim 0 : vector<512x128xf32>, i32 -> vector<512x128xf32>
    %roll3A_1610 = arith.constant 8 : i32
    %roll3A_1611 = tpu.dynamic_rotate %select_n3A_1607 by %roll3A_1610 dim 0 : vector<512x128xf32>, i32 -> vector<512x128xf32>
    %and3A_1612 = arith.constant 8 : i32
    %and3A_1613 = vector.broadcast %and3A_1612 : i32 to vector<512x128xi32>
    %and3A_1614 = arith.andi %and3A_12, %and3A_1613 : vector<512x128xi32>
    %eq3A_1615 = arith.constant 0 : i32
    %eq3A_1616 = vector.broadcast %eq3A_1615 : i32 to vector<512x128xi32>
    %eq3A_1617 = arith.cmpi eq, %and3A_1614, %eq3A_1616 : vector<512x128xi32>
    %select_n3A_1618 = arith.select %eq3A_1617, %roll3A_1609, %roll3A_1611 : vector<512x128xi1>, vector<512x128xf32>
    %and3A_1619 = arith.constant 1024 : i32
    %and3A_1620 = vector.broadcast %and3A_1619 : i32 to vector<512x128xi32>
    %and3A_1621 = arith.andi %add3A, %and3A_1620 : vector<512x128xi32>
    %eq3A_1622 = arith.constant 0 : i32
    %eq3A_1623 = vector.broadcast %eq3A_1622 : i32 to vector<512x128xi32>
    %eq3A_1624 = arith.cmpi eq, %and3A_1621, %eq3A_1623 : vector<512x128xi32>
    %and3A_1625 = arith.constant 2048 : i32
    %and3A_1626 = vector.broadcast %and3A_1625 : i32 to vector<512x128xi32>
    %and3A_1627 = arith.andi %add3A, %and3A_1626 : vector<512x128xi32>
    %eq3A_1628 = arith.constant 0 : i32
    %eq3A_1629 = vector.broadcast %eq3A_1628 : i32 to vector<512x128xi32>
    %eq3A_1630 = arith.cmpi eq, %and3A_1627, %eq3A_1629 : vector<512x128xi32>
    %eq3A_1631 = arith.xori %eq3A_1630, %eq3A_1624 : vector<512x128xi1>
    %eq3A_1632 = arith.constant dense<true> : vector<512x128xi1>
    %eq3A_1633 = arith.xori %eq3A_1631, %eq3A_1632 : vector<512x128xi1>
    %max3A_1634 = arith.maximumf %select_n3A_1607, %select_n3A_1618 : vector<512x128xf32>
    %min3A_1635 = arith.minimumf %select_n3A_1607, %select_n3A_1618 : vector<512x128xf32>
    %select_n3A_1636 = arith.select %eq3A_1633, %max3A_1634, %min3A_1635 : vector<512x128xi1>, vector<512x128xf32>
    %roll3A_1637 = arith.constant 508 : i32
    %roll3A_1638 = tpu.dynamic_rotate %select_n3A_1636 by %roll3A_1637 dim 0 : vector<512x128xf32>, i32 -> vector<512x128xf32>
    %roll3A_1639 = arith.constant 4 : i32
    %roll3A_1640 = tpu.dynamic_rotate %select_n3A_1636 by %roll3A_1639 dim 0 : vector<512x128xf32>, i32 -> vector<512x128xf32>
    %and3A_1641 = arith.constant 4 : i32
    %and3A_1642 = vector.broadcast %and3A_1641 : i32 to vector<512x128xi32>
    %and3A_1643 = arith.andi %and3A_12, %and3A_1642 : vector<512x128xi32>
    %eq3A_1644 = arith.constant 0 : i32
    %eq3A_1645 = vector.broadcast %eq3A_1644 : i32 to vector<512x128xi32>
    %eq3A_1646 = arith.cmpi eq, %and3A_1643, %eq3A_1645 : vector<512x128xi32>
    %select_n3A_1647 = arith.select %eq3A_1646, %roll3A_1638, %roll3A_1640 : vector<512x128xi1>, vector<512x128xf32>
    %and3A_1648 = arith.constant 512 : i32
    %and3A_1649 = vector.broadcast %and3A_1648 : i32 to vector<512x128xi32>
    %and3A_1650 = arith.andi %add3A, %and3A_1649 : vector<512x128xi32>
    %eq3A_1651 = arith.constant 0 : i32
    %eq3A_1652 = vector.broadcast %eq3A_1651 : i32 to vector<512x128xi32>
    %eq3A_1653 = arith.cmpi eq, %and3A_1650, %eq3A_1652 : vector<512x128xi32>
    %and3A_1654 = arith.constant 2048 : i32
    %and3A_1655 = vector.broadcast %and3A_1654 : i32 to vector<512x128xi32>
    %and3A_1656 = arith.andi %add3A, %and3A_1655 : vector<512x128xi32>
    %eq3A_1657 = arith.constant 0 : i32
    %eq3A_1658 = vector.broadcast %eq3A_1657 : i32 to vector<512x128xi32>
    %eq3A_1659 = arith.cmpi eq, %and3A_1656, %eq3A_1658 : vector<512x128xi32>
    %eq3A_1660 = arith.xori %eq3A_1659, %eq3A_1653 : vector<512x128xi1>
    %eq3A_1661 = arith.constant dense<true> : vector<512x128xi1>
    %eq3A_1662 = arith.xori %eq3A_1660, %eq3A_1661 : vector<512x128xi1>
    %max3A_1663 = arith.maximumf %select_n3A_1636, %select_n3A_1647 : vector<512x128xf32>
    %min3A_1664 = arith.minimumf %select_n3A_1636, %select_n3A_1647 : vector<512x128xf32>
    %select_n3A_1665 = arith.select %eq3A_1662, %max3A_1663, %min3A_1664 : vector<512x128xi1>, vector<512x128xf32>
    %roll3A_1666 = arith.constant 510 : i32
    %roll3A_1667 = tpu.dynamic_rotate %select_n3A_1665 by %roll3A_1666 dim 0 : vector<512x128xf32>, i32 -> vector<512x128xf32>
    %roll3A_1668 = arith.constant 2 : i32
    %roll3A_1669 = tpu.dynamic_rotate %select_n3A_1665 by %roll3A_1668 dim 0 : vector<512x128xf32>, i32 -> vector<512x128xf32>
    %and3A_1670 = arith.constant 2 : i32
    %and3A_1671 = vector.broadcast %and3A_1670 : i32 to vector<512x128xi32>
    %and3A_1672 = arith.andi %and3A_12, %and3A_1671 : vector<512x128xi32>
    %eq3A_1673 = arith.constant 0 : i32
    %eq3A_1674 = vector.broadcast %eq3A_1673 : i32 to vector<512x128xi32>
    %eq3A_1675 = arith.cmpi eq, %and3A_1672, %eq3A_1674 : vector<512x128xi32>
    %select_n3A_1676 = arith.select %eq3A_1675, %roll3A_1667, %roll3A_1669 : vector<512x128xi1>, vector<512x128xf32>
    %and3A_1677 = arith.constant 256 : i32
    %and3A_1678 = vector.broadcast %and3A_1677 : i32 to vector<512x128xi32>
    %and3A_1679 = arith.andi %add3A, %and3A_1678 : vector<512x128xi32>
    %eq3A_1680 = arith.constant 0 : i32
    %eq3A_1681 = vector.broadcast %eq3A_1680 : i32 to vector<512x128xi32>
    %eq3A_1682 = arith.cmpi eq, %and3A_1679, %eq3A_1681 : vector<512x128xi32>
    %and3A_1683 = arith.constant 2048 : i32
    %and3A_1684 = vector.broadcast %and3A_1683 : i32 to vector<512x128xi32>
    %and3A_1685 = arith.andi %add3A, %and3A_1684 : vector<512x128xi32>
    %eq3A_1686 = arith.constant 0 : i32
    %eq3A_1687 = vector.broadcast %eq3A_1686 : i32 to vector<512x128xi32>
    %eq3A_1688 = arith.cmpi eq, %and3A_1685, %eq3A_1687 : vector<512x128xi32>
    %eq3A_1689 = arith.xori %eq3A_1688, %eq3A_1682 : vector<512x128xi1>
    %eq3A_1690 = arith.constant dense<true> : vector<512x128xi1>
    %eq3A_1691 = arith.xori %eq3A_1689, %eq3A_1690 : vector<512x128xi1>
    %max3A_1692 = arith.maximumf %select_n3A_1665, %select_n3A_1676 : vector<512x128xf32>
    %min3A_1693 = arith.minimumf %select_n3A_1665, %select_n3A_1676 : vector<512x128xf32>
    %select_n3A_1694 = arith.select %eq3A_1691, %max3A_1692, %min3A_1693 : vector<512x128xi1>, vector<512x128xf32>
    %roll3A_1695 = arith.constant 511 : i32
    %roll3A_1696 = tpu.dynamic_rotate %select_n3A_1694 by %roll3A_1695 dim 0 : vector<512x128xf32>, i32 -> vector<512x128xf32>
    %roll3A_1697 = arith.constant 1 : i32
    %roll3A_1698 = tpu.dynamic_rotate %select_n3A_1694 by %roll3A_1697 dim 0 : vector<512x128xf32>, i32 -> vector<512x128xf32>
    %and3A_1699 = arith.constant 1 : i32
    %and3A_1700 = vector.broadcast %and3A_1699 : i32 to vector<512x128xi32>
    %and3A_1701 = arith.andi %and3A_12, %and3A_1700 : vector<512x128xi32>
    %eq3A_1702 = arith.constant 0 : i32
    %eq3A_1703 = vector.broadcast %eq3A_1702 : i32 to vector<512x128xi32>
    %eq3A_1704 = arith.cmpi eq, %and3A_1701, %eq3A_1703 : vector<512x128xi32>
    %select_n3A_1705 = arith.select %eq3A_1704, %roll3A_1696, %roll3A_1698 : vector<512x128xi1>, vector<512x128xf32>
    %and3A_1706 = arith.constant 128 : i32
    %and3A_1707 = vector.broadcast %and3A_1706 : i32 to vector<512x128xi32>
    %and3A_1708 = arith.andi %add3A, %and3A_1707 : vector<512x128xi32>
    %eq3A_1709 = arith.constant 0 : i32
    %eq3A_1710 = vector.broadcast %eq3A_1709 : i32 to vector<512x128xi32>
    %eq3A_1711 = arith.cmpi eq, %and3A_1708, %eq3A_1710 : vector<512x128xi32>
    %and3A_1712 = arith.constant 2048 : i32
    %and3A_1713 = vector.broadcast %and3A_1712 : i32 to vector<512x128xi32>
    %and3A_1714 = arith.andi %add3A, %and3A_1713 : vector<512x128xi32>
    %eq3A_1715 = arith.constant 0 : i32
    %eq3A_1716 = vector.broadcast %eq3A_1715 : i32 to vector<512x128xi32>
    %eq3A_1717 = arith.cmpi eq, %and3A_1714, %eq3A_1716 : vector<512x128xi32>
    %eq3A_1718 = arith.xori %eq3A_1717, %eq3A_1711 : vector<512x128xi1>
    %eq3A_1719 = arith.constant dense<true> : vector<512x128xi1>
    %eq3A_1720 = arith.xori %eq3A_1718, %eq3A_1719 : vector<512x128xi1>
    %max3A_1721 = arith.maximumf %select_n3A_1694, %select_n3A_1705 : vector<512x128xf32>
    %min3A_1722 = arith.minimumf %select_n3A_1694, %select_n3A_1705 : vector<512x128xf32>
    %select_n3A_1723 = arith.select %eq3A_1720, %max3A_1721, %min3A_1722 : vector<512x128xi1>, vector<512x128xf32>
    %roll3A_1724 = arith.constant 64 : i32
    %roll3A_1725 = tpu.dynamic_rotate %select_n3A_1723 by %roll3A_1724 dim 1 : vector<512x128xf32>, i32 -> vector<512x128xf32>
    %roll3A_1726 = arith.constant 64 : i32
    %roll3A_1727 = tpu.dynamic_rotate %select_n3A_1723 by %roll3A_1726 dim 1 : vector<512x128xf32>, i32 -> vector<512x128xf32>
    %and3A_1728 = arith.constant 64 : i32
    %and3A_1729 = vector.broadcast %and3A_1728 : i32 to vector<512x128xi32>
    %and3A_1730 = arith.andi %iota3A_13, %and3A_1729 : vector<512x128xi32>
    %eq3A_1731 = arith.constant 0 : i32
    %eq3A_1732 = vector.broadcast %eq3A_1731 : i32 to vector<512x128xi32>
    %eq3A_1733 = arith.cmpi eq, %and3A_1730, %eq3A_1732 : vector<512x128xi32>
    %select_n3A_1734 = arith.select %eq3A_1733, %roll3A_1725, %roll3A_1727 : vector<512x128xi1>, vector<512x128xf32>
    %and3A_1735 = arith.constant 64 : i32
    %and3A_1736 = vector.broadcast %and3A_1735 : i32 to vector<512x128xi32>
    %and3A_1737 = arith.andi %add3A, %and3A_1736 : vector<512x128xi32>
    %eq3A_1738 = arith.constant 0 : i32
    %eq3A_1739 = vector.broadcast %eq3A_1738 : i32 to vector<512x128xi32>
    %eq3A_1740 = arith.cmpi eq, %and3A_1737, %eq3A_1739 : vector<512x128xi32>
    %and3A_1741 = arith.constant 2048 : i32
    %and3A_1742 = vector.broadcast %and3A_1741 : i32 to vector<512x128xi32>
    %and3A_1743 = arith.andi %add3A, %and3A_1742 : vector<512x128xi32>
    %eq3A_1744 = arith.constant 0 : i32
    %eq3A_1745 = vector.broadcast %eq3A_1744 : i32 to vector<512x128xi32>
    %eq3A_1746 = arith.cmpi eq, %and3A_1743, %eq3A_1745 : vector<512x128xi32>
    %eq3A_1747 = arith.xori %eq3A_1746, %eq3A_1740 : vector<512x128xi1>
    %eq3A_1748 = arith.constant dense<true> : vector<512x128xi1>
    %eq3A_1749 = arith.xori %eq3A_1747, %eq3A_1748 : vector<512x128xi1>
    %max3A_1750 = arith.maximumf %select_n3A_1723, %select_n3A_1734 : vector<512x128xf32>
    %min3A_1751 = arith.minimumf %select_n3A_1723, %select_n3A_1734 : vector<512x128xf32>
    %select_n3A_1752 = arith.select %eq3A_1749, %max3A_1750, %min3A_1751 : vector<512x128xi1>, vector<512x128xf32>
    %roll3A_1753 = arith.constant 96 : i32
    %roll3A_1754 = tpu.dynamic_rotate %select_n3A_1752 by %roll3A_1753 dim 1 : vector<512x128xf32>, i32 -> vector<512x128xf32>
    %roll3A_1755 = arith.constant 32 : i32
    %roll3A_1756 = tpu.dynamic_rotate %select_n3A_1752 by %roll3A_1755 dim 1 : vector<512x128xf32>, i32 -> vector<512x128xf32>
    %and3A_1757 = arith.constant 32 : i32
    %and3A_1758 = vector.broadcast %and3A_1757 : i32 to vector<512x128xi32>
    %and3A_1759 = arith.andi %iota3A_13, %and3A_1758 : vector<512x128xi32>
    %eq3A_1760 = arith.constant 0 : i32
    %eq3A_1761 = vector.broadcast %eq3A_1760 : i32 to vector<512x128xi32>
    %eq3A_1762 = arith.cmpi eq, %and3A_1759, %eq3A_1761 : vector<512x128xi32>
    %select_n3A_1763 = arith.select %eq3A_1762, %roll3A_1754, %roll3A_1756 : vector<512x128xi1>, vector<512x128xf32>
    %and3A_1764 = arith.constant 32 : i32
    %and3A_1765 = vector.broadcast %and3A_1764 : i32 to vector<512x128xi32>
    %and3A_1766 = arith.andi %add3A, %and3A_1765 : vector<512x128xi32>
    %eq3A_1767 = arith.constant 0 : i32
    %eq3A_1768 = vector.broadcast %eq3A_1767 : i32 to vector<512x128xi32>
    %eq3A_1769 = arith.cmpi eq, %and3A_1766, %eq3A_1768 : vector<512x128xi32>
    %and3A_1770 = arith.constant 2048 : i32
    %and3A_1771 = vector.broadcast %and3A_1770 : i32 to vector<512x128xi32>
    %and3A_1772 = arith.andi %add3A, %and3A_1771 : vector<512x128xi32>
    %eq3A_1773 = arith.constant 0 : i32
    %eq3A_1774 = vector.broadcast %eq3A_1773 : i32 to vector<512x128xi32>
    %eq3A_1775 = arith.cmpi eq, %and3A_1772, %eq3A_1774 : vector<512x128xi32>
    %eq3A_1776 = arith.xori %eq3A_1775, %eq3A_1769 : vector<512x128xi1>
    %eq3A_1777 = arith.constant dense<true> : vector<512x128xi1>
    %eq3A_1778 = arith.xori %eq3A_1776, %eq3A_1777 : vector<512x128xi1>
    %max3A_1779 = arith.maximumf %select_n3A_1752, %select_n3A_1763 : vector<512x128xf32>
    %min3A_1780 = arith.minimumf %select_n3A_1752, %select_n3A_1763 : vector<512x128xf32>
    %select_n3A_1781 = arith.select %eq3A_1778, %max3A_1779, %min3A_1780 : vector<512x128xi1>, vector<512x128xf32>
    %roll3A_1782 = arith.constant 112 : i32
    %roll3A_1783 = tpu.dynamic_rotate %select_n3A_1781 by %roll3A_1782 dim 1 : vector<512x128xf32>, i32 -> vector<512x128xf32>
    %roll3A_1784 = arith.constant 16 : i32
    %roll3A_1785 = tpu.dynamic_rotate %select_n3A_1781 by %roll3A_1784 dim 1 : vector<512x128xf32>, i32 -> vector<512x128xf32>
    %and3A_1786 = arith.constant 16 : i32
    %and3A_1787 = vector.broadcast %and3A_1786 : i32 to vector<512x128xi32>
    %and3A_1788 = arith.andi %iota3A_13, %and3A_1787 : vector<512x128xi32>
    %eq3A_1789 = arith.constant 0 : i32
    %eq3A_1790 = vector.broadcast %eq3A_1789 : i32 to vector<512x128xi32>
    %eq3A_1791 = arith.cmpi eq, %and3A_1788, %eq3A_1790 : vector<512x128xi32>
    %select_n3A_1792 = arith.select %eq3A_1791, %roll3A_1783, %roll3A_1785 : vector<512x128xi1>, vector<512x128xf32>
    %and3A_1793 = arith.constant 16 : i32
    %and3A_1794 = vector.broadcast %and3A_1793 : i32 to vector<512x128xi32>
    %and3A_1795 = arith.andi %add3A, %and3A_1794 : vector<512x128xi32>
    %eq3A_1796 = arith.constant 0 : i32
    %eq3A_1797 = vector.broadcast %eq3A_1796 : i32 to vector<512x128xi32>
    %eq3A_1798 = arith.cmpi eq, %and3A_1795, %eq3A_1797 : vector<512x128xi32>
    %and3A_1799 = arith.constant 2048 : i32
    %and3A_1800 = vector.broadcast %and3A_1799 : i32 to vector<512x128xi32>
    %and3A_1801 = arith.andi %add3A, %and3A_1800 : vector<512x128xi32>
    %eq3A_1802 = arith.constant 0 : i32
    %eq3A_1803 = vector.broadcast %eq3A_1802 : i32 to vector<512x128xi32>
    %eq3A_1804 = arith.cmpi eq, %and3A_1801, %eq3A_1803 : vector<512x128xi32>
    %eq3A_1805 = arith.xori %eq3A_1804, %eq3A_1798 : vector<512x128xi1>
    %eq3A_1806 = arith.constant dense<true> : vector<512x128xi1>
    %eq3A_1807 = arith.xori %eq3A_1805, %eq3A_1806 : vector<512x128xi1>
    %max3A_1808 = arith.maximumf %select_n3A_1781, %select_n3A_1792 : vector<512x128xf32>
    %min3A_1809 = arith.minimumf %select_n3A_1781, %select_n3A_1792 : vector<512x128xf32>
    %select_n3A_1810 = arith.select %eq3A_1807, %max3A_1808, %min3A_1809 : vector<512x128xi1>, vector<512x128xf32>
    %roll3A_1811 = arith.constant 120 : i32
    %roll3A_1812 = tpu.dynamic_rotate %select_n3A_1810 by %roll3A_1811 dim 1 : vector<512x128xf32>, i32 -> vector<512x128xf32>
    %roll3A_1813 = arith.constant 8 : i32
    %roll3A_1814 = tpu.dynamic_rotate %select_n3A_1810 by %roll3A_1813 dim 1 : vector<512x128xf32>, i32 -> vector<512x128xf32>
    %and3A_1815 = arith.constant 8 : i32
    %and3A_1816 = vector.broadcast %and3A_1815 : i32 to vector<512x128xi32>
    %and3A_1817 = arith.andi %iota3A_13, %and3A_1816 : vector<512x128xi32>
    %eq3A_1818 = arith.constant 0 : i32
    %eq3A_1819 = vector.broadcast %eq3A_1818 : i32 to vector<512x128xi32>
    %eq3A_1820 = arith.cmpi eq, %and3A_1817, %eq3A_1819 : vector<512x128xi32>
    %select_n3A_1821 = arith.select %eq3A_1820, %roll3A_1812, %roll3A_1814 : vector<512x128xi1>, vector<512x128xf32>
    %and3A_1822 = arith.constant 8 : i32
    %and3A_1823 = vector.broadcast %and3A_1822 : i32 to vector<512x128xi32>
    %and3A_1824 = arith.andi %add3A, %and3A_1823 : vector<512x128xi32>
    %eq3A_1825 = arith.constant 0 : i32
    %eq3A_1826 = vector.broadcast %eq3A_1825 : i32 to vector<512x128xi32>
    %eq3A_1827 = arith.cmpi eq, %and3A_1824, %eq3A_1826 : vector<512x128xi32>
    %and3A_1828 = arith.constant 2048 : i32
    %and3A_1829 = vector.broadcast %and3A_1828 : i32 to vector<512x128xi32>
    %and3A_1830 = arith.andi %add3A, %and3A_1829 : vector<512x128xi32>
    %eq3A_1831 = arith.constant 0 : i32
    %eq3A_1832 = vector.broadcast %eq3A_1831 : i32 to vector<512x128xi32>
    %eq3A_1833 = arith.cmpi eq, %and3A_1830, %eq3A_1832 : vector<512x128xi32>
    %eq3A_1834 = arith.xori %eq3A_1833, %eq3A_1827 : vector<512x128xi1>
    %eq3A_1835 = arith.constant dense<true> : vector<512x128xi1>
    %eq3A_1836 = arith.xori %eq3A_1834, %eq3A_1835 : vector<512x128xi1>
    %max3A_1837 = arith.maximumf %select_n3A_1810, %select_n3A_1821 : vector<512x128xf32>
    %min3A_1838 = arith.minimumf %select_n3A_1810, %select_n3A_1821 : vector<512x128xf32>
    %select_n3A_1839 = arith.select %eq3A_1836, %max3A_1837, %min3A_1838 : vector<512x128xi1>, vector<512x128xf32>
    %roll3A_1840 = arith.constant 124 : i32
    %roll3A_1841 = tpu.dynamic_rotate %select_n3A_1839 by %roll3A_1840 dim 1 : vector<512x128xf32>, i32 -> vector<512x128xf32>
    %roll3A_1842 = arith.constant 4 : i32
    %roll3A_1843 = tpu.dynamic_rotate %select_n3A_1839 by %roll3A_1842 dim 1 : vector<512x128xf32>, i32 -> vector<512x128xf32>
    %and3A_1844 = arith.constant 4 : i32
    %and3A_1845 = vector.broadcast %and3A_1844 : i32 to vector<512x128xi32>
    %and3A_1846 = arith.andi %iota3A_13, %and3A_1845 : vector<512x128xi32>
    %eq3A_1847 = arith.constant 0 : i32
    %eq3A_1848 = vector.broadcast %eq3A_1847 : i32 to vector<512x128xi32>
    %eq3A_1849 = arith.cmpi eq, %and3A_1846, %eq3A_1848 : vector<512x128xi32>
    %select_n3A_1850 = arith.select %eq3A_1849, %roll3A_1841, %roll3A_1843 : vector<512x128xi1>, vector<512x128xf32>
    %and3A_1851 = arith.constant 4 : i32
    %and3A_1852 = vector.broadcast %and3A_1851 : i32 to vector<512x128xi32>
    %and3A_1853 = arith.andi %add3A, %and3A_1852 : vector<512x128xi32>
    %eq3A_1854 = arith.constant 0 : i32
    %eq3A_1855 = vector.broadcast %eq3A_1854 : i32 to vector<512x128xi32>
    %eq3A_1856 = arith.cmpi eq, %and3A_1853, %eq3A_1855 : vector<512x128xi32>
    %and3A_1857 = arith.constant 2048 : i32
    %and3A_1858 = vector.broadcast %and3A_1857 : i32 to vector<512x128xi32>
    %and3A_1859 = arith.andi %add3A, %and3A_1858 : vector<512x128xi32>
    %eq3A_1860 = arith.constant 0 : i32
    %eq3A_1861 = vector.broadcast %eq3A_1860 : i32 to vector<512x128xi32>
    %eq3A_1862 = arith.cmpi eq, %and3A_1859, %eq3A_1861 : vector<512x128xi32>
    %eq3A_1863 = arith.xori %eq3A_1862, %eq3A_1856 : vector<512x128xi1>
    %eq3A_1864 = arith.constant dense<true> : vector<512x128xi1>
    %eq3A_1865 = arith.xori %eq3A_1863, %eq3A_1864 : vector<512x128xi1>
    %max3A_1866 = arith.maximumf %select_n3A_1839, %select_n3A_1850 : vector<512x128xf32>
    %min3A_1867 = arith.minimumf %select_n3A_1839, %select_n3A_1850 : vector<512x128xf32>
    %select_n3A_1868 = arith.select %eq3A_1865, %max3A_1866, %min3A_1867 : vector<512x128xi1>, vector<512x128xf32>
    %roll3A_1869 = arith.constant 126 : i32
    %roll3A_1870 = tpu.dynamic_rotate %select_n3A_1868 by %roll3A_1869 dim 1 : vector<512x128xf32>, i32 -> vector<512x128xf32>
    %roll3A_1871 = arith.constant 2 : i32
    %roll3A_1872 = tpu.dynamic_rotate %select_n3A_1868 by %roll3A_1871 dim 1 : vector<512x128xf32>, i32 -> vector<512x128xf32>
    %and3A_1873 = arith.constant 2 : i32
    %and3A_1874 = vector.broadcast %and3A_1873 : i32 to vector<512x128xi32>
    %and3A_1875 = arith.andi %iota3A_13, %and3A_1874 : vector<512x128xi32>
    %eq3A_1876 = arith.constant 0 : i32
    %eq3A_1877 = vector.broadcast %eq3A_1876 : i32 to vector<512x128xi32>
    %eq3A_1878 = arith.cmpi eq, %and3A_1875, %eq3A_1877 : vector<512x128xi32>
    %select_n3A_1879 = arith.select %eq3A_1878, %roll3A_1870, %roll3A_1872 : vector<512x128xi1>, vector<512x128xf32>
    %and3A_1880 = arith.constant 2 : i32
    %and3A_1881 = vector.broadcast %and3A_1880 : i32 to vector<512x128xi32>
    %and3A_1882 = arith.andi %add3A, %and3A_1881 : vector<512x128xi32>
    %eq3A_1883 = arith.constant 0 : i32
    %eq3A_1884 = vector.broadcast %eq3A_1883 : i32 to vector<512x128xi32>
    %eq3A_1885 = arith.cmpi eq, %and3A_1882, %eq3A_1884 : vector<512x128xi32>
    %and3A_1886 = arith.constant 2048 : i32
    %and3A_1887 = vector.broadcast %and3A_1886 : i32 to vector<512x128xi32>
    %and3A_1888 = arith.andi %add3A, %and3A_1887 : vector<512x128xi32>
    %eq3A_1889 = arith.constant 0 : i32
    %eq3A_1890 = vector.broadcast %eq3A_1889 : i32 to vector<512x128xi32>
    %eq3A_1891 = arith.cmpi eq, %and3A_1888, %eq3A_1890 : vector<512x128xi32>
    %eq3A_1892 = arith.xori %eq3A_1891, %eq3A_1885 : vector<512x128xi1>
    %eq3A_1893 = arith.constant dense<true> : vector<512x128xi1>
    %eq3A_1894 = arith.xori %eq3A_1892, %eq3A_1893 : vector<512x128xi1>
    %max3A_1895 = arith.maximumf %select_n3A_1868, %select_n3A_1879 : vector<512x128xf32>
    %min3A_1896 = arith.minimumf %select_n3A_1868, %select_n3A_1879 : vector<512x128xf32>
    %select_n3A_1897 = arith.select %eq3A_1894, %max3A_1895, %min3A_1896 : vector<512x128xi1>, vector<512x128xf32>
    %roll3A_1898 = arith.constant 127 : i32
    %roll3A_1899 = tpu.dynamic_rotate %select_n3A_1897 by %roll3A_1898 dim 1 : vector<512x128xf32>, i32 -> vector<512x128xf32>
    %roll3A_1900 = arith.constant 1 : i32
    %roll3A_1901 = tpu.dynamic_rotate %select_n3A_1897 by %roll3A_1900 dim 1 : vector<512x128xf32>, i32 -> vector<512x128xf32>
    %and3A_1902 = arith.constant 1 : i32
    %and3A_1903 = vector.broadcast %and3A_1902 : i32 to vector<512x128xi32>
    %and3A_1904 = arith.andi %iota3A_13, %and3A_1903 : vector<512x128xi32>
    %eq3A_1905 = arith.constant 0 : i32
    %eq3A_1906 = vector.broadcast %eq3A_1905 : i32 to vector<512x128xi32>
    %eq3A_1907 = arith.cmpi eq, %and3A_1904, %eq3A_1906 : vector<512x128xi32>
    %select_n3A_1908 = arith.select %eq3A_1907, %roll3A_1899, %roll3A_1901 : vector<512x128xi1>, vector<512x128xf32>
    %and3A_1909 = arith.constant 1 : i32
    %and3A_1910 = vector.broadcast %and3A_1909 : i32 to vector<512x128xi32>
    %and3A_1911 = arith.andi %add3A, %and3A_1910 : vector<512x128xi32>
    %eq3A_1912 = arith.constant 0 : i32
    %eq3A_1913 = vector.broadcast %eq3A_1912 : i32 to vector<512x128xi32>
    %eq3A_1914 = arith.cmpi eq, %and3A_1911, %eq3A_1913 : vector<512x128xi32>
    %and3A_1915 = arith.constant 2048 : i32
    %and3A_1916 = vector.broadcast %and3A_1915 : i32 to vector<512x128xi32>
    %and3A_1917 = arith.andi %add3A, %and3A_1916 : vector<512x128xi32>
    %eq3A_1918 = arith.constant 0 : i32
    %eq3A_1919 = vector.broadcast %eq3A_1918 : i32 to vector<512x128xi32>
    %eq3A_1920 = arith.cmpi eq, %and3A_1917, %eq3A_1919 : vector<512x128xi32>
    %eq3A_1921 = arith.xori %eq3A_1920, %eq3A_1914 : vector<512x128xi1>
    %eq3A_1922 = arith.constant dense<true> : vector<512x128xi1>
    %eq3A_1923 = arith.xori %eq3A_1921, %eq3A_1922 : vector<512x128xi1>
    %max3A_1924 = arith.maximumf %select_n3A_1897, %select_n3A_1908 : vector<512x128xf32>
    %min3A_1925 = arith.minimumf %select_n3A_1897, %select_n3A_1908 : vector<512x128xf32>
    %select_n3A_1926 = arith.select %eq3A_1923, %max3A_1924, %min3A_1925 : vector<512x128xi1>, vector<512x128xf32>
    %roll3A_1927 = arith.constant 496 : i32
    %roll3A_1928 = tpu.dynamic_rotate %select_n3A_1926 by %roll3A_1927 dim 0 : vector<512x128xf32>, i32 -> vector<512x128xf32>
    %roll3A_1929 = arith.constant 16 : i32
    %roll3A_1930 = tpu.dynamic_rotate %select_n3A_1926 by %roll3A_1929 dim 0 : vector<512x128xf32>, i32 -> vector<512x128xf32>
    %and3A_1931 = arith.constant 16 : i32
    %and3A_1932 = vector.broadcast %and3A_1931 : i32 to vector<512x128xi32>
    %and3A_1933 = arith.andi %and3A_12, %and3A_1932 : vector<512x128xi32>
    %eq3A_1934 = arith.constant 0 : i32
    %eq3A_1935 = vector.broadcast %eq3A_1934 : i32 to vector<512x128xi32>
    %eq3A_1936 = arith.cmpi eq, %and3A_1933, %eq3A_1935 : vector<512x128xi32>
    %select_n3A_1937 = arith.select %eq3A_1936, %roll3A_1928, %roll3A_1930 : vector<512x128xi1>, vector<512x128xf32>
    %and3A_1938 = arith.constant 2048 : i32
    %and3A_1939 = vector.broadcast %and3A_1938 : i32 to vector<512x128xi32>
    %and3A_1940 = arith.andi %add3A, %and3A_1939 : vector<512x128xi32>
    %eq3A_1941 = arith.constant 0 : i32
    %eq3A_1942 = vector.broadcast %eq3A_1941 : i32 to vector<512x128xi32>
    %eq3A_1943 = arith.cmpi eq, %and3A_1940, %eq3A_1942 : vector<512x128xi32>
    %and3A_1944 = arith.constant 4096 : i32
    %and3A_1945 = vector.broadcast %and3A_1944 : i32 to vector<512x128xi32>
    %and3A_1946 = arith.andi %add3A, %and3A_1945 : vector<512x128xi32>
    %eq3A_1947 = arith.constant 0 : i32
    %eq3A_1948 = vector.broadcast %eq3A_1947 : i32 to vector<512x128xi32>
    %eq3A_1949 = arith.cmpi eq, %and3A_1946, %eq3A_1948 : vector<512x128xi32>
    %eq3A_1950 = arith.xori %eq3A_1949, %eq3A_1943 : vector<512x128xi1>
    %eq3A_1951 = arith.constant dense<true> : vector<512x128xi1>
    %eq3A_1952 = arith.xori %eq3A_1950, %eq3A_1951 : vector<512x128xi1>
    %max3A_1953 = arith.maximumf %select_n3A_1926, %select_n3A_1937 : vector<512x128xf32>
    %min3A_1954 = arith.minimumf %select_n3A_1926, %select_n3A_1937 : vector<512x128xf32>
    %select_n3A_1955 = arith.select %eq3A_1952, %max3A_1953, %min3A_1954 : vector<512x128xi1>, vector<512x128xf32>
    %roll3A_1956 = arith.constant 504 : i32
    %roll3A_1957 = tpu.dynamic_rotate %select_n3A_1955 by %roll3A_1956 dim 0 : vector<512x128xf32>, i32 -> vector<512x128xf32>
    %roll3A_1958 = arith.constant 8 : i32
    %roll3A_1959 = tpu.dynamic_rotate %select_n3A_1955 by %roll3A_1958 dim 0 : vector<512x128xf32>, i32 -> vector<512x128xf32>
    %and3A_1960 = arith.constant 8 : i32
    %and3A_1961 = vector.broadcast %and3A_1960 : i32 to vector<512x128xi32>
    %and3A_1962 = arith.andi %and3A_12, %and3A_1961 : vector<512x128xi32>
    %eq3A_1963 = arith.constant 0 : i32
    %eq3A_1964 = vector.broadcast %eq3A_1963 : i32 to vector<512x128xi32>
    %eq3A_1965 = arith.cmpi eq, %and3A_1962, %eq3A_1964 : vector<512x128xi32>
    %select_n3A_1966 = arith.select %eq3A_1965, %roll3A_1957, %roll3A_1959 : vector<512x128xi1>, vector<512x128xf32>
    %and3A_1967 = arith.constant 1024 : i32
    %and3A_1968 = vector.broadcast %and3A_1967 : i32 to vector<512x128xi32>
    %and3A_1969 = arith.andi %add3A, %and3A_1968 : vector<512x128xi32>
    %eq3A_1970 = arith.constant 0 : i32
    %eq3A_1971 = vector.broadcast %eq3A_1970 : i32 to vector<512x128xi32>
    %eq3A_1972 = arith.cmpi eq, %and3A_1969, %eq3A_1971 : vector<512x128xi32>
    %and3A_1973 = arith.constant 4096 : i32
    %and3A_1974 = vector.broadcast %and3A_1973 : i32 to vector<512x128xi32>
    %and3A_1975 = arith.andi %add3A, %and3A_1974 : vector<512x128xi32>
    %eq3A_1976 = arith.constant 0 : i32
    %eq3A_1977 = vector.broadcast %eq3A_1976 : i32 to vector<512x128xi32>
    %eq3A_1978 = arith.cmpi eq, %and3A_1975, %eq3A_1977 : vector<512x128xi32>
    %eq3A_1979 = arith.xori %eq3A_1978, %eq3A_1972 : vector<512x128xi1>
    %eq3A_1980 = arith.constant dense<true> : vector<512x128xi1>
    %eq3A_1981 = arith.xori %eq3A_1979, %eq3A_1980 : vector<512x128xi1>
    %max3A_1982 = arith.maximumf %select_n3A_1955, %select_n3A_1966 : vector<512x128xf32>
    %min3A_1983 = arith.minimumf %select_n3A_1955, %select_n3A_1966 : vector<512x128xf32>
    %select_n3A_1984 = arith.select %eq3A_1981, %max3A_1982, %min3A_1983 : vector<512x128xi1>, vector<512x128xf32>
    %roll3A_1985 = arith.constant 508 : i32
    %roll3A_1986 = tpu.dynamic_rotate %select_n3A_1984 by %roll3A_1985 dim 0 : vector<512x128xf32>, i32 -> vector<512x128xf32>
    %roll3A_1987 = arith.constant 4 : i32
    %roll3A_1988 = tpu.dynamic_rotate %select_n3A_1984 by %roll3A_1987 dim 0 : vector<512x128xf32>, i32 -> vector<512x128xf32>
    %and3A_1989 = arith.constant 4 : i32
    %and3A_1990 = vector.broadcast %and3A_1989 : i32 to vector<512x128xi32>
    %and3A_1991 = arith.andi %and3A_12, %and3A_1990 : vector<512x128xi32>
    %eq3A_1992 = arith.constant 0 : i32
    %eq3A_1993 = vector.broadcast %eq3A_1992 : i32 to vector<512x128xi32>
    %eq3A_1994 = arith.cmpi eq, %and3A_1991, %eq3A_1993 : vector<512x128xi32>
    %select_n3A_1995 = arith.select %eq3A_1994, %roll3A_1986, %roll3A_1988 : vector<512x128xi1>, vector<512x128xf32>
    %and3A_1996 = arith.constant 512 : i32
    %and3A_1997 = vector.broadcast %and3A_1996 : i32 to vector<512x128xi32>
    %and3A_1998 = arith.andi %add3A, %and3A_1997 : vector<512x128xi32>
    %eq3A_1999 = arith.constant 0 : i32
    %eq3A_2000 = vector.broadcast %eq3A_1999 : i32 to vector<512x128xi32>
    %eq3A_2001 = arith.cmpi eq, %and3A_1998, %eq3A_2000 : vector<512x128xi32>
    %and3A_2002 = arith.constant 4096 : i32
    %and3A_2003 = vector.broadcast %and3A_2002 : i32 to vector<512x128xi32>
    %and3A_2004 = arith.andi %add3A, %and3A_2003 : vector<512x128xi32>
    %eq3A_2005 = arith.constant 0 : i32
    %eq3A_2006 = vector.broadcast %eq3A_2005 : i32 to vector<512x128xi32>
    %eq3A_2007 = arith.cmpi eq, %and3A_2004, %eq3A_2006 : vector<512x128xi32>
    %eq3A_2008 = arith.xori %eq3A_2007, %eq3A_2001 : vector<512x128xi1>
    %eq3A_2009 = arith.constant dense<true> : vector<512x128xi1>
    %eq3A_2010 = arith.xori %eq3A_2008, %eq3A_2009 : vector<512x128xi1>
    %max3A_2011 = arith.maximumf %select_n3A_1984, %select_n3A_1995 : vector<512x128xf32>
    %min3A_2012 = arith.minimumf %select_n3A_1984, %select_n3A_1995 : vector<512x128xf32>
    %select_n3A_2013 = arith.select %eq3A_2010, %max3A_2011, %min3A_2012 : vector<512x128xi1>, vector<512x128xf32>
    %roll3A_2014 = arith.constant 510 : i32
    %roll3A_2015 = tpu.dynamic_rotate %select_n3A_2013 by %roll3A_2014 dim 0 : vector<512x128xf32>, i32 -> vector<512x128xf32>
    %roll3A_2016 = arith.constant 2 : i32
    %roll3A_2017 = tpu.dynamic_rotate %select_n3A_2013 by %roll3A_2016 dim 0 : vector<512x128xf32>, i32 -> vector<512x128xf32>
    %and3A_2018 = arith.constant 2 : i32
    %and3A_2019 = vector.broadcast %and3A_2018 : i32 to vector<512x128xi32>
    %and3A_2020 = arith.andi %and3A_12, %and3A_2019 : vector<512x128xi32>
    %eq3A_2021 = arith.constant 0 : i32
    %eq3A_2022 = vector.broadcast %eq3A_2021 : i32 to vector<512x128xi32>
    %eq3A_2023 = arith.cmpi eq, %and3A_2020, %eq3A_2022 : vector<512x128xi32>
    %select_n3A_2024 = arith.select %eq3A_2023, %roll3A_2015, %roll3A_2017 : vector<512x128xi1>, vector<512x128xf32>
    %and3A_2025 = arith.constant 256 : i32
    %and3A_2026 = vector.broadcast %and3A_2025 : i32 to vector<512x128xi32>
    %and3A_2027 = arith.andi %add3A, %and3A_2026 : vector<512x128xi32>
    %eq3A_2028 = arith.constant 0 : i32
    %eq3A_2029 = vector.broadcast %eq3A_2028 : i32 to vector<512x128xi32>
    %eq3A_2030 = arith.cmpi eq, %and3A_2027, %eq3A_2029 : vector<512x128xi32>
    %and3A_2031 = arith.constant 4096 : i32
    %and3A_2032 = vector.broadcast %and3A_2031 : i32 to vector<512x128xi32>
    %and3A_2033 = arith.andi %add3A, %and3A_2032 : vector<512x128xi32>
    %eq3A_2034 = arith.constant 0 : i32
    %eq3A_2035 = vector.broadcast %eq3A_2034 : i32 to vector<512x128xi32>
    %eq3A_2036 = arith.cmpi eq, %and3A_2033, %eq3A_2035 : vector<512x128xi32>
    %eq3A_2037 = arith.xori %eq3A_2036, %eq3A_2030 : vector<512x128xi1>
    %eq3A_2038 = arith.constant dense<true> : vector<512x128xi1>
    %eq3A_2039 = arith.xori %eq3A_2037, %eq3A_2038 : vector<512x128xi1>
    %max3A_2040 = arith.maximumf %select_n3A_2013, %select_n3A_2024 : vector<512x128xf32>
    %min3A_2041 = arith.minimumf %select_n3A_2013, %select_n3A_2024 : vector<512x128xf32>
    %select_n3A_2042 = arith.select %eq3A_2039, %max3A_2040, %min3A_2041 : vector<512x128xi1>, vector<512x128xf32>
    %roll3A_2043 = arith.constant 511 : i32
    %roll3A_2044 = tpu.dynamic_rotate %select_n3A_2042 by %roll3A_2043 dim 0 : vector<512x128xf32>, i32 -> vector<512x128xf32>
    %roll3A_2045 = arith.constant 1 : i32
    %roll3A_2046 = tpu.dynamic_rotate %select_n3A_2042 by %roll3A_2045 dim 0 : vector<512x128xf32>, i32 -> vector<512x128xf32>
    %and3A_2047 = arith.constant 1 : i32
    %and3A_2048 = vector.broadcast %and3A_2047 : i32 to vector<512x128xi32>
    %and3A_2049 = arith.andi %and3A_12, %and3A_2048 : vector<512x128xi32>
    %eq3A_2050 = arith.constant 0 : i32
    %eq3A_2051 = vector.broadcast %eq3A_2050 : i32 to vector<512x128xi32>
    %eq3A_2052 = arith.cmpi eq, %and3A_2049, %eq3A_2051 : vector<512x128xi32>
    %select_n3A_2053 = arith.select %eq3A_2052, %roll3A_2044, %roll3A_2046 : vector<512x128xi1>, vector<512x128xf32>
    %and3A_2054 = arith.constant 128 : i32
    %and3A_2055 = vector.broadcast %and3A_2054 : i32 to vector<512x128xi32>
    %and3A_2056 = arith.andi %add3A, %and3A_2055 : vector<512x128xi32>
    %eq3A_2057 = arith.constant 0 : i32
    %eq3A_2058 = vector.broadcast %eq3A_2057 : i32 to vector<512x128xi32>
    %eq3A_2059 = arith.cmpi eq, %and3A_2056, %eq3A_2058 : vector<512x128xi32>
    %and3A_2060 = arith.constant 4096 : i32
    %and3A_2061 = vector.broadcast %and3A_2060 : i32 to vector<512x128xi32>
    %and3A_2062 = arith.andi %add3A, %and3A_2061 : vector<512x128xi32>
    %eq3A_2063 = arith.constant 0 : i32
    %eq3A_2064 = vector.broadcast %eq3A_2063 : i32 to vector<512x128xi32>
    %eq3A_2065 = arith.cmpi eq, %and3A_2062, %eq3A_2064 : vector<512x128xi32>
    %eq3A_2066 = arith.xori %eq3A_2065, %eq3A_2059 : vector<512x128xi1>
    %eq3A_2067 = arith.constant dense<true> : vector<512x128xi1>
    %eq3A_2068 = arith.xori %eq3A_2066, %eq3A_2067 : vector<512x128xi1>
    %max3A_2069 = arith.maximumf %select_n3A_2042, %select_n3A_2053 : vector<512x128xf32>
    %min3A_2070 = arith.minimumf %select_n3A_2042, %select_n3A_2053 : vector<512x128xf32>
    %select_n3A_2071 = arith.select %eq3A_2068, %max3A_2069, %min3A_2070 : vector<512x128xi1>, vector<512x128xf32>
    %roll3A_2072 = arith.constant 64 : i32
    %roll3A_2073 = tpu.dynamic_rotate %select_n3A_2071 by %roll3A_2072 dim 1 : vector<512x128xf32>, i32 -> vector<512x128xf32>
    %roll3A_2074 = arith.constant 64 : i32
    %roll3A_2075 = tpu.dynamic_rotate %select_n3A_2071 by %roll3A_2074 dim 1 : vector<512x128xf32>, i32 -> vector<512x128xf32>
    %and3A_2076 = arith.constant 64 : i32
    %and3A_2077 = vector.broadcast %and3A_2076 : i32 to vector<512x128xi32>
    %and3A_2078 = arith.andi %iota3A_13, %and3A_2077 : vector<512x128xi32>
    %eq3A_2079 = arith.constant 0 : i32
    %eq3A_2080 = vector.broadcast %eq3A_2079 : i32 to vector<512x128xi32>
    %eq3A_2081 = arith.cmpi eq, %and3A_2078, %eq3A_2080 : vector<512x128xi32>
    %select_n3A_2082 = arith.select %eq3A_2081, %roll3A_2073, %roll3A_2075 : vector<512x128xi1>, vector<512x128xf32>
    %and3A_2083 = arith.constant 64 : i32
    %and3A_2084 = vector.broadcast %and3A_2083 : i32 to vector<512x128xi32>
    %and3A_2085 = arith.andi %add3A, %and3A_2084 : vector<512x128xi32>
    %eq3A_2086 = arith.constant 0 : i32
    %eq3A_2087 = vector.broadcast %eq3A_2086 : i32 to vector<512x128xi32>
    %eq3A_2088 = arith.cmpi eq, %and3A_2085, %eq3A_2087 : vector<512x128xi32>
    %and3A_2089 = arith.constant 4096 : i32
    %and3A_2090 = vector.broadcast %and3A_2089 : i32 to vector<512x128xi32>
    %and3A_2091 = arith.andi %add3A, %and3A_2090 : vector<512x128xi32>
    %eq3A_2092 = arith.constant 0 : i32
    %eq3A_2093 = vector.broadcast %eq3A_2092 : i32 to vector<512x128xi32>
    %eq3A_2094 = arith.cmpi eq, %and3A_2091, %eq3A_2093 : vector<512x128xi32>
    %eq3A_2095 = arith.xori %eq3A_2094, %eq3A_2088 : vector<512x128xi1>
    %eq3A_2096 = arith.constant dense<true> : vector<512x128xi1>
    %eq3A_2097 = arith.xori %eq3A_2095, %eq3A_2096 : vector<512x128xi1>
    %max3A_2098 = arith.maximumf %select_n3A_2071, %select_n3A_2082 : vector<512x128xf32>
    %min3A_2099 = arith.minimumf %select_n3A_2071, %select_n3A_2082 : vector<512x128xf32>
    %select_n3A_2100 = arith.select %eq3A_2097, %max3A_2098, %min3A_2099 : vector<512x128xi1>, vector<512x128xf32>
    %roll3A_2101 = arith.constant 96 : i32
    %roll3A_2102 = tpu.dynamic_rotate %select_n3A_2100 by %roll3A_2101 dim 1 : vector<512x128xf32>, i32 -> vector<512x128xf32>
    %roll3A_2103 = arith.constant 32 : i32
    %roll3A_2104 = tpu.dynamic_rotate %select_n3A_2100 by %roll3A_2103 dim 1 : vector<512x128xf32>, i32 -> vector<512x128xf32>
    %and3A_2105 = arith.constant 32 : i32
    %and3A_2106 = vector.broadcast %and3A_2105 : i32 to vector<512x128xi32>
    %and3A_2107 = arith.andi %iota3A_13, %and3A_2106 : vector<512x128xi32>
    %eq3A_2108 = arith.constant 0 : i32
    %eq3A_2109 = vector.broadcast %eq3A_2108 : i32 to vector<512x128xi32>
    %eq3A_2110 = arith.cmpi eq, %and3A_2107, %eq3A_2109 : vector<512x128xi32>
    %select_n3A_2111 = arith.select %eq3A_2110, %roll3A_2102, %roll3A_2104 : vector<512x128xi1>, vector<512x128xf32>
    %and3A_2112 = arith.constant 32 : i32
    %and3A_2113 = vector.broadcast %and3A_2112 : i32 to vector<512x128xi32>
    %and3A_2114 = arith.andi %add3A, %and3A_2113 : vector<512x128xi32>
    %eq3A_2115 = arith.constant 0 : i32
    %eq3A_2116 = vector.broadcast %eq3A_2115 : i32 to vector<512x128xi32>
    %eq3A_2117 = arith.cmpi eq, %and3A_2114, %eq3A_2116 : vector<512x128xi32>
    %and3A_2118 = arith.constant 4096 : i32
    %and3A_2119 = vector.broadcast %and3A_2118 : i32 to vector<512x128xi32>
    %and3A_2120 = arith.andi %add3A, %and3A_2119 : vector<512x128xi32>
    %eq3A_2121 = arith.constant 0 : i32
    %eq3A_2122 = vector.broadcast %eq3A_2121 : i32 to vector<512x128xi32>
    %eq3A_2123 = arith.cmpi eq, %and3A_2120, %eq3A_2122 : vector<512x128xi32>
    %eq3A_2124 = arith.xori %eq3A_2123, %eq3A_2117 : vector<512x128xi1>
    %eq3A_2125 = arith.constant dense<true> : vector<512x128xi1>
    %eq3A_2126 = arith.xori %eq3A_2124, %eq3A_2125 : vector<512x128xi1>
    %max3A_2127 = arith.maximumf %select_n3A_2100, %select_n3A_2111 : vector<512x128xf32>
    %min3A_2128 = arith.minimumf %select_n3A_2100, %select_n3A_2111 : vector<512x128xf32>
    %select_n3A_2129 = arith.select %eq3A_2126, %max3A_2127, %min3A_2128 : vector<512x128xi1>, vector<512x128xf32>
    %roll3A_2130 = arith.constant 112 : i32
    %roll3A_2131 = tpu.dynamic_rotate %select_n3A_2129 by %roll3A_2130 dim 1 : vector<512x128xf32>, i32 -> vector<512x128xf32>
    %roll3A_2132 = arith.constant 16 : i32
    %roll3A_2133 = tpu.dynamic_rotate %select_n3A_2129 by %roll3A_2132 dim 1 : vector<512x128xf32>, i32 -> vector<512x128xf32>
    %and3A_2134 = arith.constant 16 : i32
    %and3A_2135 = vector.broadcast %and3A_2134 : i32 to vector<512x128xi32>
    %and3A_2136 = arith.andi %iota3A_13, %and3A_2135 : vector<512x128xi32>
    %eq3A_2137 = arith.constant 0 : i32
    %eq3A_2138 = vector.broadcast %eq3A_2137 : i32 to vector<512x128xi32>
    %eq3A_2139 = arith.cmpi eq, %and3A_2136, %eq3A_2138 : vector<512x128xi32>
    %select_n3A_2140 = arith.select %eq3A_2139, %roll3A_2131, %roll3A_2133 : vector<512x128xi1>, vector<512x128xf32>
    %and3A_2141 = arith.constant 16 : i32
    %and3A_2142 = vector.broadcast %and3A_2141 : i32 to vector<512x128xi32>
    %and3A_2143 = arith.andi %add3A, %and3A_2142 : vector<512x128xi32>
    %eq3A_2144 = arith.constant 0 : i32
    %eq3A_2145 = vector.broadcast %eq3A_2144 : i32 to vector<512x128xi32>
    %eq3A_2146 = arith.cmpi eq, %and3A_2143, %eq3A_2145 : vector<512x128xi32>
    %and3A_2147 = arith.constant 4096 : i32
    %and3A_2148 = vector.broadcast %and3A_2147 : i32 to vector<512x128xi32>
    %and3A_2149 = arith.andi %add3A, %and3A_2148 : vector<512x128xi32>
    %eq3A_2150 = arith.constant 0 : i32
    %eq3A_2151 = vector.broadcast %eq3A_2150 : i32 to vector<512x128xi32>
    %eq3A_2152 = arith.cmpi eq, %and3A_2149, %eq3A_2151 : vector<512x128xi32>
    %eq3A_2153 = arith.xori %eq3A_2152, %eq3A_2146 : vector<512x128xi1>
    %eq3A_2154 = arith.constant dense<true> : vector<512x128xi1>
    %eq3A_2155 = arith.xori %eq3A_2153, %eq3A_2154 : vector<512x128xi1>
    %max3A_2156 = arith.maximumf %select_n3A_2129, %select_n3A_2140 : vector<512x128xf32>
    %min3A_2157 = arith.minimumf %select_n3A_2129, %select_n3A_2140 : vector<512x128xf32>
    %select_n3A_2158 = arith.select %eq3A_2155, %max3A_2156, %min3A_2157 : vector<512x128xi1>, vector<512x128xf32>
    %roll3A_2159 = arith.constant 120 : i32
    %roll3A_2160 = tpu.dynamic_rotate %select_n3A_2158 by %roll3A_2159 dim 1 : vector<512x128xf32>, i32 -> vector<512x128xf32>
    %roll3A_2161 = arith.constant 8 : i32
    %roll3A_2162 = tpu.dynamic_rotate %select_n3A_2158 by %roll3A_2161 dim 1 : vector<512x128xf32>, i32 -> vector<512x128xf32>
    %and3A_2163 = arith.constant 8 : i32
    %and3A_2164 = vector.broadcast %and3A_2163 : i32 to vector<512x128xi32>
    %and3A_2165 = arith.andi %iota3A_13, %and3A_2164 : vector<512x128xi32>
    %eq3A_2166 = arith.constant 0 : i32
    %eq3A_2167 = vector.broadcast %eq3A_2166 : i32 to vector<512x128xi32>
    %eq3A_2168 = arith.cmpi eq, %and3A_2165, %eq3A_2167 : vector<512x128xi32>
    %select_n3A_2169 = arith.select %eq3A_2168, %roll3A_2160, %roll3A_2162 : vector<512x128xi1>, vector<512x128xf32>
    %and3A_2170 = arith.constant 8 : i32
    %and3A_2171 = vector.broadcast %and3A_2170 : i32 to vector<512x128xi32>
    %and3A_2172 = arith.andi %add3A, %and3A_2171 : vector<512x128xi32>
    %eq3A_2173 = arith.constant 0 : i32
    %eq3A_2174 = vector.broadcast %eq3A_2173 : i32 to vector<512x128xi32>
    %eq3A_2175 = arith.cmpi eq, %and3A_2172, %eq3A_2174 : vector<512x128xi32>
    %and3A_2176 = arith.constant 4096 : i32
    %and3A_2177 = vector.broadcast %and3A_2176 : i32 to vector<512x128xi32>
    %and3A_2178 = arith.andi %add3A, %and3A_2177 : vector<512x128xi32>
    %eq3A_2179 = arith.constant 0 : i32
    %eq3A_2180 = vector.broadcast %eq3A_2179 : i32 to vector<512x128xi32>
    %eq3A_2181 = arith.cmpi eq, %and3A_2178, %eq3A_2180 : vector<512x128xi32>
    %eq3A_2182 = arith.xori %eq3A_2181, %eq3A_2175 : vector<512x128xi1>
    %eq3A_2183 = arith.constant dense<true> : vector<512x128xi1>
    %eq3A_2184 = arith.xori %eq3A_2182, %eq3A_2183 : vector<512x128xi1>
    %max3A_2185 = arith.maximumf %select_n3A_2158, %select_n3A_2169 : vector<512x128xf32>
    %min3A_2186 = arith.minimumf %select_n3A_2158, %select_n3A_2169 : vector<512x128xf32>
    %select_n3A_2187 = arith.select %eq3A_2184, %max3A_2185, %min3A_2186 : vector<512x128xi1>, vector<512x128xf32>
    %roll3A_2188 = arith.constant 124 : i32
    %roll3A_2189 = tpu.dynamic_rotate %select_n3A_2187 by %roll3A_2188 dim 1 : vector<512x128xf32>, i32 -> vector<512x128xf32>
    %roll3A_2190 = arith.constant 4 : i32
    %roll3A_2191 = tpu.dynamic_rotate %select_n3A_2187 by %roll3A_2190 dim 1 : vector<512x128xf32>, i32 -> vector<512x128xf32>
    %and3A_2192 = arith.constant 4 : i32
    %and3A_2193 = vector.broadcast %and3A_2192 : i32 to vector<512x128xi32>
    %and3A_2194 = arith.andi %iota3A_13, %and3A_2193 : vector<512x128xi32>
    %eq3A_2195 = arith.constant 0 : i32
    %eq3A_2196 = vector.broadcast %eq3A_2195 : i32 to vector<512x128xi32>
    %eq3A_2197 = arith.cmpi eq, %and3A_2194, %eq3A_2196 : vector<512x128xi32>
    %select_n3A_2198 = arith.select %eq3A_2197, %roll3A_2189, %roll3A_2191 : vector<512x128xi1>, vector<512x128xf32>
    %and3A_2199 = arith.constant 4 : i32
    %and3A_2200 = vector.broadcast %and3A_2199 : i32 to vector<512x128xi32>
    %and3A_2201 = arith.andi %add3A, %and3A_2200 : vector<512x128xi32>
    %eq3A_2202 = arith.constant 0 : i32
    %eq3A_2203 = vector.broadcast %eq3A_2202 : i32 to vector<512x128xi32>
    %eq3A_2204 = arith.cmpi eq, %and3A_2201, %eq3A_2203 : vector<512x128xi32>
    %and3A_2205 = arith.constant 4096 : i32
    %and3A_2206 = vector.broadcast %and3A_2205 : i32 to vector<512x128xi32>
    %and3A_2207 = arith.andi %add3A, %and3A_2206 : vector<512x128xi32>
    %eq3A_2208 = arith.constant 0 : i32
    %eq3A_2209 = vector.broadcast %eq3A_2208 : i32 to vector<512x128xi32>
    %eq3A_2210 = arith.cmpi eq, %and3A_2207, %eq3A_2209 : vector<512x128xi32>
    %eq3A_2211 = arith.xori %eq3A_2210, %eq3A_2204 : vector<512x128xi1>
    %eq3A_2212 = arith.constant dense<true> : vector<512x128xi1>
    %eq3A_2213 = arith.xori %eq3A_2211, %eq3A_2212 : vector<512x128xi1>
    %max3A_2214 = arith.maximumf %select_n3A_2187, %select_n3A_2198 : vector<512x128xf32>
    %min3A_2215 = arith.minimumf %select_n3A_2187, %select_n3A_2198 : vector<512x128xf32>
    %select_n3A_2216 = arith.select %eq3A_2213, %max3A_2214, %min3A_2215 : vector<512x128xi1>, vector<512x128xf32>
    %roll3A_2217 = arith.constant 126 : i32
    %roll3A_2218 = tpu.dynamic_rotate %select_n3A_2216 by %roll3A_2217 dim 1 : vector<512x128xf32>, i32 -> vector<512x128xf32>
    %roll3A_2219 = arith.constant 2 : i32
    %roll3A_2220 = tpu.dynamic_rotate %select_n3A_2216 by %roll3A_2219 dim 1 : vector<512x128xf32>, i32 -> vector<512x128xf32>
    %and3A_2221 = arith.constant 2 : i32
    %and3A_2222 = vector.broadcast %and3A_2221 : i32 to vector<512x128xi32>
    %and3A_2223 = arith.andi %iota3A_13, %and3A_2222 : vector<512x128xi32>
    %eq3A_2224 = arith.constant 0 : i32
    %eq3A_2225 = vector.broadcast %eq3A_2224 : i32 to vector<512x128xi32>
    %eq3A_2226 = arith.cmpi eq, %and3A_2223, %eq3A_2225 : vector<512x128xi32>
    %select_n3A_2227 = arith.select %eq3A_2226, %roll3A_2218, %roll3A_2220 : vector<512x128xi1>, vector<512x128xf32>
    %and3A_2228 = arith.constant 2 : i32
    %and3A_2229 = vector.broadcast %and3A_2228 : i32 to vector<512x128xi32>
    %and3A_2230 = arith.andi %add3A, %and3A_2229 : vector<512x128xi32>
    %eq3A_2231 = arith.constant 0 : i32
    %eq3A_2232 = vector.broadcast %eq3A_2231 : i32 to vector<512x128xi32>
    %eq3A_2233 = arith.cmpi eq, %and3A_2230, %eq3A_2232 : vector<512x128xi32>
    %and3A_2234 = arith.constant 4096 : i32
    %and3A_2235 = vector.broadcast %and3A_2234 : i32 to vector<512x128xi32>
    %and3A_2236 = arith.andi %add3A, %and3A_2235 : vector<512x128xi32>
    %eq3A_2237 = arith.constant 0 : i32
    %eq3A_2238 = vector.broadcast %eq3A_2237 : i32 to vector<512x128xi32>
    %eq3A_2239 = arith.cmpi eq, %and3A_2236, %eq3A_2238 : vector<512x128xi32>
    %eq3A_2240 = arith.xori %eq3A_2239, %eq3A_2233 : vector<512x128xi1>
    %eq3A_2241 = arith.constant dense<true> : vector<512x128xi1>
    %eq3A_2242 = arith.xori %eq3A_2240, %eq3A_2241 : vector<512x128xi1>
    %max3A_2243 = arith.maximumf %select_n3A_2216, %select_n3A_2227 : vector<512x128xf32>
    %min3A_2244 = arith.minimumf %select_n3A_2216, %select_n3A_2227 : vector<512x128xf32>
    %select_n3A_2245 = arith.select %eq3A_2242, %max3A_2243, %min3A_2244 : vector<512x128xi1>, vector<512x128xf32>
    %roll3A_2246 = arith.constant 127 : i32
    %roll3A_2247 = tpu.dynamic_rotate %select_n3A_2245 by %roll3A_2246 dim 1 : vector<512x128xf32>, i32 -> vector<512x128xf32>
    %roll3A_2248 = arith.constant 1 : i32
    %roll3A_2249 = tpu.dynamic_rotate %select_n3A_2245 by %roll3A_2248 dim 1 : vector<512x128xf32>, i32 -> vector<512x128xf32>
    %and3A_2250 = arith.constant 1 : i32
    %and3A_2251 = vector.broadcast %and3A_2250 : i32 to vector<512x128xi32>
    %and3A_2252 = arith.andi %iota3A_13, %and3A_2251 : vector<512x128xi32>
    %eq3A_2253 = arith.constant 0 : i32
    %eq3A_2254 = vector.broadcast %eq3A_2253 : i32 to vector<512x128xi32>
    %eq3A_2255 = arith.cmpi eq, %and3A_2252, %eq3A_2254 : vector<512x128xi32>
    %select_n3A_2256 = arith.select %eq3A_2255, %roll3A_2247, %roll3A_2249 : vector<512x128xi1>, vector<512x128xf32>
    %and3A_2257 = arith.constant 1 : i32
    %and3A_2258 = vector.broadcast %and3A_2257 : i32 to vector<512x128xi32>
    %and3A_2259 = arith.andi %add3A, %and3A_2258 : vector<512x128xi32>
    %eq3A_2260 = arith.constant 0 : i32
    %eq3A_2261 = vector.broadcast %eq3A_2260 : i32 to vector<512x128xi32>
    %eq3A_2262 = arith.cmpi eq, %and3A_2259, %eq3A_2261 : vector<512x128xi32>
    %and3A_2263 = arith.constant 4096 : i32
    %and3A_2264 = vector.broadcast %and3A_2263 : i32 to vector<512x128xi32>
    %and3A_2265 = arith.andi %add3A, %and3A_2264 : vector<512x128xi32>
    %eq3A_2266 = arith.constant 0 : i32
    %eq3A_2267 = vector.broadcast %eq3A_2266 : i32 to vector<512x128xi32>
    %eq3A_2268 = arith.cmpi eq, %and3A_2265, %eq3A_2267 : vector<512x128xi32>
    %eq3A_2269 = arith.xori %eq3A_2268, %eq3A_2262 : vector<512x128xi1>
    %eq3A_2270 = arith.constant dense<true> : vector<512x128xi1>
    %eq3A_2271 = arith.xori %eq3A_2269, %eq3A_2270 : vector<512x128xi1>
    %max3A_2272 = arith.maximumf %select_n3A_2245, %select_n3A_2256 : vector<512x128xf32>
    %min3A_2273 = arith.minimumf %select_n3A_2245, %select_n3A_2256 : vector<512x128xf32>
    %select_n3A_2274 = arith.select %eq3A_2271, %max3A_2272, %min3A_2273 : vector<512x128xi1>, vector<512x128xf32>
    %roll3A_2275 = arith.constant 480 : i32
    %roll3A_2276 = tpu.dynamic_rotate %select_n3A_2274 by %roll3A_2275 dim 0 : vector<512x128xf32>, i32 -> vector<512x128xf32>
    %roll3A_2277 = arith.constant 32 : i32
    %roll3A_2278 = tpu.dynamic_rotate %select_n3A_2274 by %roll3A_2277 dim 0 : vector<512x128xf32>, i32 -> vector<512x128xf32>
    %and3A_2279 = arith.constant 32 : i32
    %and3A_2280 = vector.broadcast %and3A_2279 : i32 to vector<512x128xi32>
    %and3A_2281 = arith.andi %and3A_12, %and3A_2280 : vector<512x128xi32>
    %eq3A_2282 = arith.constant 0 : i32
    %eq3A_2283 = vector.broadcast %eq3A_2282 : i32 to vector<512x128xi32>
    %eq3A_2284 = arith.cmpi eq, %and3A_2281, %eq3A_2283 : vector<512x128xi32>
    %select_n3A_2285 = arith.select %eq3A_2284, %roll3A_2276, %roll3A_2278 : vector<512x128xi1>, vector<512x128xf32>
    %and3A_2286 = arith.constant 4096 : i32
    %and3A_2287 = vector.broadcast %and3A_2286 : i32 to vector<512x128xi32>
    %and3A_2288 = arith.andi %add3A, %and3A_2287 : vector<512x128xi32>
    %eq3A_2289 = arith.constant 0 : i32
    %eq3A_2290 = vector.broadcast %eq3A_2289 : i32 to vector<512x128xi32>
    %eq3A_2291 = arith.cmpi eq, %and3A_2288, %eq3A_2290 : vector<512x128xi32>
    %and3A_2292 = arith.constant 8192 : i32
    %and3A_2293 = vector.broadcast %and3A_2292 : i32 to vector<512x128xi32>
    %and3A_2294 = arith.andi %add3A, %and3A_2293 : vector<512x128xi32>
    %eq3A_2295 = arith.constant 0 : i32
    %eq3A_2296 = vector.broadcast %eq3A_2295 : i32 to vector<512x128xi32>
    %eq3A_2297 = arith.cmpi eq, %and3A_2294, %eq3A_2296 : vector<512x128xi32>
    %eq3A_2298 = arith.xori %eq3A_2297, %eq3A_2291 : vector<512x128xi1>
    %eq3A_2299 = arith.constant dense<true> : vector<512x128xi1>
    %eq3A_2300 = arith.xori %eq3A_2298, %eq3A_2299 : vector<512x128xi1>
    %max3A_2301 = arith.maximumf %select_n3A_2274, %select_n3A_2285 : vector<512x128xf32>
    %min3A_2302 = arith.minimumf %select_n3A_2274, %select_n3A_2285 : vector<512x128xf32>
    %select_n3A_2303 = arith.select %eq3A_2300, %max3A_2301, %min3A_2302 : vector<512x128xi1>, vector<512x128xf32>
    %roll3A_2304 = arith.constant 496 : i32
    %roll3A_2305 = tpu.dynamic_rotate %select_n3A_2303 by %roll3A_2304 dim 0 : vector<512x128xf32>, i32 -> vector<512x128xf32>
    %roll3A_2306 = arith.constant 16 : i32
    %roll3A_2307 = tpu.dynamic_rotate %select_n3A_2303 by %roll3A_2306 dim 0 : vector<512x128xf32>, i32 -> vector<512x128xf32>
    %and3A_2308 = arith.constant 16 : i32
    %and3A_2309 = vector.broadcast %and3A_2308 : i32 to vector<512x128xi32>
    %and3A_2310 = arith.andi %and3A_12, %and3A_2309 : vector<512x128xi32>
    %eq3A_2311 = arith.constant 0 : i32
    %eq3A_2312 = vector.broadcast %eq3A_2311 : i32 to vector<512x128xi32>
    %eq3A_2313 = arith.cmpi eq, %and3A_2310, %eq3A_2312 : vector<512x128xi32>
    %select_n3A_2314 = arith.select %eq3A_2313, %roll3A_2305, %roll3A_2307 : vector<512x128xi1>, vector<512x128xf32>
    %and3A_2315 = arith.constant 2048 : i32
    %and3A_2316 = vector.broadcast %and3A_2315 : i32 to vector<512x128xi32>
    %and3A_2317 = arith.andi %add3A, %and3A_2316 : vector<512x128xi32>
    %eq3A_2318 = arith.constant 0 : i32
    %eq3A_2319 = vector.broadcast %eq3A_2318 : i32 to vector<512x128xi32>
    %eq3A_2320 = arith.cmpi eq, %and3A_2317, %eq3A_2319 : vector<512x128xi32>
    %and3A_2321 = arith.constant 8192 : i32
    %and3A_2322 = vector.broadcast %and3A_2321 : i32 to vector<512x128xi32>
    %and3A_2323 = arith.andi %add3A, %and3A_2322 : vector<512x128xi32>
    %eq3A_2324 = arith.constant 0 : i32
    %eq3A_2325 = vector.broadcast %eq3A_2324 : i32 to vector<512x128xi32>
    %eq3A_2326 = arith.cmpi eq, %and3A_2323, %eq3A_2325 : vector<512x128xi32>
    %eq3A_2327 = arith.xori %eq3A_2326, %eq3A_2320 : vector<512x128xi1>
    %eq3A_2328 = arith.constant dense<true> : vector<512x128xi1>
    %eq3A_2329 = arith.xori %eq3A_2327, %eq3A_2328 : vector<512x128xi1>
    %max3A_2330 = arith.maximumf %select_n3A_2303, %select_n3A_2314 : vector<512x128xf32>
    %min3A_2331 = arith.minimumf %select_n3A_2303, %select_n3A_2314 : vector<512x128xf32>
    %select_n3A_2332 = arith.select %eq3A_2329, %max3A_2330, %min3A_2331 : vector<512x128xi1>, vector<512x128xf32>
    %roll3A_2333 = arith.constant 504 : i32
    %roll3A_2334 = tpu.dynamic_rotate %select_n3A_2332 by %roll3A_2333 dim 0 : vector<512x128xf32>, i32 -> vector<512x128xf32>
    %roll3A_2335 = arith.constant 8 : i32
    %roll3A_2336 = tpu.dynamic_rotate %select_n3A_2332 by %roll3A_2335 dim 0 : vector<512x128xf32>, i32 -> vector<512x128xf32>
    %and3A_2337 = arith.constant 8 : i32
    %and3A_2338 = vector.broadcast %and3A_2337 : i32 to vector<512x128xi32>
    %and3A_2339 = arith.andi %and3A_12, %and3A_2338 : vector<512x128xi32>
    %eq3A_2340 = arith.constant 0 : i32
    %eq3A_2341 = vector.broadcast %eq3A_2340 : i32 to vector<512x128xi32>
    %eq3A_2342 = arith.cmpi eq, %and3A_2339, %eq3A_2341 : vector<512x128xi32>
    %select_n3A_2343 = arith.select %eq3A_2342, %roll3A_2334, %roll3A_2336 : vector<512x128xi1>, vector<512x128xf32>
    %and3A_2344 = arith.constant 1024 : i32
    %and3A_2345 = vector.broadcast %and3A_2344 : i32 to vector<512x128xi32>
    %and3A_2346 = arith.andi %add3A, %and3A_2345 : vector<512x128xi32>
    %eq3A_2347 = arith.constant 0 : i32
    %eq3A_2348 = vector.broadcast %eq3A_2347 : i32 to vector<512x128xi32>
    %eq3A_2349 = arith.cmpi eq, %and3A_2346, %eq3A_2348 : vector<512x128xi32>
    %and3A_2350 = arith.constant 8192 : i32
    %and3A_2351 = vector.broadcast %and3A_2350 : i32 to vector<512x128xi32>
    %and3A_2352 = arith.andi %add3A, %and3A_2351 : vector<512x128xi32>
    %eq3A_2353 = arith.constant 0 : i32
    %eq3A_2354 = vector.broadcast %eq3A_2353 : i32 to vector<512x128xi32>
    %eq3A_2355 = arith.cmpi eq, %and3A_2352, %eq3A_2354 : vector<512x128xi32>
    %eq3A_2356 = arith.xori %eq3A_2355, %eq3A_2349 : vector<512x128xi1>
    %eq3A_2357 = arith.constant dense<true> : vector<512x128xi1>
    %eq3A_2358 = arith.xori %eq3A_2356, %eq3A_2357 : vector<512x128xi1>
    %max3A_2359 = arith.maximumf %select_n3A_2332, %select_n3A_2343 : vector<512x128xf32>
    %min3A_2360 = arith.minimumf %select_n3A_2332, %select_n3A_2343 : vector<512x128xf32>
    %select_n3A_2361 = arith.select %eq3A_2358, %max3A_2359, %min3A_2360 : vector<512x128xi1>, vector<512x128xf32>
    %roll3A_2362 = arith.constant 508 : i32
    %roll3A_2363 = tpu.dynamic_rotate %select_n3A_2361 by %roll3A_2362 dim 0 : vector<512x128xf32>, i32 -> vector<512x128xf32>
    %roll3A_2364 = arith.constant 4 : i32
    %roll3A_2365 = tpu.dynamic_rotate %select_n3A_2361 by %roll3A_2364 dim 0 : vector<512x128xf32>, i32 -> vector<512x128xf32>
    %and3A_2366 = arith.constant 4 : i32
    %and3A_2367 = vector.broadcast %and3A_2366 : i32 to vector<512x128xi32>
    %and3A_2368 = arith.andi %and3A_12, %and3A_2367 : vector<512x128xi32>
    %eq3A_2369 = arith.constant 0 : i32
    %eq3A_2370 = vector.broadcast %eq3A_2369 : i32 to vector<512x128xi32>
    %eq3A_2371 = arith.cmpi eq, %and3A_2368, %eq3A_2370 : vector<512x128xi32>
    %select_n3A_2372 = arith.select %eq3A_2371, %roll3A_2363, %roll3A_2365 : vector<512x128xi1>, vector<512x128xf32>
    %and3A_2373 = arith.constant 512 : i32
    %and3A_2374 = vector.broadcast %and3A_2373 : i32 to vector<512x128xi32>
    %and3A_2375 = arith.andi %add3A, %and3A_2374 : vector<512x128xi32>
    %eq3A_2376 = arith.constant 0 : i32
    %eq3A_2377 = vector.broadcast %eq3A_2376 : i32 to vector<512x128xi32>
    %eq3A_2378 = arith.cmpi eq, %and3A_2375, %eq3A_2377 : vector<512x128xi32>
    %and3A_2379 = arith.constant 8192 : i32
    %and3A_2380 = vector.broadcast %and3A_2379 : i32 to vector<512x128xi32>
    %and3A_2381 = arith.andi %add3A, %and3A_2380 : vector<512x128xi32>
    %eq3A_2382 = arith.constant 0 : i32
    %eq3A_2383 = vector.broadcast %eq3A_2382 : i32 to vector<512x128xi32>
    %eq3A_2384 = arith.cmpi eq, %and3A_2381, %eq3A_2383 : vector<512x128xi32>
    %eq3A_2385 = arith.xori %eq3A_2384, %eq3A_2378 : vector<512x128xi1>
    %eq3A_2386 = arith.constant dense<true> : vector<512x128xi1>
    %eq3A_2387 = arith.xori %eq3A_2385, %eq3A_2386 : vector<512x128xi1>
    %max3A_2388 = arith.maximumf %select_n3A_2361, %select_n3A_2372 : vector<512x128xf32>
    %min3A_2389 = arith.minimumf %select_n3A_2361, %select_n3A_2372 : vector<512x128xf32>
    %select_n3A_2390 = arith.select %eq3A_2387, %max3A_2388, %min3A_2389 : vector<512x128xi1>, vector<512x128xf32>
    %roll3A_2391 = arith.constant 510 : i32
    %roll3A_2392 = tpu.dynamic_rotate %select_n3A_2390 by %roll3A_2391 dim 0 : vector<512x128xf32>, i32 -> vector<512x128xf32>
    %roll3A_2393 = arith.constant 2 : i32
    %roll3A_2394 = tpu.dynamic_rotate %select_n3A_2390 by %roll3A_2393 dim 0 : vector<512x128xf32>, i32 -> vector<512x128xf32>
    %and3A_2395 = arith.constant 2 : i32
    %and3A_2396 = vector.broadcast %and3A_2395 : i32 to vector<512x128xi32>
    %and3A_2397 = arith.andi %and3A_12, %and3A_2396 : vector<512x128xi32>
    %eq3A_2398 = arith.constant 0 : i32
    %eq3A_2399 = vector.broadcast %eq3A_2398 : i32 to vector<512x128xi32>
    %eq3A_2400 = arith.cmpi eq, %and3A_2397, %eq3A_2399 : vector<512x128xi32>
    %select_n3A_2401 = arith.select %eq3A_2400, %roll3A_2392, %roll3A_2394 : vector<512x128xi1>, vector<512x128xf32>
    %and3A_2402 = arith.constant 256 : i32
    %and3A_2403 = vector.broadcast %and3A_2402 : i32 to vector<512x128xi32>
    %and3A_2404 = arith.andi %add3A, %and3A_2403 : vector<512x128xi32>
    %eq3A_2405 = arith.constant 0 : i32
    %eq3A_2406 = vector.broadcast %eq3A_2405 : i32 to vector<512x128xi32>
    %eq3A_2407 = arith.cmpi eq, %and3A_2404, %eq3A_2406 : vector<512x128xi32>
    %and3A_2408 = arith.constant 8192 : i32
    %and3A_2409 = vector.broadcast %and3A_2408 : i32 to vector<512x128xi32>
    %and3A_2410 = arith.andi %add3A, %and3A_2409 : vector<512x128xi32>
    %eq3A_2411 = arith.constant 0 : i32
    %eq3A_2412 = vector.broadcast %eq3A_2411 : i32 to vector<512x128xi32>
    %eq3A_2413 = arith.cmpi eq, %and3A_2410, %eq3A_2412 : vector<512x128xi32>
    %eq3A_2414 = arith.xori %eq3A_2413, %eq3A_2407 : vector<512x128xi1>
    %eq3A_2415 = arith.constant dense<true> : vector<512x128xi1>
    %eq3A_2416 = arith.xori %eq3A_2414, %eq3A_2415 : vector<512x128xi1>
    %max3A_2417 = arith.maximumf %select_n3A_2390, %select_n3A_2401 : vector<512x128xf32>
    %min3A_2418 = arith.minimumf %select_n3A_2390, %select_n3A_2401 : vector<512x128xf32>
    %select_n3A_2419 = arith.select %eq3A_2416, %max3A_2417, %min3A_2418 : vector<512x128xi1>, vector<512x128xf32>
    %roll3A_2420 = arith.constant 511 : i32
    %roll3A_2421 = tpu.dynamic_rotate %select_n3A_2419 by %roll3A_2420 dim 0 : vector<512x128xf32>, i32 -> vector<512x128xf32>
    %roll3A_2422 = arith.constant 1 : i32
    %roll3A_2423 = tpu.dynamic_rotate %select_n3A_2419 by %roll3A_2422 dim 0 : vector<512x128xf32>, i32 -> vector<512x128xf32>
    %and3A_2424 = arith.constant 1 : i32
    %and3A_2425 = vector.broadcast %and3A_2424 : i32 to vector<512x128xi32>
    %and3A_2426 = arith.andi %and3A_12, %and3A_2425 : vector<512x128xi32>
    %eq3A_2427 = arith.constant 0 : i32
    %eq3A_2428 = vector.broadcast %eq3A_2427 : i32 to vector<512x128xi32>
    %eq3A_2429 = arith.cmpi eq, %and3A_2426, %eq3A_2428 : vector<512x128xi32>
    %select_n3A_2430 = arith.select %eq3A_2429, %roll3A_2421, %roll3A_2423 : vector<512x128xi1>, vector<512x128xf32>
    %and3A_2431 = arith.constant 128 : i32
    %and3A_2432 = vector.broadcast %and3A_2431 : i32 to vector<512x128xi32>
    %and3A_2433 = arith.andi %add3A, %and3A_2432 : vector<512x128xi32>
    %eq3A_2434 = arith.constant 0 : i32
    %eq3A_2435 = vector.broadcast %eq3A_2434 : i32 to vector<512x128xi32>
    %eq3A_2436 = arith.cmpi eq, %and3A_2433, %eq3A_2435 : vector<512x128xi32>
    %and3A_2437 = arith.constant 8192 : i32
    %and3A_2438 = vector.broadcast %and3A_2437 : i32 to vector<512x128xi32>
    %and3A_2439 = arith.andi %add3A, %and3A_2438 : vector<512x128xi32>
    %eq3A_2440 = arith.constant 0 : i32
    %eq3A_2441 = vector.broadcast %eq3A_2440 : i32 to vector<512x128xi32>
    %eq3A_2442 = arith.cmpi eq, %and3A_2439, %eq3A_2441 : vector<512x128xi32>
    %eq3A_2443 = arith.xori %eq3A_2442, %eq3A_2436 : vector<512x128xi1>
    %eq3A_2444 = arith.constant dense<true> : vector<512x128xi1>
    %eq3A_2445 = arith.xori %eq3A_2443, %eq3A_2444 : vector<512x128xi1>
    %max3A_2446 = arith.maximumf %select_n3A_2419, %select_n3A_2430 : vector<512x128xf32>
    %min3A_2447 = arith.minimumf %select_n3A_2419, %select_n3A_2430 : vector<512x128xf32>
    %select_n3A_2448 = arith.select %eq3A_2445, %max3A_2446, %min3A_2447 : vector<512x128xi1>, vector<512x128xf32>
    %roll3A_2449 = arith.constant 64 : i32
    %roll3A_2450 = tpu.dynamic_rotate %select_n3A_2448 by %roll3A_2449 dim 1 : vector<512x128xf32>, i32 -> vector<512x128xf32>
    %roll3A_2451 = arith.constant 64 : i32
    %roll3A_2452 = tpu.dynamic_rotate %select_n3A_2448 by %roll3A_2451 dim 1 : vector<512x128xf32>, i32 -> vector<512x128xf32>
    %and3A_2453 = arith.constant 64 : i32
    %and3A_2454 = vector.broadcast %and3A_2453 : i32 to vector<512x128xi32>
    %and3A_2455 = arith.andi %iota3A_13, %and3A_2454 : vector<512x128xi32>
    %eq3A_2456 = arith.constant 0 : i32
    %eq3A_2457 = vector.broadcast %eq3A_2456 : i32 to vector<512x128xi32>
    %eq3A_2458 = arith.cmpi eq, %and3A_2455, %eq3A_2457 : vector<512x128xi32>
    %select_n3A_2459 = arith.select %eq3A_2458, %roll3A_2450, %roll3A_2452 : vector<512x128xi1>, vector<512x128xf32>
    %and3A_2460 = arith.constant 64 : i32
    %and3A_2461 = vector.broadcast %and3A_2460 : i32 to vector<512x128xi32>
    %and3A_2462 = arith.andi %add3A, %and3A_2461 : vector<512x128xi32>
    %eq3A_2463 = arith.constant 0 : i32
    %eq3A_2464 = vector.broadcast %eq3A_2463 : i32 to vector<512x128xi32>
    %eq3A_2465 = arith.cmpi eq, %and3A_2462, %eq3A_2464 : vector<512x128xi32>
    %and3A_2466 = arith.constant 8192 : i32
    %and3A_2467 = vector.broadcast %and3A_2466 : i32 to vector<512x128xi32>
    %and3A_2468 = arith.andi %add3A, %and3A_2467 : vector<512x128xi32>
    %eq3A_2469 = arith.constant 0 : i32
    %eq3A_2470 = vector.broadcast %eq3A_2469 : i32 to vector<512x128xi32>
    %eq3A_2471 = arith.cmpi eq, %and3A_2468, %eq3A_2470 : vector<512x128xi32>
    %eq3A_2472 = arith.xori %eq3A_2471, %eq3A_2465 : vector<512x128xi1>
    %eq3A_2473 = arith.constant dense<true> : vector<512x128xi1>
    %eq3A_2474 = arith.xori %eq3A_2472, %eq3A_2473 : vector<512x128xi1>
    %max3A_2475 = arith.maximumf %select_n3A_2448, %select_n3A_2459 : vector<512x128xf32>
    %min3A_2476 = arith.minimumf %select_n3A_2448, %select_n3A_2459 : vector<512x128xf32>
    %select_n3A_2477 = arith.select %eq3A_2474, %max3A_2475, %min3A_2476 : vector<512x128xi1>, vector<512x128xf32>
    %roll3A_2478 = arith.constant 96 : i32
    %roll3A_2479 = tpu.dynamic_rotate %select_n3A_2477 by %roll3A_2478 dim 1 : vector<512x128xf32>, i32 -> vector<512x128xf32>
    %roll3A_2480 = arith.constant 32 : i32
    %roll3A_2481 = tpu.dynamic_rotate %select_n3A_2477 by %roll3A_2480 dim 1 : vector<512x128xf32>, i32 -> vector<512x128xf32>
    %and3A_2482 = arith.constant 32 : i32
    %and3A_2483 = vector.broadcast %and3A_2482 : i32 to vector<512x128xi32>
    %and3A_2484 = arith.andi %iota3A_13, %and3A_2483 : vector<512x128xi32>
    %eq3A_2485 = arith.constant 0 : i32
    %eq3A_2486 = vector.broadcast %eq3A_2485 : i32 to vector<512x128xi32>
    %eq3A_2487 = arith.cmpi eq, %and3A_2484, %eq3A_2486 : vector<512x128xi32>
    %select_n3A_2488 = arith.select %eq3A_2487, %roll3A_2479, %roll3A_2481 : vector<512x128xi1>, vector<512x128xf32>
    %and3A_2489 = arith.constant 32 : i32
    %and3A_2490 = vector.broadcast %and3A_2489 : i32 to vector<512x128xi32>
    %and3A_2491 = arith.andi %add3A, %and3A_2490 : vector<512x128xi32>
    %eq3A_2492 = arith.constant 0 : i32
    %eq3A_2493 = vector.broadcast %eq3A_2492 : i32 to vector<512x128xi32>
    %eq3A_2494 = arith.cmpi eq, %and3A_2491, %eq3A_2493 : vector<512x128xi32>
    %and3A_2495 = arith.constant 8192 : i32
    %and3A_2496 = vector.broadcast %and3A_2495 : i32 to vector<512x128xi32>
    %and3A_2497 = arith.andi %add3A, %and3A_2496 : vector<512x128xi32>
    %eq3A_2498 = arith.constant 0 : i32
    %eq3A_2499 = vector.broadcast %eq3A_2498 : i32 to vector<512x128xi32>
    %eq3A_2500 = arith.cmpi eq, %and3A_2497, %eq3A_2499 : vector<512x128xi32>
    %eq3A_2501 = arith.xori %eq3A_2500, %eq3A_2494 : vector<512x128xi1>
    %eq3A_2502 = arith.constant dense<true> : vector<512x128xi1>
    %eq3A_2503 = arith.xori %eq3A_2501, %eq3A_2502 : vector<512x128xi1>
    %max3A_2504 = arith.maximumf %select_n3A_2477, %select_n3A_2488 : vector<512x128xf32>
    %min3A_2505 = arith.minimumf %select_n3A_2477, %select_n3A_2488 : vector<512x128xf32>
    %select_n3A_2506 = arith.select %eq3A_2503, %max3A_2504, %min3A_2505 : vector<512x128xi1>, vector<512x128xf32>
    %roll3A_2507 = arith.constant 112 : i32
    %roll3A_2508 = tpu.dynamic_rotate %select_n3A_2506 by %roll3A_2507 dim 1 : vector<512x128xf32>, i32 -> vector<512x128xf32>
    %roll3A_2509 = arith.constant 16 : i32
    %roll3A_2510 = tpu.dynamic_rotate %select_n3A_2506 by %roll3A_2509 dim 1 : vector<512x128xf32>, i32 -> vector<512x128xf32>
    %and3A_2511 = arith.constant 16 : i32
    %and3A_2512 = vector.broadcast %and3A_2511 : i32 to vector<512x128xi32>
    %and3A_2513 = arith.andi %iota3A_13, %and3A_2512 : vector<512x128xi32>
    %eq3A_2514 = arith.constant 0 : i32
    %eq3A_2515 = vector.broadcast %eq3A_2514 : i32 to vector<512x128xi32>
    %eq3A_2516 = arith.cmpi eq, %and3A_2513, %eq3A_2515 : vector<512x128xi32>
    %select_n3A_2517 = arith.select %eq3A_2516, %roll3A_2508, %roll3A_2510 : vector<512x128xi1>, vector<512x128xf32>
    %and3A_2518 = arith.constant 16 : i32
    %and3A_2519 = vector.broadcast %and3A_2518 : i32 to vector<512x128xi32>
    %and3A_2520 = arith.andi %add3A, %and3A_2519 : vector<512x128xi32>
    %eq3A_2521 = arith.constant 0 : i32
    %eq3A_2522 = vector.broadcast %eq3A_2521 : i32 to vector<512x128xi32>
    %eq3A_2523 = arith.cmpi eq, %and3A_2520, %eq3A_2522 : vector<512x128xi32>
    %and3A_2524 = arith.constant 8192 : i32
    %and3A_2525 = vector.broadcast %and3A_2524 : i32 to vector<512x128xi32>
    %and3A_2526 = arith.andi %add3A, %and3A_2525 : vector<512x128xi32>
    %eq3A_2527 = arith.constant 0 : i32
    %eq3A_2528 = vector.broadcast %eq3A_2527 : i32 to vector<512x128xi32>
    %eq3A_2529 = arith.cmpi eq, %and3A_2526, %eq3A_2528 : vector<512x128xi32>
    %eq3A_2530 = arith.xori %eq3A_2529, %eq3A_2523 : vector<512x128xi1>
    %eq3A_2531 = arith.constant dense<true> : vector<512x128xi1>
    %eq3A_2532 = arith.xori %eq3A_2530, %eq3A_2531 : vector<512x128xi1>
    %max3A_2533 = arith.maximumf %select_n3A_2506, %select_n3A_2517 : vector<512x128xf32>
    %min3A_2534 = arith.minimumf %select_n3A_2506, %select_n3A_2517 : vector<512x128xf32>
    %select_n3A_2535 = arith.select %eq3A_2532, %max3A_2533, %min3A_2534 : vector<512x128xi1>, vector<512x128xf32>
    %roll3A_2536 = arith.constant 120 : i32
    %roll3A_2537 = tpu.dynamic_rotate %select_n3A_2535 by %roll3A_2536 dim 1 : vector<512x128xf32>, i32 -> vector<512x128xf32>
    %roll3A_2538 = arith.constant 8 : i32
    %roll3A_2539 = tpu.dynamic_rotate %select_n3A_2535 by %roll3A_2538 dim 1 : vector<512x128xf32>, i32 -> vector<512x128xf32>
    %and3A_2540 = arith.constant 8 : i32
    %and3A_2541 = vector.broadcast %and3A_2540 : i32 to vector<512x128xi32>
    %and3A_2542 = arith.andi %iota3A_13, %and3A_2541 : vector<512x128xi32>
    %eq3A_2543 = arith.constant 0 : i32
    %eq3A_2544 = vector.broadcast %eq3A_2543 : i32 to vector<512x128xi32>
    %eq3A_2545 = arith.cmpi eq, %and3A_2542, %eq3A_2544 : vector<512x128xi32>
    %select_n3A_2546 = arith.select %eq3A_2545, %roll3A_2537, %roll3A_2539 : vector<512x128xi1>, vector<512x128xf32>
    %and3A_2547 = arith.constant 8 : i32
    %and3A_2548 = vector.broadcast %and3A_2547 : i32 to vector<512x128xi32>
    %and3A_2549 = arith.andi %add3A, %and3A_2548 : vector<512x128xi32>
    %eq3A_2550 = arith.constant 0 : i32
    %eq3A_2551 = vector.broadcast %eq3A_2550 : i32 to vector<512x128xi32>
    %eq3A_2552 = arith.cmpi eq, %and3A_2549, %eq3A_2551 : vector<512x128xi32>
    %and3A_2553 = arith.constant 8192 : i32
    %and3A_2554 = vector.broadcast %and3A_2553 : i32 to vector<512x128xi32>
    %and3A_2555 = arith.andi %add3A, %and3A_2554 : vector<512x128xi32>
    %eq3A_2556 = arith.constant 0 : i32
    %eq3A_2557 = vector.broadcast %eq3A_2556 : i32 to vector<512x128xi32>
    %eq3A_2558 = arith.cmpi eq, %and3A_2555, %eq3A_2557 : vector<512x128xi32>
    %eq3A_2559 = arith.xori %eq3A_2558, %eq3A_2552 : vector<512x128xi1>
    %eq3A_2560 = arith.constant dense<true> : vector<512x128xi1>
    %eq3A_2561 = arith.xori %eq3A_2559, %eq3A_2560 : vector<512x128xi1>
    %max3A_2562 = arith.maximumf %select_n3A_2535, %select_n3A_2546 : vector<512x128xf32>
    %min3A_2563 = arith.minimumf %select_n3A_2535, %select_n3A_2546 : vector<512x128xf32>
    %select_n3A_2564 = arith.select %eq3A_2561, %max3A_2562, %min3A_2563 : vector<512x128xi1>, vector<512x128xf32>
    %roll3A_2565 = arith.constant 124 : i32
    %roll3A_2566 = tpu.dynamic_rotate %select_n3A_2564 by %roll3A_2565 dim 1 : vector<512x128xf32>, i32 -> vector<512x128xf32>
    %roll3A_2567 = arith.constant 4 : i32
    %roll3A_2568 = tpu.dynamic_rotate %select_n3A_2564 by %roll3A_2567 dim 1 : vector<512x128xf32>, i32 -> vector<512x128xf32>
    %and3A_2569 = arith.constant 4 : i32
    %and3A_2570 = vector.broadcast %and3A_2569 : i32 to vector<512x128xi32>
    %and3A_2571 = arith.andi %iota3A_13, %and3A_2570 : vector<512x128xi32>
    %eq3A_2572 = arith.constant 0 : i32
    %eq3A_2573 = vector.broadcast %eq3A_2572 : i32 to vector<512x128xi32>
    %eq3A_2574 = arith.cmpi eq, %and3A_2571, %eq3A_2573 : vector<512x128xi32>
    %select_n3A_2575 = arith.select %eq3A_2574, %roll3A_2566, %roll3A_2568 : vector<512x128xi1>, vector<512x128xf32>
    %and3A_2576 = arith.constant 4 : i32
    %and3A_2577 = vector.broadcast %and3A_2576 : i32 to vector<512x128xi32>
    %and3A_2578 = arith.andi %add3A, %and3A_2577 : vector<512x128xi32>
    %eq3A_2579 = arith.constant 0 : i32
    %eq3A_2580 = vector.broadcast %eq3A_2579 : i32 to vector<512x128xi32>
    %eq3A_2581 = arith.cmpi eq, %and3A_2578, %eq3A_2580 : vector<512x128xi32>
    %and3A_2582 = arith.constant 8192 : i32
    %and3A_2583 = vector.broadcast %and3A_2582 : i32 to vector<512x128xi32>
    %and3A_2584 = arith.andi %add3A, %and3A_2583 : vector<512x128xi32>
    %eq3A_2585 = arith.constant 0 : i32
    %eq3A_2586 = vector.broadcast %eq3A_2585 : i32 to vector<512x128xi32>
    %eq3A_2587 = arith.cmpi eq, %and3A_2584, %eq3A_2586 : vector<512x128xi32>
    %eq3A_2588 = arith.xori %eq3A_2587, %eq3A_2581 : vector<512x128xi1>
    %eq3A_2589 = arith.constant dense<true> : vector<512x128xi1>
    %eq3A_2590 = arith.xori %eq3A_2588, %eq3A_2589 : vector<512x128xi1>
    %max3A_2591 = arith.maximumf %select_n3A_2564, %select_n3A_2575 : vector<512x128xf32>
    %min3A_2592 = arith.minimumf %select_n3A_2564, %select_n3A_2575 : vector<512x128xf32>
    %select_n3A_2593 = arith.select %eq3A_2590, %max3A_2591, %min3A_2592 : vector<512x128xi1>, vector<512x128xf32>
    %roll3A_2594 = arith.constant 126 : i32
    %roll3A_2595 = tpu.dynamic_rotate %select_n3A_2593 by %roll3A_2594 dim 1 : vector<512x128xf32>, i32 -> vector<512x128xf32>
    %roll3A_2596 = arith.constant 2 : i32
    %roll3A_2597 = tpu.dynamic_rotate %select_n3A_2593 by %roll3A_2596 dim 1 : vector<512x128xf32>, i32 -> vector<512x128xf32>
    %and3A_2598 = arith.constant 2 : i32
    %and3A_2599 = vector.broadcast %and3A_2598 : i32 to vector<512x128xi32>
    %and3A_2600 = arith.andi %iota3A_13, %and3A_2599 : vector<512x128xi32>
    %eq3A_2601 = arith.constant 0 : i32
    %eq3A_2602 = vector.broadcast %eq3A_2601 : i32 to vector<512x128xi32>
    %eq3A_2603 = arith.cmpi eq, %and3A_2600, %eq3A_2602 : vector<512x128xi32>
    %select_n3A_2604 = arith.select %eq3A_2603, %roll3A_2595, %roll3A_2597 : vector<512x128xi1>, vector<512x128xf32>
    %and3A_2605 = arith.constant 2 : i32
    %and3A_2606 = vector.broadcast %and3A_2605 : i32 to vector<512x128xi32>
    %and3A_2607 = arith.andi %add3A, %and3A_2606 : vector<512x128xi32>
    %eq3A_2608 = arith.constant 0 : i32
    %eq3A_2609 = vector.broadcast %eq3A_2608 : i32 to vector<512x128xi32>
    %eq3A_2610 = arith.cmpi eq, %and3A_2607, %eq3A_2609 : vector<512x128xi32>
    %and3A_2611 = arith.constant 8192 : i32
    %and3A_2612 = vector.broadcast %and3A_2611 : i32 to vector<512x128xi32>
    %and3A_2613 = arith.andi %add3A, %and3A_2612 : vector<512x128xi32>
    %eq3A_2614 = arith.constant 0 : i32
    %eq3A_2615 = vector.broadcast %eq3A_2614 : i32 to vector<512x128xi32>
    %eq3A_2616 = arith.cmpi eq, %and3A_2613, %eq3A_2615 : vector<512x128xi32>
    %eq3A_2617 = arith.xori %eq3A_2616, %eq3A_2610 : vector<512x128xi1>
    %eq3A_2618 = arith.constant dense<true> : vector<512x128xi1>
    %eq3A_2619 = arith.xori %eq3A_2617, %eq3A_2618 : vector<512x128xi1>
    %max3A_2620 = arith.maximumf %select_n3A_2593, %select_n3A_2604 : vector<512x128xf32>
    %min3A_2621 = arith.minimumf %select_n3A_2593, %select_n3A_2604 : vector<512x128xf32>
    %select_n3A_2622 = arith.select %eq3A_2619, %max3A_2620, %min3A_2621 : vector<512x128xi1>, vector<512x128xf32>
    %roll3A_2623 = arith.constant 127 : i32
    %roll3A_2624 = tpu.dynamic_rotate %select_n3A_2622 by %roll3A_2623 dim 1 : vector<512x128xf32>, i32 -> vector<512x128xf32>
    %roll3A_2625 = arith.constant 1 : i32
    %roll3A_2626 = tpu.dynamic_rotate %select_n3A_2622 by %roll3A_2625 dim 1 : vector<512x128xf32>, i32 -> vector<512x128xf32>
    %and3A_2627 = arith.constant 1 : i32
    %and3A_2628 = vector.broadcast %and3A_2627 : i32 to vector<512x128xi32>
    %and3A_2629 = arith.andi %iota3A_13, %and3A_2628 : vector<512x128xi32>
    %eq3A_2630 = arith.constant 0 : i32
    %eq3A_2631 = vector.broadcast %eq3A_2630 : i32 to vector<512x128xi32>
    %eq3A_2632 = arith.cmpi eq, %and3A_2629, %eq3A_2631 : vector<512x128xi32>
    %select_n3A_2633 = arith.select %eq3A_2632, %roll3A_2624, %roll3A_2626 : vector<512x128xi1>, vector<512x128xf32>
    %and3A_2634 = arith.constant 1 : i32
    %and3A_2635 = vector.broadcast %and3A_2634 : i32 to vector<512x128xi32>
    %and3A_2636 = arith.andi %add3A, %and3A_2635 : vector<512x128xi32>
    %eq3A_2637 = arith.constant 0 : i32
    %eq3A_2638 = vector.broadcast %eq3A_2637 : i32 to vector<512x128xi32>
    %eq3A_2639 = arith.cmpi eq, %and3A_2636, %eq3A_2638 : vector<512x128xi32>
    %and3A_2640 = arith.constant 8192 : i32
    %and3A_2641 = vector.broadcast %and3A_2640 : i32 to vector<512x128xi32>
    %and3A_2642 = arith.andi %add3A, %and3A_2641 : vector<512x128xi32>
    %eq3A_2643 = arith.constant 0 : i32
    %eq3A_2644 = vector.broadcast %eq3A_2643 : i32 to vector<512x128xi32>
    %eq3A_2645 = arith.cmpi eq, %and3A_2642, %eq3A_2644 : vector<512x128xi32>
    %eq3A_2646 = arith.xori %eq3A_2645, %eq3A_2639 : vector<512x128xi1>
    %eq3A_2647 = arith.constant dense<true> : vector<512x128xi1>
    %eq3A_2648 = arith.xori %eq3A_2646, %eq3A_2647 : vector<512x128xi1>
    %max3A_2649 = arith.maximumf %select_n3A_2622, %select_n3A_2633 : vector<512x128xf32>
    %min3A_2650 = arith.minimumf %select_n3A_2622, %select_n3A_2633 : vector<512x128xf32>
    %select_n3A_2651 = arith.select %eq3A_2648, %max3A_2649, %min3A_2650 : vector<512x128xi1>, vector<512x128xf32>
    %roll3A_2652 = arith.constant 448 : i32
    %roll3A_2653 = tpu.dynamic_rotate %select_n3A_2651 by %roll3A_2652 dim 0 : vector<512x128xf32>, i32 -> vector<512x128xf32>
    %roll3A_2654 = arith.constant 64 : i32
    %roll3A_2655 = tpu.dynamic_rotate %select_n3A_2651 by %roll3A_2654 dim 0 : vector<512x128xf32>, i32 -> vector<512x128xf32>
    %and3A_2656 = arith.constant 64 : i32
    %and3A_2657 = vector.broadcast %and3A_2656 : i32 to vector<512x128xi32>
    %and3A_2658 = arith.andi %and3A_12, %and3A_2657 : vector<512x128xi32>
    %eq3A_2659 = arith.constant 0 : i32
    %eq3A_2660 = vector.broadcast %eq3A_2659 : i32 to vector<512x128xi32>
    %eq3A_2661 = arith.cmpi eq, %and3A_2658, %eq3A_2660 : vector<512x128xi32>
    %select_n3A_2662 = arith.select %eq3A_2661, %roll3A_2653, %roll3A_2655 : vector<512x128xi1>, vector<512x128xf32>
    %and3A_2663 = arith.constant 8192 : i32
    %and3A_2664 = vector.broadcast %and3A_2663 : i32 to vector<512x128xi32>
    %and3A_2665 = arith.andi %add3A, %and3A_2664 : vector<512x128xi32>
    %eq3A_2666 = arith.constant 0 : i32
    %eq3A_2667 = vector.broadcast %eq3A_2666 : i32 to vector<512x128xi32>
    %eq3A_2668 = arith.cmpi eq, %and3A_2665, %eq3A_2667 : vector<512x128xi32>
    %and3A_2669 = arith.constant 16384 : i32
    %and3A_2670 = vector.broadcast %and3A_2669 : i32 to vector<512x128xi32>
    %and3A_2671 = arith.andi %add3A, %and3A_2670 : vector<512x128xi32>
    %eq3A_2672 = arith.constant 0 : i32
    %eq3A_2673 = vector.broadcast %eq3A_2672 : i32 to vector<512x128xi32>
    %eq3A_2674 = arith.cmpi eq, %and3A_2671, %eq3A_2673 : vector<512x128xi32>
    %eq3A_2675 = arith.xori %eq3A_2674, %eq3A_2668 : vector<512x128xi1>
    %eq3A_2676 = arith.constant dense<true> : vector<512x128xi1>
    %eq3A_2677 = arith.xori %eq3A_2675, %eq3A_2676 : vector<512x128xi1>
    %max3A_2678 = arith.maximumf %select_n3A_2651, %select_n3A_2662 : vector<512x128xf32>
    %min3A_2679 = arith.minimumf %select_n3A_2651, %select_n3A_2662 : vector<512x128xf32>
    %select_n3A_2680 = arith.select %eq3A_2677, %max3A_2678, %min3A_2679 : vector<512x128xi1>, vector<512x128xf32>
    %roll3A_2681 = arith.constant 480 : i32
    %roll3A_2682 = tpu.dynamic_rotate %select_n3A_2680 by %roll3A_2681 dim 0 : vector<512x128xf32>, i32 -> vector<512x128xf32>
    %roll3A_2683 = arith.constant 32 : i32
    %roll3A_2684 = tpu.dynamic_rotate %select_n3A_2680 by %roll3A_2683 dim 0 : vector<512x128xf32>, i32 -> vector<512x128xf32>
    %and3A_2685 = arith.constant 32 : i32
    %and3A_2686 = vector.broadcast %and3A_2685 : i32 to vector<512x128xi32>
    %and3A_2687 = arith.andi %and3A_12, %and3A_2686 : vector<512x128xi32>
    %eq3A_2688 = arith.constant 0 : i32
    %eq3A_2689 = vector.broadcast %eq3A_2688 : i32 to vector<512x128xi32>
    %eq3A_2690 = arith.cmpi eq, %and3A_2687, %eq3A_2689 : vector<512x128xi32>
    %select_n3A_2691 = arith.select %eq3A_2690, %roll3A_2682, %roll3A_2684 : vector<512x128xi1>, vector<512x128xf32>
    %and3A_2692 = arith.constant 4096 : i32
    %and3A_2693 = vector.broadcast %and3A_2692 : i32 to vector<512x128xi32>
    %and3A_2694 = arith.andi %add3A, %and3A_2693 : vector<512x128xi32>
    %eq3A_2695 = arith.constant 0 : i32
    %eq3A_2696 = vector.broadcast %eq3A_2695 : i32 to vector<512x128xi32>
    %eq3A_2697 = arith.cmpi eq, %and3A_2694, %eq3A_2696 : vector<512x128xi32>
    %and3A_2698 = arith.constant 16384 : i32
    %and3A_2699 = vector.broadcast %and3A_2698 : i32 to vector<512x128xi32>
    %and3A_2700 = arith.andi %add3A, %and3A_2699 : vector<512x128xi32>
    %eq3A_2701 = arith.constant 0 : i32
    %eq3A_2702 = vector.broadcast %eq3A_2701 : i32 to vector<512x128xi32>
    %eq3A_2703 = arith.cmpi eq, %and3A_2700, %eq3A_2702 : vector<512x128xi32>
    %eq3A_2704 = arith.xori %eq3A_2703, %eq3A_2697 : vector<512x128xi1>
    %eq3A_2705 = arith.constant dense<true> : vector<512x128xi1>
    %eq3A_2706 = arith.xori %eq3A_2704, %eq3A_2705 : vector<512x128xi1>
    %max3A_2707 = arith.maximumf %select_n3A_2680, %select_n3A_2691 : vector<512x128xf32>
    %min3A_2708 = arith.minimumf %select_n3A_2680, %select_n3A_2691 : vector<512x128xf32>
    %select_n3A_2709 = arith.select %eq3A_2706, %max3A_2707, %min3A_2708 : vector<512x128xi1>, vector<512x128xf32>
    %roll3A_2710 = arith.constant 496 : i32
    %roll3A_2711 = tpu.dynamic_rotate %select_n3A_2709 by %roll3A_2710 dim 0 : vector<512x128xf32>, i32 -> vector<512x128xf32>
    %roll3A_2712 = arith.constant 16 : i32
    %roll3A_2713 = tpu.dynamic_rotate %select_n3A_2709 by %roll3A_2712 dim 0 : vector<512x128xf32>, i32 -> vector<512x128xf32>
    %and3A_2714 = arith.constant 16 : i32
    %and3A_2715 = vector.broadcast %and3A_2714 : i32 to vector<512x128xi32>
    %and3A_2716 = arith.andi %and3A_12, %and3A_2715 : vector<512x128xi32>
    %eq3A_2717 = arith.constant 0 : i32
    %eq3A_2718 = vector.broadcast %eq3A_2717 : i32 to vector<512x128xi32>
    %eq3A_2719 = arith.cmpi eq, %and3A_2716, %eq3A_2718 : vector<512x128xi32>
    %select_n3A_2720 = arith.select %eq3A_2719, %roll3A_2711, %roll3A_2713 : vector<512x128xi1>, vector<512x128xf32>
    %and3A_2721 = arith.constant 2048 : i32
    %and3A_2722 = vector.broadcast %and3A_2721 : i32 to vector<512x128xi32>
    %and3A_2723 = arith.andi %add3A, %and3A_2722 : vector<512x128xi32>
    %eq3A_2724 = arith.constant 0 : i32
    %eq3A_2725 = vector.broadcast %eq3A_2724 : i32 to vector<512x128xi32>
    %eq3A_2726 = arith.cmpi eq, %and3A_2723, %eq3A_2725 : vector<512x128xi32>
    %and3A_2727 = arith.constant 16384 : i32
    %and3A_2728 = vector.broadcast %and3A_2727 : i32 to vector<512x128xi32>
    %and3A_2729 = arith.andi %add3A, %and3A_2728 : vector<512x128xi32>
    %eq3A_2730 = arith.constant 0 : i32
    %eq3A_2731 = vector.broadcast %eq3A_2730 : i32 to vector<512x128xi32>
    %eq3A_2732 = arith.cmpi eq, %and3A_2729, %eq3A_2731 : vector<512x128xi32>
    %eq3A_2733 = arith.xori %eq3A_2732, %eq3A_2726 : vector<512x128xi1>
    %eq3A_2734 = arith.constant dense<true> : vector<512x128xi1>
    %eq3A_2735 = arith.xori %eq3A_2733, %eq3A_2734 : vector<512x128xi1>
    %max3A_2736 = arith.maximumf %select_n3A_2709, %select_n3A_2720 : vector<512x128xf32>
    %min3A_2737 = arith.minimumf %select_n3A_2709, %select_n3A_2720 : vector<512x128xf32>
    %select_n3A_2738 = arith.select %eq3A_2735, %max3A_2736, %min3A_2737 : vector<512x128xi1>, vector<512x128xf32>
    %roll3A_2739 = arith.constant 504 : i32
    %roll3A_2740 = tpu.dynamic_rotate %select_n3A_2738 by %roll3A_2739 dim 0 : vector<512x128xf32>, i32 -> vector<512x128xf32>
    %roll3A_2741 = arith.constant 8 : i32
    %roll3A_2742 = tpu.dynamic_rotate %select_n3A_2738 by %roll3A_2741 dim 0 : vector<512x128xf32>, i32 -> vector<512x128xf32>
    %and3A_2743 = arith.constant 8 : i32
    %and3A_2744 = vector.broadcast %and3A_2743 : i32 to vector<512x128xi32>
    %and3A_2745 = arith.andi %and3A_12, %and3A_2744 : vector<512x128xi32>
    %eq3A_2746 = arith.constant 0 : i32
    %eq3A_2747 = vector.broadcast %eq3A_2746 : i32 to vector<512x128xi32>
    %eq3A_2748 = arith.cmpi eq, %and3A_2745, %eq3A_2747 : vector<512x128xi32>
    %select_n3A_2749 = arith.select %eq3A_2748, %roll3A_2740, %roll3A_2742 : vector<512x128xi1>, vector<512x128xf32>
    %and3A_2750 = arith.constant 1024 : i32
    %and3A_2751 = vector.broadcast %and3A_2750 : i32 to vector<512x128xi32>
    %and3A_2752 = arith.andi %add3A, %and3A_2751 : vector<512x128xi32>
    %eq3A_2753 = arith.constant 0 : i32
    %eq3A_2754 = vector.broadcast %eq3A_2753 : i32 to vector<512x128xi32>
    %eq3A_2755 = arith.cmpi eq, %and3A_2752, %eq3A_2754 : vector<512x128xi32>
    %and3A_2756 = arith.constant 16384 : i32
    %and3A_2757 = vector.broadcast %and3A_2756 : i32 to vector<512x128xi32>
    %and3A_2758 = arith.andi %add3A, %and3A_2757 : vector<512x128xi32>
    %eq3A_2759 = arith.constant 0 : i32
    %eq3A_2760 = vector.broadcast %eq3A_2759 : i32 to vector<512x128xi32>
    %eq3A_2761 = arith.cmpi eq, %and3A_2758, %eq3A_2760 : vector<512x128xi32>
    %eq3A_2762 = arith.xori %eq3A_2761, %eq3A_2755 : vector<512x128xi1>
    %eq3A_2763 = arith.constant dense<true> : vector<512x128xi1>
    %eq3A_2764 = arith.xori %eq3A_2762, %eq3A_2763 : vector<512x128xi1>
    %max3A_2765 = arith.maximumf %select_n3A_2738, %select_n3A_2749 : vector<512x128xf32>
    %min3A_2766 = arith.minimumf %select_n3A_2738, %select_n3A_2749 : vector<512x128xf32>
    %select_n3A_2767 = arith.select %eq3A_2764, %max3A_2765, %min3A_2766 : vector<512x128xi1>, vector<512x128xf32>
    %roll3A_2768 = arith.constant 508 : i32
    %roll3A_2769 = tpu.dynamic_rotate %select_n3A_2767 by %roll3A_2768 dim 0 : vector<512x128xf32>, i32 -> vector<512x128xf32>
    %roll3A_2770 = arith.constant 4 : i32
    %roll3A_2771 = tpu.dynamic_rotate %select_n3A_2767 by %roll3A_2770 dim 0 : vector<512x128xf32>, i32 -> vector<512x128xf32>
    %and3A_2772 = arith.constant 4 : i32
    %and3A_2773 = vector.broadcast %and3A_2772 : i32 to vector<512x128xi32>
    %and3A_2774 = arith.andi %and3A_12, %and3A_2773 : vector<512x128xi32>
    %eq3A_2775 = arith.constant 0 : i32
    %eq3A_2776 = vector.broadcast %eq3A_2775 : i32 to vector<512x128xi32>
    %eq3A_2777 = arith.cmpi eq, %and3A_2774, %eq3A_2776 : vector<512x128xi32>
    %select_n3A_2778 = arith.select %eq3A_2777, %roll3A_2769, %roll3A_2771 : vector<512x128xi1>, vector<512x128xf32>
    %and3A_2779 = arith.constant 512 : i32
    %and3A_2780 = vector.broadcast %and3A_2779 : i32 to vector<512x128xi32>
    %and3A_2781 = arith.andi %add3A, %and3A_2780 : vector<512x128xi32>
    %eq3A_2782 = arith.constant 0 : i32
    %eq3A_2783 = vector.broadcast %eq3A_2782 : i32 to vector<512x128xi32>
    %eq3A_2784 = arith.cmpi eq, %and3A_2781, %eq3A_2783 : vector<512x128xi32>
    %and3A_2785 = arith.constant 16384 : i32
    %and3A_2786 = vector.broadcast %and3A_2785 : i32 to vector<512x128xi32>
    %and3A_2787 = arith.andi %add3A, %and3A_2786 : vector<512x128xi32>
    %eq3A_2788 = arith.constant 0 : i32
    %eq3A_2789 = vector.broadcast %eq3A_2788 : i32 to vector<512x128xi32>
    %eq3A_2790 = arith.cmpi eq, %and3A_2787, %eq3A_2789 : vector<512x128xi32>
    %eq3A_2791 = arith.xori %eq3A_2790, %eq3A_2784 : vector<512x128xi1>
    %eq3A_2792 = arith.constant dense<true> : vector<512x128xi1>
    %eq3A_2793 = arith.xori %eq3A_2791, %eq3A_2792 : vector<512x128xi1>
    %max3A_2794 = arith.maximumf %select_n3A_2767, %select_n3A_2778 : vector<512x128xf32>
    %min3A_2795 = arith.minimumf %select_n3A_2767, %select_n3A_2778 : vector<512x128xf32>
    %select_n3A_2796 = arith.select %eq3A_2793, %max3A_2794, %min3A_2795 : vector<512x128xi1>, vector<512x128xf32>
    %roll3A_2797 = arith.constant 510 : i32
    %roll3A_2798 = tpu.dynamic_rotate %select_n3A_2796 by %roll3A_2797 dim 0 : vector<512x128xf32>, i32 -> vector<512x128xf32>
    %roll3A_2799 = arith.constant 2 : i32
    %roll3A_2800 = tpu.dynamic_rotate %select_n3A_2796 by %roll3A_2799 dim 0 : vector<512x128xf32>, i32 -> vector<512x128xf32>
    %and3A_2801 = arith.constant 2 : i32
    %and3A_2802 = vector.broadcast %and3A_2801 : i32 to vector<512x128xi32>
    %and3A_2803 = arith.andi %and3A_12, %and3A_2802 : vector<512x128xi32>
    %eq3A_2804 = arith.constant 0 : i32
    %eq3A_2805 = vector.broadcast %eq3A_2804 : i32 to vector<512x128xi32>
    %eq3A_2806 = arith.cmpi eq, %and3A_2803, %eq3A_2805 : vector<512x128xi32>
    %select_n3A_2807 = arith.select %eq3A_2806, %roll3A_2798, %roll3A_2800 : vector<512x128xi1>, vector<512x128xf32>
    %and3A_2808 = arith.constant 256 : i32
    %and3A_2809 = vector.broadcast %and3A_2808 : i32 to vector<512x128xi32>
    %and3A_2810 = arith.andi %add3A, %and3A_2809 : vector<512x128xi32>
    %eq3A_2811 = arith.constant 0 : i32
    %eq3A_2812 = vector.broadcast %eq3A_2811 : i32 to vector<512x128xi32>
    %eq3A_2813 = arith.cmpi eq, %and3A_2810, %eq3A_2812 : vector<512x128xi32>
    %and3A_2814 = arith.constant 16384 : i32
    %and3A_2815 = vector.broadcast %and3A_2814 : i32 to vector<512x128xi32>
    %and3A_2816 = arith.andi %add3A, %and3A_2815 : vector<512x128xi32>
    %eq3A_2817 = arith.constant 0 : i32
    %eq3A_2818 = vector.broadcast %eq3A_2817 : i32 to vector<512x128xi32>
    %eq3A_2819 = arith.cmpi eq, %and3A_2816, %eq3A_2818 : vector<512x128xi32>
    %eq3A_2820 = arith.xori %eq3A_2819, %eq3A_2813 : vector<512x128xi1>
    %eq3A_2821 = arith.constant dense<true> : vector<512x128xi1>
    %eq3A_2822 = arith.xori %eq3A_2820, %eq3A_2821 : vector<512x128xi1>
    %max3A_2823 = arith.maximumf %select_n3A_2796, %select_n3A_2807 : vector<512x128xf32>
    %min3A_2824 = arith.minimumf %select_n3A_2796, %select_n3A_2807 : vector<512x128xf32>
    %select_n3A_2825 = arith.select %eq3A_2822, %max3A_2823, %min3A_2824 : vector<512x128xi1>, vector<512x128xf32>
    %roll3A_2826 = arith.constant 511 : i32
    %roll3A_2827 = tpu.dynamic_rotate %select_n3A_2825 by %roll3A_2826 dim 0 : vector<512x128xf32>, i32 -> vector<512x128xf32>
    %roll3A_2828 = arith.constant 1 : i32
    %roll3A_2829 = tpu.dynamic_rotate %select_n3A_2825 by %roll3A_2828 dim 0 : vector<512x128xf32>, i32 -> vector<512x128xf32>
    %and3A_2830 = arith.constant 1 : i32
    %and3A_2831 = vector.broadcast %and3A_2830 : i32 to vector<512x128xi32>
    %and3A_2832 = arith.andi %and3A_12, %and3A_2831 : vector<512x128xi32>
    %eq3A_2833 = arith.constant 0 : i32
    %eq3A_2834 = vector.broadcast %eq3A_2833 : i32 to vector<512x128xi32>
    %eq3A_2835 = arith.cmpi eq, %and3A_2832, %eq3A_2834 : vector<512x128xi32>
    %select_n3A_2836 = arith.select %eq3A_2835, %roll3A_2827, %roll3A_2829 : vector<512x128xi1>, vector<512x128xf32>
    %and3A_2837 = arith.constant 128 : i32
    %and3A_2838 = vector.broadcast %and3A_2837 : i32 to vector<512x128xi32>
    %and3A_2839 = arith.andi %add3A, %and3A_2838 : vector<512x128xi32>
    %eq3A_2840 = arith.constant 0 : i32
    %eq3A_2841 = vector.broadcast %eq3A_2840 : i32 to vector<512x128xi32>
    %eq3A_2842 = arith.cmpi eq, %and3A_2839, %eq3A_2841 : vector<512x128xi32>
    %and3A_2843 = arith.constant 16384 : i32
    %and3A_2844 = vector.broadcast %and3A_2843 : i32 to vector<512x128xi32>
    %and3A_2845 = arith.andi %add3A, %and3A_2844 : vector<512x128xi32>
    %eq3A_2846 = arith.constant 0 : i32
    %eq3A_2847 = vector.broadcast %eq3A_2846 : i32 to vector<512x128xi32>
    %eq3A_2848 = arith.cmpi eq, %and3A_2845, %eq3A_2847 : vector<512x128xi32>
    %eq3A_2849 = arith.xori %eq3A_2848, %eq3A_2842 : vector<512x128xi1>
    %eq3A_2850 = arith.constant dense<true> : vector<512x128xi1>
    %eq3A_2851 = arith.xori %eq3A_2849, %eq3A_2850 : vector<512x128xi1>
    %max3A_2852 = arith.maximumf %select_n3A_2825, %select_n3A_2836 : vector<512x128xf32>
    %min3A_2853 = arith.minimumf %select_n3A_2825, %select_n3A_2836 : vector<512x128xf32>
    %select_n3A_2854 = arith.select %eq3A_2851, %max3A_2852, %min3A_2853 : vector<512x128xi1>, vector<512x128xf32>
    %roll3A_2855 = arith.constant 64 : i32
    %roll3A_2856 = tpu.dynamic_rotate %select_n3A_2854 by %roll3A_2855 dim 1 : vector<512x128xf32>, i32 -> vector<512x128xf32>
    %roll3A_2857 = arith.constant 64 : i32
    %roll3A_2858 = tpu.dynamic_rotate %select_n3A_2854 by %roll3A_2857 dim 1 : vector<512x128xf32>, i32 -> vector<512x128xf32>
    %and3A_2859 = arith.constant 64 : i32
    %and3A_2860 = vector.broadcast %and3A_2859 : i32 to vector<512x128xi32>
    %and3A_2861 = arith.andi %iota3A_13, %and3A_2860 : vector<512x128xi32>
    %eq3A_2862 = arith.constant 0 : i32
    %eq3A_2863 = vector.broadcast %eq3A_2862 : i32 to vector<512x128xi32>
    %eq3A_2864 = arith.cmpi eq, %and3A_2861, %eq3A_2863 : vector<512x128xi32>
    %select_n3A_2865 = arith.select %eq3A_2864, %roll3A_2856, %roll3A_2858 : vector<512x128xi1>, vector<512x128xf32>
    %and3A_2866 = arith.constant 64 : i32
    %and3A_2867 = vector.broadcast %and3A_2866 : i32 to vector<512x128xi32>
    %and3A_2868 = arith.andi %add3A, %and3A_2867 : vector<512x128xi32>
    %eq3A_2869 = arith.constant 0 : i32
    %eq3A_2870 = vector.broadcast %eq3A_2869 : i32 to vector<512x128xi32>
    %eq3A_2871 = arith.cmpi eq, %and3A_2868, %eq3A_2870 : vector<512x128xi32>
    %and3A_2872 = arith.constant 16384 : i32
    %and3A_2873 = vector.broadcast %and3A_2872 : i32 to vector<512x128xi32>
    %and3A_2874 = arith.andi %add3A, %and3A_2873 : vector<512x128xi32>
    %eq3A_2875 = arith.constant 0 : i32
    %eq3A_2876 = vector.broadcast %eq3A_2875 : i32 to vector<512x128xi32>
    %eq3A_2877 = arith.cmpi eq, %and3A_2874, %eq3A_2876 : vector<512x128xi32>
    %eq3A_2878 = arith.xori %eq3A_2877, %eq3A_2871 : vector<512x128xi1>
    %eq3A_2879 = arith.constant dense<true> : vector<512x128xi1>
    %eq3A_2880 = arith.xori %eq3A_2878, %eq3A_2879 : vector<512x128xi1>
    %max3A_2881 = arith.maximumf %select_n3A_2854, %select_n3A_2865 : vector<512x128xf32>
    %min3A_2882 = arith.minimumf %select_n3A_2854, %select_n3A_2865 : vector<512x128xf32>
    %select_n3A_2883 = arith.select %eq3A_2880, %max3A_2881, %min3A_2882 : vector<512x128xi1>, vector<512x128xf32>
    %roll3A_2884 = arith.constant 96 : i32
    %roll3A_2885 = tpu.dynamic_rotate %select_n3A_2883 by %roll3A_2884 dim 1 : vector<512x128xf32>, i32 -> vector<512x128xf32>
    %roll3A_2886 = arith.constant 32 : i32
    %roll3A_2887 = tpu.dynamic_rotate %select_n3A_2883 by %roll3A_2886 dim 1 : vector<512x128xf32>, i32 -> vector<512x128xf32>
    %and3A_2888 = arith.constant 32 : i32
    %and3A_2889 = vector.broadcast %and3A_2888 : i32 to vector<512x128xi32>
    %and3A_2890 = arith.andi %iota3A_13, %and3A_2889 : vector<512x128xi32>
    %eq3A_2891 = arith.constant 0 : i32
    %eq3A_2892 = vector.broadcast %eq3A_2891 : i32 to vector<512x128xi32>
    %eq3A_2893 = arith.cmpi eq, %and3A_2890, %eq3A_2892 : vector<512x128xi32>
    %select_n3A_2894 = arith.select %eq3A_2893, %roll3A_2885, %roll3A_2887 : vector<512x128xi1>, vector<512x128xf32>
    %and3A_2895 = arith.constant 32 : i32
    %and3A_2896 = vector.broadcast %and3A_2895 : i32 to vector<512x128xi32>
    %and3A_2897 = arith.andi %add3A, %and3A_2896 : vector<512x128xi32>
    %eq3A_2898 = arith.constant 0 : i32
    %eq3A_2899 = vector.broadcast %eq3A_2898 : i32 to vector<512x128xi32>
    %eq3A_2900 = arith.cmpi eq, %and3A_2897, %eq3A_2899 : vector<512x128xi32>
    %and3A_2901 = arith.constant 16384 : i32
    %and3A_2902 = vector.broadcast %and3A_2901 : i32 to vector<512x128xi32>
    %and3A_2903 = arith.andi %add3A, %and3A_2902 : vector<512x128xi32>
    %eq3A_2904 = arith.constant 0 : i32
    %eq3A_2905 = vector.broadcast %eq3A_2904 : i32 to vector<512x128xi32>
    %eq3A_2906 = arith.cmpi eq, %and3A_2903, %eq3A_2905 : vector<512x128xi32>
    %eq3A_2907 = arith.xori %eq3A_2906, %eq3A_2900 : vector<512x128xi1>
    %eq3A_2908 = arith.constant dense<true> : vector<512x128xi1>
    %eq3A_2909 = arith.xori %eq3A_2907, %eq3A_2908 : vector<512x128xi1>
    %max3A_2910 = arith.maximumf %select_n3A_2883, %select_n3A_2894 : vector<512x128xf32>
    %min3A_2911 = arith.minimumf %select_n3A_2883, %select_n3A_2894 : vector<512x128xf32>
    %select_n3A_2912 = arith.select %eq3A_2909, %max3A_2910, %min3A_2911 : vector<512x128xi1>, vector<512x128xf32>
    %roll3A_2913 = arith.constant 112 : i32
    %roll3A_2914 = tpu.dynamic_rotate %select_n3A_2912 by %roll3A_2913 dim 1 : vector<512x128xf32>, i32 -> vector<512x128xf32>
    %roll3A_2915 = arith.constant 16 : i32
    %roll3A_2916 = tpu.dynamic_rotate %select_n3A_2912 by %roll3A_2915 dim 1 : vector<512x128xf32>, i32 -> vector<512x128xf32>
    %and3A_2917 = arith.constant 16 : i32
    %and3A_2918 = vector.broadcast %and3A_2917 : i32 to vector<512x128xi32>
    %and3A_2919 = arith.andi %iota3A_13, %and3A_2918 : vector<512x128xi32>
    %eq3A_2920 = arith.constant 0 : i32
    %eq3A_2921 = vector.broadcast %eq3A_2920 : i32 to vector<512x128xi32>
    %eq3A_2922 = arith.cmpi eq, %and3A_2919, %eq3A_2921 : vector<512x128xi32>
    %select_n3A_2923 = arith.select %eq3A_2922, %roll3A_2914, %roll3A_2916 : vector<512x128xi1>, vector<512x128xf32>
    %and3A_2924 = arith.constant 16 : i32
    %and3A_2925 = vector.broadcast %and3A_2924 : i32 to vector<512x128xi32>
    %and3A_2926 = arith.andi %add3A, %and3A_2925 : vector<512x128xi32>
    %eq3A_2927 = arith.constant 0 : i32
    %eq3A_2928 = vector.broadcast %eq3A_2927 : i32 to vector<512x128xi32>
    %eq3A_2929 = arith.cmpi eq, %and3A_2926, %eq3A_2928 : vector<512x128xi32>
    %and3A_2930 = arith.constant 16384 : i32
    %and3A_2931 = vector.broadcast %and3A_2930 : i32 to vector<512x128xi32>
    %and3A_2932 = arith.andi %add3A, %and3A_2931 : vector<512x128xi32>
    %eq3A_2933 = arith.constant 0 : i32
    %eq3A_2934 = vector.broadcast %eq3A_2933 : i32 to vector<512x128xi32>
    %eq3A_2935 = arith.cmpi eq, %and3A_2932, %eq3A_2934 : vector<512x128xi32>
    %eq3A_2936 = arith.xori %eq3A_2935, %eq3A_2929 : vector<512x128xi1>
    %eq3A_2937 = arith.constant dense<true> : vector<512x128xi1>
    %eq3A_2938 = arith.xori %eq3A_2936, %eq3A_2937 : vector<512x128xi1>
    %max3A_2939 = arith.maximumf %select_n3A_2912, %select_n3A_2923 : vector<512x128xf32>
    %min3A_2940 = arith.minimumf %select_n3A_2912, %select_n3A_2923 : vector<512x128xf32>
    %select_n3A_2941 = arith.select %eq3A_2938, %max3A_2939, %min3A_2940 : vector<512x128xi1>, vector<512x128xf32>
    %roll3A_2942 = arith.constant 120 : i32
    %roll3A_2943 = tpu.dynamic_rotate %select_n3A_2941 by %roll3A_2942 dim 1 : vector<512x128xf32>, i32 -> vector<512x128xf32>
    %roll3A_2944 = arith.constant 8 : i32
    %roll3A_2945 = tpu.dynamic_rotate %select_n3A_2941 by %roll3A_2944 dim 1 : vector<512x128xf32>, i32 -> vector<512x128xf32>
    %and3A_2946 = arith.constant 8 : i32
    %and3A_2947 = vector.broadcast %and3A_2946 : i32 to vector<512x128xi32>
    %and3A_2948 = arith.andi %iota3A_13, %and3A_2947 : vector<512x128xi32>
    %eq3A_2949 = arith.constant 0 : i32
    %eq3A_2950 = vector.broadcast %eq3A_2949 : i32 to vector<512x128xi32>
    %eq3A_2951 = arith.cmpi eq, %and3A_2948, %eq3A_2950 : vector<512x128xi32>
    %select_n3A_2952 = arith.select %eq3A_2951, %roll3A_2943, %roll3A_2945 : vector<512x128xi1>, vector<512x128xf32>
    %and3A_2953 = arith.constant 8 : i32
    %and3A_2954 = vector.broadcast %and3A_2953 : i32 to vector<512x128xi32>
    %and3A_2955 = arith.andi %add3A, %and3A_2954 : vector<512x128xi32>
    %eq3A_2956 = arith.constant 0 : i32
    %eq3A_2957 = vector.broadcast %eq3A_2956 : i32 to vector<512x128xi32>
    %eq3A_2958 = arith.cmpi eq, %and3A_2955, %eq3A_2957 : vector<512x128xi32>
    %and3A_2959 = arith.constant 16384 : i32
    %and3A_2960 = vector.broadcast %and3A_2959 : i32 to vector<512x128xi32>
    %and3A_2961 = arith.andi %add3A, %and3A_2960 : vector<512x128xi32>
    %eq3A_2962 = arith.constant 0 : i32
    %eq3A_2963 = vector.broadcast %eq3A_2962 : i32 to vector<512x128xi32>
    %eq3A_2964 = arith.cmpi eq, %and3A_2961, %eq3A_2963 : vector<512x128xi32>
    %eq3A_2965 = arith.xori %eq3A_2964, %eq3A_2958 : vector<512x128xi1>
    %eq3A_2966 = arith.constant dense<true> : vector<512x128xi1>
    %eq3A_2967 = arith.xori %eq3A_2965, %eq3A_2966 : vector<512x128xi1>
    %max3A_2968 = arith.maximumf %select_n3A_2941, %select_n3A_2952 : vector<512x128xf32>
    %min3A_2969 = arith.minimumf %select_n3A_2941, %select_n3A_2952 : vector<512x128xf32>
    %select_n3A_2970 = arith.select %eq3A_2967, %max3A_2968, %min3A_2969 : vector<512x128xi1>, vector<512x128xf32>
    %roll3A_2971 = arith.constant 124 : i32
    %roll3A_2972 = tpu.dynamic_rotate %select_n3A_2970 by %roll3A_2971 dim 1 : vector<512x128xf32>, i32 -> vector<512x128xf32>
    %roll3A_2973 = arith.constant 4 : i32
    %roll3A_2974 = tpu.dynamic_rotate %select_n3A_2970 by %roll3A_2973 dim 1 : vector<512x128xf32>, i32 -> vector<512x128xf32>
    %and3A_2975 = arith.constant 4 : i32
    %and3A_2976 = vector.broadcast %and3A_2975 : i32 to vector<512x128xi32>
    %and3A_2977 = arith.andi %iota3A_13, %and3A_2976 : vector<512x128xi32>
    %eq3A_2978 = arith.constant 0 : i32
    %eq3A_2979 = vector.broadcast %eq3A_2978 : i32 to vector<512x128xi32>
    %eq3A_2980 = arith.cmpi eq, %and3A_2977, %eq3A_2979 : vector<512x128xi32>
    %select_n3A_2981 = arith.select %eq3A_2980, %roll3A_2972, %roll3A_2974 : vector<512x128xi1>, vector<512x128xf32>
    %and3A_2982 = arith.constant 4 : i32
    %and3A_2983 = vector.broadcast %and3A_2982 : i32 to vector<512x128xi32>
    %and3A_2984 = arith.andi %add3A, %and3A_2983 : vector<512x128xi32>
    %eq3A_2985 = arith.constant 0 : i32
    %eq3A_2986 = vector.broadcast %eq3A_2985 : i32 to vector<512x128xi32>
    %eq3A_2987 = arith.cmpi eq, %and3A_2984, %eq3A_2986 : vector<512x128xi32>
    %and3A_2988 = arith.constant 16384 : i32
    %and3A_2989 = vector.broadcast %and3A_2988 : i32 to vector<512x128xi32>
    %and3A_2990 = arith.andi %add3A, %and3A_2989 : vector<512x128xi32>
    %eq3A_2991 = arith.constant 0 : i32
    %eq3A_2992 = vector.broadcast %eq3A_2991 : i32 to vector<512x128xi32>
    %eq3A_2993 = arith.cmpi eq, %and3A_2990, %eq3A_2992 : vector<512x128xi32>
    %eq3A_2994 = arith.xori %eq3A_2993, %eq3A_2987 : vector<512x128xi1>
    %eq3A_2995 = arith.constant dense<true> : vector<512x128xi1>
    %eq3A_2996 = arith.xori %eq3A_2994, %eq3A_2995 : vector<512x128xi1>
    %max3A_2997 = arith.maximumf %select_n3A_2970, %select_n3A_2981 : vector<512x128xf32>
    %min3A_2998 = arith.minimumf %select_n3A_2970, %select_n3A_2981 : vector<512x128xf32>
    %select_n3A_2999 = arith.select %eq3A_2996, %max3A_2997, %min3A_2998 : vector<512x128xi1>, vector<512x128xf32>
    %roll3A_3000 = arith.constant 126 : i32
    %roll3A_3001 = tpu.dynamic_rotate %select_n3A_2999 by %roll3A_3000 dim 1 : vector<512x128xf32>, i32 -> vector<512x128xf32>
    %roll3A_3002 = arith.constant 2 : i32
    %roll3A_3003 = tpu.dynamic_rotate %select_n3A_2999 by %roll3A_3002 dim 1 : vector<512x128xf32>, i32 -> vector<512x128xf32>
    %and3A_3004 = arith.constant 2 : i32
    %and3A_3005 = vector.broadcast %and3A_3004 : i32 to vector<512x128xi32>
    %and3A_3006 = arith.andi %iota3A_13, %and3A_3005 : vector<512x128xi32>
    %eq3A_3007 = arith.constant 0 : i32
    %eq3A_3008 = vector.broadcast %eq3A_3007 : i32 to vector<512x128xi32>
    %eq3A_3009 = arith.cmpi eq, %and3A_3006, %eq3A_3008 : vector<512x128xi32>
    %select_n3A_3010 = arith.select %eq3A_3009, %roll3A_3001, %roll3A_3003 : vector<512x128xi1>, vector<512x128xf32>
    %and3A_3011 = arith.constant 2 : i32
    %and3A_3012 = vector.broadcast %and3A_3011 : i32 to vector<512x128xi32>
    %and3A_3013 = arith.andi %add3A, %and3A_3012 : vector<512x128xi32>
    %eq3A_3014 = arith.constant 0 : i32
    %eq3A_3015 = vector.broadcast %eq3A_3014 : i32 to vector<512x128xi32>
    %eq3A_3016 = arith.cmpi eq, %and3A_3013, %eq3A_3015 : vector<512x128xi32>
    %and3A_3017 = arith.constant 16384 : i32
    %and3A_3018 = vector.broadcast %and3A_3017 : i32 to vector<512x128xi32>
    %and3A_3019 = arith.andi %add3A, %and3A_3018 : vector<512x128xi32>
    %eq3A_3020 = arith.constant 0 : i32
    %eq3A_3021 = vector.broadcast %eq3A_3020 : i32 to vector<512x128xi32>
    %eq3A_3022 = arith.cmpi eq, %and3A_3019, %eq3A_3021 : vector<512x128xi32>
    %eq3A_3023 = arith.xori %eq3A_3022, %eq3A_3016 : vector<512x128xi1>
    %eq3A_3024 = arith.constant dense<true> : vector<512x128xi1>
    %eq3A_3025 = arith.xori %eq3A_3023, %eq3A_3024 : vector<512x128xi1>
    %max3A_3026 = arith.maximumf %select_n3A_2999, %select_n3A_3010 : vector<512x128xf32>
    %min3A_3027 = arith.minimumf %select_n3A_2999, %select_n3A_3010 : vector<512x128xf32>
    %select_n3A_3028 = arith.select %eq3A_3025, %max3A_3026, %min3A_3027 : vector<512x128xi1>, vector<512x128xf32>
    %roll3A_3029 = arith.constant 127 : i32
    %roll3A_3030 = tpu.dynamic_rotate %select_n3A_3028 by %roll3A_3029 dim 1 : vector<512x128xf32>, i32 -> vector<512x128xf32>
    %roll3A_3031 = arith.constant 1 : i32
    %roll3A_3032 = tpu.dynamic_rotate %select_n3A_3028 by %roll3A_3031 dim 1 : vector<512x128xf32>, i32 -> vector<512x128xf32>
    %and3A_3033 = arith.constant 1 : i32
    %and3A_3034 = vector.broadcast %and3A_3033 : i32 to vector<512x128xi32>
    %and3A_3035 = arith.andi %iota3A_13, %and3A_3034 : vector<512x128xi32>
    %eq3A_3036 = arith.constant 0 : i32
    %eq3A_3037 = vector.broadcast %eq3A_3036 : i32 to vector<512x128xi32>
    %eq3A_3038 = arith.cmpi eq, %and3A_3035, %eq3A_3037 : vector<512x128xi32>
    %select_n3A_3039 = arith.select %eq3A_3038, %roll3A_3030, %roll3A_3032 : vector<512x128xi1>, vector<512x128xf32>
    %and3A_3040 = arith.constant 1 : i32
    %and3A_3041 = vector.broadcast %and3A_3040 : i32 to vector<512x128xi32>
    %and3A_3042 = arith.andi %add3A, %and3A_3041 : vector<512x128xi32>
    %eq3A_3043 = arith.constant 0 : i32
    %eq3A_3044 = vector.broadcast %eq3A_3043 : i32 to vector<512x128xi32>
    %eq3A_3045 = arith.cmpi eq, %and3A_3042, %eq3A_3044 : vector<512x128xi32>
    %and3A_3046 = arith.constant 16384 : i32
    %and3A_3047 = vector.broadcast %and3A_3046 : i32 to vector<512x128xi32>
    %and3A_3048 = arith.andi %add3A, %and3A_3047 : vector<512x128xi32>
    %eq3A_3049 = arith.constant 0 : i32
    %eq3A_3050 = vector.broadcast %eq3A_3049 : i32 to vector<512x128xi32>
    %eq3A_3051 = arith.cmpi eq, %and3A_3048, %eq3A_3050 : vector<512x128xi32>
    %eq3A_3052 = arith.xori %eq3A_3051, %eq3A_3045 : vector<512x128xi1>
    %eq3A_3053 = arith.constant dense<true> : vector<512x128xi1>
    %eq3A_3054 = arith.xori %eq3A_3052, %eq3A_3053 : vector<512x128xi1>
    %max3A_3055 = arith.maximumf %select_n3A_3028, %select_n3A_3039 : vector<512x128xf32>
    %min3A_3056 = arith.minimumf %select_n3A_3028, %select_n3A_3039 : vector<512x128xf32>
    %select_n3A_3057 = arith.select %eq3A_3054, %max3A_3055, %min3A_3056 : vector<512x128xi1>, vector<512x128xf32>
    %reshape3A_3058 = vector.shape_cast %select_n3A_3057 : vector<512x128xf32> to vector<4x128x128xf32>
    %slice3A = vector.extract_strided_slice %reshape3A_3058 {offsets = [0, 0, 0], sizes = [4, 23, 128], strides = [1, 1, 1]} : vector<4x128x128xf32> to vector<4x23x128xf32>
    %gt3A = arith.constant 0xFF800000 : f32
    %gt3A_3059 = vector.broadcast %gt3A : f32 to vector<4x23x128xf32>
    %gt3A_3060 = arith.cmpf ogt, %slice3A, %gt3A_3059 : vector<4x23x128xf32>
    %jit3A_3061 = arith.constant 0.000000e+00 : f32
    %broadcast_in_dim3A_3062 = vector.broadcast %jit3A_3061 : f32 to vector<4x23x128xf32>
    %select_n3A_3063 = arith.select %gt3A_3060, %slice3A, %broadcast_in_dim3A_3062 : vector<4x23x128xi1>, vector<4x23x128xf32>
    %swap3A = arith.constant 0 : index
    %swap3A_3064 = arith.constant 0 : index
    %swap3A_3065 = arith.constant 0 : index
    %swap3A_3066 = vector.load %arg2[%swap3A, %swap3A_3064, %swap3A_3065] : memref<4x23x128xf32, #tpu.memory_space<vmem>>, vector<4x23x128xf32>
    tpu.vector_store %arg2[%swap3A, %swap3A_3064, %swap3A_3065], %select_n3A_3063 {strides = array<i32>} : memref<4x23x128xf32, #tpu.memory_space<vmem>>, vector<4x23x128xf32>,
    return
  }
}

module attributes {stable_mosaic.version = 14 : i64} {
  func.func @body(%arg0: memref<120x97xf32, #tpu.memory_space<vmem>>, %arg1: memref<97x16xf32, #tpu.memory_space<vmem>>, %arg2: memref<1x16xf32, #tpu.memory_space<vmem>>, %arg3: memref<5x16x32xf32, #tpu.memory_space<vmem>>, %arg4: memref<1x32xf32, #tpu.memory_space<vmem>>, %arg5: memref<11x32x128xf32, #tpu.memory_space<vmem>>, %arg6: memref<1x128xf32, #tpu.memory_space<vmem>>, %arg7: memref<128x10xf32, #tpu.memory_space<vmem>>, %arg8: memref<1x10xf32, #tpu.memory_space<vmem>>, %arg9: memref<4x10xf32, #tpu.memory_space<vmem>>) attributes {dimension_semantics = [], scalar_prefetch = 0 : i64, scratch_operands = 0 : i64, tpu.core_type = #tpu.core_type<tc>} {
    %get3A = arith.constant 0 : index
    %get3A_0 = arith.constant 0 : index
    %get3A_1 = vector.load %arg0[%get3A, %get3A_0] : memref<120x97xf32, #tpu.memory_space<vmem>>, vector<120x97xf32>
    %get3A_2 = arith.constant 0 : index
    %get3A_3 = arith.constant 0 : index
    %get3A_4 = vector.load %arg1[%get3A_2, %get3A_3] : memref<97x16xf32, #tpu.memory_space<vmem>>, vector<97x16xf32>
    %dot_general3A = arith.constant dense<0.000000e+00> : vector<120x16xf32>
    %dot_general3A_5 = tpu.matmul %get3A_1, %get3A_4, %dot_general3A {dimension_numbers = #tpu.dot_dimension_numbers<[1], [0], [0], [1], [0, 0, 1, 1], [], []>, transpose_lhs_hint = false} : vector<120x97xf32>, vector<97x16xf32>, vector<120x16xf32> -> vector<120x16xf32>
    %get3A_6 = arith.constant 0 : index
    %get3A_7 = arith.constant 0 : index
    %get3A_8 = vector.load %arg2[%get3A_6, %get3A_7] : memref<1x16xf32, #tpu.memory_space<vmem>>, vector<1x16xf32>
    %add3A = vector.broadcast %get3A_8 : vector<1x16xf32> to vector<120x16xf32>
    %add3A_9 = arith.addf %dot_general3A_5, %add3A : vector<120x16xf32>
    %max3A = arith.constant 0.000000e+00 : f32
    %max3A_10 = vector.broadcast %max3A : f32 to vector<120x16xf32>
    %max3A_11 = arith.maximumf %add3A_9, %max3A_10 : vector<120x16xf32>
    %reshape3A = vector.shape_cast %max3A_11 : vector<120x16xf32> to vector<60x2x16xf32>
    %reduce_max3A = arith.constant dense<0xFF800000> : vector<60x16xf32>
    %reduce_max3A_12 = vector.multi_reduction <maximumf>, %reshape3A, %reduce_max3A [1] : vector<60x2x16xf32> to vector<60x16xf32>
    %reshape3A_13 = vector.shape_cast %reduce_max3A_12 : vector<60x16xf32> to vector<4x15x16xf32>
    %broadcast_in_dim3A = arith.constant 0.000000e+00 : f32
    %broadcast_in_dim3A_14 = vector.broadcast %broadcast_in_dim3A : f32 to vector<44x32xf32>
    %slice3A = vector.extract_strided_slice %reshape3A_13 {offsets = [0, 0, 0], sizes = [4, 11, 16], strides = [1, 1, 1]} : vector<4x15x16xf32> to vector<4x11x16xf32>
    %reshape3A_15 = vector.shape_cast %slice3A : vector<4x11x16xf32> to vector<44x16xf32>
    %get3A_16 = arith.constant 0 : index
    %get3A_17 = arith.constant 0 : index
    %get3A_18 = arith.constant 0 : index
    %get3A_19 = vector.load %arg3[%get3A_16, %get3A_17, %get3A_18] : memref<5x16x32xf32, #tpu.memory_space<vmem>>, vector<1x16x32xf32>
    %get3A_20 = vector.shape_cast %get3A_19 : vector<1x16x32xf32> to vector<16x32xf32>
    %dot_general3A_21 = arith.constant dense<0.000000e+00> : vector<44x32xf32>
    %dot_general3A_22 = tpu.matmul %reshape3A_15, %get3A_20, %dot_general3A_21 {dimension_numbers = #tpu.dot_dimension_numbers<[1], [0], [0], [1], [0, 0, 1, 1], [], []>, transpose_lhs_hint = false} : vector<44x16xf32>, vector<16x32xf32>, vector<44x32xf32> -> vector<44x32xf32>
    %add3A_23 = arith.addf %broadcast_in_dim3A_14, %dot_general3A_22 : vector<44x32xf32>
    %slice3A_24 = vector.extract_strided_slice %reshape3A_13 {offsets = [0, 1, 0], sizes = [4, 11, 16], strides = [1, 1, 1]} : vector<4x15x16xf32> to vector<4x11x16xf32>
    %reshape3A_25 = vector.shape_cast %slice3A_24 : vector<4x11x16xf32> to vector<44x16xf32>
    %get3A_26 = arith.constant 1 : index
    %get3A_27 = arith.constant 0 : index
    %get3A_28 = arith.constant 0 : index
    %get3A_29 = vector.load %arg3[%get3A_26, %get3A_27, %get3A_28] : memref<5x16x32xf32, #tpu.memory_space<vmem>>, vector<1x16x32xf32>
    %get3A_30 = vector.shape_cast %get3A_29 : vector<1x16x32xf32> to vector<16x32xf32>
    %dot_general3A_31 = arith.constant dense<0.000000e+00> : vector<44x32xf32>
    %dot_general3A_32 = tpu.matmul %reshape3A_25, %get3A_30, %dot_general3A_31 {dimension_numbers = #tpu.dot_dimension_numbers<[1], [0], [0], [1], [0, 0, 1, 1], [], []>, transpose_lhs_hint = false} : vector<44x16xf32>, vector<16x32xf32>, vector<44x32xf32> -> vector<44x32xf32>
    %add3A_33 = arith.addf %add3A_23, %dot_general3A_32 : vector<44x32xf32>
    %slice3A_34 = vector.extract_strided_slice %reshape3A_13 {offsets = [0, 2, 0], sizes = [4, 11, 16], strides = [1, 1, 1]} : vector<4x15x16xf32> to vector<4x11x16xf32>
    %reshape3A_35 = vector.shape_cast %slice3A_34 : vector<4x11x16xf32> to vector<44x16xf32>
    %get3A_36 = arith.constant 2 : index
    %get3A_37 = arith.constant 0 : index
    %get3A_38 = arith.constant 0 : index
    %get3A_39 = vector.load %arg3[%get3A_36, %get3A_37, %get3A_38] : memref<5x16x32xf32, #tpu.memory_space<vmem>>, vector<1x16x32xf32>
    %get3A_40 = vector.shape_cast %get3A_39 : vector<1x16x32xf32> to vector<16x32xf32>
    %dot_general3A_41 = arith.constant dense<0.000000e+00> : vector<44x32xf32>
    %dot_general3A_42 = tpu.matmul %reshape3A_35, %get3A_40, %dot_general3A_41 {dimension_numbers = #tpu.dot_dimension_numbers<[1], [0], [0], [1], [0, 0, 1, 1], [], []>, transpose_lhs_hint = false} : vector<44x16xf32>, vector<16x32xf32>, vector<44x32xf32> -> vector<44x32xf32>
    %add3A_43 = arith.addf %add3A_33, %dot_general3A_42 : vector<44x32xf32>
    %slice3A_44 = vector.extract_strided_slice %reshape3A_13 {offsets = [0, 3, 0], sizes = [4, 11, 16], strides = [1, 1, 1]} : vector<4x15x16xf32> to vector<4x11x16xf32>
    %reshape3A_45 = vector.shape_cast %slice3A_44 : vector<4x11x16xf32> to vector<44x16xf32>
    %get3A_46 = arith.constant 3 : index
    %get3A_47 = arith.constant 0 : index
    %get3A_48 = arith.constant 0 : index
    %get3A_49 = vector.load %arg3[%get3A_46, %get3A_47, %get3A_48] : memref<5x16x32xf32, #tpu.memory_space<vmem>>, vector<1x16x32xf32>
    %get3A_50 = vector.shape_cast %get3A_49 : vector<1x16x32xf32> to vector<16x32xf32>
    %dot_general3A_51 = arith.constant dense<0.000000e+00> : vector<44x32xf32>
    %dot_general3A_52 = tpu.matmul %reshape3A_45, %get3A_50, %dot_general3A_51 {dimension_numbers = #tpu.dot_dimension_numbers<[1], [0], [0], [1], [0, 0, 1, 1], [], []>, transpose_lhs_hint = false} : vector<44x16xf32>, vector<16x32xf32>, vector<44x32xf32> -> vector<44x32xf32>
    %add3A_53 = arith.addf %add3A_43, %dot_general3A_52 : vector<44x32xf32>
    %slice3A_54 = vector.extract_strided_slice %reshape3A_13 {offsets = [0, 4, 0], sizes = [4, 11, 16], strides = [1, 1, 1]} : vector<4x15x16xf32> to vector<4x11x16xf32>
    %reshape3A_55 = vector.shape_cast %slice3A_54 : vector<4x11x16xf32> to vector<44x16xf32>
    %get3A_56 = arith.constant 4 : index
    %get3A_57 = arith.constant 0 : index
    %get3A_58 = arith.constant 0 : index
    %get3A_59 = vector.load %arg3[%get3A_56, %get3A_57, %get3A_58] : memref<5x16x32xf32, #tpu.memory_space<vmem>>, vector<1x16x32xf32>
    %get3A_60 = vector.shape_cast %get3A_59 : vector<1x16x32xf32> to vector<16x32xf32>
    %dot_general3A_61 = arith.constant dense<0.000000e+00> : vector<44x32xf32>
    %dot_general3A_62 = tpu.matmul %reshape3A_55, %get3A_60, %dot_general3A_61 {dimension_numbers = #tpu.dot_dimension_numbers<[1], [0], [0], [1], [0, 0, 1, 1], [], []>, transpose_lhs_hint = false} : vector<44x16xf32>, vector<16x32xf32>, vector<44x32xf32> -> vector<44x32xf32>
    %add3A_63 = arith.addf %add3A_53, %dot_general3A_62 : vector<44x32xf32>
    %get3A_64 = arith.constant 0 : index
    %get3A_65 = arith.constant 0 : index
    %get3A_66 = vector.load %arg4[%get3A_64, %get3A_65] : memref<1x32xf32, #tpu.memory_space<vmem>>, vector<1x32xf32>
    %add3A_67 = vector.broadcast %get3A_66 : vector<1x32xf32> to vector<44x32xf32>
    %add3A_68 = arith.addf %add3A_63, %add3A_67 : vector<44x32xf32>
    %max3A_69 = arith.constant 0.000000e+00 : f32
    %max3A_70 = vector.broadcast %max3A_69 : f32 to vector<44x32xf32>
    %max3A_71 = arith.maximumf %add3A_68, %max3A_70 : vector<44x32xf32>
    %reshape3A_72 = vector.shape_cast %max3A_71 : vector<44x32xf32> to vector<4x11x32xf32>
    %broadcast_in_dim3A_73 = arith.constant 0.000000e+00 : f32
    %broadcast_in_dim3A_74 = vector.broadcast %broadcast_in_dim3A_73 : f32 to vector<4x128xf32>
    %slice3A_75 = vector.extract_strided_slice %reshape3A_72 {offsets = [0, 0, 0], sizes = [4, 1, 32], strides = [1, 1, 1]} : vector<4x11x32xf32> to vector<4x1x32xf32>
    %squeeze3A = vector.shape_cast %slice3A_75 : vector<4x1x32xf32> to vector<4x32xf32>
    %get3A_76 = arith.constant 0 : index
    %get3A_77 = arith.constant 0 : index
    %get3A_78 = arith.constant 0 : index
    %get3A_79 = vector.load %arg5[%get3A_76, %get3A_77, %get3A_78] : memref<11x32x128xf32, #tpu.memory_space<vmem>>, vector<1x32x128xf32>
    %get3A_80 = vector.shape_cast %get3A_79 : vector<1x32x128xf32> to vector<32x128xf32>
    %dot_general3A_81 = arith.constant dense<0.000000e+00> : vector<4x128xf32>
    %dot_general3A_82 = tpu.matmul %squeeze3A, %get3A_80, %dot_general3A_81 {dimension_numbers = #tpu.dot_dimension_numbers<[1], [0], [0], [1], [0, 0, 1, 1], [], []>, transpose_lhs_hint = false} : vector<4x32xf32>, vector<32x128xf32>, vector<4x128xf32> -> vector<4x128xf32>
    %add3A_83 = arith.addf %broadcast_in_dim3A_74, %dot_general3A_82 : vector<4x128xf32>
    %slice3A_84 = vector.extract_strided_slice %reshape3A_72 {offsets = [0, 1, 0], sizes = [4, 1, 32], strides = [1, 1, 1]} : vector<4x11x32xf32> to vector<4x1x32xf32>
    %squeeze3A_85 = vector.shape_cast %slice3A_84 : vector<4x1x32xf32> to vector<4x32xf32>
    %get3A_86 = arith.constant 1 : index
    %get3A_87 = arith.constant 0 : index
    %get3A_88 = arith.constant 0 : index
    %get3A_89 = vector.load %arg5[%get3A_86, %get3A_87, %get3A_88] : memref<11x32x128xf32, #tpu.memory_space<vmem>>, vector<1x32x128xf32>
    %get3A_90 = vector.shape_cast %get3A_89 : vector<1x32x128xf32> to vector<32x128xf32>
    %dot_general3A_91 = arith.constant dense<0.000000e+00> : vector<4x128xf32>
    %dot_general3A_92 = tpu.matmul %squeeze3A_85, %get3A_90, %dot_general3A_91 {dimension_numbers = #tpu.dot_dimension_numbers<[1], [0], [0], [1], [0, 0, 1, 1], [], []>, transpose_lhs_hint = false} : vector<4x32xf32>, vector<32x128xf32>, vector<4x128xf32> -> vector<4x128xf32>
    %add3A_93 = arith.addf %add3A_83, %dot_general3A_92 : vector<4x128xf32>
    %slice3A_94 = vector.extract_strided_slice %reshape3A_72 {offsets = [0, 2, 0], sizes = [4, 1, 32], strides = [1, 1, 1]} : vector<4x11x32xf32> to vector<4x1x32xf32>
    %squeeze3A_95 = vector.shape_cast %slice3A_94 : vector<4x1x32xf32> to vector<4x32xf32>
    %get3A_96 = arith.constant 2 : index
    %get3A_97 = arith.constant 0 : index
    %get3A_98 = arith.constant 0 : index
    %get3A_99 = vector.load %arg5[%get3A_96, %get3A_97, %get3A_98] : memref<11x32x128xf32, #tpu.memory_space<vmem>>, vector<1x32x128xf32>
    %get3A_100 = vector.shape_cast %get3A_99 : vector<1x32x128xf32> to vector<32x128xf32>
    %dot_general3A_101 = arith.constant dense<0.000000e+00> : vector<4x128xf32>
    %dot_general3A_102 = tpu.matmul %squeeze3A_95, %get3A_100, %dot_general3A_101 {dimension_numbers = #tpu.dot_dimension_numbers<[1], [0], [0], [1], [0, 0, 1, 1], [], []>, transpose_lhs_hint = false} : vector<4x32xf32>, vector<32x128xf32>, vector<4x128xf32> -> vector<4x128xf32>
    %add3A_103 = arith.addf %add3A_93, %dot_general3A_102 : vector<4x128xf32>
    %slice3A_104 = vector.extract_strided_slice %reshape3A_72 {offsets = [0, 3, 0], sizes = [4, 1, 32], strides = [1, 1, 1]} : vector<4x11x32xf32> to vector<4x1x32xf32>
    %squeeze3A_105 = vector.shape_cast %slice3A_104 : vector<4x1x32xf32> to vector<4x32xf32>
    %get3A_106 = arith.constant 3 : index
    %get3A_107 = arith.constant 0 : index
    %get3A_108 = arith.constant 0 : index
    %get3A_109 = vector.load %arg5[%get3A_106, %get3A_107, %get3A_108] : memref<11x32x128xf32, #tpu.memory_space<vmem>>, vector<1x32x128xf32>
    %get3A_110 = vector.shape_cast %get3A_109 : vector<1x32x128xf32> to vector<32x128xf32>
    %dot_general3A_111 = arith.constant dense<0.000000e+00> : vector<4x128xf32>
    %dot_general3A_112 = tpu.matmul %squeeze3A_105, %get3A_110, %dot_general3A_111 {dimension_numbers = #tpu.dot_dimension_numbers<[1], [0], [0], [1], [0, 0, 1, 1], [], []>, transpose_lhs_hint = false} : vector<4x32xf32>, vector<32x128xf32>, vector<4x128xf32> -> vector<4x128xf32>
    %add3A_113 = arith.addf %add3A_103, %dot_general3A_112 : vector<4x128xf32>
    %slice3A_114 = vector.extract_strided_slice %reshape3A_72 {offsets = [0, 4, 0], sizes = [4, 1, 32], strides = [1, 1, 1]} : vector<4x11x32xf32> to vector<4x1x32xf32>
    %squeeze3A_115 = vector.shape_cast %slice3A_114 : vector<4x1x32xf32> to vector<4x32xf32>
    %get3A_116 = arith.constant 4 : index
    %get3A_117 = arith.constant 0 : index
    %get3A_118 = arith.constant 0 : index
    %get3A_119 = vector.load %arg5[%get3A_116, %get3A_117, %get3A_118] : memref<11x32x128xf32, #tpu.memory_space<vmem>>, vector<1x32x128xf32>
    %get3A_120 = vector.shape_cast %get3A_119 : vector<1x32x128xf32> to vector<32x128xf32>
    %dot_general3A_121 = arith.constant dense<0.000000e+00> : vector<4x128xf32>
    %dot_general3A_122 = tpu.matmul %squeeze3A_115, %get3A_120, %dot_general3A_121 {dimension_numbers = #tpu.dot_dimension_numbers<[1], [0], [0], [1], [0, 0, 1, 1], [], []>, transpose_lhs_hint = false} : vector<4x32xf32>, vector<32x128xf32>, vector<4x128xf32> -> vector<4x128xf32>
    %add3A_123 = arith.addf %add3A_113, %dot_general3A_122 : vector<4x128xf32>
    %slice3A_124 = vector.extract_strided_slice %reshape3A_72 {offsets = [0, 5, 0], sizes = [4, 1, 32], strides = [1, 1, 1]} : vector<4x11x32xf32> to vector<4x1x32xf32>
    %squeeze3A_125 = vector.shape_cast %slice3A_124 : vector<4x1x32xf32> to vector<4x32xf32>
    %get3A_126 = arith.constant 5 : index
    %get3A_127 = arith.constant 0 : index
    %get3A_128 = arith.constant 0 : index
    %get3A_129 = vector.load %arg5[%get3A_126, %get3A_127, %get3A_128] : memref<11x32x128xf32, #tpu.memory_space<vmem>>, vector<1x32x128xf32>
    %get3A_130 = vector.shape_cast %get3A_129 : vector<1x32x128xf32> to vector<32x128xf32>
    %dot_general3A_131 = arith.constant dense<0.000000e+00> : vector<4x128xf32>
    %dot_general3A_132 = tpu.matmul %squeeze3A_125, %get3A_130, %dot_general3A_131 {dimension_numbers = #tpu.dot_dimension_numbers<[1], [0], [0], [1], [0, 0, 1, 1], [], []>, transpose_lhs_hint = false} : vector<4x32xf32>, vector<32x128xf32>, vector<4x128xf32> -> vector<4x128xf32>
    %add3A_133 = arith.addf %add3A_123, %dot_general3A_132 : vector<4x128xf32>
    %slice3A_134 = vector.extract_strided_slice %reshape3A_72 {offsets = [0, 6, 0], sizes = [4, 1, 32], strides = [1, 1, 1]} : vector<4x11x32xf32> to vector<4x1x32xf32>
    %squeeze3A_135 = vector.shape_cast %slice3A_134 : vector<4x1x32xf32> to vector<4x32xf32>
    %get3A_136 = arith.constant 6 : index
    %get3A_137 = arith.constant 0 : index
    %get3A_138 = arith.constant 0 : index
    %get3A_139 = vector.load %arg5[%get3A_136, %get3A_137, %get3A_138] : memref<11x32x128xf32, #tpu.memory_space<vmem>>, vector<1x32x128xf32>
    %get3A_140 = vector.shape_cast %get3A_139 : vector<1x32x128xf32> to vector<32x128xf32>
    %dot_general3A_141 = arith.constant dense<0.000000e+00> : vector<4x128xf32>
    %dot_general3A_142 = tpu.matmul %squeeze3A_135, %get3A_140, %dot_general3A_141 {dimension_numbers = #tpu.dot_dimension_numbers<[1], [0], [0], [1], [0, 0, 1, 1], [], []>, transpose_lhs_hint = false} : vector<4x32xf32>, vector<32x128xf32>, vector<4x128xf32> -> vector<4x128xf32>
    %add3A_143 = arith.addf %add3A_133, %dot_general3A_142 : vector<4x128xf32>
    %slice3A_144 = vector.extract_strided_slice %reshape3A_72 {offsets = [0, 7, 0], sizes = [4, 1, 32], strides = [1, 1, 1]} : vector<4x11x32xf32> to vector<4x1x32xf32>
    %squeeze3A_145 = vector.shape_cast %slice3A_144 : vector<4x1x32xf32> to vector<4x32xf32>
    %get3A_146 = arith.constant 7 : index
    %get3A_147 = arith.constant 0 : index
    %get3A_148 = arith.constant 0 : index
    %get3A_149 = vector.load %arg5[%get3A_146, %get3A_147, %get3A_148] : memref<11x32x128xf32, #tpu.memory_space<vmem>>, vector<1x32x128xf32>
    %get3A_150 = vector.shape_cast %get3A_149 : vector<1x32x128xf32> to vector<32x128xf32>
    %dot_general3A_151 = arith.constant dense<0.000000e+00> : vector<4x128xf32>
    %dot_general3A_152 = tpu.matmul %squeeze3A_145, %get3A_150, %dot_general3A_151 {dimension_numbers = #tpu.dot_dimension_numbers<[1], [0], [0], [1], [0, 0, 1, 1], [], []>, transpose_lhs_hint = false} : vector<4x32xf32>, vector<32x128xf32>, vector<4x128xf32> -> vector<4x128xf32>
    %add3A_153 = arith.addf %add3A_143, %dot_general3A_152 : vector<4x128xf32>
    %slice3A_154 = vector.extract_strided_slice %reshape3A_72 {offsets = [0, 8, 0], sizes = [4, 1, 32], strides = [1, 1, 1]} : vector<4x11x32xf32> to vector<4x1x32xf32>
    %squeeze3A_155 = vector.shape_cast %slice3A_154 : vector<4x1x32xf32> to vector<4x32xf32>
    %get3A_156 = arith.constant 8 : index
    %get3A_157 = arith.constant 0 : index
    %get3A_158 = arith.constant 0 : index
    %get3A_159 = vector.load %arg5[%get3A_156, %get3A_157, %get3A_158] : memref<11x32x128xf32, #tpu.memory_space<vmem>>, vector<1x32x128xf32>
    %get3A_160 = vector.shape_cast %get3A_159 : vector<1x32x128xf32> to vector<32x128xf32>
    %dot_general3A_161 = arith.constant dense<0.000000e+00> : vector<4x128xf32>
    %dot_general3A_162 = tpu.matmul %squeeze3A_155, %get3A_160, %dot_general3A_161 {dimension_numbers = #tpu.dot_dimension_numbers<[1], [0], [0], [1], [0, 0, 1, 1], [], []>, transpose_lhs_hint = false} : vector<4x32xf32>, vector<32x128xf32>, vector<4x128xf32> -> vector<4x128xf32>
    %add3A_163 = arith.addf %add3A_153, %dot_general3A_162 : vector<4x128xf32>
    %slice3A_164 = vector.extract_strided_slice %reshape3A_72 {offsets = [0, 9, 0], sizes = [4, 1, 32], strides = [1, 1, 1]} : vector<4x11x32xf32> to vector<4x1x32xf32>
    %squeeze3A_165 = vector.shape_cast %slice3A_164 : vector<4x1x32xf32> to vector<4x32xf32>
    %get3A_166 = arith.constant 9 : index
    %get3A_167 = arith.constant 0 : index
    %get3A_168 = arith.constant 0 : index
    %get3A_169 = vector.load %arg5[%get3A_166, %get3A_167, %get3A_168] : memref<11x32x128xf32, #tpu.memory_space<vmem>>, vector<1x32x128xf32>
    %get3A_170 = vector.shape_cast %get3A_169 : vector<1x32x128xf32> to vector<32x128xf32>
    %dot_general3A_171 = arith.constant dense<0.000000e+00> : vector<4x128xf32>
    %dot_general3A_172 = tpu.matmul %squeeze3A_165, %get3A_170, %dot_general3A_171 {dimension_numbers = #tpu.dot_dimension_numbers<[1], [0], [0], [1], [0, 0, 1, 1], [], []>, transpose_lhs_hint = false} : vector<4x32xf32>, vector<32x128xf32>, vector<4x128xf32> -> vector<4x128xf32>
    %add3A_173 = arith.addf %add3A_163, %dot_general3A_172 : vector<4x128xf32>
    %slice3A_174 = vector.extract_strided_slice %reshape3A_72 {offsets = [0, 10, 0], sizes = [4, 1, 32], strides = [1, 1, 1]} : vector<4x11x32xf32> to vector<4x1x32xf32>
    %squeeze3A_175 = vector.shape_cast %slice3A_174 : vector<4x1x32xf32> to vector<4x32xf32>
    %get3A_176 = arith.constant 10 : index
    %get3A_177 = arith.constant 0 : index
    %get3A_178 = arith.constant 0 : index
    %get3A_179 = vector.load %arg5[%get3A_176, %get3A_177, %get3A_178] : memref<11x32x128xf32, #tpu.memory_space<vmem>>, vector<1x32x128xf32>
    %get3A_180 = vector.shape_cast %get3A_179 : vector<1x32x128xf32> to vector<32x128xf32>
    %dot_general3A_181 = arith.constant dense<0.000000e+00> : vector<4x128xf32>
    %dot_general3A_182 = tpu.matmul %squeeze3A_175, %get3A_180, %dot_general3A_181 {dimension_numbers = #tpu.dot_dimension_numbers<[1], [0], [0], [1], [0, 0, 1, 1], [], []>, transpose_lhs_hint = false} : vector<4x32xf32>, vector<32x128xf32>, vector<4x128xf32> -> vector<4x128xf32>
    %add3A_183 = arith.addf %add3A_173, %dot_general3A_182 : vector<4x128xf32>
    %get3A_184 = arith.constant 0 : index
    %get3A_185 = arith.constant 0 : index
    %get3A_186 = vector.load %arg6[%get3A_184, %get3A_185] : memref<1x128xf32, #tpu.memory_space<vmem>>, vector<1x128xf32>
    %add3A_187 = vector.broadcast %get3A_186 : vector<1x128xf32> to vector<4x128xf32>
    %add3A_188 = arith.addf %add3A_183, %add3A_187 : vector<4x128xf32>
    %max3A_189 = arith.constant 0.000000e+00 : f32
    %max3A_190 = vector.broadcast %max3A_189 : f32 to vector<4x128xf32>
    %max3A_191 = arith.maximumf %add3A_188, %max3A_190 : vector<4x128xf32>
    %get3A_192 = arith.constant 0 : index
    %get3A_193 = arith.constant 0 : index
    %get3A_194 = vector.load %arg7[%get3A_192, %get3A_193] : memref<128x10xf32, #tpu.memory_space<vmem>>, vector<128x10xf32>
    %dot_general3A_195 = arith.constant dense<0.000000e+00> : vector<4x10xf32>
    %dot_general3A_196 = tpu.matmul %max3A_191, %get3A_194, %dot_general3A_195 {dimension_numbers = #tpu.dot_dimension_numbers<[1], [0], [0], [1], [0, 0, 1, 1], [], []>, transpose_lhs_hint = false} : vector<4x128xf32>, vector<128x10xf32>, vector<4x10xf32> -> vector<4x10xf32>
    %get3A_197 = arith.constant 0 : index
    %get3A_198 = arith.constant 0 : index
    %get3A_199 = vector.load %arg8[%get3A_197, %get3A_198] : memref<1x10xf32, #tpu.memory_space<vmem>>, vector<1x10xf32>
    %add3A_200 = vector.broadcast %get3A_199 : vector<1x10xf32> to vector<4x10xf32>
    %add3A_201 = arith.addf %dot_general3A_196, %add3A_200 : vector<4x10xf32>
    %swap3A = arith.constant 0 : index
    %swap3A_202 = arith.constant 0 : index
    %swap3A_203 = vector.load %arg9[%swap3A, %swap3A_202] : memref<4x10xf32, #tpu.memory_space<vmem>>, vector<4x10xf32>
    tpu.vector_store %arg9[%swap3A, %swap3A_202], %add3A_201 {strides = array<i32>} : memref<4x10xf32, #tpu.memory_space<vmem>>, vector<4x10xf32>,
    return
  }
}

</mosaic_0001>

<sc_bundles>
// kernel: kernel.12.cloned.1.call-start
scs
__scs_entry_jumppad:
0x0: {  	(pc) =	sbr.rel $0x88, $3  }
0x1: {  	(tag) =	ssettag $0x0;
	lr =	simm.s32 $0x1  }
0x2: {  	[smem:$0x3F90] =	sst lr;
	_ =	strace $0xD0000000  }
0x3: {  	_ = 	snop  }
0x4: {  	_ = 	snop  }
0x5: {  	_ = 	snop  }
0x6: {  	_ = 	snop  }
0x7: {  	_ = 	snop  }
__scs_overlays_trampoline_lowered:
0x8: {  	[smem:$0x3F9F] =	sst s0  }
0x9: {  	[smem:$0x3FA0] =	sst s1  }
0xa: {  	[smem:$0x3FA1] =	sst s2  }
0xb: {  	[smem:$0x3FA2] =	sst s3  }
0xc: {  	[smem:$0x3FA3] =	sst s4  }
0xd: {  	[smem:$0x3FA4] =	sst s5  }
0xe: {  	[smem:$0x3FA5] =	sst s6  }
0xf: {  	[smem:$0x3FA6] =	sst s7  }
0x10: {  	[smem:$0x3FA7] =	sst s8  }
0x11: {  	[smem:$0x3FA8] =	sst s9;
	s0 =	simm.s32 @!p0 $0x0  }
0x12: {  	s1 =	sld [smem:$0x3F8E];
	s0 =	simm.s32 @p0 $0x1  }
0x13: {  	[smem:$0x3FA9] =	sst s0;
	s0 =	simm.s32 @!p1 $0x0  }
0x14: {  	s2 =	sld [smem:$0x3F8D];
	s0 =	simm.s32 @p1 $0x1  }
0x15: {  	[smem:$0x3FAA] =	sst s0;
	s0 =	simm.s32 @!p2 $0x0  }
0x16: {  	s3 =	sld [smem:$0x3FDB];
	s0 =	simm.s32 @p2 $0x1  }
0x17: {  	s4 =	simm.s32 $0x1BF5;
	[smem:$0x3FAC] =	sst s0  }
0x18: {  	s0 =	sld [smem:$0x3F8F];
	_ =	swait.ge [sflag:s4], $0x0  }
0x19: {  	s7 =	sld [smem:$0x3F90]  }
0x1a: {  	s8 =	sadd.s32 $0xFFFFE003, lr  }
0x1b: {  	s9 =	sadd.s32 $0xFFFFFEF7, lr;
	s5 =	simm.s32 $0xFFFFFFFF;
	p2 =	slt.u32 s8, $0xFFFFF086  }
0x1c: {  	p1 =	slt.u32 s9, $0xF7A;
	s5 =	simm.s32 @!p2 $0x0  }
0x1d: {  	s5 =	simm.s32 @p1 $0x1;
	p0 =	seq.s32 s7, s2  }
0x1e: {  	s7 =	smul.u32 @!p0 $0xF7A, s2;
	p2 =	seq.s32 @!p0 s5, $0x0  }
0x1f: {  	s9 =	smul.u32 $0xF7A, s1;
	s8 =	simm.s32 @!p0 $0x1BF5;
	p2 =	por !p2, p0  }
0x20: {  	[sflag:s8] =	ssyncset.s32 @!p0 $0xFFFFF086;
	s6 =	sadd.s32 @!p0 s3, s7;
	s7 =	simm.s32 @!p0 $0x108  }
0x21: {  	s3 =	sadd.s32 s3, s9;
	s6 =	sadd.s32 @!p0 $0x88, s6;
	s7 =	simm.s32 @p2 $0x1082  }
0x22: {  	[simem:s7], [sflag:s8] =	dma.local @!p0 [hbm:s6], $0xF7A  }
0x23: {  	s9 =	sor.u32 $0xD0000000, s2;
	s6 =	simm.s32 $0x108;
	_ =	swait.ge @!p0 [sflag:s8], $0x0  }
0x24: {  	s3 =	sadd.s32 $0x88, s3;
	s6 =	simm.s32 @!p1 $0x1082;
	[sflag:s4] =	ssyncset.s32 $0xFFFFF086  }
0x25: {  	[simem:s6], [sflag:s4] =	dma.local [hbm:s3], $0xF7A  }
0x26: {  	[smem:$0x3F90] =	sst s1;
	(tag) =	ssettag s2;
	_ =	strace s9  }
0x27: {  	s1 =	sld [smem:$0x3FA0]  }
0x28: {  	s2 =	sld [smem:$0x3FA1]  }
0x29: {  	s4 =	sld [smem:$0x3FA3]  }
0x2a: {  	p0 =	seq.s32 s5, $0x0;
	s5 =	sld [smem:$0x3FA4]  }
0x2b: {  	s6 =	sld [smem:$0x3FA5]  }
0x2c: {  	s7 =	sld [smem:$0x3FA6]  }
0x2d: {  	s3 =	simm.s32 $0x108;
	s8 =	sld [smem:$0x3FA7]  }
0x2e: {  	s3 =	simm.s32 @!p0 $0x1082;
	s9 =	sld [smem:$0x3FA8]  }
0x2f: {  	lr =	sadd.s32 s0, s3;
	s0 =	sld [smem:$0x3F9F]  }
0x30: {  	s3 =	sld [smem:$0x3FA2]  }
0x31: {  	[smem:$0x3FAB] =	sst s10  }
0x32: {  	s10 =	sld [smem:$0x3FA9];
	_ =	sdelay $0x3  }
0x33: {  	p0 =	seq.s32 s10, $0x1;
	s10 =	sld [smem:$0x3FAB];
	_ =	sdelay $0x3  }
0x34: {  	[smem:$0x3FAB] =	sst s10  }
0x35: {  	s10 =	sld [smem:$0x3FAA];
	_ =	sdelay $0x3  }
0x36: {  	p1 =	seq.s32 s10, $0x1;
	s10 =	sld [smem:$0x3FAB];
	_ =	sdelay $0x3  }
0x37: {  	[smem:$0x3FAB] =	sst s10  }
0x38: {  	s10 =	sld [smem:$0x3FAC]  }
0x39: {  	_ = 	snop;
	(pc) =	sbr.ind lr, $3  }
0x3a: {  	_ = 	snop  }
0x3b: {  	_ = 	snop  }
0x3c: {  	p2 =	seq.s32 s10, $0x1;
	s10 =	sld [smem:$0x3FAB]  }
0x3d: {  	_ =	shalt  }
0x3e: {  	_ =	shalt  }
0x3f: {  	_ =	shalt  }
0x40: {  	_ =	shalt  }
0x41: {  	_ =	shalt  }
0x42: {  	_ =	shalt  }
0x43: {  	_ =	shalt  }
0x44: {  	_ =	shalt  }
0x45: {  	_ =	shalt  }
0x46: {  	_ =	shalt  }
0x47: {  	_ =	shalt  }
0x48: {  	_ =	shalt  }
0x49: {  	_ =	shalt  }
0x4a: {  	_ =	shalt  }
0x4b: {  	_ =	shalt  }
0x4c: {  	_ =	shalt  }
0x4d: {  	_ =	shalt  }
0x4e: {  	_ =	shalt  }
0x4f: {  	_ =	shalt  }
0x50: {  	_ =	shalt  }
0x51: {  	_ =	shalt  }
0x52: {  	_ =	shalt  }
0x53: {  	_ =	shalt  }
0x54: {  	_ =	shalt  }
0x55: {  	_ =	shalt  }
0x56: {  	_ =	shalt  }
0x57: {  	_ =	shalt  }
0x58: {  	_ =	shalt  }
0x59: {  	_ =	shalt  }
0x5a: {  	_ =	shalt  }
0x5b: {  	_ =	shalt  }
0x5c: {  	_ =	shalt  }
0x5d: {  	_ =	shalt  }
0x5e: {  	_ =	shalt  }
0x5f: {  	_ =	shalt  }
0x60: {  	_ =	shalt  }
0x61: {  	_ =	shalt  }
0x62: {  	_ =	shalt  }
0x63: {  	_ =	shalt  }
0x64: {  	_ =	shalt  }
0x65: {  	_ =	shalt  }
0x66: {  	_ =	shalt  }
0x67: {  	_ =	shalt  }
0x68: {  	_ =	shalt  }
0x69: {  	_ =	shalt  }
0x6a: {  	_ =	shalt  }
0x6b: {  	_ =	shalt  }
0x6c: {  	_ =	shalt  }
0x6d: {  	_ =	shalt  }
0x6e: {  	_ =	shalt  }
0x6f: {  	_ =	shalt  }
0x70: {  	_ =	shalt  }
0x71: {  	_ =	shalt  }
0x72: {  	_ =	shalt  }
0x73: {  	_ =	shalt  }
0x74: {  	_ =	shalt  }
0x75: {  	_ =	shalt  }
0x76: {  	_ =	shalt  }
0x77: {  	_ =	shalt  }
0x78: {  	_ =	shalt  }
0x79: {  	_ =	shalt  }
0x7a: {  	_ =	shalt  }
0x7b: {  	_ =	shalt  }
0x7c: {  	_ =	shalt  }
0x7d: {  	_ =	shalt  }
0x7e: {  	_ =	shalt  }
0x7f: {  	_ =	shalt  }
0x80: {  	_ =	shalt  }
0x81: {  	_ =	shalt  }
0x82: {  	_ =	shalt  }
0x83: {  	_ =	shalt  }
0x84: {  	_ =	shalt  }
0x85: {  	_ =	shalt  }
0x86: {  	_ =	shalt  }
0x87: {  	_ =	shalt  }
.Lfunc_end0:
.L_simem_size_0:
called_computation_lowered:
.L_overlay_start_0:
0x88: {  	s2 =	sld [smem:$0x3FD9]  }
0x89: {  	s3 =	sld [smem:$0x3FFE];
	_ =	sdelay $0x1  }
0x8a: {  	s1 =	srdreg.scid  }
0x8b: {  	s0 =	sand.u32 $0x1, s1  }
0x8c: {  	s16 =	sshll.u32 s0, $0xA;
	s2 =	sadd.s32 s3, s2  }
0x8d: {  	s2 =	sadd.s32 s2, s16  }
0x8e: {  	[smem:$0x3FB7] =	sst s2  }
0x8f: {  	_ = 	snop  }
0x90: {  	(tm) =	ssettm $0x1  }
0x91: {  	s17 =	sld [smem:$0x3FFB];
	_ =	sdelay $0x3  }
0x92: {  	_ =	strace s17  }
0x93: {  	s2 =	sld [smem:$0x3FFC];
	_ =	sdelay $0x3  }
0x94: {  	_ =	strace s2  }
0x95: {  	s2 =	sld [smem:$0x3FFD];
	_ =	sdelay $0x3  }
0x96: {  	_ =	strace s2  }
0x97: {  	_ =	strace $0x8FFFFFFF  }
0x98: {  	s18 =	sld [smem:$0x3FDB];
	_ =	sdelay $0x1  }
0x99: {  	s19 =	simm.s32 $_scs_section_size  }
0x9a: {  	s4 =	simm.s32 $_size__tile_overlayer_lowered;
	s5 =	simm.s32 $_tile_overlayer_lowered  }
0x9b: {  	s22 =	simm.s32 $0x1BFF;
	s21 =	sshll.u32 s5, $0x1;
	s2 =	sadd.s32 s19, s18  }
0x9c: {  	s6 =	simm.s32 $0x0;
	s20 =	sshll.u32 s4, $0x1;
	s4 =	sadd.s32 s21, s2  }
0x9d: {  	[timem:s6], [sflag:s22] =	dma.local [hbm:s4], s20  }
0x9e: {  	_ =	swait.ge [sflag:s22], s20  }
0x9f: {  	s3 =	ssub.s32 $0x0, s20;
	[sflag:s22] =	ssyncset.done $0x0  }
0xa0: {  	[sflag:s22] =	ssyncadd.s32 s3;
	_ =	sdelay $0x1  }
0xa1: {  	s23 =	simm.s32 $0x1B8B  }
0xa2: {  	_ =	swait.ge [sflag:s23], $0x1  }
0xa3: {  	[sflag:s23] =	ssyncset.done $0x0  }
0xa4: {  	s25 =	simm.s32 $0x1B8E;
	s24 =	sld [smem:$0x3FFE];
	[sflag:s23] =	ssyncadd.s32 $0xFFFFFFFF  }
0xa5: {  	s26 =	simm.s32 $execute0_lowered;
	[smem:$0x3FD2] =	sst s25  }
0xa6: {  	s4 =	sshll.u32 s26, $0x1;
	_ =	strace $0x80000046;
	[dreg:$0x1] =	wrdreg $0xFFFFFFFF  }
0xa7: {  	s28 =	simm.s32 $_size_execute0_lowered;
	s2 =	sadd.s32 s2, s4;
	[dreg:$0x0] =	wrdreg $0x0  }
0xa8: {  	s4 =	sshll.u32 s28, $0x1;
	[dreg:$0x2] =	wrdreg s2  }
0xa9: {  	[dreg:$0x3] =	wrdreg s4  }
0xaa: {  	[dreg:$0x4] =	wrdreg $0xC0  }
0xab: {  	_ =	task [dreg:s6], $0x5FFFF  }
0xac: {  	[dreg:$0x1] =	wrdreg $0xFFFFFFFF  }
0xad: {  	[dreg:$0x0] =	wrdreg $0x60  }
0xae: {  	[dreg:$0x2] =	wrdreg s24  }
0xaf: {  	[dreg:$0x3] =	wrdreg $0x0  }
0xb0: {  	[dreg:$0x4] =	wrdreg $0x9  }
0xb1: {  	_ =	task.clear_ibuf [dreg:s6], $0x5FFFF;
	_ =	strace $0x90000046  }
0xb2: {  	s29 =	simm.s32 $0x9;
	_ =	strace $0x80000048  }
0xb3: {  	_ =	swait.ge [sflag:s29], $0x1  }
0xb4: {  	[sflag:s29] =	ssyncadd.s32 $0xFFFFFFFF  }
0xb5: {  	_ =	strace $0x90000048  }
0xb6: {  	_ =	sfence  }
0xb7: {  	s30 =	sld [smem:$0x0];
	_ =	sdelay $0x2  }
0xb8: {  	s31 =	sshll.u32 s1, $0xD;
	s1 =	sshrl.u32 s1, $0x2  }
0xb9: {  	s3 =	sand.u32 $0x4000, s31;
	s1 =	sadd.s32 s1, s30  }
0xba: {  	s0 =	sor.u32 s3, s0;
	s1 =	sshll.u32 s1, $0x11  }
0xbb: {  	s0 =	sor.u32 s1, s0  }
0xbc: {  	s0 =	sadd.s32 $0x8F2B, s0  }
0xbd: {  	[sflag:s0] =	ssyncadd.remote.s32 $0x1  }
0xbe: {  	_ =	sfence.sel $0xFFFF  }
0xbf: {  	[dreg:$0x0] =	wrdreg $0xFFFFFFFF;
	(pc) =	sbr.abs _section_cstart, $3  }
0xc0: {  	[dreg:$0x1] =	wrdreg $0xFFFFFFFF  }
0xc1: {  	_ =	task.clear_ibuf [dreg:s6], $0x2FFFF;
	_ =	strace $0x9FFFFFFF  }
0xc2: {  	(tm) =	ssettm $0x7FFFFFFF  }
0xc3: {  	_ =	shalt  }
tec
execute0_lowered:
.L_overlay_start_1:
0x0: {  	(tag) =	ssettag $0x1  }
0x1: {  	s0 =	rddreg [dreg:$0x0]  }
0x2: {  	s1 =	srdreg.scid;
	s12 =	stileid.u32  }
0x3: {  	s2 =	rddreg [dreg:$0x1];
	s3 =	simm.s32 $0x0;
	s13 =	simm.s32 $0x5  }
0x4: {  	s14 =	simm.s32 $0x2B18;
	s18 =	simm.s32 $0x53B8;
	s19 =	simm.s32 $0x5420  }
0x5: {  	s20 =	simm.s32 $0x5488;
	s21 =	simm.s32 $0x54F0;
	s22 =	simm.s32 $0x64  }
0x6: {  	s25 =	simm.s32 $0x1;
	s28 =	simm.s32 $0x2;
	s29 =	simm.s32 $0x3  }
0x7: {  	s30 =	simm.s32 $0x4;
	s31 =	simm.s32 $0x0;
	s4 =	smul.u32 $0x5140, s12  }
0x8: {  	s1 =	sand.u32 $0x1, s1;
	[smem:$0x7FF] =	sst s3;
	s8 =	smul.u32 $0x278, s12  }
0x9: {  	s15 =	sadd.s32 $0x2508, s2;
	p0 =	seq.s32 s12, $0xF;
	s5 =	smul.u32 $0x28A0, s1  }
0xa: {  	_ =	strace $0x80000047;
	s6 =	smul.u32 $0x4E2, s1;
	s1 =	ssub.s32 $0x2, s1  }
0xb: {  	s15 =	sshrl.u32 @p0 s15, $0x3;
	s26 =	sshrl.u32 s1, $0x1;
	s17 =	sadd.s32 s8, s2  }
0xc: {  	s5 =	sadd.s32 s5, s4;
	s4 =	sadd.s32 $0x17C00, s0;
	s10 =	sadd.s32 s6, s0  }
0xd: {  	s1 =	ssub.s32 s1, s26;
	s17 =	sshrl.u32 @!p0 s17, $0x3;
	s5 =	sshrl.u32 s5, $0x3  }
0xe: {  	s26 =	simm.s32 $0x2C50;
	s7 =	sadd.s32 s5, s0;
	s5 =	sshrl.u32 s8, $0x3  }
0xf: {  	s10 =	sadd.s32 $0x18200, s10;
	s11 =	smax.u32 s1, $0x1;
	s9 =	sadd.s32 s5, s0  }
0x10: {  	s8 =	sadd.s32 $0x17600, s9;
	s9 =	sadd.s32 $0x17AA1, s0;
	s0 =	sshll.u32 @!p0 s12, $0x6  }
0x11: {  	s6 =	sadd.s32 $0xD200, s7;
	s7 =	sadd.s32 $0x2E00, s7;
	s16 =	sor.u32 @!p0 $0x1C05, s0  }
.LBB2_1:
0x12: {  	s0 =	simm.s32 $0x278  }
0x13: {  	[tilespmem:s0], [sflag:$0x5] =	stream.linear.gather [hbm4b:s6+s3], $0x28A0, $0x38;
	[tilespmem:$0x5558] =	vst v63  }
0x14: {  	_ =	swait.ge [sflag:s13], $0x28A0  }
0x15: {  	[sflag:s13] =	ssyncset.done $0x0  }
0x16: {  	[sflag:s13] =	ssyncadd.s32 $0xFFFFD760  }
0x17: {  	[tilespmem:s14], [sflag:$0x5] =	stream.linear.gather [hbm4b:s7+s3], $0x28A0, $0x38;
	[tilespmem:$0x5558] =	vst v63  }
0x18: {  	_ =	swait.ge [sflag:s13], $0x28A0  }
0x19: {  	[sflag:s13] =	ssyncset.done $0x0  }
0x1a: {  	s0 =	simm.s32 @p0 $0x1FC5;
	[sflag:s13] =	ssyncadd.s32 $0xFFFFD760  }
0x1b: {  	[spmem:s15], [sflag:s0] =	dma.local @p0 [hbm:s9], $0x41  }
0x1c: {  	s0 =	simm.s32 @p0 $0x5  }
0x1d: {  	_ =	swait.ge @p0 [sflag:s0], $0x41  }
0x1e: {  	[sflag:s0] =	ssyncset.done @p0 $0x0  }
0x1f: {  	[sflag:s0] =	ssyncadd.s32 @p0 $0xFFFFFFBF;
	s0 =	simm.s32 @!p0 $0x5  }
0x20: {  	[spmem:s17], [sflag:s16] =	dma.local @!p0 [hbm:s8], $0x4F  }
0x21: {  	_ =	swait.ge @!p0 [sflag:s0], $0x4F  }
0x22: {  	[sflag:s0] =	ssyncset.done @!p0 $0x0  }
0x23: {  	[sflag:s0] =	ssyncadd.s32 @!p0 $0xFFFFFFB1  }
0x24: {  	[tilespmem:s18], [sflag:$0x5] =	stream.linear.gather [hbm4b:s4+s3], $0x64, $0x38;
	[tilespmem:$0x5558] =	vst v63  }
0x25: {  	_ =	swait.ge [sflag:s13], $0x64  }
0x26: {  	[sflag:s13] =	ssyncset.done $0x0  }
0x27: {  	[sflag:s13] =	ssyncadd.s32 $0xFFFFFF9C  }
0x28: {  	[tilespmem:s19], [sflag:$0x5] =	stream.linear.gather [hbm4b:s4+s3], $0x64, $0x38;
	[tilespmem:$0x5558] =	vst v63  }
0x29: {  	_ =	swait.ge [sflag:s13], $0x64  }
0x2a: {  	[sflag:s13] =	ssyncset.done $0x0  }
0x2b: {  	[sflag:s13] =	ssyncadd.s32 $0xFFFFFF9C  }
0x2c: {  	[tilespmem:s20], [sflag:$0x5] =	stream.linear.gather [hbm4b:s4+s3], $0x64, $0x38;
	[tilespmem:$0x5558] =	vst v63  }
0x2d: {  	_ =	swait.ge [sflag:s13], $0x64  }
0x2e: {  	[sflag:s13] =	ssyncset.done $0x0  }
0x2f: {  	[sflag:s13] =	ssyncadd.s32 $0xFFFFFF9C  }
0x30: {  	[tilespmem:s21], [sflag:$0x5] =	stream.linear.gather [hbm4b:s4+s3], $0x64, $0x38;
	[tilespmem:$0x5558] =	vst v63  }
0x31: {  	_ =	swait.ge [sflag:s13], $0x64  }
0x32: {  	[sflag:s13] =	ssyncset.done $0x0  }
0x33: {  	[sflag:s13] =	ssyncadd.s32 $0xFFFFFF9C  }
0x34: {  	[bflag:$0x0] =	sbarrier.arrive $0xFFFF  }
0x35: {  	[spmem:s2] =	stream.indirect.scatter.add.f32 [tilespmem:s18], [sflag:$0x1], $0x1, s14, s22, $0xb8;
	[tilespmem:$0x5558] =	vst v63  }
0x36: {  	s23 =	simm.s32 $0x2B80  }
0x37: {  	[spmem:s2] =	stream.indirect.scatter.add.f32 [tilespmem:s19], [sflag:$0x2], $0x1, s23, s22, $0xb8;
	[tilespmem:$0x5558] =	vst v63  }
0x38: {  	s24 =	simm.s32 $0x2BE8  }
0x39: {  	[spmem:s2] =	stream.indirect.scatter.add.f32 [tilespmem:s20], [sflag:$0x3], $0x1, s24, s22, $0xb8;
	[tilespmem:$0x5558] =	vst v63  }
0x3a: {  	_ =	swait.ge [sflag:s25], $0x64  }
0x3b: {  	[sflag:s25] =	ssyncset.done $0x0  }
0x3c: {  	[sflag:s25] =	ssyncadd.s32 $0xFFFFFF9C  }
0x3d: {  	[spmem:s2] =	stream.indirect.scatter.add.f32 [tilespmem:s21], [sflag:$0x4], $0x1, s26, s22, $0xb8;
	[tilespmem:$0x5558] =	vst v63  }
0x3e: {  	_ =	swait.ge [sflag:s28], $0x64  }
0x3f: {  	[sflag:s28] =	ssyncset.done $0x0  }
0x40: {  	s1 =	simm.s32 $0x2CB8;
	[sflag:s28] =	ssyncadd.s32 $0xFFFFFF9C  }
0x41: {  	[spmem:s2] =	stream.indirect.scatter.add.f32 [tilespmem:s18], [sflag:$0x1], $0x1, s1, s22, $0xb8;
	[tilespmem:$0x5558] =	vst v63  }
0x42: {  	_ =	swait.ge [sflag:s29], $0x64  }
0x43: {  	[sflag:s29] =	ssyncset.done $0x0  }
0x44: {  	s12 =	simm.s32 $0x2D20;
	[sflag:s29] =	ssyncadd.s32 $0xFFFFFF9C  }
0x45: {  	[spmem:s2] =	stream.indirect.scatter.add.f32 [tilespmem:s19], [sflag:$0x2], $0x1, s12, s22, $0xb8;
	[tilespmem:$0x5558] =	vst v63  }
0x46: {  	_ =	swait.ge [sflag:s30], $0x64  }
0x47: {  	[sflag:s30] =	ssyncset.done $0x0  }
0x48: {  	s23 =	simm.s32 $0x2D88;
	[sflag:s30] =	ssyncadd.s32 $0xFFFFFF9C  }
0x49: {  	[spmem:s2] =	stream.indirect.scatter.add.f32 [tilespmem:s20], [sflag:$0x3], $0x1, s23, s22, $0xb8;
	[tilespmem:$0x5558] =	vst v63  }
0x4a: {  	_ =	swait.ge [sflag:s25], $0x64  }
0x4b: {  	[sflag:s25] =	ssyncset.done $0x0  }
0x4c: {  	s24 =	simm.s32 $0x2DF0;
	[sflag:s25] =	ssyncadd.s32 $0xFFFFFF9C  }
0x4d: {  	[spmem:s2] =	stream.indirect.scatter.add.f32 [tilespmem:s21], [sflag:$0x4], $0x1, s24, s22, $0xb8;
	[tilespmem:$0x5558] =	vst v63  }
0x4e: {  	_ =	swait.ge [sflag:s28], $0x64  }
0x4f: {  	s0 =	simm.s32 $0xFFFF7100;
	s1 =	simm.s32 $0xFFFFDAA0;
	[sflag:s28] =	ssyncset.done $0x0  }
.LBB2_2:
0x50: {  	s12 =	sadd.s32 $0x53B8, s1  }
0x51: {  	[sflag:s28] =	ssyncadd.s32 $0xFFFFFF9C;
	s23 =	smov.u32 s0;
	s24 =	sadd.s32 $0x680, s0  }
0x52: {  	[spmem:s2] =	stream.indirect.scatter.add.f32 [tilespmem:s18], [sflag:$0x1], $0x1, s12, s22, $0xb8;
	[tilespmem:$0x5558] =	vst v63  }
0x53: {  	p1 =	sne.s32 s0, $0xFFFFF980;
	_ =	swait.ge [sflag:s29], $0x64  }
0x54: {  	[sflag:s29] =	ssyncset.done $0x0  }
0x55: {  	s0 =	sadd.s32 $0x5420, s1;
	[sflag:s29] =	ssyncadd.s32 $0xFFFFFF9C  }
0x56: {  	[spmem:s2] =	stream.indirect.scatter.add.f32 [tilespmem:s19], [sflag:$0x2], $0x1, s0, s22, $0xb8;
	[tilespmem:$0x5558] =	vst v63  }
0x57: {  	_ =	swait.ge [sflag:s30], $0x64  }
0x58: {  	[sflag:s30] =	ssyncset.done $0x0  }
0x59: {  	s0 =	sadd.s32 $0x5488, s1;
	[sflag:s30] =	ssyncadd.s32 $0xFFFFFF9C  }
0x5a: {  	[spmem:s2] =	stream.indirect.scatter.add.f32 [tilespmem:s20], [sflag:$0x3], $0x1, s0, s22, $0xb8;
	[tilespmem:$0x5558] =	vst v63  }
0x5b: {  	_ =	swait.ge [sflag:s25], $0x64  }
.Ltmp0:
0x5c: {  	[sflag:s25] =	ssyncset.done $0x0;
	(pc) =	sbr.rel @p1 .LBB2_2-.Ltmp0, $4  }
0x5d: {  	s0 =	sadd.s32 $0x54F0, s1;
	[sflag:s25] =	ssyncadd.s32 $0xFFFFFF9C  }
0x5e: {  	[spmem:s2] =	stream.indirect.scatter.add.f32 [tilespmem:s21], [sflag:$0x4], $0x1, s0, s22, $0xb8;
	[tilespmem:$0x5558] =	vst v63  }
0x5f: {  	_ =	swait.ge [sflag:s28], $0x64  }
0x60: {  	s1 =	sshra.s32 s23, $0x2;
	s0 =	smov.u32 s24;
	[sflag:s28] =	ssyncset.done $0x0  }
0x61: {  	s0 =	sadd.s32 $0x53B8, s1;
	[sflag:s28] =	ssyncadd.s32 $0xFFFFFF9C  }
0x62: {  	[spmem:s2] =	stream.indirect.scatter.add.f32 [tilespmem:s18], [sflag:$0x1], $0x1, s0, s22, $0xb8;
	[tilespmem:$0x5558] =	vst v63  }
0x63: {  	_ =	swait.ge [sflag:s29], $0x64  }
0x64: {  	[sflag:s29] =	ssyncset.done $0x0  }
0x65: {  	s12 =	sadd.s32 $0x5420, s1;
	[sflag:s29] =	ssyncadd.s32 $0xFFFFFF9C  }
0x66: {  	[spmem:s2] =	stream.indirect.scatter.add.f32 [tilespmem:s19], [sflag:$0x2], $0x1, s12, s22, $0xb8;
	[tilespmem:$0x5558] =	vst v63  }
0x67: {  	_ =	swait.ge [sflag:s30], $0x64  }
0x68: {  	[sflag:s30] =	ssyncset.done $0x0  }
0x69: {  	s23 =	sadd.s32 $0x5488, s1;
	[sflag:s30] =	ssyncadd.s32 $0xFFFFFF9C  }
0x6a: {  	[spmem:s2] =	stream.indirect.scatter.add.f32 [tilespmem:s20], [sflag:$0x3], $0x1, s23, s22, $0xb8;
	[tilespmem:$0x5558] =	vst v63  }
0x6b: {  	_ =	swait.ge [sflag:s25], $0x64  }
0x6c: {  	[sflag:s25] =	ssyncset.done $0x0  }
0x6d: {  	s24 =	sadd.s32 $0x54F0, s1;
	[sflag:s25] =	ssyncadd.s32 $0xFFFFFF9C  }
0x6e: {  	[spmem:s2] =	stream.indirect.scatter.add.f32 [tilespmem:s21], [sflag:$0x4], $0x1, s24, s22, $0xb8;
	[tilespmem:$0x5558] =	vst v63  }
0x6f: {  	_ =	swait.ge [sflag:s28], $0x64  }
0x70: {  	[sflag:s28] =	ssyncset.done $0x0  }
0x71: {  	[sflag:s28] =	ssyncadd.s32 $0xFFFFFF9C  }
0x72: {  	_ =	swait.ge [sflag:s29], $0x64  }
0x73: {  	[sflag:s29] =	ssyncset.done $0x0  }
0x74: {  	[sflag:s29] =	ssyncadd.s32 $0xFFFFFF9C  }
0x75: {  	_ =	swait.ge [sflag:s30], $0x64  }
0x76: {  	[sflag:s30] =	ssyncset.done $0x0  }
0x77: {  	[sflag:s30] =	ssyncadd.s32 $0xFFFFFF9C  }
0x78: {  	s1 =	simm.s32 @p0 $0x1FC5;
	s0 =	sadd.s32 @p0 $0x4A1, s10;
	[bflag:$0x0] =	sbarrier.arrive $0xFFFF  }
0x79: {  	[hbm:s0], [sflag:s1] =	dma.local @p0 [spmem:s15], $0x41  }
0x7a: {  	s0 =	simm.s32 @p0 $0x5  }
0x7b: {  	_ =	swait.ge @p0 [sflag:s0], $0x41  }
0x7c: {  	s31 =	sadd.s32 $0x1, s31;
	[sflag:s0] =	ssyncset.done @p0 $0x0  }
0x7d: {  	p1 =	sne.s32 s31, s11;
	[sflag:s0] =	ssyncadd.s32 @p0 $0xFFFFFFBF;
	s0 =	sadd.s32 @!p0 s5, s10  }
0x7e: {  	[hbm:s0], [sflag:s16] =	dma.local @!p0 [spmem:s17], $0x4F  }
.Ltmp1:
0x7f: {  	_ = 	snop;
	(pc) =	sbr.rel @p1 .LBB2_1-.Ltmp1, $4  }
0x80: {  	s0 =	simm.s32 @!p0 $0x5  }
0x81: {  	_ =	swait.ge @!p0 [sflag:s0], $0x4F  }
0x82: {  	[sflag:s0] =	ssyncset.done @!p0 $0x0  }
0x83: {  	[sflag:s0] =	ssyncadd.s32 @!p0 $0xFFFFFFB1  }
0x84: {  	_ =	sfence.sel $0x180000  }
0x85: {  	[bflag:$0x0] =	sbarrier.arrive $0xFFFF  }
0x86: {  	_ =	strace $0x90000047  }
0x87: {  	s0 =	stileid.u32;
	[bflag:$0x2] =	sbarrier.arrive $0xFFFF  }
0x88: {  	p0 =	sne.s32 s0, $0x0;
	s0 =	rddreg [dreg:$0x2]  }
0x89: {  	s0 =	sadd.s32 @!p0 $0x100000, s0  }
0x8a: {  	[sflag:s0] =	ssyncadd.tile.s32 @!p0 $0x1;
	_ =	shalt  }
.Lfunc_end2:
_tile_overlayer_lowered:
.L_overlay_start_2:
0x8b: {  	(tag) =	ssettag $0x2  }
0x8c: {  	s0 =	rddreg [dreg:$0x0];
	s2 =	stileid.u32  }
0x8d: {  	s1 =	rddreg [dreg:$0x1];
	p0 =	sne.s32 s2, $0x0  }
0x8e: {  	s3 =	rddreg [dreg:$0x2];
	[bflag:$0x3] =	sbarrier.arrive $0xFFFF;
	s2 =	simm.s32 @!p0 $0x1C05  }
0x8f: {  	[timem:s3], [sflag:s2] =	dma.local @!p0 [hbm:s0], s1  }
0x90: {  	s0 =	simm.s32 @!p0 $0x5  }
0x91: {  	_ =	swait.ge @!p0 [sflag:s0], s1  }
0x92: {  	s1 =	ssub.s32 @!p0 $0x0, s1;
	[sflag:s0] =	ssyncset.done @!p0 $0x0  }
0x93: {  	[sflag:s0] =	ssyncadd.s32 @!p0 s1  }
0x94: {  	[bflag:$0x3] =	sbarrier.arrive $0xFFFF  }
0x95: {  	_ =	shalt  }

// kernel: kernel.15.cloned.1.call-start
scs
__scs_entry_jumppad:
0x0: {  	(pc) =	sbr.rel $0x88, $3  }
0x1: {  	(tag) =	ssettag $0x0;
	lr =	simm.s32 $0x1  }
0x2: {  	[smem:$0x3F90] =	sst lr;
	_ =	strace $0xD0000000  }
0x3: {  	_ = 	snop  }
0x4: {  	_ = 	snop  }
0x5: {  	_ = 	snop  }
0x6: {  	_ = 	snop  }
0x7: {  	_ = 	snop  }
__scs_overlays_trampoline_lowered:
0x8: {  	[smem:$0x3F9F] =	sst s0  }
0x9: {  	[smem:$0x3FA0] =	sst s1  }
0xa: {  	[smem:$0x3FA1] =	sst s2  }
0xb: {  	[smem:$0x3FA2] =	sst s3  }
0xc: {  	[smem:$0x3FA3] =	sst s4  }
0xd: {  	[smem:$0x3FA4] =	sst s5  }
0xe: {  	[smem:$0x3FA5] =	sst s6  }
0xf: {  	[smem:$0x3FA6] =	sst s7  }
0x10: {  	[smem:$0x3FA7] =	sst s8  }
0x11: {  	[smem:$0x3FA8] =	sst s9;
	s0 =	simm.s32 @!p0 $0x0  }
0x12: {  	s1 =	sld [smem:$0x3F8E];
	s0 =	simm.s32 @p0 $0x1  }
0x13: {  	[smem:$0x3FA9] =	sst s0;
	s0 =	simm.s32 @!p1 $0x0  }
0x14: {  	s2 =	sld [smem:$0x3F8D];
	s0 =	simm.s32 @p1 $0x1  }
0x15: {  	[smem:$0x3FAA] =	sst s0;
	s0 =	simm.s32 @!p2 $0x0  }
0x16: {  	s3 =	sld [smem:$0x3FDB];
	s0 =	simm.s32 @p2 $0x1  }
0x17: {  	s4 =	simm.s32 $0x1BF5;
	[smem:$0x3FAC] =	sst s0  }
0x18: {  	s0 =	sld [smem:$0x3F8F];
	_ =	swait.ge [sflag:s4], $0x0  }
0x19: {  	s7 =	sld [smem:$0x3F90]  }
0x1a: {  	s8 =	sadd.s32 $0xFFFFE003, lr  }
0x1b: {  	s9 =	sadd.s32 $0xFFFFFEF7, lr;
	s5 =	simm.s32 $0xFFFFFFFF;
	p2 =	slt.u32 s8, $0xFFFFF086  }
0x1c: {  	p1 =	slt.u32 s9, $0xF7A;
	s5 =	simm.s32 @!p2 $0x0  }
0x1d: {  	s5 =	simm.s32 @p1 $0x1;
	p0 =	seq.s32 s7, s2  }
0x1e: {  	s7 =	smul.u32 @!p0 $0xF7A, s2;
	p2 =	seq.s32 @!p0 s5, $0x0  }
0x1f: {  	s9 =	smul.u32 $0xF7A, s1;
	s8 =	simm.s32 @!p0 $0x1BF5;
	p2 =	por !p2, p0  }
0x20: {  	[sflag:s8] =	ssyncset.s32 @!p0 $0xFFFFF086;
	s6 =	sadd.s32 @!p0 s3, s7;
	s7 =	simm.s32 @!p0 $0x108  }
0x21: {  	s3 =	sadd.s32 s3, s9;
	s6 =	sadd.s32 @!p0 $0x88, s6;
	s7 =	simm.s32 @p2 $0x1082  }
0x22: {  	[simem:s7], [sflag:s8] =	dma.local @!p0 [hbm:s6], $0xF7A  }
0x23: {  	s9 =	sor.u32 $0xD0000000, s2;
	s6 =	simm.s32 $0x108;
	_ =	swait.ge @!p0 [sflag:s8], $0x0  }
0x24: {  	s3 =	sadd.s32 $0x88, s3;
	s6 =	simm.s32 @!p1 $0x1082;
	[sflag:s4] =	ssyncset.s32 $0xFFFFF086  }
0x25: {  	[simem:s6], [sflag:s4] =	dma.local [hbm:s3], $0xF7A  }
0x26: {  	[smem:$0x3F90] =	sst s1;
	(tag) =	ssettag s2;
	_ =	strace s9  }
0x27: {  	s1 =	sld [smem:$0x3FA0]  }
0x28: {  	s2 =	sld [smem:$0x3FA1]  }
0x29: {  	s4 =	sld [smem:$0x3FA3]  }
0x2a: {  	p0 =	seq.s32 s5, $0x0;
	s5 =	sld [smem:$0x3FA4]  }
0x2b: {  	s6 =	sld [smem:$0x3FA5]  }
0x2c: {  	s7 =	sld [smem:$0x3FA6]  }
0x2d: {  	s3 =	simm.s32 $0x108;
	s8 =	sld [smem:$0x3FA7]  }
0x2e: {  	s3 =	simm.s32 @!p0 $0x1082;
	s9 =	sld [smem:$0x3FA8]  }
0x2f: {  	lr =	sadd.s32 s0, s3;
	s0 =	sld [smem:$0x3F9F]  }
0x30: {  	s3 =	sld [smem:$0x3FA2]  }
0x31: {  	[smem:$0x3FAB] =	sst s10  }
0x32: {  	s10 =	sld [smem:$0x3FA9];
	_ =	sdelay $0x3  }
0x33: {  	p0 =	seq.s32 s10, $0x1;
	s10 =	sld [smem:$0x3FAB];
	_ =	sdelay $0x3  }
0x34: {  	[smem:$0x3FAB] =	sst s10  }
0x35: {  	s10 =	sld [smem:$0x3FAA];
	_ =	sdelay $0x3  }
0x36: {  	p1 =	seq.s32 s10, $0x1;
	s10 =	sld [smem:$0x3FAB];
	_ =	sdelay $0x3  }
0x37: {  	[smem:$0x3FAB] =	sst s10  }
0x38: {  	s10 =	sld [smem:$0x3FAC]  }
0x39: {  	_ = 	snop;
	(pc) =	sbr.ind lr, $3  }
0x3a: {  	_ = 	snop  }
0x3b: {  	_ = 	snop  }
0x3c: {  	p2 =	seq.s32 s10, $0x1;
	s10 =	sld [smem:$0x3FAB]  }
0x3d: {  	_ =	shalt  }
0x3e: {  	_ =	shalt  }
0x3f: {  	_ =	shalt  }
0x40: {  	_ =	shalt  }
0x41: {  	_ =	shalt  }
0x42: {  	_ =	shalt  }
0x43: {  	_ =	shalt  }
0x44: {  	_ =	shalt  }
0x45: {  	_ =	shalt  }
0x46: {  	_ =	shalt  }
0x47: {  	_ =	shalt  }
0x48: {  	_ =	shalt  }
0x49: {  	_ =	shalt  }
0x4a: {  	_ =	shalt  }
0x4b: {  	_ =	shalt  }
0x4c: {  	_ =	shalt  }
0x4d: {  	_ =	shalt  }
0x4e: {  	_ =	shalt  }
0x4f: {  	_ =	shalt  }
0x50: {  	_ =	shalt  }
0x51: {  	_ =	shalt  }
0x52: {  	_ =	shalt  }
0x53: {  	_ =	shalt  }
0x54: {  	_ =	shalt  }
0x55: {  	_ =	shalt  }
0x56: {  	_ =	shalt  }
0x57: {  	_ =	shalt  }
0x58: {  	_ =	shalt  }
0x59: {  	_ =	shalt  }
0x5a: {  	_ =	shalt  }
0x5b: {  	_ =	shalt  }
0x5c: {  	_ =	shalt  }
0x5d: {  	_ =	shalt  }
0x5e: {  	_ =	shalt  }
0x5f: {  	_ =	shalt  }
0x60: {  	_ =	shalt  }
0x61: {  	_ =	shalt  }
0x62: {  	_ =	shalt  }
0x63: {  	_ =	shalt  }
0x64: {  	_ =	shalt  }
0x65: {  	_ =	shalt  }
0x66: {  	_ =	shalt  }
0x67: {  	_ =	shalt  }
0x68: {  	_ =	shalt  }
0x69: {  	_ =	shalt  }
0x6a: {  	_ =	shalt  }
0x6b: {  	_ =	shalt  }
0x6c: {  	_ =	shalt  }
0x6d: {  	_ =	shalt  }
0x6e: {  	_ =	shalt  }
0x6f: {  	_ =	shalt  }
0x70: {  	_ =	shalt  }
0x71: {  	_ =	shalt  }
0x72: {  	_ =	shalt  }
0x73: {  	_ =	shalt  }
0x74: {  	_ =	shalt  }
0x75: {  	_ =	shalt  }
0x76: {  	_ =	shalt  }
0x77: {  	_ =	shalt  }
0x78: {  	_ =	shalt  }
0x79: {  	_ =	shalt  }
0x7a: {  	_ =	shalt  }
0x7b: {  	_ =	shalt  }
0x7c: {  	_ =	shalt  }
0x7d: {  	_ =	shalt  }
0x7e: {  	_ =	shalt  }
0x7f: {  	_ =	shalt  }
0x80: {  	_ =	shalt  }
0x81: {  	_ =	shalt  }
0x82: {  	_ =	shalt  }
0x83: {  	_ =	shalt  }
0x84: {  	_ =	shalt  }
0x85: {  	_ =	shalt  }
0x86: {  	_ =	shalt  }
0x87: {  	_ =	shalt  }
.Lfunc_end0:
.L_simem_size_0:
called_computation.1_lowered:
.L_overlay_start_0:
0x88: {  	s2 =	sld [smem:$0x3FD9]  }
0x89: {  	s3 =	sld [smem:$0x3FFE];
	_ =	sdelay $0x1  }
0x8a: {  	s1 =	srdreg.scid  }
0x8b: {  	s0 =	sand.u32 $0x1, s1  }
0x8c: {  	s16 =	sshll.u32 s0, $0xA;
	s2 =	sadd.s32 s3, s2  }
0x8d: {  	s2 =	sadd.s32 s2, s16  }
0x8e: {  	[smem:$0x3FB7] =	sst s2  }
0x8f: {  	_ = 	snop  }
0x90: {  	(tm) =	ssettm $0x1  }
0x91: {  	s17 =	sld [smem:$0x3FFB];
	_ =	sdelay $0x3  }
0x92: {  	_ =	strace s17  }
0x93: {  	s2 =	sld [smem:$0x3FFC];
	_ =	sdelay $0x3  }
0x94: {  	_ =	strace s2  }
0x95: {  	s2 =	sld [smem:$0x3FFD];
	_ =	sdelay $0x3  }
0x96: {  	_ =	strace s2  }
0x97: {  	_ =	strace $0x8FFFFFFF  }
0x98: {  	s18 =	sld [smem:$0x3FDB];
	_ =	sdelay $0x1  }
0x99: {  	s19 =	simm.s32 $_scs_section_size  }
0x9a: {  	s4 =	simm.s32 $_size__tile_overlayer_lowered;
	s5 =	simm.s32 $_tile_overlayer_lowered  }
0x9b: {  	s22 =	simm.s32 $0x1BFF;
	s21 =	sshll.u32 s5, $0x1;
	s2 =	sadd.s32 s19, s18  }
0x9c: {  	s6 =	simm.s32 $0x0;
	s20 =	sshll.u32 s4, $0x1;
	s4 =	sadd.s32 s21, s2  }
0x9d: {  	[timem:s6], [sflag:s22] =	dma.local [hbm:s4], s20  }
0x9e: {  	_ =	swait.ge [sflag:s22], s20  }
0x9f: {  	s3 =	ssub.s32 $0x0, s20;
	[sflag:s22] =	ssyncset.done $0x0  }
0xa0: {  	[sflag:s22] =	ssyncadd.s32 s3;
	_ =	sdelay $0x1  }
0xa1: {  	s23 =	simm.s32 $0x1B8B  }
0xa2: {  	_ =	swait.ge [sflag:s23], $0x1  }
0xa3: {  	[sflag:s23] =	ssyncset.done $0x0  }
0xa4: {  	s25 =	simm.s32 $0x1B8E;
	s24 =	sld [smem:$0x3FFE];
	[sflag:s23] =	ssyncadd.s32 $0xFFFFFFFF  }
0xa5: {  	s26 =	simm.s32 $execute0_lowered;
	[smem:$0x3FD2] =	sst s25  }
0xa6: {  	s4 =	sshll.u32 s26, $0x1;
	_ =	strace $0x80000049;
	[dreg:$0x1] =	wrdreg $0xFFFFFFFF  }
0xa7: {  	s28 =	simm.s32 $_size_execute0_lowered;
	s2 =	sadd.s32 s2, s4;
	[dreg:$0x0] =	wrdreg $0x0  }
0xa8: {  	s4 =	sshll.u32 s28, $0x1;
	[dreg:$0x2] =	wrdreg s2  }
0xa9: {  	[dreg:$0x3] =	wrdreg s4  }
0xaa: {  	[dreg:$0x4] =	wrdreg $0xC0  }
0xab: {  	_ =	task [dreg:s6], $0x5FFFF  }
0xac: {  	[dreg:$0x1] =	wrdreg $0xFFFFFFFF  }
0xad: {  	[dreg:$0x0] =	wrdreg $0x60  }
0xae: {  	[dreg:$0x2] =	wrdreg s24  }
0xaf: {  	[dreg:$0x3] =	wrdreg $0x0  }
0xb0: {  	[dreg:$0x4] =	wrdreg $0x9  }
0xb1: {  	_ =	task.clear_ibuf [dreg:s6], $0x5FFFF;
	_ =	strace $0x90000049  }
0xb2: {  	s29 =	simm.s32 $0x9;
	_ =	strace $0x8000004B  }
0xb3: {  	_ =	swait.ge [sflag:s29], $0x1  }
0xb4: {  	[sflag:s29] =	ssyncadd.s32 $0xFFFFFFFF  }
0xb5: {  	_ =	strace $0x9000004B  }
0xb6: {  	_ =	sfence  }
0xb7: {  	s30 =	sld [smem:$0x0];
	_ =	sdelay $0x2  }
0xb8: {  	s31 =	sshll.u32 s1, $0xD;
	s1 =	sshrl.u32 s1, $0x2  }
0xb9: {  	s3 =	sand.u32 $0x4000, s31;
	s1 =	sadd.s32 s1, s30  }
0xba: {  	s0 =	sor.u32 s3, s0;
	s1 =	sshll.u32 s1, $0x11  }
0xbb: {  	s0 =	sor.u32 s1, s0  }
0xbc: {  	s0 =	sadd.s32 $0x8F2B, s0  }
0xbd: {  	[sflag:s0] =	ssyncadd.remote.s32 $0x1  }
0xbe: {  	_ =	sfence.sel $0xFFFF  }
0xbf: {  	[dreg:$0x0] =	wrdreg $0xFFFFFFFF;
	(pc) =	sbr.abs _section_cstart, $3  }
0xc0: {  	[dreg:$0x1] =	wrdreg $0xFFFFFFFF  }
0xc1: {  	_ =	task.clear_ibuf [dreg:s6], $0x2FFFF;
	_ =	strace $0x9FFFFFFF  }
0xc2: {  	(tm) =	ssettm $0x7FFFFFFF  }
0xc3: {  	_ =	shalt  }
tec
execute0_lowered:
.L_overlay_start_1:
0x0: {  	(tag) =	ssettag $0x1  }
0x1: {  	s0 =	rddreg [dreg:$0x0]  }
0x2: {  	s2 =	rddreg [dreg:$0x1];
	s4 =	stileid.u32;
	s5 =	simm.s32 $0x0  }
0x3: {  	s3 =	srdreg.scid;
	s12 =	simm.s32 $0x9C40;
	s13 =	simm.s32 $0x9  }
0x4: {  	s14 =	simm.s32 $0xED80;
	s18 =	simm.s32 $0x64;
	s19 =	simm.s32 $0x13EC0  }
0x5: {  	s21 =	simm.s32 $0x157C0;
	s22 =	simm.s32 $0x1;
	s24 =	simm.s32 $0x170C0  }
0x6: {  	s25 =	simm.s32 $0x2;
	s29 =	simm.s32 $0x189C0;
	s30 =	simm.s32 $0x3  }
0x7: {  	s20 =	simm.s32 $0x4;
	s31 =	simm.s32 $0x7;
	s1 =	smul.u32 $0xA28, s4  }
0x8: {  	s23 =	simm.s32 $0x0;
	[smem:$0x7FF] =	sst s5;
	s26 =	smul.u32 $0x9E00, s4  }
0x9: {  	s3 =	sand.u32 $0x1, s3;
	s5 =	sadd.s32 $0x94200, s2;
	p0 =	seq.s32 s4, $0xF  }
0xa: {  	_ =	strace $0x8000004A;
	s6 =	smul.u32 $0x13880, s3;
	s3 =	ssub.s32 $0x2, s3  }
0xb: {  	s15 =	sshrl.u32 @p0 s5, $0x3;
	s1 =	sadd.s32 s1, s0;
	s8 =	sshrl.u32 s26, $0x3  }
0xc: {  	s7 =	sshrl.u32 s3, $0x1;
	[dreg:$0x3] =	wrdreg s8;
	s8 =	sadd.s32 s8, s0  }
0xd: {  	s10 =	sadd.s32 s6, s0;
	s3 =	ssub.s32 s3, s7;
	s28 =	sadd.s32 $0xD200, s1  }
.Ltmp0:
0xe: {  	s6 =	sadd.s32 $0x2E00, s1;
	s1 =	sadd.s32 s26, s2;
	(pc) =	sbr.rel .LBB2_1-.Ltmp0, $4  }
0xf: {  	s26 =	simm.s32 $0x6;
	[dreg:$0x4] =	wrdreg s28;
	s7 =	sadd.s32 $0xB4200, s8  }
0x10: {  	s8 =	sadd.s32 $0xC6A40, s0;
	s9 =	sadd.s32 $0x8D000, s10;
	s10 =	sadd.s32 $0xC7C00, s10  }
0x11: {  	s11 =	smax.u32 s3, $0x1;
	s0 =	sshll.u32 @!p0 s4, $0x6;
	s17 =	sshrl.u32 @!p0 s1, $0x3  }
0x12: {  	s1 =	simm.s32 $0x8;
	s16 =	sor.u32 @!p0 $0x1C09, s0;
	s0 =	simm.s32 $0x5  }
.LBB2_4:
0x13: {  	_ =	swait.ge [sflag:s20], $0x1900  }
0x14: {  	[sflag:s20] =	ssyncset.done $0x0  }
0x15: {  	[sflag:s20] =	ssyncadd.s32 $0xFFFFE700  }
0x16: {  	[spmem:s2] =	stream.indirect.scatter.add.f32 [tilespmem:s29], [sflag:$0x8], $0x40, s5, s18, $0xb8;
	[tilespmem:$0x1A2C0] =	vst v63  }
0x17: {  	_ =	swait.ge [sflag:s26], $0x1900  }
0x18: {  	[sflag:s26] =	ssyncset.done $0x0  }
0x19: {  	[sflag:s26] =	ssyncadd.s32 $0xFFFFE700  }
0x1a: {  	_ =	swait.ge [sflag:s31], $0x1900  }
0x1b: {  	[sflag:s31] =	ssyncset.done $0x0  }
0x1c: {  	[sflag:s31] =	ssyncadd.s32 $0xFFFFE700  }
0x1d: {  	_ =	swait.ge [sflag:s1], $0x1900  }
0x1e: {  	[sflag:s1] =	ssyncset.done $0x0  }
0x1f: {  	[sflag:s1] =	ssyncadd.s32 $0xFFFFE700  }
0x20: {  	s3 =	sadd.s32 @p0 $0x12840, s10;
	s4 =	simm.s32 @p0 $0x1FC9;
	[bflag:$0x0] =	sbarrier.arrive $0xFFFF  }
0x21: {  	[hbm:s3], [sflag:s4] =	dma.local @p0 [spmem:s15], $0x1040  }
0x22: {  	s3 =	simm.s32 @p0 $0x9  }
0x23: {  	_ =	swait.ge @p0 [sflag:s3], $0x1040  }
0x24: {  	[sflag:s3] =	ssyncset.done @p0 $0x0  }
0x25: {  	s23 =	sadd.s32 $0x1, s23;
	[sflag:s3] =	ssyncadd.s32 @p0 $0xFFFFEFC0;
	s3 =	rddreg [dreg:$0x3]  }
0x26: {  	p1 =	sne.s32 s23, s11;
	s3 =	sadd.s32 @!p0 s3, s10  }
0x27: {  	[hbm:s3], [sflag:s16] =	dma.local @!p0 [spmem:s17], $0x13C0  }
.Ltmp1:
0x28: {  	_ = 	snop;
	(pc) =	sbr.rel @!p1 .LBB2_5-.Ltmp1, $4  }
0x29: {  	s3 =	simm.s32 @!p0 $0x9  }
0x2a: {  	_ =	swait.ge @!p0 [sflag:s3], $0x13C0  }
0x2b: {  	[sflag:s3] =	ssyncset.done @!p0 $0x0  }
0x2c: {  	[sflag:s3] =	ssyncadd.s32 @!p0 $0xFFFFEC40  }
.LBB2_1:
0x2d: {  	s3 =	simm.s32 $0x0;
	s4 =	rddreg [dreg:$0x4]  }
0x2e: {  	[tilespmem:s12], [sflag:$0x9] =	stream.linear.gather [hbm4b:s4+s3], $0x5140, $0x38;
	[tilespmem:$0x1A2C0] =	vst v63  }
0x2f: {  	_ =	swait.ge [sflag:s13], $0x5140  }
0x30: {  	[sflag:s13] =	ssyncset.done $0x0  }
0x31: {  	[sflag:s13] =	ssyncadd.s32 $0xFFFFAEC0  }
0x32: {  	[tilespmem:s14], [sflag:$0x9] =	stream.linear.gather [hbm4b:s6+s3], $0x5140, $0x38;
	[tilespmem:$0x1A2C0] =	vst v63  }
0x33: {  	_ =	swait.ge [sflag:s13], $0x5140  }
0x34: {  	[sflag:s13] =	ssyncset.done $0x0  }
0x35: {  	s3 =	simm.s32 @p0 $0x1FC9;
	[sflag:s13] =	ssyncadd.s32 $0xFFFFAEC0  }
0x36: {  	[spmem:s15], [sflag:s3] =	dma.local @p0 [hbm:s8], $0x1040  }
0x37: {  	s3 =	simm.s32 @p0 $0x9  }
0x38: {  	_ =	swait.ge @p0 [sflag:s3], $0x1040  }
0x39: {  	[sflag:s3] =	ssyncset.done @p0 $0x0  }
0x3a: {  	[sflag:s3] =	ssyncadd.s32 @p0 $0xFFFFEFC0;
	s3 =	simm.s32 @!p0 $0x9  }
0x3b: {  	[spmem:s17], [sflag:s16] =	dma.local @!p0 [hbm:s7], $0x13C0  }
0x3c: {  	_ =	swait.ge @!p0 [sflag:s3], $0x13C0  }
0x3d: {  	[sflag:s3] =	ssyncset.done @!p0 $0x0  }
0x3e: {  	[sflag:s3] =	ssyncadd.s32 @!p0 $0xFFFFEC40  }
0x3f: {  	[tilespmem:s19], [sflag:$0x1] =	stream.indirect.gather [hbm4b:s9+s18], $0x40, s12, s18, $0xb8;
	[tilespmem:$0x1A2C0] =	vst v63  }
0x40: {  	s4 =	simm.s32 $0x9CA8  }
0x41: {  	[tilespmem:s21], [sflag:$0x2] =	stream.indirect.gather [hbm4b:s9+s18], $0x40, s4, s18, $0xb8;
	[tilespmem:$0x1A2C0] =	vst v63  }
0x42: {  	[bflag:$0x0] =	sbarrier.arrive $0xFFFF  }
0x43: {  	_ =	swait.ge [sflag:s22], $0x1900  }
0x44: {  	[sflag:s22] =	ssyncset.done $0x0  }
0x45: {  	[sflag:s22] =	ssyncadd.s32 $0xFFFFE700  }
0x46: {  	[spmem:s2] =	stream.indirect.scatter.add.f32 [tilespmem:s19], [sflag:$0x5], $0x40, s14, s18, $0xb8;
	[tilespmem:$0x1A2C0] =	vst v63  }
0x47: {  	s5 =	simm.s32 $0x9D10  }
0x48: {  	[tilespmem:s24], [sflag:$0x3] =	stream.indirect.gather [hbm4b:s9+s18], $0x40, s5, s18, $0xb8;
	[tilespmem:$0x1A2C0] =	vst v63  }
0x49: {  	_ =	swait.ge [sflag:s25], $0x1900  }
0x4a: {  	[sflag:s25] =	ssyncset.done $0x0  }
0x4b: {  	s4 =	simm.s32 $0xEDE8;
	[sflag:s25] =	ssyncadd.s32 $0xFFFFE700  }
0x4c: {  	[spmem:s2] =	stream.indirect.scatter.add.f32 [tilespmem:s21], [sflag:$0x6], $0x40, s4, s18, $0xb8;
	[tilespmem:$0x1A2C0] =	vst v63  }
0x4d: {  	s5 =	simm.s32 $0x9D78  }
0x4e: {  	[tilespmem:s29], [sflag:$0x4] =	stream.indirect.gather [hbm4b:s9+s18], $0x40, s5, s18, $0xb8;
	[tilespmem:$0x1A2C0] =	vst v63  }
0x4f: {  	_ =	swait.ge [sflag:s30], $0x1900  }
0x50: {  	[sflag:s30] =	ssyncset.done $0x0  }
0x51: {  	s4 =	simm.s32 $0xEE50;
	[sflag:s30] =	ssyncadd.s32 $0xFFFFE700  }
0x52: {  	[spmem:s2] =	stream.indirect.scatter.add.f32 [tilespmem:s24], [sflag:$0x7], $0x40, s4, s18, $0xb8;
	[tilespmem:$0x1A2C0] =	vst v63  }
0x53: {  	_ =	swait.ge [sflag:s0], $0x1900  }
0x54: {  	[sflag:s0] =	ssyncset.done $0x0  }
0x55: {  	s5 =	simm.s32 $0x9DE0;
	[sflag:s0] =	ssyncadd.s32 $0xFFFFE700  }
0x56: {  	[tilespmem:s19], [sflag:$0x1] =	stream.indirect.gather [hbm4b:s9+s18], $0x40, s5, s18, $0xb8;
	[tilespmem:$0x1A2C0] =	vst v63  }
0x57: {  	_ =	swait.ge [sflag:s20], $0x1900  }
0x58: {  	[sflag:s20] =	ssyncset.done $0x0  }
0x59: {  	s4 =	simm.s32 $0xEEB8;
	[sflag:s20] =	ssyncadd.s32 $0xFFFFE700  }
0x5a: {  	[spmem:s2] =	stream.indirect.scatter.add.f32 [tilespmem:s29], [sflag:$0x8], $0x40, s4, s18, $0xb8;
	[tilespmem:$0x1A2C0] =	vst v63  }
0x5b: {  	_ =	swait.ge [sflag:s26], $0x1900  }
0x5c: {  	[sflag:s26] =	ssyncset.done $0x0  }
0x5d: {  	s28 =	simm.s32 $0x0;
	s5 =	simm.s32 $0x9E48;
	[sflag:s26] =	ssyncadd.s32 $0xFFFFE700  }
0x5e: {  	[tilespmem:s21], [sflag:$0x2] =	stream.indirect.gather [hbm4b:s9+s18], $0x40, s5, s18, $0xb8;
	[tilespmem:$0x1A2C0] =	vst v63  }
.LBB2_2:
0x5f: {  	_ =	swait.ge [sflag:s22], $0x1900  }
0x60: {  	s3 =	sshra.s32 s28, $0x2;
	[sflag:s22] =	ssyncset.done $0x0  }
0x61: {  	s5 =	sadd.s32 $0xEF20, s3;
	[sflag:s22] =	ssyncadd.s32 $0xFFFFE700  }
0x62: {  	[spmem:s2] =	stream.indirect.scatter.add.f32 [tilespmem:s19], [sflag:$0x5], $0x40, s5, s18, $0xb8;
	[tilespmem:$0x1A2C0] =	vst v63  }
0x63: {  	_ =	swait.ge [sflag:s31], $0x1900  }
0x64: {  	[sflag:s31] =	ssyncset.done $0x0  }
0x65: {  	s4 =	sadd.s32 $0x9EB0, s3;
	[sflag:s31] =	ssyncadd.s32 $0xFFFFE700  }
0x66: {  	[tilespmem:s24], [sflag:$0x3] =	stream.indirect.gather [hbm4b:s9+s18], $0x40, s4, s18, $0xb8;
	[tilespmem:$0x1A2C0] =	vst v63  }
0x67: {  	_ =	swait.ge [sflag:s25], $0x1900  }
0x68: {  	[sflag:s25] =	ssyncset.done $0x0  }
0x69: {  	s4 =	sadd.s32 $0xEF88, s3;
	[sflag:s25] =	ssyncadd.s32 $0xFFFFE700  }
0x6a: {  	[spmem:s2] =	stream.indirect.scatter.add.f32 [tilespmem:s21], [sflag:$0x6], $0x40, s4, s18, $0xb8;
	[tilespmem:$0x1A2C0] =	vst v63  }
0x6b: {  	_ =	swait.ge [sflag:s1], $0x1900  }
0x6c: {  	[sflag:s1] =	ssyncset.done $0x0  }
0x6d: {  	s4 =	sadd.s32 $0x9F18, s3;
	[sflag:s1] =	ssyncadd.s32 $0xFFFFE700  }
0x6e: {  	[tilespmem:s29], [sflag:$0x4] =	stream.indirect.gather [hbm4b:s9+s18], $0x40, s4, s18, $0xb8;
	[tilespmem:$0x1A2C0] =	vst v63  }
0x6f: {  	_ =	swait.ge [sflag:s30], $0x1900  }
0x70: {  	p1 =	seq.s32 s28, $0x13800;
	[sflag:s30] =	ssyncset.done $0x0  }
.Ltmp2:
0x71: {  	s4 =	sadd.s32 $0xEFF0, s3;
	[sflag:s30] =	ssyncadd.s32 $0xFFFFE700;
	(pc) =	sbr.rel @p1 .LBB2_4-.Ltmp2, $4  }
0x72: {  	[spmem:s2] =	stream.indirect.scatter.add.f32 [tilespmem:s24], [sflag:$0x7], $0x40, s4, s18, $0xb8;
	[tilespmem:$0x1A2C0] =	vst v63  }
0x73: {  	_ =	swait.ge [sflag:s0], $0x1900  }
0x74: {  	[sflag:s0] =	ssyncset.done $0x0  }
0x75: {  	s5 =	sadd.s32 $0xF058, s3;
	[sflag:s0] =	ssyncadd.s32 $0xFFFFE700  }
0x76: {  	s4 =	sadd.s32 $0x9F80, s3  }
0x77: {  	[tilespmem:s19], [sflag:$0x1] =	stream.indirect.gather [hbm4b:s9+s18], $0x40, s4, s18, $0xb8;
	[tilespmem:$0x1A2C0] =	vst v63  }
0x78: {  	_ =	swait.ge [sflag:s20], $0x1900  }
0x79: {  	[sflag:s20] =	ssyncset.done $0x0  }
0x7a: {  	[sflag:s20] =	ssyncadd.s32 $0xFFFFE700  }
0x7b: {  	[spmem:s2] =	stream.indirect.scatter.add.f32 [tilespmem:s29], [sflag:$0x8], $0x40, s5, s18, $0xb8;
	[tilespmem:$0x1A2C0] =	vst v63  }
.Ltmp3:
0x7c: {  	_ = 	snop;
	(pc) =	sbr.rel .LBB2_2-.Ltmp3, $4  }
0x7d: {  	_ =	swait.ge [sflag:s26], $0x1900  }
0x7e: {  	[sflag:s26] =	ssyncset.done $0x0  }
0x7f: {  	s28 =	sadd.s32 $0x680, s28;
	s5 =	sadd.s32 $0x9FE8, s3;
	[sflag:s26] =	ssyncadd.s32 $0xFFFFE700  }
0x80: {  	[tilespmem:s21], [sflag:$0x2] =	stream.indirect.gather [hbm4b:s9+s18], $0x40, s5, s18, $0xb8;
	[tilespmem:$0x1A2C0] =	vst v63  }
.LBB2_5:
0x81: {  	_ =	sfence.sel $0x180000  }
0x82: {  	[bflag:$0x0] =	sbarrier.arrive $0xFFFF  }
0x83: {  	_ =	strace $0x9000004A  }
0x84: {  	s0 =	stileid.u32;
	[bflag:$0x2] =	sbarrier.arrive $0xFFFF  }
0x85: {  	p0 =	sne.s32 s0, $0x0;
	s0 =	rddreg [dreg:$0x2]  }
0x86: {  	s0 =	sadd.s32 @!p0 $0x100000, s0  }
0x87: {  	[sflag:s0] =	ssyncadd.tile.s32 @!p0 $0x1;
	_ =	shalt  }
.Lfunc_end2:
_tile_overlayer_lowered:
.L_overlay_start_2:
0x88: {  	(tag) =	ssettag $0x2  }
0x89: {  	s0 =	rddreg [dreg:$0x0];
	s2 =	stileid.u32  }
0x8a: {  	s1 =	rddreg [dreg:$0x1];
	p0 =	sne.s32 s2, $0x0  }
0x8b: {  	s3 =	rddreg [dreg:$0x2];
	[bflag:$0x3] =	sbarrier.arrive $0xFFFF;
	s2 =	simm.s32 @!p0 $0x1C09  }
0x8c: {  	[timem:s3], [sflag:s2] =	dma.local @!p0 [hbm:s0], s1  }
0x8d: {  	s0 =	simm.s32 @!p0 $0x9  }
0x8e: {  	_ =	swait.ge @!p0 [sflag:s0], s1  }
0x8f: {  	s1 =	ssub.s32 @!p0 $0x0, s1;
	[sflag:s0] =	ssyncset.done @!p0 $0x0  }
0x90: {  	[sflag:s0] =	ssyncadd.s32 @!p0 s1  }
0x91: {  	[bflag:$0x3] =	sbarrier.arrive $0xFFFF  }
0x92: {  	_ =	shalt  }

// kernel: kernel.18.cloned.1.call-start
scs
__scs_entry_jumppad:
0x0: {  	(pc) =	sbr.rel $0x88, $3  }
0x1: {  	(tag) =	ssettag $0x0;
	lr =	simm.s32 $0x1  }
0x2: {  	[smem:$0x3F90] =	sst lr;
	_ =	strace $0xD0000000  }
0x3: {  	_ = 	snop  }
0x4: {  	_ = 	snop  }
0x5: {  	_ = 	snop  }
0x6: {  	_ = 	snop  }
0x7: {  	_ = 	snop  }
__scs_overlays_trampoline_lowered:
0x8: {  	[smem:$0x3F9F] =	sst s0  }
0x9: {  	[smem:$0x3FA0] =	sst s1  }
0xa: {  	[smem:$0x3FA1] =	sst s2  }
0xb: {  	[smem:$0x3FA2] =	sst s3  }
0xc: {  	[smem:$0x3FA3] =	sst s4  }
0xd: {  	[smem:$0x3FA4] =	sst s5  }
0xe: {  	[smem:$0x3FA5] =	sst s6  }
0xf: {  	[smem:$0x3FA6] =	sst s7  }
0x10: {  	[smem:$0x3FA7] =	sst s8  }
0x11: {  	[smem:$0x3FA8] =	sst s9;
	s0 =	simm.s32 @!p0 $0x0  }
0x12: {  	s1 =	sld [smem:$0x3F8E];
	s0 =	simm.s32 @p0 $0x1  }
0x13: {  	[smem:$0x3FA9] =	sst s0;
	s0 =	simm.s32 @!p1 $0x0  }
0x14: {  	s2 =	sld [smem:$0x3F8D];
	s0 =	simm.s32 @p1 $0x1  }
0x15: {  	[smem:$0x3FAA] =	sst s0;
	s0 =	simm.s32 @!p2 $0x0  }
0x16: {  	s3 =	sld [smem:$0x3FDB];
	s0 =	simm.s32 @p2 $0x1  }
0x17: {  	s4 =	simm.s32 $0x1BF5;
	[smem:$0x3FAC] =	sst s0  }
0x18: {  	s0 =	sld [smem:$0x3F8F];
	_ =	swait.ge [sflag:s4], $0x0  }
0x19: {  	s7 =	sld [smem:$0x3F90]  }
0x1a: {  	s8 =	sadd.s32 $0xFFFFE003, lr  }
0x1b: {  	s9 =	sadd.s32 $0xFFFFFEF7, lr;
	s5 =	simm.s32 $0xFFFFFFFF;
	p2 =	slt.u32 s8, $0xFFFFF086  }
0x1c: {  	p1 =	slt.u32 s9, $0xF7A;
	s5 =	simm.s32 @!p2 $0x0  }
0x1d: {  	s5 =	simm.s32 @p1 $0x1;
	p0 =	seq.s32 s7, s2  }
0x1e: {  	s7 =	smul.u32 @!p0 $0xF7A, s2;
	p2 =	seq.s32 @!p0 s5, $0x0  }
0x1f: {  	s9 =	smul.u32 $0xF7A, s1;
	s8 =	simm.s32 @!p0 $0x1BF5;
	p2 =	por !p2, p0  }
0x20: {  	[sflag:s8] =	ssyncset.s32 @!p0 $0xFFFFF086;
	s6 =	sadd.s32 @!p0 s3, s7;
	s7 =	simm.s32 @!p0 $0x108  }
0x21: {  	s3 =	sadd.s32 s3, s9;
	s6 =	sadd.s32 @!p0 $0x88, s6;
	s7 =	simm.s32 @p2 $0x1082  }
0x22: {  	[simem:s7], [sflag:s8] =	dma.local @!p0 [hbm:s6], $0xF7A  }
0x23: {  	s9 =	sor.u32 $0xD0000000, s2;
	s6 =	simm.s32 $0x108;
	_ =	swait.ge @!p0 [sflag:s8], $0x0  }
0x24: {  	s3 =	sadd.s32 $0x88, s3;
	s6 =	simm.s32 @!p1 $0x1082;
	[sflag:s4] =	ssyncset.s32 $0xFFFFF086  }
0x25: {  	[simem:s6], [sflag:s4] =	dma.local [hbm:s3], $0xF7A  }
0x26: {  	[smem:$0x3F90] =	sst s1;
	(tag) =	ssettag s2;
	_ =	strace s9  }
0x27: {  	s1 =	sld [smem:$0x3FA0]  }
0x28: {  	s2 =	sld [smem:$0x3FA1]  }
0x29: {  	s4 =	sld [smem:$0x3FA3]  }
0x2a: {  	p0 =	seq.s32 s5, $0x0;
	s5 =	sld [smem:$0x3FA4]  }
0x2b: {  	s6 =	sld [smem:$0x3FA5]  }
0x2c: {  	s7 =	sld [smem:$0x3FA6]  }
0x2d: {  	s3 =	simm.s32 $0x108;
	s8 =	sld [smem:$0x3FA7]  }
0x2e: {  	s3 =	simm.s32 @!p0 $0x1082;
	s9 =	sld [smem:$0x3FA8]  }
0x2f: {  	lr =	sadd.s32 s0, s3;
	s0 =	sld [smem:$0x3F9F]  }
0x30: {  	s3 =	sld [smem:$0x3FA2]  }
0x31: {  	[smem:$0x3FAB] =	sst s10  }
0x32: {  	s10 =	sld [smem:$0x3FA9];
	_ =	sdelay $0x3  }
0x33: {  	p0 =	seq.s32 s10, $0x1;
	s10 =	sld [smem:$0x3FAB];
	_ =	sdelay $0x3  }
0x34: {  	[smem:$0x3FAB] =	sst s10  }
0x35: {  	s10 =	sld [smem:$0x3FAA];
	_ =	sdelay $0x3  }
0x36: {  	p1 =	seq.s32 s10, $0x1;
	s10 =	sld [smem:$0x3FAB];
	_ =	sdelay $0x3  }
0x37: {  	[smem:$0x3FAB] =	sst s10  }
0x38: {  	s10 =	sld [smem:$0x3FAC]  }
0x39: {  	_ = 	snop;
	(pc) =	sbr.ind lr, $3  }
0x3a: {  	_ = 	snop  }
0x3b: {  	_ = 	snop  }
0x3c: {  	p2 =	seq.s32 s10, $0x1;
	s10 =	sld [smem:$0x3FAB]  }
0x3d: {  	_ =	shalt  }
0x3e: {  	_ =	shalt  }
0x3f: {  	_ =	shalt  }
0x40: {  	_ =	shalt  }
0x41: {  	_ =	shalt  }
0x42: {  	_ =	shalt  }
0x43: {  	_ =	shalt  }
0x44: {  	_ =	shalt  }
0x45: {  	_ =	shalt  }
0x46: {  	_ =	shalt  }
0x47: {  	_ =	shalt  }
0x48: {  	_ =	shalt  }
0x49: {  	_ =	shalt  }
0x4a: {  	_ =	shalt  }
0x4b: {  	_ =	shalt  }
0x4c: {  	_ =	shalt  }
0x4d: {  	_ =	shalt  }
0x4e: {  	_ =	shalt  }
0x4f: {  	_ =	shalt  }
0x50: {  	_ =	shalt  }
0x51: {  	_ =	shalt  }
0x52: {  	_ =	shalt  }
0x53: {  	_ =	shalt  }
0x54: {  	_ =	shalt  }
0x55: {  	_ =	shalt  }
0x56: {  	_ =	shalt  }
0x57: {  	_ =	shalt  }
0x58: {  	_ =	shalt  }
0x59: {  	_ =	shalt  }
0x5a: {  	_ =	shalt  }
0x5b: {  	_ =	shalt  }
0x5c: {  	_ =	shalt  }
0x5d: {  	_ =	shalt  }
0x5e: {  	_ =	shalt  }
0x5f: {  	_ =	shalt  }
0x60: {  	_ =	shalt  }
0x61: {  	_ =	shalt  }
0x62: {  	_ =	shalt  }
0x63: {  	_ =	shalt  }
0x64: {  	_ =	shalt  }
0x65: {  	_ =	shalt  }
0x66: {  	_ =	shalt  }
0x67: {  	_ =	shalt  }
0x68: {  	_ =	shalt  }
0x69: {  	_ =	shalt  }
0x6a: {  	_ =	shalt  }
0x6b: {  	_ =	shalt  }
0x6c: {  	_ =	shalt  }
0x6d: {  	_ =	shalt  }
0x6e: {  	_ =	shalt  }
0x6f: {  	_ =	shalt  }
0x70: {  	_ =	shalt  }
0x71: {  	_ =	shalt  }
0x72: {  	_ =	shalt  }
0x73: {  	_ =	shalt  }
0x74: {  	_ =	shalt  }
0x75: {  	_ =	shalt  }
0x76: {  	_ =	shalt  }
0x77: {  	_ =	shalt  }
0x78: {  	_ =	shalt  }
0x79: {  	_ =	shalt  }
0x7a: {  	_ =	shalt  }
0x7b: {  	_ =	shalt  }
0x7c: {  	_ =	shalt  }
0x7d: {  	_ =	shalt  }
0x7e: {  	_ =	shalt  }
0x7f: {  	_ =	shalt  }
0x80: {  	_ =	shalt  }
0x81: {  	_ =	shalt  }
0x82: {  	_ =	shalt  }
0x83: {  	_ =	shalt  }
0x84: {  	_ =	shalt  }
0x85: {  	_ =	shalt  }
0x86: {  	_ =	shalt  }
0x87: {  	_ =	shalt  }
.Lfunc_end0:
.L_simem_size_0:
called_computation.2_lowered:
.L_overlay_start_0:
0x88: {  	s2 =	sld [smem:$0x3FD9]  }
0x89: {  	s3 =	sld [smem:$0x3FFE];
	_ =	sdelay $0x1  }
0x8a: {  	s1 =	srdreg.scid  }
0x8b: {  	s0 =	sand.u32 $0x1, s1  }
0x8c: {  	s16 =	sshll.u32 s0, $0xA;
	s2 =	sadd.s32 s3, s2  }
0x8d: {  	s2 =	sadd.s32 s2, s16  }
0x8e: {  	[smem:$0x3FB7] =	sst s2  }
0x8f: {  	_ = 	snop  }
0x90: {  	(tm) =	ssettm $0x1  }
0x91: {  	s17 =	sld [smem:$0x3FFB];
	_ =	sdelay $0x3  }
0x92: {  	_ =	strace s17  }
0x93: {  	s2 =	sld [smem:$0x3FFC];
	_ =	sdelay $0x3  }
0x94: {  	_ =	strace s2  }
0x95: {  	s2 =	sld [smem:$0x3FFD];
	_ =	sdelay $0x3  }
0x96: {  	_ =	strace s2  }
0x97: {  	_ =	strace $0x8FFFFFFF  }
0x98: {  	s18 =	sld [smem:$0x3FDB];
	_ =	sdelay $0x1  }
0x99: {  	s19 =	simm.s32 $_scs_section_size  }
0x9a: {  	s4 =	simm.s32 $_size__tile_overlayer_lowered;
	s5 =	simm.s32 $_tile_overlayer_lowered  }
0x9b: {  	s22 =	simm.s32 $0x1BFF;
	s21 =	sshll.u32 s5, $0x1;
	s2 =	sadd.s32 s19, s18  }
0x9c: {  	s6 =	simm.s32 $0x0;
	s20 =	sshll.u32 s4, $0x1;
	s4 =	sadd.s32 s21, s2  }
0x9d: {  	[timem:s6], [sflag:s22] =	dma.local [hbm:s4], s20  }
0x9e: {  	_ =	swait.ge [sflag:s22], s20  }
0x9f: {  	s3 =	ssub.s32 $0x0, s20;
	[sflag:s22] =	ssyncset.done $0x0  }
0xa0: {  	[sflag:s22] =	ssyncadd.s32 s3;
	_ =	sdelay $0x1  }
0xa1: {  	s23 =	simm.s32 $0x1B8B  }
0xa2: {  	_ =	swait.ge [sflag:s23], $0x1  }
0xa3: {  	[sflag:s23] =	ssyncset.done $0x0  }
0xa4: {  	s25 =	simm.s32 $0x1B8E;
	s24 =	sld [smem:$0x3FFE];
	[sflag:s23] =	ssyncadd.s32 $0xFFFFFFFF  }
0xa5: {  	s26 =	simm.s32 $execute0_lowered;
	[smem:$0x3FD2] =	sst s25  }
0xa6: {  	s4 =	sshll.u32 s26, $0x1;
	_ =	strace $0x8000004C;
	[dreg:$0x1] =	wrdreg $0xFFFFFFFF  }
0xa7: {  	s28 =	simm.s32 $_size_execute0_lowered;
	s2 =	sadd.s32 s2, s4;
	[dreg:$0x0] =	wrdreg $0x0  }
0xa8: {  	s4 =	sshll.u32 s28, $0x1;
	[dreg:$0x2] =	wrdreg s2  }
0xa9: {  	[dreg:$0x3] =	wrdreg s4  }
0xaa: {  	[dreg:$0x4] =	wrdreg $0xC0  }
0xab: {  	_ =	task [dreg:s6], $0x5FFFF  }
0xac: {  	[dreg:$0x1] =	wrdreg $0xFFFFFFFF  }
0xad: {  	[dreg:$0x0] =	wrdreg $0x60  }
0xae: {  	[dreg:$0x2] =	wrdreg s24  }
0xaf: {  	[dreg:$0x3] =	wrdreg $0x0  }
0xb0: {  	[dreg:$0x4] =	wrdreg $0x9  }
0xb1: {  	_ =	task.clear_ibuf [dreg:s6], $0x5FFFF;
	_ =	strace $0x9000004C  }
0xb2: {  	s29 =	simm.s32 $0x9;
	_ =	strace $0x8000004E  }
0xb3: {  	_ =	swait.ge [sflag:s29], $0x1  }
0xb4: {  	[sflag:s29] =	ssyncadd.s32 $0xFFFFFFFF  }
0xb5: {  	_ =	strace $0x9000004E  }
0xb6: {  	_ =	sfence  }
0xb7: {  	s30 =	sld [smem:$0x0];
	_ =	sdelay $0x2  }
0xb8: {  	s31 =	sshll.u32 s1, $0xD;
	s1 =	sshrl.u32 s1, $0x2  }
0xb9: {  	s3 =	sand.u32 $0x4000, s31;
	s1 =	sadd.s32 s1, s30  }
0xba: {  	s0 =	sor.u32 s3, s0;
	s1 =	sshll.u32 s1, $0x11  }
0xbb: {  	s0 =	sor.u32 s1, s0  }
0xbc: {  	s0 =	sadd.s32 $0x8F2B, s0  }
0xbd: {  	[sflag:s0] =	ssyncadd.remote.s32 $0x1  }
0xbe: {  	_ =	sfence.sel $0xFFFF  }
0xbf: {  	[dreg:$0x0] =	wrdreg $0xFFFFFFFF;
	(pc) =	sbr.abs _section_cstart, $3  }
0xc0: {  	[dreg:$0x1] =	wrdreg $0xFFFFFFFF  }
0xc1: {  	_ =	task.clear_ibuf [dreg:s6], $0x2FFFF;
	_ =	strace $0x9FFFFFFF  }
0xc2: {  	(tm) =	ssettm $0x7FFFFFFF  }
0xc3: {  	_ =	shalt  }
tec
execute0_lowered:
.L_overlay_start_1:
0x0: {  	(tag) =	ssettag $0x1  }
0x1: {  	s0 =	rddreg [dreg:$0x0]  }
0x2: {  	s2 =	rddreg [dreg:$0x1];
	s4 =	stileid.u32;
	s5 =	simm.s32 $0x0  }
0x3: {  	s3 =	srdreg.scid;
	s12 =	simm.s32 $0x9C40;
	s13 =	simm.s32 $0x9  }
0x4: {  	s14 =	simm.s32 $0xED80;
	s18 =	simm.s32 $0x64;
	s19 =	simm.s32 $0x13EC0  }
0x5: {  	s21 =	simm.s32 $0x157C0;
	s22 =	simm.s32 $0x1;
	s24 =	simm.s32 $0x170C0  }
0x6: {  	s25 =	simm.s32 $0x2;
	s29 =	simm.s32 $0x189C0;
	s30 =	simm.s32 $0x3  }
0x7: {  	s20 =	simm.s32 $0x4;
	s31 =	simm.s32 $0x7;
	s1 =	smul.u32 $0xA28, s4  }
0x8: {  	s23 =	simm.s32 $0x0;
	[smem:$0x7FF] =	sst s5;
	s26 =	smul.u32 $0x9E00, s4  }
0x9: {  	s3 =	sand.u32 $0x1, s3;
	s5 =	sadd.s32 $0x94200, s2;
	p0 =	seq.s32 s4, $0xF  }
0xa: {  	_ =	strace $0x8000004D;
	s6 =	smul.u32 $0x13880, s3;
	s3 =	ssub.s32 $0x2, s3  }
0xb: {  	s15 =	sshrl.u32 @p0 s5, $0x3;
	s1 =	sadd.s32 s1, s0;
	s8 =	sshrl.u32 s26, $0x3  }
0xc: {  	s7 =	sshrl.u32 s3, $0x1;
	[dreg:$0x3] =	wrdreg s8;
	s8 =	sadd.s32 s8, s0  }
0xd: {  	s10 =	sadd.s32 s6, s0;
	s3 =	ssub.s32 s3, s7;
	s28 =	sadd.s32 $0xD200, s1  }
.Ltmp0:
0xe: {  	s6 =	sadd.s32 $0x2E00, s1;
	s1 =	sadd.s32 s26, s2;
	(pc) =	sbr.rel .LBB2_1-.Ltmp0, $4  }
0xf: {  	s26 =	simm.s32 $0x6;
	[dreg:$0x4] =	wrdreg s28;
	s7 =	sadd.s32 $0xB4200, s8  }
0x10: {  	s8 =	sadd.s32 $0xC6A40, s0;
	s9 =	sadd.s32 $0x8D000, s10;
	s10 =	sadd.s32 $0xC7C00, s10  }
0x11: {  	s11 =	smax.u32 s3, $0x1;
	s0 =	sshll.u32 @!p0 s4, $0x6;
	s17 =	sshrl.u32 @!p0 s1, $0x3  }
0x12: {  	s1 =	simm.s32 $0x8;
	s16 =	sor.u32 @!p0 $0x1C09, s0;
	s0 =	simm.s32 $0x5  }
.LBB2_4:
0x13: {  	_ =	swait.ge [sflag:s20], $0x1900  }
0x14: {  	[sflag:s20] =	ssyncset.done $0x0  }
0x15: {  	[sflag:s20] =	ssyncadd.s32 $0xFFFFE700  }
0x16: {  	[spmem:s2] =	stream.indirect.scatter.add.f32 [tilespmem:s29], [sflag:$0x8], $0x40, s5, s18, $0xb8;
	[tilespmem:$0x1A2C0] =	vst v63  }
0x17: {  	_ =	swait.ge [sflag:s26], $0x1900  }
0x18: {  	[sflag:s26] =	ssyncset.done $0x0  }
0x19: {  	[sflag:s26] =	ssyncadd.s32 $0xFFFFE700  }
0x1a: {  	_ =	swait.ge [sflag:s31], $0x1900  }
0x1b: {  	[sflag:s31] =	ssyncset.done $0x0  }
0x1c: {  	[sflag:s31] =	ssyncadd.s32 $0xFFFFE700  }
0x1d: {  	_ =	swait.ge [sflag:s1], $0x1900  }
0x1e: {  	[sflag:s1] =	ssyncset.done $0x0  }
0x1f: {  	[sflag:s1] =	ssyncadd.s32 $0xFFFFE700  }
0x20: {  	s3 =	sadd.s32 @p0 $0x12840, s10;
	s4 =	simm.s32 @p0 $0x1FC9;
	[bflag:$0x0] =	sbarrier.arrive $0xFFFF  }
0x21: {  	[hbm:s3], [sflag:s4] =	dma.local @p0 [spmem:s15], $0x1040  }
0x22: {  	s3 =	simm.s32 @p0 $0x9  }
0x23: {  	_ =	swait.ge @p0 [sflag:s3], $0x1040  }
0x24: {  	[sflag:s3] =	ssyncset.done @p0 $0x0  }
0x25: {  	s23 =	sadd.s32 $0x1, s23;
	[sflag:s3] =	ssyncadd.s32 @p0 $0xFFFFEFC0;
	s3 =	rddreg [dreg:$0x3]  }
0x26: {  	p1 =	sne.s32 s23, s11;
	s3 =	sadd.s32 @!p0 s3, s10  }
0x27: {  	[hbm:s3], [sflag:s16] =	dma.local @!p0 [spmem:s17], $0x13C0  }
.Ltmp1:
0x28: {  	_ = 	snop;
	(pc) =	sbr.rel @!p1 .LBB2_5-.Ltmp1, $4  }
0x29: {  	s3 =	simm.s32 @!p0 $0x9  }
0x2a: {  	_ =	swait.ge @!p0 [sflag:s3], $0x13C0  }
0x2b: {  	[sflag:s3] =	ssyncset.done @!p0 $0x0  }
0x2c: {  	[sflag:s3] =	ssyncadd.s32 @!p0 $0xFFFFEC40  }
.LBB2_1:
0x2d: {  	s3 =	simm.s32 $0x0;
	s4 =	rddreg [dreg:$0x4]  }
0x2e: {  	[tilespmem:s12], [sflag:$0x9] =	stream.linear.gather [hbm4b:s4+s3], $0x5140, $0x38;
	[tilespmem:$0x1A2C0] =	vst v63  }
0x2f: {  	_ =	swait.ge [sflag:s13], $0x5140  }
0x30: {  	[sflag:s13] =	ssyncset.done $0x0  }
0x31: {  	[sflag:s13] =	ssyncadd.s32 $0xFFFFAEC0  }
0x32: {  	[tilespmem:s14], [sflag:$0x9] =	stream.linear.gather [hbm4b:s6+s3], $0x5140, $0x38;
	[tilespmem:$0x1A2C0] =	vst v63  }
0x33: {  	_ =	swait.ge [sflag:s13], $0x5140  }
0x34: {  	[sflag:s13] =	ssyncset.done $0x0  }
0x35: {  	s3 =	simm.s32 @p0 $0x1FC9;
	[sflag:s13] =	ssyncadd.s32 $0xFFFFAEC0  }
0x36: {  	[spmem:s15], [sflag:s3] =	dma.local @p0 [hbm:s8], $0x1040  }
0x37: {  	s3 =	simm.s32 @p0 $0x9  }
0x38: {  	_ =	swait.ge @p0 [sflag:s3], $0x1040  }
0x39: {  	[sflag:s3] =	ssyncset.done @p0 $0x0  }
0x3a: {  	[sflag:s3] =	ssyncadd.s32 @p0 $0xFFFFEFC0;
	s3 =	simm.s32 @!p0 $0x9  }
0x3b: {  	[spmem:s17], [sflag:s16] =	dma.local @!p0 [hbm:s7], $0x13C0  }
0x3c: {  	_ =	swait.ge @!p0 [sflag:s3], $0x13C0  }
0x3d: {  	[sflag:s3] =	ssyncset.done @!p0 $0x0  }
0x3e: {  	[sflag:s3] =	ssyncadd.s32 @!p0 $0xFFFFEC40  }
0x3f: {  	[tilespmem:s19], [sflag:$0x1] =	stream.indirect.gather [hbm4b:s9+s18], $0x40, s12, s18, $0xb8;
	[tilespmem:$0x1A2C0] =	vst v63  }
0x40: {  	s4 =	simm.s32 $0x9CA8  }
0x41: {  	[tilespmem:s21], [sflag:$0x2] =	stream.indirect.gather [hbm4b:s9+s18], $0x40, s4, s18, $0xb8;
	[tilespmem:$0x1A2C0] =	vst v63  }
0x42: {  	[bflag:$0x0] =	sbarrier.arrive $0xFFFF  }
0x43: {  	_ =	swait.ge [sflag:s22], $0x1900  }
0x44: {  	[sflag:s22] =	ssyncset.done $0x0  }
0x45: {  	[sflag:s22] =	ssyncadd.s32 $0xFFFFE700  }
0x46: {  	[spmem:s2] =	stream.indirect.scatter.add.f32 [tilespmem:s19], [sflag:$0x5], $0x40, s14, s18, $0xb8;
	[tilespmem:$0x1A2C0] =	vst v63  }
0x47: {  	s5 =	simm.s32 $0x9D10  }
0x48: {  	[tilespmem:s24], [sflag:$0x3] =	stream.indirect.gather [hbm4b:s9+s18], $0x40, s5, s18, $0xb8;
	[tilespmem:$0x1A2C0] =	vst v63  }
0x49: {  	_ =	swait.ge [sflag:s25], $0x1900  }
0x4a: {  	[sflag:s25] =	ssyncset.done $0x0  }
0x4b: {  	s4 =	simm.s32 $0xEDE8;
	[sflag:s25] =	ssyncadd.s32 $0xFFFFE700  }
0x4c: {  	[spmem:s2] =	stream.indirect.scatter.add.f32 [tilespmem:s21], [sflag:$0x6], $0x40, s4, s18, $0xb8;
	[tilespmem:$0x1A2C0] =	vst v63  }
0x4d: {  	s5 =	simm.s32 $0x9D78  }
0x4e: {  	[tilespmem:s29], [sflag:$0x4] =	stream.indirect.gather [hbm4b:s9+s18], $0x40, s5, s18, $0xb8;
	[tilespmem:$0x1A2C0] =	vst v63  }
0x4f: {  	_ =	swait.ge [sflag:s30], $0x1900  }
0x50: {  	[sflag:s30] =	ssyncset.done $0x0  }
0x51: {  	s4 =	simm.s32 $0xEE50;
	[sflag:s30] =	ssyncadd.s32 $0xFFFFE700  }
0x52: {  	[spmem:s2] =	stream.indirect.scatter.add.f32 [tilespmem:s24], [sflag:$0x7], $0x40, s4, s18, $0xb8;
	[tilespmem:$0x1A2C0] =	vst v63  }
0x53: {  	_ =	swait.ge [sflag:s0], $0x1900  }
0x54: {  	[sflag:s0] =	ssyncset.done $0x0  }
0x55: {  	s5 =	simm.s32 $0x9DE0;
	[sflag:s0] =	ssyncadd.s32 $0xFFFFE700  }
0x56: {  	[tilespmem:s19], [sflag:$0x1] =	stream.indirect.gather [hbm4b:s9+s18], $0x40, s5, s18, $0xb8;
	[tilespmem:$0x1A2C0] =	vst v63  }
0x57: {  	_ =	swait.ge [sflag:s20], $0x1900  }
0x58: {  	[sflag:s20] =	ssyncset.done $0x0  }
0x59: {  	s4 =	simm.s32 $0xEEB8;
	[sflag:s20] =	ssyncadd.s32 $0xFFFFE700  }
0x5a: {  	[spmem:s2] =	stream.indirect.scatter.add.f32 [tilespmem:s29], [sflag:$0x8], $0x40, s4, s18, $0xb8;
	[tilespmem:$0x1A2C0] =	vst v63  }
0x5b: {  	_ =	swait.ge [sflag:s26], $0x1900  }
0x5c: {  	[sflag:s26] =	ssyncset.done $0x0  }
0x5d: {  	s28 =	simm.s32 $0x0;
	s5 =	simm.s32 $0x9E48;
	[sflag:s26] =	ssyncadd.s32 $0xFFFFE700  }
0x5e: {  	[tilespmem:s21], [sflag:$0x2] =	stream.indirect.gather [hbm4b:s9+s18], $0x40, s5, s18, $0xb8;
	[tilespmem:$0x1A2C0] =	vst v63  }
.LBB2_2:
0x5f: {  	_ =	swait.ge [sflag:s22], $0x1900  }
0x60: {  	s3 =	sshra.s32 s28, $0x2;
	[sflag:s22] =	ssyncset.done $0x0  }
0x61: {  	s5 =	sadd.s32 $0xEF20, s3;
	[sflag:s22] =	ssyncadd.s32 $0xFFFFE700  }
0x62: {  	[spmem:s2] =	stream.indirect.scatter.add.f32 [tilespmem:s19], [sflag:$0x5], $0x40, s5, s18, $0xb8;
	[tilespmem:$0x1A2C0] =	vst v63  }
0x63: {  	_ =	swait.ge [sflag:s31], $0x1900  }
0x64: {  	[sflag:s31] =	ssyncset.done $0x0  }
0x65: {  	s4 =	sadd.s32 $0x9EB0, s3;
	[sflag:s31] =	ssyncadd.s32 $0xFFFFE700  }
0x66: {  	[tilespmem:s24], [sflag:$0x3] =	stream.indirect.gather [hbm4b:s9+s18], $0x40, s4, s18, $0xb8;
	[tilespmem:$0x1A2C0] =	vst v63  }
0x67: {  	_ =	swait.ge [sflag:s25], $0x1900  }
0x68: {  	[sflag:s25] =	ssyncset.done $0x0  }
0x69: {  	s4 =	sadd.s32 $0xEF88, s3;
	[sflag:s25] =	ssyncadd.s32 $0xFFFFE700  }
0x6a: {  	[spmem:s2] =	stream.indirect.scatter.add.f32 [tilespmem:s21], [sflag:$0x6], $0x40, s4, s18, $0xb8;
	[tilespmem:$0x1A2C0] =	vst v63  }
0x6b: {  	_ =	swait.ge [sflag:s1], $0x1900  }
0x6c: {  	[sflag:s1] =	ssyncset.done $0x0  }
0x6d: {  	s4 =	sadd.s32 $0x9F18, s3;
	[sflag:s1] =	ssyncadd.s32 $0xFFFFE700  }
0x6e: {  	[tilespmem:s29], [sflag:$0x4] =	stream.indirect.gather [hbm4b:s9+s18], $0x40, s4, s18, $0xb8;
	[tilespmem:$0x1A2C0] =	vst v63  }
0x6f: {  	_ =	swait.ge [sflag:s30], $0x1900  }
0x70: {  	p1 =	seq.s32 s28, $0x13800;
	[sflag:s30] =	ssyncset.done $0x0  }
.Ltmp2:
0x71: {  	s4 =	sadd.s32 $0xEFF0, s3;
	[sflag:s30] =	ssyncadd.s32 $0xFFFFE700;
	(pc) =	sbr.rel @p1 .LBB2_4-.Ltmp2, $4  }
0x72: {  	[spmem:s2] =	stream.indirect.scatter.add.f32 [tilespmem:s24], [sflag:$0x7], $0x40, s4, s18, $0xb8;
	[tilespmem:$0x1A2C0] =	vst v63  }
0x73: {  	_ =	swait.ge [sflag:s0], $0x1900  }
0x74: {  	[sflag:s0] =	ssyncset.done $0x0  }
0x75: {  	s5 =	sadd.s32 $0xF058, s3;
	[sflag:s0] =	ssyncadd.s32 $0xFFFFE700  }
0x76: {  	s4 =	sadd.s32 $0x9F80, s3  }
0x77: {  	[tilespmem:s19], [sflag:$0x1] =	stream.indirect.gather [hbm4b:s9+s18], $0x40, s4, s18, $0xb8;
	[tilespmem:$0x1A2C0] =	vst v63  }
0x78: {  	_ =	swait.ge [sflag:s20], $0x1900  }
0x79: {  	[sflag:s20] =	ssyncset.done $0x0  }
0x7a: {  	[sflag:s20] =	ssyncadd.s32 $0xFFFFE700  }
0x7b: {  	[spmem:s2] =	stream.indirect.scatter.add.f32 [tilespmem:s29], [sflag:$0x8], $0x40, s5, s18, $0xb8;
	[tilespmem:$0x1A2C0] =	vst v63  }
.Ltmp3:
0x7c: {  	_ = 	snop;
	(pc) =	sbr.rel .LBB2_2-.Ltmp3, $4  }
0x7d: {  	_ =	swait.ge [sflag:s26], $0x1900  }
0x7e: {  	[sflag:s26] =	ssyncset.done $0x0  }
0x7f: {  	s28 =	sadd.s32 $0x680, s28;
	s5 =	sadd.s32 $0x9FE8, s3;
	[sflag:s26] =	ssyncadd.s32 $0xFFFFE700  }
0x80: {  	[tilespmem:s21], [sflag:$0x2] =	stream.indirect.gather [hbm4b:s9+s18], $0x40, s5, s18, $0xb8;
	[tilespmem:$0x1A2C0] =	vst v63  }
.LBB2_5:
0x81: {  	_ =	sfence.sel $0x180000  }
0x82: {  	[bflag:$0x0] =	sbarrier.arrive $0xFFFF  }
0x83: {  	_ =	strace $0x9000004D  }
0x84: {  	s0 =	stileid.u32;
	[bflag:$0x2] =	sbarrier.arrive $0xFFFF  }
0x85: {  	p0 =	sne.s32 s0, $0x0;
	s0 =	rddreg [dreg:$0x2]  }
0x86: {  	s0 =	sadd.s32 @!p0 $0x100000, s0  }
0x87: {  	[sflag:s0] =	ssyncadd.tile.s32 @!p0 $0x1;
	_ =	shalt  }
.Lfunc_end2:
_tile_overlayer_lowered:
.L_overlay_start_2:
0x88: {  	(tag) =	ssettag $0x2  }
0x89: {  	s0 =	rddreg [dreg:$0x0];
	s2 =	stileid.u32  }
0x8a: {  	s1 =	rddreg [dreg:$0x1];
	p0 =	sne.s32 s2, $0x0  }
0x8b: {  	s3 =	rddreg [dreg:$0x2];
	[bflag:$0x3] =	sbarrier.arrive $0xFFFF;
	s2 =	simm.s32 @!p0 $0x1C09  }
0x8c: {  	[timem:s3], [sflag:s2] =	dma.local @!p0 [hbm:s0], s1  }
0x8d: {  	s0 =	simm.s32 @!p0 $0x9  }
0x8e: {  	_ =	swait.ge @!p0 [sflag:s0], s1  }
0x8f: {  	s1 =	ssub.s32 @!p0 $0x0, s1;
	[sflag:s0] =	ssyncset.done @!p0 $0x0  }
0x90: {  	[sflag:s0] =	ssyncadd.s32 @!p0 s1  }
0x91: {  	[bflag:$0x3] =	sbarrier.arrive $0xFFFF  }
0x92: {  	_ =	shalt  }

// kernel: kernel.21.cloned.1.call-start
scs
__scs_entry_jumppad:
0x0: {  	(pc) =	sbr.rel $0x88, $3  }
0x1: {  	(tag) =	ssettag $0x0;
	lr =	simm.s32 $0x1  }
0x2: {  	[smem:$0x3F90] =	sst lr;
	_ =	strace $0xD0000000  }
0x3: {  	_ = 	snop  }
0x4: {  	_ = 	snop  }
0x5: {  	_ = 	snop  }
0x6: {  	_ = 	snop  }
0x7: {  	_ = 	snop  }
__scs_overlays_trampoline_lowered:
0x8: {  	[smem:$0x3F9F] =	sst s0  }
0x9: {  	[smem:$0x3FA0] =	sst s1  }
0xa: {  	[smem:$0x3FA1] =	sst s2  }
0xb: {  	[smem:$0x3FA2] =	sst s3  }
0xc: {  	[smem:$0x3FA3] =	sst s4  }
0xd: {  	[smem:$0x3FA4] =	sst s5  }
0xe: {  	[smem:$0x3FA5] =	sst s6  }
0xf: {  	[smem:$0x3FA6] =	sst s7  }
0x10: {  	[smem:$0x3FA7] =	sst s8  }
0x11: {  	[smem:$0x3FA8] =	sst s9;
	s0 =	simm.s32 @!p0 $0x0  }
0x12: {  	s1 =	sld [smem:$0x3F8E];
	s0 =	simm.s32 @p0 $0x1  }
0x13: {  	[smem:$0x3FA9] =	sst s0;
	s0 =	simm.s32 @!p1 $0x0  }
0x14: {  	s2 =	sld [smem:$0x3F8D];
	s0 =	simm.s32 @p1 $0x1  }
0x15: {  	[smem:$0x3FAA] =	sst s0;
	s0 =	simm.s32 @!p2 $0x0  }
0x16: {  	s3 =	sld [smem:$0x3FDB];
	s0 =	simm.s32 @p2 $0x1  }
0x17: {  	s4 =	simm.s32 $0x1BF5;
	[smem:$0x3FAC] =	sst s0  }
0x18: {  	s0 =	sld [smem:$0x3F8F];
	_ =	swait.ge [sflag:s4], $0x0  }
0x19: {  	s7 =	sld [smem:$0x3F90]  }
0x1a: {  	s8 =	sadd.s32 $0xFFFFE003, lr  }
0x1b: {  	s9 =	sadd.s32 $0xFFFFFEF7, lr;
	s5 =	simm.s32 $0xFFFFFFFF;
	p2 =	slt.u32 s8, $0xFFFFF086  }
0x1c: {  	p1 =	slt.u32 s9, $0xF7A;
	s5 =	simm.s32 @!p2 $0x0  }
0x1d: {  	s5 =	simm.s32 @p1 $0x1;
	p0 =	seq.s32 s7, s2  }
0x1e: {  	s7 =	smul.u32 @!p0 $0xF7A, s2;
	p2 =	seq.s32 @!p0 s5, $0x0  }
0x1f: {  	s9 =	smul.u32 $0xF7A, s1;
	s8 =	simm.s32 @!p0 $0x1BF5;
	p2 =	por !p2, p0  }
0x20: {  	[sflag:s8] =	ssyncset.s32 @!p0 $0xFFFFF086;
	s6 =	sadd.s32 @!p0 s3, s7;
	s7 =	simm.s32 @!p0 $0x108  }
0x21: {  	s3 =	sadd.s32 s3, s9;
	s6 =	sadd.s32 @!p0 $0x88, s6;
	s7 =	simm.s32 @p2 $0x1082  }
0x22: {  	[simem:s7], [sflag:s8] =	dma.local @!p0 [hbm:s6], $0xF7A  }
0x23: {  	s9 =	sor.u32 $0xD0000000, s2;
	s6 =	simm.s32 $0x108;
	_ =	swait.ge @!p0 [sflag:s8], $0x0  }
0x24: {  	s3 =	sadd.s32 $0x88, s3;
	s6 =	simm.s32 @!p1 $0x1082;
	[sflag:s4] =	ssyncset.s32 $0xFFFFF086  }
0x25: {  	[simem:s6], [sflag:s4] =	dma.local [hbm:s3], $0xF7A  }
0x26: {  	[smem:$0x3F90] =	sst s1;
	(tag) =	ssettag s2;
	_ =	strace s9  }
0x27: {  	s1 =	sld [smem:$0x3FA0]  }
0x28: {  	s2 =	sld [smem:$0x3FA1]  }
0x29: {  	s4 =	sld [smem:$0x3FA3]  }
0x2a: {  	p0 =	seq.s32 s5, $0x0;
	s5 =	sld [smem:$0x3FA4]  }
0x2b: {  	s6 =	sld [smem:$0x3FA5]  }
0x2c: {  	s7 =	sld [smem:$0x3FA6]  }
0x2d: {  	s3 =	simm.s32 $0x108;
	s8 =	sld [smem:$0x3FA7]  }
0x2e: {  	s3 =	simm.s32 @!p0 $0x1082;
	s9 =	sld [smem:$0x3FA8]  }
0x2f: {  	lr =	sadd.s32 s0, s3;
	s0 =	sld [smem:$0x3F9F]  }
0x30: {  	s3 =	sld [smem:$0x3FA2]  }
0x31: {  	[smem:$0x3FAB] =	sst s10  }
0x32: {  	s10 =	sld [smem:$0x3FA9];
	_ =	sdelay $0x3  }
0x33: {  	p0 =	seq.s32 s10, $0x1;
	s10 =	sld [smem:$0x3FAB];
	_ =	sdelay $0x3  }
0x34: {  	[smem:$0x3FAB] =	sst s10  }
0x35: {  	s10 =	sld [smem:$0x3FAA];
	_ =	sdelay $0x3  }
0x36: {  	p1 =	seq.s32 s10, $0x1;
	s10 =	sld [smem:$0x3FAB];
	_ =	sdelay $0x3  }
0x37: {  	[smem:$0x3FAB] =	sst s10  }
0x38: {  	s10 =	sld [smem:$0x3FAC]  }
0x39: {  	_ = 	snop;
	(pc) =	sbr.ind lr, $3  }
0x3a: {  	_ = 	snop  }
0x3b: {  	_ = 	snop  }
0x3c: {  	p2 =	seq.s32 s10, $0x1;
	s10 =	sld [smem:$0x3FAB]  }
0x3d: {  	_ =	shalt  }
0x3e: {  	_ =	shalt  }
0x3f: {  	_ =	shalt  }
0x40: {  	_ =	shalt  }
0x41: {  	_ =	shalt  }
0x42: {  	_ =	shalt  }
0x43: {  	_ =	shalt  }
0x44: {  	_ =	shalt  }
0x45: {  	_ =	shalt  }
0x46: {  	_ =	shalt  }
0x47: {  	_ =	shalt  }
0x48: {  	_ =	shalt  }
0x49: {  	_ =	shalt  }
0x4a: {  	_ =	shalt  }
0x4b: {  	_ =	shalt  }
0x4c: {  	_ =	shalt  }
0x4d: {  	_ =	shalt  }
0x4e: {  	_ =	shalt  }
0x4f: {  	_ =	shalt  }
0x50: {  	_ =	shalt  }
0x51: {  	_ =	shalt  }
0x52: {  	_ =	shalt  }
0x53: {  	_ =	shalt  }
0x54: {  	_ =	shalt  }
0x55: {  	_ =	shalt  }
0x56: {  	_ =	shalt  }
0x57: {  	_ =	shalt  }
0x58: {  	_ =	shalt  }
0x59: {  	_ =	shalt  }
0x5a: {  	_ =	shalt  }
0x5b: {  	_ =	shalt  }
0x5c: {  	_ =	shalt  }
0x5d: {  	_ =	shalt  }
0x5e: {  	_ =	shalt  }
0x5f: {  	_ =	shalt  }
0x60: {  	_ =	shalt  }
0x61: {  	_ =	shalt  }
0x62: {  	_ =	shalt  }
0x63: {  	_ =	shalt  }
0x64: {  	_ =	shalt  }
0x65: {  	_ =	shalt  }
0x66: {  	_ =	shalt  }
0x67: {  	_ =	shalt  }
0x68: {  	_ =	shalt  }
0x69: {  	_ =	shalt  }
0x6a: {  	_ =	shalt  }
0x6b: {  	_ =	shalt  }
0x6c: {  	_ =	shalt  }
0x6d: {  	_ =	shalt  }
0x6e: {  	_ =	shalt  }
0x6f: {  	_ =	shalt  }
0x70: {  	_ =	shalt  }
0x71: {  	_ =	shalt  }
0x72: {  	_ =	shalt  }
0x73: {  	_ =	shalt  }
0x74: {  	_ =	shalt  }
0x75: {  	_ =	shalt  }
0x76: {  	_ =	shalt  }
0x77: {  	_ =	shalt  }
0x78: {  	_ =	shalt  }
0x79: {  	_ =	shalt  }
0x7a: {  	_ =	shalt  }
0x7b: {  	_ =	shalt  }
0x7c: {  	_ =	shalt  }
0x7d: {  	_ =	shalt  }
0x7e: {  	_ =	shalt  }
0x7f: {  	_ =	shalt  }
0x80: {  	_ =	shalt  }
0x81: {  	_ =	shalt  }
0x82: {  	_ =	shalt  }
0x83: {  	_ =	shalt  }
0x84: {  	_ =	shalt  }
0x85: {  	_ =	shalt  }
0x86: {  	_ =	shalt  }
0x87: {  	_ =	shalt  }
.Lfunc_end0:
.L_simem_size_0:
called_computation.3_lowered:
.L_overlay_start_0:
0x88: {  	s2 =	sld [smem:$0x3FD9]  }
0x89: {  	s3 =	sld [smem:$0x3FFE];
	_ =	sdelay $0x1  }
0x8a: {  	s1 =	srdreg.scid  }
0x8b: {  	s0 =	sand.u32 $0x1, s1  }
0x8c: {  	s16 =	sshll.u32 s0, $0xA;
	s2 =	sadd.s32 s3, s2  }
0x8d: {  	s2 =	sadd.s32 s2, s16  }
0x8e: {  	[smem:$0x3FB7] =	sst s2  }
0x8f: {  	_ = 	snop  }
0x90: {  	(tm) =	ssettm $0x1  }
0x91: {  	s17 =	sld [smem:$0x3FFB];
	_ =	sdelay $0x3  }
0x92: {  	_ =	strace s17  }
0x93: {  	s2 =	sld [smem:$0x3FFC];
	_ =	sdelay $0x3  }
0x94: {  	_ =	strace s2  }
0x95: {  	s2 =	sld [smem:$0x3FFD];
	_ =	sdelay $0x3  }
0x96: {  	_ =	strace s2  }
0x97: {  	_ =	strace $0x8FFFFFFF  }
0x98: {  	s18 =	sld [smem:$0x3FDB];
	_ =	sdelay $0x1  }
0x99: {  	s19 =	simm.s32 $_scs_section_size  }
0x9a: {  	s4 =	simm.s32 $_size__tile_overlayer_lowered;
	s5 =	simm.s32 $_tile_overlayer_lowered  }
0x9b: {  	s22 =	simm.s32 $0x1BFF;
	s21 =	sshll.u32 s5, $0x1;
	s2 =	sadd.s32 s19, s18  }
0x9c: {  	s6 =	simm.s32 $0x0;
	s20 =	sshll.u32 s4, $0x1;
	s4 =	sadd.s32 s21, s2  }
0x9d: {  	[timem:s6], [sflag:s22] =	dma.local [hbm:s4], s20  }
0x9e: {  	_ =	swait.ge [sflag:s22], s20  }
0x9f: {  	s3 =	ssub.s32 $0x0, s20;
	[sflag:s22] =	ssyncset.done $0x0  }
0xa0: {  	[sflag:s22] =	ssyncadd.s32 s3;
	_ =	sdelay $0x1  }
0xa1: {  	s23 =	simm.s32 $0x1B8B  }
0xa2: {  	_ =	swait.ge [sflag:s23], $0x1  }
0xa3: {  	[sflag:s23] =	ssyncset.done $0x0  }
0xa4: {  	s25 =	simm.s32 $0x1B8E;
	s24 =	sld [smem:$0x3FFE];
	[sflag:s23] =	ssyncadd.s32 $0xFFFFFFFF  }
0xa5: {  	s26 =	simm.s32 $execute0_lowered;
	[smem:$0x3FD2] =	sst s25  }
0xa6: {  	s4 =	sshll.u32 s26, $0x1;
	_ =	strace $0x8000004F;
	[dreg:$0x1] =	wrdreg $0xFFFFFFFF  }
0xa7: {  	s28 =	simm.s32 $_size_execute0_lowered;
	s2 =	sadd.s32 s2, s4;
	[dreg:$0x0] =	wrdreg $0x0  }
0xa8: {  	s4 =	sshll.u32 s28, $0x1;
	[dreg:$0x2] =	wrdreg s2  }
0xa9: {  	[dreg:$0x3] =	wrdreg s4  }
0xaa: {  	[dreg:$0x4] =	wrdreg $0xC0  }
0xab: {  	_ =	task [dreg:s6], $0x5FFFF  }
0xac: {  	[dreg:$0x1] =	wrdreg $0xFFFFFFFF  }
0xad: {  	[dreg:$0x0] =	wrdreg $0x60  }
0xae: {  	[dreg:$0x2] =	wrdreg s24  }
0xaf: {  	[dreg:$0x3] =	wrdreg $0x0  }
0xb0: {  	[dreg:$0x4] =	wrdreg $0x9  }
0xb1: {  	_ =	task.clear_ibuf [dreg:s6], $0x5FFFF;
	_ =	strace $0x9000004F  }
0xb2: {  	s29 =	simm.s32 $0x9;
	_ =	strace $0x80000051  }
0xb3: {  	_ =	swait.ge [sflag:s29], $0x1  }
0xb4: {  	[sflag:s29] =	ssyncadd.s32 $0xFFFFFFFF  }
0xb5: {  	_ =	strace $0x90000051  }
0xb6: {  	_ =	sfence  }
0xb7: {  	s30 =	sld [smem:$0x0];
	_ =	sdelay $0x2  }
0xb8: {  	s31 =	sshll.u32 s1, $0xD;
	s1 =	sshrl.u32 s1, $0x2  }
0xb9: {  	s3 =	sand.u32 $0x4000, s31;
	s1 =	sadd.s32 s1, s30  }
0xba: {  	s0 =	sor.u32 s3, s0;
	s1 =	sshll.u32 s1, $0x11  }
0xbb: {  	s0 =	sor.u32 s1, s0  }
0xbc: {  	s0 =	sadd.s32 $0x8F2B, s0  }
0xbd: {  	[sflag:s0] =	ssyncadd.remote.s32 $0x1  }
0xbe: {  	_ =	sfence.sel $0xFFFF  }
0xbf: {  	[dreg:$0x0] =	wrdreg $0xFFFFFFFF;
	(pc) =	sbr.abs _section_cstart, $3  }
0xc0: {  	[dreg:$0x1] =	wrdreg $0xFFFFFFFF  }
0xc1: {  	_ =	task.clear_ibuf [dreg:s6], $0x2FFFF;
	_ =	strace $0x9FFFFFFF  }
0xc2: {  	(tm) =	ssettm $0x7FFFFFFF  }
0xc3: {  	_ =	shalt  }
tec
execute0_lowered:
.L_overlay_start_1:
0x0: {  	(tag) =	ssettag $0x1  }
0x1: {  	s0 =	rddreg [dreg:$0x0];
	s1 =	srdreg.scid  }
0x2: {  	s16 =	stileid.u32;
	s2 =	rddreg [dreg:$0x1]  }
0x3: {  	s5 =	simm.s32 $0x0;
	s12 =	simm.s32 $0x278;
	s13 =	simm.s32 $0x9  }
0x4: {  	s14 =	simm.s32 $0x2B18;
	s18 =	simm.s32 $0x64;
	s19 =	simm.s32 $0x53B8  }
0x5: {  	s21 =	simm.s32 $0x5420;
	s22 =	simm.s32 $0x1;
	s24 =	simm.s32 $0x5488  }
0x6: {  	s29 =	simm.s32 $0x54F0;
	s30 =	simm.s32 $0x3;
	s20 =	simm.s32 $0x4  }
0x7: {  	s31 =	simm.s32 $0x7;
	s23 =	simm.s32 $0x0;
	s3 =	smul.u32 $0x5140, s16  }
0x8: {  	s1 =	sand.u32 $0x1, s1;
	[smem:$0x7FF] =	sst s5;
	s25 =	smul.u32 $0x278, s16  }
0x9: {  	s5 =	sadd.s32 $0x2508, s2;
	s9 =	sadd.s32 $0x17AA1, s0;
	s4 =	smul.u32 $0x28A0, s1  }
0xa: {  	p0 =	seq.s32 s16, $0xF;
	_ =	strace $0x80000050;
	s6 =	smul.u32 $0x4E2, s1  }
0xb: {  	s1 =	ssub.s32 $0x2, s1;
	s15 =	sshrl.u32 @p0 s5, $0x3;
	s7 =	sshrl.u32 s25, $0x3  }
0xc: {  	s26 =	sshrl.u32 s1, $0x1;
	s3 =	sadd.s32 s4, s3;
	s4 =	sadd.s32 $0x17C00, s0  }
0xd: {  	[dreg:$0x3] =	wrdreg s7;
	s8 =	sadd.s32 s7, s0;
	s10 =	sadd.s32 s6, s0  }
0xe: {  	s1 =	ssub.s32 s1, s26;
	s26 =	simm.s32 $0x6;
	s3 =	sshrl.u32 s3, $0x3  }
.Ltmp0:
0xf: {  	s8 =	sadd.s32 $0x17600, s8;
	s10 =	sadd.s32 $0x18200, s10;
	(pc) =	sbr.rel .LBB2_1-.Ltmp0, $4  }
0x10: {  	s11 =	smax.u32 s1, $0x1;
	s1 =	simm.s32 $0x5;
	s3 =	sadd.s32 s3, s0  }
0x11: {  	s0 =	sshll.u32 @!p0 s16, $0x6;
	s28 =	sadd.s32 $0xD200, s3;
	s7 =	sadd.s32 $0x2E00, s3  }
0x12: {  	s3 =	sadd.s32 s25, s2;
	s16 =	sor.u32 @!p0 $0x1C09, s0;
	s25 =	simm.s32 $0x2  }
0x13: {  	s0 =	simm.s32 $0x8;
	[dreg:$0x4] =	wrdreg s28;
	s17 =	sshrl.u32 @!p0 s3, $0x3  }
.LBB2_4:
0x14: {  	_ =	swait.ge [sflag:s20], $0x64  }
0x15: {  	[sflag:s20] =	ssyncset.done $0x0  }
0x16: {  	[sflag:s20] =	ssyncadd.s32 $0xFFFFFF9C  }
0x17: {  	[spmem:s2] =	stream.indirect.scatter.add.f32 [tilespmem:s29], [sflag:$0x8], $0x1, s5, s18, $0xb8;
	[tilespmem:$0x5558] =	vst v63  }
0x18: {  	_ =	swait.ge [sflag:s26], $0x64  }
0x19: {  	[sflag:s26] =	ssyncset.done $0x0  }
0x1a: {  	[sflag:s26] =	ssyncadd.s32 $0xFFFFFF9C  }
0x1b: {  	_ =	swait.ge [sflag:s31], $0x64  }
0x1c: {  	[sflag:s31] =	ssyncset.done $0x0  }
0x1d: {  	[sflag:s31] =	ssyncadd.s32 $0xFFFFFF9C  }
0x1e: {  	_ =	swait.ge [sflag:s0], $0x64  }
0x1f: {  	[sflag:s0] =	ssyncset.done $0x0  }
0x20: {  	[sflag:s0] =	ssyncadd.s32 $0xFFFFFF9C  }
0x21: {  	s3 =	sadd.s32 @p0 $0x4A1, s10;
	s5 =	simm.s32 @p0 $0x1FC9;
	[bflag:$0x0] =	sbarrier.arrive $0xFFFF  }
0x22: {  	[hbm:s3], [sflag:s5] =	dma.local @p0 [spmem:s15], $0x41  }
0x23: {  	s3 =	simm.s32 @p0 $0x9  }
0x24: {  	_ =	swait.ge @p0 [sflag:s3], $0x41  }
0x25: {  	[sflag:s3] =	ssyncset.done @p0 $0x0  }
0x26: {  	s23 =	sadd.s32 $0x1, s23;
	[sflag:s3] =	ssyncadd.s32 @p0 $0xFFFFFFBF;
	s3 =	rddreg [dreg:$0x3]  }
0x27: {  	p1 =	sne.s32 s23, s11;
	s3 =	sadd.s32 @!p0 s3, s10  }
0x28: {  	[hbm:s3], [sflag:s16] =	dma.local @!p0 [spmem:s17], $0x4F  }
.Ltmp1:
0x29: {  	_ = 	snop;
	(pc) =	sbr.rel @!p1 .LBB2_5-.Ltmp1, $4  }
0x2a: {  	s3 =	simm.s32 @!p0 $0x9  }
0x2b: {  	_ =	swait.ge @!p0 [sflag:s3], $0x4F  }
0x2c: {  	[sflag:s3] =	ssyncset.done @!p0 $0x0  }
0x2d: {  	[sflag:s3] =	ssyncadd.s32 @!p0 $0xFFFFFFB1  }
.LBB2_1:
0x2e: {  	s3 =	simm.s32 $0x0;
	s5 =	rddreg [dreg:$0x4]  }
0x2f: {  	[tilespmem:s12], [sflag:$0x9] =	stream.linear.gather [hbm4b:s5+s3], $0x28A0, $0x38;
	[tilespmem:$0x5558] =	vst v63  }
0x30: {  	_ =	swait.ge [sflag:s13], $0x28A0  }
0x31: {  	[sflag:s13] =	ssyncset.done $0x0  }
0x32: {  	[sflag:s13] =	ssyncadd.s32 $0xFFFFD760  }
0x33: {  	[tilespmem:s14], [sflag:$0x9] =	stream.linear.gather [hbm4b:s7+s3], $0x28A0, $0x38;
	[tilespmem:$0x5558] =	vst v63  }
0x34: {  	_ =	swait.ge [sflag:s13], $0x28A0  }
0x35: {  	[sflag:s13] =	ssyncset.done $0x0  }
0x36: {  	s3 =	simm.s32 @p0 $0x1FC9;
	[sflag:s13] =	ssyncadd.s32 $0xFFFFD760  }
0x37: {  	[spmem:s15], [sflag:s3] =	dma.local @p0 [hbm:s9], $0x41  }
0x38: {  	s3 =	simm.s32 @p0 $0x9  }
0x39: {  	_ =	swait.ge @p0 [sflag:s3], $0x41  }
0x3a: {  	[sflag:s3] =	ssyncset.done @p0 $0x0  }
0x3b: {  	[sflag:s3] =	ssyncadd.s32 @p0 $0xFFFFFFBF;
	s3 =	simm.s32 @!p0 $0x9  }
0x3c: {  	[spmem:s17], [sflag:s16] =	dma.local @!p0 [hbm:s8], $0x4F  }
0x3d: {  	_ =	swait.ge @!p0 [sflag:s3], $0x4F  }
0x3e: {  	[sflag:s3] =	ssyncset.done @!p0 $0x0  }
0x3f: {  	[sflag:s3] =	ssyncadd.s32 @!p0 $0xFFFFFFB1  }
0x40: {  	[tilespmem:s19], [sflag:$0x1] =	stream.indirect.gather [hbm4b:s4+s18], $0x1, s12, s18, $0xb8;
	[tilespmem:$0x5558] =	vst v63  }
0x41: {  	s5 =	simm.s32 $0x2E0  }
0x42: {  	[tilespmem:s21], [sflag:$0x2] =	stream.indirect.gather [hbm4b:s4+s18], $0x1, s5, s18, $0xb8;
	[tilespmem:$0x5558] =	vst v63  }
0x43: {  	[bflag:$0x0] =	sbarrier.arrive $0xFFFF  }
0x44: {  	_ =	swait.ge [sflag:s22], $0x64  }
0x45: {  	[sflag:s22] =	ssyncset.done $0x0  }
0x46: {  	[sflag:s22] =	ssyncadd.s32 $0xFFFFFF9C  }
0x47: {  	[spmem:s2] =	stream.indirect.scatter.add.f32 [tilespmem:s19], [sflag:$0x5], $0x1, s14, s18, $0xb8;
	[tilespmem:$0x5558] =	vst v63  }
0x48: {  	s6 =	simm.s32 $0x348  }
0x49: {  	[tilespmem:s24], [sflag:$0x3] =	stream.indirect.gather [hbm4b:s4+s18], $0x1, s6, s18, $0xb8;
	[tilespmem:$0x5558] =	vst v63  }
0x4a: {  	_ =	swait.ge [sflag:s25], $0x64  }
0x4b: {  	[sflag:s25] =	ssyncset.done $0x0  }
0x4c: {  	s5 =	simm.s32 $0x2B80;
	[sflag:s25] =	ssyncadd.s32 $0xFFFFFF9C  }
0x4d: {  	[spmem:s2] =	stream.indirect.scatter.add.f32 [tilespmem:s21], [sflag:$0x6], $0x1, s5, s18, $0xb8;
	[tilespmem:$0x5558] =	vst v63  }
0x4e: {  	s6 =	simm.s32 $0x3B0  }
0x4f: {  	[tilespmem:s29], [sflag:$0x4] =	stream.indirect.gather [hbm4b:s4+s18], $0x1, s6, s18, $0xb8;
	[tilespmem:$0x5558] =	vst v63  }
0x50: {  	_ =	swait.ge [sflag:s30], $0x64  }
0x51: {  	[sflag:s30] =	ssyncset.done $0x0  }
0x52: {  	s5 =	simm.s32 $0x2BE8;
	[sflag:s30] =	ssyncadd.s32 $0xFFFFFF9C  }
0x53: {  	[spmem:s2] =	stream.indirect.scatter.add.f32 [tilespmem:s24], [sflag:$0x7], $0x1, s5, s18, $0xb8;
	[tilespmem:$0x5558] =	vst v63  }
0x54: {  	_ =	swait.ge [sflag:s1], $0x64  }
0x55: {  	[sflag:s1] =	ssyncset.done $0x0  }
0x56: {  	s6 =	simm.s32 $0x418;
	[sflag:s1] =	ssyncadd.s32 $0xFFFFFF9C  }
0x57: {  	[tilespmem:s19], [sflag:$0x1] =	stream.indirect.gather [hbm4b:s4+s18], $0x1, s6, s18, $0xb8;
	[tilespmem:$0x5558] =	vst v63  }
0x58: {  	_ =	swait.ge [sflag:s20], $0x64  }
0x59: {  	[sflag:s20] =	ssyncset.done $0x0  }
0x5a: {  	s5 =	simm.s32 $0x2C50;
	[sflag:s20] =	ssyncadd.s32 $0xFFFFFF9C  }
0x5b: {  	[spmem:s2] =	stream.indirect.scatter.add.f32 [tilespmem:s29], [sflag:$0x8], $0x1, s5, s18, $0xb8;
	[tilespmem:$0x5558] =	vst v63  }
0x5c: {  	_ =	swait.ge [sflag:s26], $0x64  }
0x5d: {  	[sflag:s26] =	ssyncset.done $0x0  }
0x5e: {  	s28 =	simm.s32 $0x0;
	s6 =	simm.s32 $0x480;
	[sflag:s26] =	ssyncadd.s32 $0xFFFFFF9C  }
0x5f: {  	[tilespmem:s21], [sflag:$0x2] =	stream.indirect.gather [hbm4b:s4+s18], $0x1, s6, s18, $0xb8;
	[tilespmem:$0x5558] =	vst v63  }
.LBB2_2:
0x60: {  	_ =	swait.ge [sflag:s22], $0x64  }
0x61: {  	s3 =	sshra.s32 s28, $0x2;
	[sflag:s22] =	ssyncset.done $0x0  }
0x62: {  	s5 =	sadd.s32 $0x2CB8, s3;
	[sflag:s22] =	ssyncadd.s32 $0xFFFFFF9C  }
0x63: {  	[spmem:s2] =	stream.indirect.scatter.add.f32 [tilespmem:s19], [sflag:$0x5], $0x1, s5, s18, $0xb8;
	[tilespmem:$0x5558] =	vst v63  }
0x64: {  	_ =	swait.ge [sflag:s31], $0x64  }
0x65: {  	[sflag:s31] =	ssyncset.done $0x0  }
0x66: {  	s6 =	sadd.s32 $0x4E8, s3;
	[sflag:s31] =	ssyncadd.s32 $0xFFFFFF9C  }
0x67: {  	[tilespmem:s24], [sflag:$0x3] =	stream.indirect.gather [hbm4b:s4+s18], $0x1, s6, s18, $0xb8;
	[tilespmem:$0x5558] =	vst v63  }
0x68: {  	_ =	swait.ge [sflag:s25], $0x64  }
0x69: {  	[sflag:s25] =	ssyncset.done $0x0  }
0x6a: {  	s6 =	sadd.s32 $0x2D20, s3;
	[sflag:s25] =	ssyncadd.s32 $0xFFFFFF9C  }
0x6b: {  	[spmem:s2] =	stream.indirect.scatter.add.f32 [tilespmem:s21], [sflag:$0x6], $0x1, s6, s18, $0xb8;
	[tilespmem:$0x5558] =	vst v63  }
0x6c: {  	_ =	swait.ge [sflag:s0], $0x64  }
0x6d: {  	[sflag:s0] =	ssyncset.done $0x0  }
0x6e: {  	s6 =	sadd.s32 $0x550, s3;
	[sflag:s0] =	ssyncadd.s32 $0xFFFFFF9C  }
0x6f: {  	[tilespmem:s29], [sflag:$0x4] =	stream.indirect.gather [hbm4b:s4+s18], $0x1, s6, s18, $0xb8;
	[tilespmem:$0x5558] =	vst v63  }
0x70: {  	_ =	swait.ge [sflag:s30], $0x64  }
0x71: {  	p1 =	seq.s32 s28, $0x9580;
	[sflag:s30] =	ssyncset.done $0x0  }
.Ltmp2:
0x72: {  	s6 =	sadd.s32 $0x2D88, s3;
	[sflag:s30] =	ssyncadd.s32 $0xFFFFFF9C;
	(pc) =	sbr.rel @p1 .LBB2_4-.Ltmp2, $4  }
0x73: {  	[spmem:s2] =	stream.indirect.scatter.add.f32 [tilespmem:s24], [sflag:$0x7], $0x1, s6, s18, $0xb8;
	[tilespmem:$0x5558] =	vst v63  }
0x74: {  	_ =	swait.ge [sflag:s1], $0x64  }
0x75: {  	[sflag:s1] =	ssyncset.done $0x0  }
0x76: {  	s5 =	sadd.s32 $0x2DF0, s3;
	[sflag:s1] =	ssyncadd.s32 $0xFFFFFF9C  }
0x77: {  	s6 =	sadd.s32 $0x5B8, s3  }
0x78: {  	[tilespmem:s19], [sflag:$0x1] =	stream.indirect.gather [hbm4b:s4+s18], $0x1, s6, s18, $0xb8;
	[tilespmem:$0x5558] =	vst v63  }
0x79: {  	_ =	swait.ge [sflag:s20], $0x64  }
0x7a: {  	[sflag:s20] =	ssyncset.done $0x0  }
0x7b: {  	[sflag:s20] =	ssyncadd.s32 $0xFFFFFF9C  }
0x7c: {  	[spmem:s2] =	stream.indirect.scatter.add.f32 [tilespmem:s29], [sflag:$0x8], $0x1, s5, s18, $0xb8;
	[tilespmem:$0x5558] =	vst v63  }
.Ltmp3:
0x7d: {  	_ = 	snop;
	(pc) =	sbr.rel .LBB2_2-.Ltmp3, $4  }
0x7e: {  	_ =	swait.ge [sflag:s26], $0x64  }
0x7f: {  	[sflag:s26] =	ssyncset.done $0x0  }
0x80: {  	s28 =	sadd.s32 $0x680, s28;
	s6 =	sadd.s32 $0x620, s3;
	[sflag:s26] =	ssyncadd.s32 $0xFFFFFF9C  }
0x81: {  	[tilespmem:s21], [sflag:$0x2] =	stream.indirect.gather [hbm4b:s4+s18], $0x1, s6, s18, $0xb8;
	[tilespmem:$0x5558] =	vst v63  }
.LBB2_5:
0x82: {  	_ =	sfence.sel $0x180000  }
0x83: {  	[bflag:$0x0] =	sbarrier.arrive $0xFFFF  }
0x84: {  	_ =	strace $0x90000050  }
0x85: {  	s0 =	stileid.u32;
	[bflag:$0x2] =	sbarrier.arrive $0xFFFF  }
0x86: {  	p0 =	sne.s32 s0, $0x0;
	s0 =	rddreg [dreg:$0x2]  }
0x87: {  	s0 =	sadd.s32 @!p0 $0x100000, s0  }
0x88: {  	[sflag:s0] =	ssyncadd.tile.s32 @!p0 $0x1;
	_ =	shalt  }
.Lfunc_end2:
_tile_overlayer_lowered:
.L_overlay_start_2:
0x89: {  	(tag) =	ssettag $0x2  }
0x8a: {  	s0 =	rddreg [dreg:$0x0];
	s2 =	stileid.u32  }
0x8b: {  	s1 =	rddreg [dreg:$0x1];
	p0 =	sne.s32 s2, $0x0  }
0x8c: {  	s3 =	rddreg [dreg:$0x2];
	[bflag:$0x3] =	sbarrier.arrive $0xFFFF;
	s2 =	simm.s32 @!p0 $0x1C09  }
0x8d: {  	[timem:s3], [sflag:s2] =	dma.local @!p0 [hbm:s0], s1  }
0x8e: {  	s0 =	simm.s32 @!p0 $0x9  }
0x8f: {  	_ =	swait.ge @!p0 [sflag:s0], s1  }
0x90: {  	s1 =	ssub.s32 @!p0 $0x0, s1;
	[sflag:s0] =	ssyncset.done @!p0 $0x0  }
0x91: {  	[sflag:s0] =	ssyncadd.s32 @!p0 s1  }
0x92: {  	[bflag:$0x3] =	sbarrier.arrive $0xFFFF  }
0x93: {  	_ =	shalt  }

</sc_bundles>
